<compile_context>
chip_gen: v7x
topology: tpu7x:2x2x1
jax: 0.10.2.dev20260603
libtpu: 0.0.44.dev20260713+nightly
codegen_flags: <defaults>
</compile_context>

<pallas_src>
import jax
import jax.numpy as jnp
from jax import lax
from jax.experimental import pallas as pl
from jax.experimental.pallas import tpu as pltpu
from jax.experimental.pallas import tpu_sc as plsc

B = 32
H1, H2 = 32, 8
W1, W2 = 2, 128
IN_C = 6
OUT_C = 4
NUM_CORES = 2
NUM_SUBCORES = 16
K = 4
N_CHUNKS = H1 // K
NBUF = 4


def _sc_compact(v):
    mesh = plsc.VectorSubcoreMesh(core_axis_name="c", subcore_axis_name="s")

    @pl.kernel(
        out_type=jax.ShapeDtypeStruct((B, H1, H2, W1, OUT_C, W2), jnp.float32),
        mesh=mesh,
        scratch_types=(
            [pltpu.VMEM((K, W1, H2, OUT_C, W2), jnp.float32)] * NBUF
            + [pltpu.SemaphoreType.DMA] * (2 * NBUF)
        ),
        compiler_params=pltpu.CompilerParams(
            use_tc_tiling_on_sc=False, needs_layout_passes=False),
    )
    def body(in_hbm, out_hbm, *scratch):
        cid = lax.axis_index("c")
        sid = lax.axis_index("s")
        b = sid * NUM_CORES + cid
        bufs = scratch[:NBUF]
        sem_in = scratch[NBUF:2 * NBUF]
        sem_out = scratch[2 * NBUF:]

        def start_in(i, bu):
            cps = []
            for c in range(OUT_C):
                src = in_hbm.at[b, c, pl.ds(i * K, K)]
                dst = bufs[bu].at[:, :, :, c, :]
                cps.append(pltpu.async_copy(src, dst, sem_in[bu]))
            return cps

        def start_out(i, bu):
            cps = []
            for w1 in range(W1):
                src = bufs[bu].at[:, w1]
                dst = out_hbm.at[b, pl.ds(i * K, K), :, w1]
                cps.append(pltpu.async_copy(src, dst, sem_out[bu]))
            return cps

        PRE = 2
        cp_in = [None] * N_CHUNKS
        cp_out = [None] * N_CHUNKS
        for j in range(min(PRE, N_CHUNKS)):
            cp_in[j] = start_in(j, j % NBUF)
        out_waited = 0
        for i in range(N_CHUNKS):
            nxt = i + PRE
            if nxt < N_CHUNKS:
                while out_waited <= nxt - NBUF:
                    for cp in cp_out[out_waited]:
                        cp.wait()
                    out_waited += 1
                cp_in[nxt] = start_in(nxt, nxt % NBUF)
            for cp in cp_in[i]:
                cp.wait()
            cp_out[i] = start_out(i, i % NBUF)
        while out_waited < N_CHUNKS:
            for cp in cp_out[out_waited]:
                cp.wait()
            out_waited += 1

    return body(v)


def kernel(u_t):
    t = u_t.transpose(0, 3, 1, 2)
    t6 = t.reshape(B, IN_C, H1, H2, W1, W2)
    v = t6.transpose(0, 1, 2, 4, 3, 5)
    o6 = _sc_compact(v)
    o = o6.transpose(0, 1, 2, 3, 5, 4)
    return o.reshape(B, H1 * H2, W1 * W2, OUT_C)

# --- scband reference (transcript-rebuilt; emitter-appended) ---
"""Pipeline reference for scband-composite-pdemodel-30966714204223 (READ-ONLY COPY).

The authoritative reference and input builder live on the scoring server;
editing this copy changes nothing except your own understanding.
"""

import jax, jax.numpy as jnp
import numpy as np

OUTPUT_CHANNELS = 4

def setup_inputs(seed: int = 0) -> dict:
    key = jax.random.key(seed)
    u_t = jax.random.normal(key, (32, 256, 256, 6), dtype=jnp.float32)
    return {"u_t": u_t}

def reference(u_t):
    # CompositePDEModel.forward with base_operator=None, term_library=None,
    # residual_experts=[] and router=None:
    #   u_state = u_t[..., :output_channels]
    #   delta_base = delta_terms = delta_res = zeros_like(u_state)
    #   u_next = u_state + delta  (delta == 0)
    u_state = u_t[..., :OUTPUT_CHANNELS]
    delta_base = jnp.zeros_like(u_state)
    delta_terms = jnp.zeros_like(u_state)
    delta_res = jnp.zeros_like(u_state)
    delta = delta_base + delta_terms + delta_res
    u_next = u_state + delta
    return u_next

if __name__ == "__main__":
    import jax
    _d = setup_inputs()
    print(jax.jit(kernel)(*tuple(_d.values())))

</pallas_src>

<mosaic_0001>
#map = affine_map<(d0, d1) -> (0, 0, 0, 0, 0, 0)>
module attributes {stable_mosaic.version = 14 : i64} {
  func.func @body(%arg0: i32, %arg1: i32, %arg2: memref<32x6x32x2x8x128xf32, #tpu.memory_space<hbm>>, %arg3: memref<32x32x8x2x4x128xf32, #tpu.memory_space<hbm>>, %arg4: memref<4x2x8x4x128xf32, #tpu.memory_space<vmem>>, %arg5: memref<4x2x8x4x128xf32, #tpu.memory_space<vmem>>, %arg6: memref<4x2x8x4x128xf32, #tpu.memory_space<vmem>>, %arg7: memref<4x2x8x4x128xf32, #tpu.memory_space<vmem>>, %arg8: memref<!tpu.dma_semaphore, #tpu.memory_space<semaphore_mem>>, %arg9: memref<!tpu.dma_semaphore, #tpu.memory_space<semaphore_mem>>, %arg10: memref<!tpu.dma_semaphore, #tpu.memory_space<semaphore_mem>>, %arg11: memref<!tpu.dma_semaphore, #tpu.memory_space<semaphore_mem>>, %arg12: memref<!tpu.dma_semaphore, #tpu.memory_space<semaphore_mem>>, %arg13: memref<!tpu.dma_semaphore, #tpu.memory_space<semaphore_mem>>, %arg14: memref<!tpu.dma_semaphore, #tpu.memory_space<semaphore_mem>>, %arg15: memref<!tpu.dma_semaphore, #tpu.memory_space<semaphore_mem>>) attributes {dimension_semantics = [#tpu.dimension_semantics<core_parallel>, #tpu.dimension_semantics<subcore_parallel>], iteration_bounds = array<i64: 2, 16>, scalar_prefetch = 0 : i64, scratch_operands = 12 : i64, tpu.core_type = #tpu.core_type<sc_vector_subcore>, window_params = [{transform_indices = #map}, {transform_indices = #map}]} {
    %mul3A = arith.constant 2 : i32
    %mul3A_0 = arith.muli %arg1, %mul3A : i32
    %add3A = arith.addi %mul3A_0, %arg0 : i32
    %dma_start3A = arith.constant 0 : i32
    %dma_start3A_1 = arith.constant 0 : i32
    %dma_start3A_2 = arith.constant 0 : i32
    %dma_start3A_3 = arith.constant 0 : i32
    %dma_start3A_4 = arith.constant 0 : i32
    %dma_start3A_5 = arith.constant 0 : i32
    %dma_start3A_6 = tpu.memref_slice %arg4[%dma_start3A_2, %dma_start3A_3, %dma_start3A_4, %dma_start3A_1, %dma_start3A_5] : memref<4x2x8x4x128xf32, #tpu.memory_space<vmem>> -> memref<4x2x8x1x128xf32, #tpu.memory_space<vmem>>
    %dma_start3A_7 = tpu.memref_squeeze %dma_start3A_6 : memref<4x2x8x1x128xf32, #tpu.memory_space<vmem>> -> memref<4x2x8x128xf32, #tpu.memory_space<vmem>>
    %dma_start3A_8 = arith.constant 0 : i32
    %dma_start3A_9 = arith.constant 0 : i32
    %dma_start3A_10 = arith.constant 0 : i32
    %dma_start3A_11 = arith.constant 0 : i32
    %dma_start3A_12 = tpu.memref_slice %arg2[%add3A, %dma_start3A, %dma_start3A_8, %dma_start3A_9, %dma_start3A_10, %dma_start3A_11] : memref<32x6x32x2x8x128xf32, #tpu.memory_space<hbm>> -> memref<1x1x4x2x8x128xf32, #tpu.memory_space<hbm>>
    %dma_start3A_13 = tpu.memref_squeeze %dma_start3A_12 : memref<1x1x4x2x8x128xf32, #tpu.memory_space<hbm>> -> memref<4x2x8x128xf32, #tpu.memory_space<hbm>>
    %dma_start3A_14 = arith.constant 0 : i32
    %dma_start3A_15 = arith.constant 0 : i32
    %dma_start3A_16 = arith.constant 0 : i32
    %dma_start3A_17 = arith.constant 0 : i32
    %dma_start3A_18 = tpu.memref_slice %arg4[%dma_start3A_14, %dma_start3A_15, %dma_start3A_16, %dma_start3A_1, %dma_start3A_17] : memref<4x2x8x4x128xf32, #tpu.memory_space<vmem>> -> memref<4x2x8x1x128xf32, #tpu.memory_space<vmem>>
    %dma_start3A_19 = tpu.memref_squeeze %dma_start3A_18 : memref<4x2x8x1x128xf32, #tpu.memory_space<vmem>> -> memref<4x2x8x128xf32, #tpu.memory_space<vmem>>
    %dma_start3A_20 = arith.constant 0 : i32
    %dma_start3A_21 = arith.constant 0 : i32
    %dma_start3A_22 = arith.constant 0 : i32
    %dma_start3A_23 = arith.constant 0 : i32
    %dma_start3A_24 = tpu.memref_slice %arg2[%add3A, %dma_start3A, %dma_start3A_20, %dma_start3A_21, %dma_start3A_22, %dma_start3A_23] : memref<32x6x32x2x8x128xf32, #tpu.memory_space<hbm>> -> memref<1x1x4x2x8x128xf32, #tpu.memory_space<hbm>>
    %dma_start3A_25 = tpu.memref_squeeze %dma_start3A_24 : memref<1x1x4x2x8x128xf32, #tpu.memory_space<hbm>> -> memref<4x2x8x128xf32, #tpu.memory_space<hbm>>
    tpu.enqueue_dma source(%dma_start3A_25 : memref<4x2x8x128xf32, #tpu.memory_space<hbm>>) target(%dma_start3A_19 : memref<4x2x8x128xf32, #tpu.memory_space<vmem>>) target_semaphore(%arg8 : memref<!tpu.dma_semaphore, #tpu.memory_space<semaphore_mem>>)
    %dma_start3A_26 = arith.constant 1 : i32
    %dma_start3A_27 = arith.constant 1 : i32
    %dma_start3A_28 = arith.constant 0 : i32
    %dma_start3A_29 = arith.constant 0 : i32
    %dma_start3A_30 = arith.constant 0 : i32
    %dma_start3A_31 = arith.constant 0 : i32
    %dma_start3A_32 = tpu.memref_slice %arg4[%dma_start3A_28, %dma_start3A_29, %dma_start3A_30, %dma_start3A_27, %dma_start3A_31] : memref<4x2x8x4x128xf32, #tpu.memory_space<vmem>> -> memref<4x2x8x1x128xf32, #tpu.memory_space<vmem>>
    %dma_start3A_33 = tpu.memref_squeeze %dma_start3A_32 : memref<4x2x8x1x128xf32, #tpu.memory_space<vmem>> -> memref<4x2x8x128xf32, #tpu.memory_space<vmem>>
    %dma_start3A_34 = arith.constant 0 : i32
    %dma_start3A_35 = arith.constant 0 : i32
    %dma_start3A_36 = arith.constant 0 : i32
    %dma_start3A_37 = arith.constant 0 : i32
    %dma_start3A_38 = tpu.memref_slice %arg2[%add3A, %dma_start3A_26, %dma_start3A_34, %dma_start3A_35, %dma_start3A_36, %dma_start3A_37] : memref<32x6x32x2x8x128xf32, #tpu.memory_space<hbm>> -> memref<1x1x4x2x8x128xf32, #tpu.memory_space<hbm>>
    %dma_start3A_39 = tpu.memref_squeeze %dma_start3A_38 : memref<1x1x4x2x8x128xf32, #tpu.memory_space<hbm>> -> memref<4x2x8x128xf32, #tpu.memory_space<hbm>>
    %dma_start3A_40 = arith.constant 0 : i32
    %dma_start3A_41 = arith.constant 0 : i32
    %dma_start3A_42 = arith.constant 0 : i32
    %dma_start3A_43 = arith.constant 0 : i32
    %dma_start3A_44 = tpu.memref_slice %arg4[%dma_start3A_40, %dma_start3A_41, %dma_start3A_42, %dma_start3A_27, %dma_start3A_43] : memref<4x2x8x4x128xf32, #tpu.memory_space<vmem>> -> memref<4x2x8x1x128xf32, #tpu.memory_space<vmem>>
    %dma_start3A_45 = tpu.memref_squeeze %dma_start3A_44 : memref<4x2x8x1x128xf32, #tpu.memory_space<vmem>> -> memref<4x2x8x128xf32, #tpu.memory_space<vmem>>
    %dma_start3A_46 = arith.constant 0 : i32
    %dma_start3A_47 = arith.constant 0 : i32
    %dma_start3A_48 = arith.constant 0 : i32
    %dma_start3A_49 = arith.constant 0 : i32
    %dma_start3A_50 = tpu.memref_slice %arg2[%add3A, %dma_start3A_26, %dma_start3A_46, %dma_start3A_47, %dma_start3A_48, %dma_start3A_49] : memref<32x6x32x2x8x128xf32, #tpu.memory_space<hbm>> -> memref<1x1x4x2x8x128xf32, #tpu.memory_space<hbm>>
    %dma_start3A_51 = tpu.memref_squeeze %dma_start3A_50 : memref<1x1x4x2x8x128xf32, #tpu.memory_space<hbm>> -> memref<4x2x8x128xf32, #tpu.memory_space<hbm>>
    tpu.enqueue_dma source(%dma_start3A_51 : memref<4x2x8x128xf32, #tpu.memory_space<hbm>>) target(%dma_start3A_45 : memref<4x2x8x128xf32, #tpu.memory_space<vmem>>) target_semaphore(%arg8 : memref<!tpu.dma_semaphore, #tpu.memory_space<semaphore_mem>>)
    %dma_start3A_52 = arith.constant 2 : i32
    %dma_start3A_53 = arith.constant 2 : i32
    %dma_start3A_54 = arith.constant 0 : i32
    %dma_start3A_55 = arith.constant 0 : i32
    %dma_start3A_56 = arith.constant 0 : i32
    %dma_start3A_57 = arith.constant 0 : i32
    %dma_start3A_58 = tpu.memref_slice %arg4[%dma_start3A_54, %dma_start3A_55, %dma_start3A_56, %dma_start3A_53, %dma_start3A_57] : memref<4x2x8x4x128xf32, #tpu.memory_space<vmem>> -> memref<4x2x8x1x128xf32, #tpu.memory_space<vmem>>
    %dma_start3A_59 = tpu.memref_squeeze %dma_start3A_58 : memref<4x2x8x1x128xf32, #tpu.memory_space<vmem>> -> memref<4x2x8x128xf32, #tpu.memory_space<vmem>>
    %dma_start3A_60 = arith.constant 0 : i32
    %dma_start3A_61 = arith.constant 0 : i32
    %dma_start3A_62 = arith.constant 0 : i32
    %dma_start3A_63 = arith.constant 0 : i32
    %dma_start3A_64 = tpu.memref_slice %arg2[%add3A, %dma_start3A_52, %dma_start3A_60, %dma_start3A_61, %dma_start3A_62, %dma_start3A_63] : memref<32x6x32x2x8x128xf32, #tpu.memory_space<hbm>> -> memref<1x1x4x2x8x128xf32, #tpu.memory_space<hbm>>
    %dma_start3A_65 = tpu.memref_squeeze %dma_start3A_64 : memref<1x1x4x2x8x128xf32, #tpu.memory_space<hbm>> -> memref<4x2x8x128xf32, #tpu.memory_space<hbm>>
    %dma_start3A_66 = arith.constant 0 : i32
    %dma_start3A_67 = arith.constant 0 : i32
    %dma_start3A_68 = arith.constant 0 : i32
    %dma_start3A_69 = arith.constant 0 : i32
    %dma_start3A_70 = tpu.memref_slice %arg4[%dma_start3A_66, %dma_start3A_67, %dma_start3A_68, %dma_start3A_53, %dma_start3A_69] : memref<4x2x8x4x128xf32, #tpu.memory_space<vmem>> -> memref<4x2x8x1x128xf32, #tpu.memory_space<vmem>>
    %dma_start3A_71 = tpu.memref_squeeze %dma_start3A_70 : memref<4x2x8x1x128xf32, #tpu.memory_space<vmem>> -> memref<4x2x8x128xf32, #tpu.memory_space<vmem>>
    %dma_start3A_72 = arith.constant 0 : i32
    %dma_start3A_73 = arith.constant 0 : i32
    %dma_start3A_74 = arith.constant 0 : i32
    %dma_start3A_75 = arith.constant 0 : i32
    %dma_start3A_76 = tpu.memref_slice %arg2[%add3A, %dma_start3A_52, %dma_start3A_72, %dma_start3A_73, %dma_start3A_74, %dma_start3A_75] : memref<32x6x32x2x8x128xf32, #tpu.memory_space<hbm>> -> memref<1x1x4x2x8x128xf32, #tpu.memory_space<hbm>>
    %dma_start3A_77 = tpu.memref_squeeze %dma_start3A_76 : memref<1x1x4x2x8x128xf32, #tpu.memory_space<hbm>> -> memref<4x2x8x128xf32, #tpu.memory_space<hbm>>
    tpu.enqueue_dma source(%dma_start3A_77 : memref<4x2x8x128xf32, #tpu.memory_space<hbm>>) target(%dma_start3A_71 : memref<4x2x8x128xf32, #tpu.memory_space<vmem>>) target_semaphore(%arg8 : memref<!tpu.dma_semaphore, #tpu.memory_space<semaphore_mem>>)
    %dma_start3A_78 = arith.constant 3 : i32
    %dma_start3A_79 = arith.constant 3 : i32
    %dma_start3A_80 = arith.constant 0 : i32
    %dma_start3A_81 = arith.constant 0 : i32
    %dma_start3A_82 = arith.constant 0 : i32
    %dma_start3A_83 = arith.constant 0 : i32
    %dma_start3A_84 = tpu.memref_slice %arg4[%dma_start3A_80, %dma_start3A_81, %dma_start3A_82, %dma_start3A_79, %dma_start3A_83] : memref<4x2x8x4x128xf32, #tpu.memory_space<vmem>> -> memref<4x2x8x1x128xf32, #tpu.memory_space<vmem>>
    %dma_start3A_85 = tpu.memref_squeeze %dma_start3A_84 : memref<4x2x8x1x128xf32, #tpu.memory_space<vmem>> -> memref<4x2x8x128xf32, #tpu.memory_space<vmem>>
    %dma_start3A_86 = arith.constant 0 : i32
    %dma_start3A_87 = arith.constant 0 : i32
    %dma_start3A_88 = arith.constant 0 : i32
    %dma_start3A_89 = arith.constant 0 : i32
    %dma_start3A_90 = tpu.memref_slice %arg2[%add3A, %dma_start3A_78, %dma_start3A_86, %dma_start3A_87, %dma_start3A_88, %dma_start3A_89] : memref<32x6x32x2x8x128xf32, #tpu.memory_space<hbm>> -> memref<1x1x4x2x8x128xf32, #tpu.memory_space<hbm>>
    %dma_start3A_91 = tpu.memref_squeeze %dma_start3A_90 : memref<1x1x4x2x8x128xf32, #tpu.memory_space<hbm>> -> memref<4x2x8x128xf32, #tpu.memory_space<hbm>>
    %dma_start3A_92 = arith.constant 0 : i32
    %dma_start3A_93 = arith.constant 0 : i32
    %dma_start3A_94 = arith.constant 0 : i32
    %dma_start3A_95 = arith.constant 0 : i32
    %dma_start3A_96 = tpu.memref_slice %arg4[%dma_start3A_92, %dma_start3A_93, %dma_start3A_94, %dma_start3A_79, %dma_start3A_95] : memref<4x2x8x4x128xf32, #tpu.memory_space<vmem>> -> memref<4x2x8x1x128xf32, #tpu.memory_space<vmem>>
    %dma_start3A_97 = tpu.memref_squeeze %dma_start3A_96 : memref<4x2x8x1x128xf32, #tpu.memory_space<vmem>> -> memref<4x2x8x128xf32, #tpu.memory_space<vmem>>
    %dma_start3A_98 = arith.constant 0 : i32
    %dma_start3A_99 = arith.constant 0 : i32
    %dma_start3A_100 = arith.constant 0 : i32
    %dma_start3A_101 = arith.constant 0 : i32
    %dma_start3A_102 = tpu.memref_slice %arg2[%add3A, %dma_start3A_78, %dma_start3A_98, %dma_start3A_99, %dma_start3A_100, %dma_start3A_101] : memref<32x6x32x2x8x128xf32, #tpu.memory_space<hbm>> -> memref<1x1x4x2x8x128xf32, #tpu.memory_space<hbm>>
    %dma_start3A_103 = tpu.memref_squeeze %dma_start3A_102 : memref<1x1x4x2x8x128xf32, #tpu.memory_space<hbm>> -> memref<4x2x8x128xf32, #tpu.memory_space<hbm>>
    tpu.enqueue_dma source(%dma_start3A_103 : memref<4x2x8x128xf32, #tpu.memory_space<hbm>>) target(%dma_start3A_97 : memref<4x2x8x128xf32, #tpu.memory_space<vmem>>) target_semaphore(%arg8 : memref<!tpu.dma_semaphore, #tpu.memory_space<semaphore_mem>>)
    %dma_start3A_104 = arith.constant 0 : i32
    %dma_start3A_105 = arith.constant 0 : i32
    %dma_start3A_106 = arith.constant 0 : i32
    %dma_start3A_107 = arith.constant 0 : i32
    %dma_start3A_108 = arith.constant 0 : i32
    %dma_start3A_109 = arith.constant 0 : i32
    %dma_start3A_110 = tpu.memref_slice %arg5[%dma_start3A_106, %dma_start3A_107, %dma_start3A_108, %dma_start3A_105, %dma_start3A_109] : memref<4x2x8x4x128xf32, #tpu.memory_space<vmem>> -> memref<4x2x8x1x128xf32, #tpu.memory_space<vmem>>
    %dma_start3A_111 = tpu.memref_squeeze %dma_start3A_110 : memref<4x2x8x1x128xf32, #tpu.memory_space<vmem>> -> memref<4x2x8x128xf32, #tpu.memory_space<vmem>>
    %dma_start3A_112 = arith.constant 4 : i32
    %dma_start3A_113 = arith.constant 0 : i32
    %dma_start3A_114 = arith.constant 0 : i32
    %dma_start3A_115 = arith.constant 0 : i32
    %dma_start3A_116 = tpu.memref_slice %arg2[%add3A, %dma_start3A_104, %dma_start3A_112, %dma_start3A_113, %dma_start3A_114, %dma_start3A_115] : memref<32x6x32x2x8x128xf32, #tpu.memory_space<hbm>> -> memref<1x1x4x2x8x128xf32, #tpu.memory_space<hbm>>
    %dma_start3A_117 = tpu.memref_squeeze %dma_start3A_116 : memref<1x1x4x2x8x128xf32, #tpu.memory_space<hbm>> -> memref<4x2x8x128xf32, #tpu.memory_space<hbm>>
    %dma_start3A_118 = arith.constant 0 : i32
    %dma_start3A_119 = arith.constant 0 : i32
    %dma_start3A_120 = arith.constant 0 : i32
    %dma_start3A_121 = arith.constant 0 : i32
    %dma_start3A_122 = tpu.memref_slice %arg5[%dma_start3A_118, %dma_start3A_119, %dma_start3A_120, %dma_start3A_105, %dma_start3A_121] : memref<4x2x8x4x128xf32, #tpu.memory_space<vmem>> -> memref<4x2x8x1x128xf32, #tpu.memory_space<vmem>>
    %dma_start3A_123 = tpu.memref_squeeze %dma_start3A_122 : memref<4x2x8x1x128xf32, #tpu.memory_space<vmem>> -> memref<4x2x8x128xf32, #tpu.memory_space<vmem>>
    %dma_start3A_124 = arith.constant 4 : i32
    %dma_start3A_125 = arith.constant 0 : i32
    %dma_start3A_126 = arith.constant 0 : i32
    %dma_start3A_127 = arith.constant 0 : i32
    %dma_start3A_128 = tpu.memref_slice %arg2[%add3A, %dma_start3A_104, %dma_start3A_124, %dma_start3A_125, %dma_start3A_126, %dma_start3A_127] : memref<32x6x32x2x8x128xf32, #tpu.memory_space<hbm>> -> memref<1x1x4x2x8x128xf32, #tpu.memory_space<hbm>>
    %dma_start3A_129 = tpu.memref_squeeze %dma_start3A_128 : memref<1x1x4x2x8x128xf32, #tpu.memory_space<hbm>> -> memref<4x2x8x128xf32, #tpu.memory_space<hbm>>
    tpu.enqueue_dma source(%dma_start3A_129 : memref<4x2x8x128xf32, #tpu.memory_space<hbm>>) target(%dma_start3A_123 : memref<4x2x8x128xf32, #tpu.memory_space<vmem>>) target_semaphore(%arg9 : memref<!tpu.dma_semaphore, #tpu.memory_space<semaphore_mem>>)
    %dma_start3A_130 = arith.constant 1 : i32
    %dma_start3A_131 = arith.constant 1 : i32
    %dma_start3A_132 = arith.constant 0 : i32
    %dma_start3A_133 = arith.constant 0 : i32
    %dma_start3A_134 = arith.constant 0 : i32
    %dma_start3A_135 = arith.constant 0 : i32
    %dma_start3A_136 = tpu.memref_slice %arg5[%dma_start3A_132, %dma_start3A_133, %dma_start3A_134, %dma_start3A_131, %dma_start3A_135] : memref<4x2x8x4x128xf32, #tpu.memory_space<vmem>> -> memref<4x2x8x1x128xf32, #tpu.memory_space<vmem>>
    %dma_start3A_137 = tpu.memref_squeeze %dma_start3A_136 : memref<4x2x8x1x128xf32, #tpu.memory_space<vmem>> -> memref<4x2x8x128xf32, #tpu.memory_space<vmem>>
    %dma_start3A_138 = arith.constant 4 : i32
    %dma_start3A_139 = arith.constant 0 : i32
    %dma_start3A_140 = arith.constant 0 : i32
    %dma_start3A_141 = arith.constant 0 : i32
    %dma_start3A_142 = tpu.memref_slice %arg2[%add3A, %dma_start3A_130, %dma_start3A_138, %dma_start3A_139, %dma_start3A_140, %dma_start3A_141] : memref<32x6x32x2x8x128xf32, #tpu.memory_space<hbm>> -> memref<1x1x4x2x8x128xf32, #tpu.memory_space<hbm>>
    %dma_start3A_143 = tpu.memref_squeeze %dma_start3A_142 : memref<1x1x4x2x8x128xf32, #tpu.memory_space<hbm>> -> memref<4x2x8x128xf32, #tpu.memory_space<hbm>>
    %dma_start3A_144 = arith.constant 0 : i32
    %dma_start3A_145 = arith.constant 0 : i32
    %dma_start3A_146 = arith.constant 0 : i32
    %dma_start3A_147 = arith.constant 0 : i32
    %dma_start3A_148 = tpu.memref_slice %arg5[%dma_start3A_144, %dma_start3A_145, %dma_start3A_146, %dma_start3A_131, %dma_start3A_147] : memref<4x2x8x4x128xf32, #tpu.memory_space<vmem>> -> memref<4x2x8x1x128xf32, #tpu.memory_space<vmem>>
    %dma_start3A_149 = tpu.memref_squeeze %dma_start3A_148 : memref<4x2x8x1x128xf32, #tpu.memory_space<vmem>> -> memref<4x2x8x128xf32, #tpu.memory_space<vmem>>
    %dma_start3A_150 = arith.constant 4 : i32
    %dma_start3A_151 = arith.constant 0 : i32
    %dma_start3A_152 = arith.constant 0 : i32
    %dma_start3A_153 = arith.constant 0 : i32
    %dma_start3A_154 = tpu.memref_slice %arg2[%add3A, %dma_start3A_130, %dma_start3A_150, %dma_start3A_151, %dma_start3A_152, %dma_start3A_153] : memref<32x6x32x2x8x128xf32, #tpu.memory_space<hbm>> -> memref<1x1x4x2x8x128xf32, #tpu.memory_space<hbm>>
    %dma_start3A_155 = tpu.memref_squeeze %dma_start3A_154 : memref<1x1x4x2x8x128xf32, #tpu.memory_space<hbm>> -> memref<4x2x8x128xf32, #tpu.memory_space<hbm>>
    tpu.enqueue_dma source(%dma_start3A_155 : memref<4x2x8x128xf32, #tpu.memory_space<hbm>>) target(%dma_start3A_149 : memref<4x2x8x128xf32, #tpu.memory_space<vmem>>) target_semaphore(%arg9 : memref<!tpu.dma_semaphore, #tpu.memory_space<semaphore_mem>>)
    %dma_start3A_156 = arith.constant 2 : i32
    %dma_start3A_157 = arith.constant 2 : i32
    %dma_start3A_158 = arith.constant 0 : i32
    %dma_start3A_159 = arith.constant 0 : i32
    %dma_start3A_160 = arith.constant 0 : i32
    %dma_start3A_161 = arith.constant 0 : i32
    %dma_start3A_162 = tpu.memref_slice %arg5[%dma_start3A_158, %dma_start3A_159, %dma_start3A_160, %dma_start3A_157, %dma_start3A_161] : memref<4x2x8x4x128xf32, #tpu.memory_space<vmem>> -> memref<4x2x8x1x128xf32, #tpu.memory_space<vmem>>
    %dma_start3A_163 = tpu.memref_squeeze %dma_start3A_162 : memref<4x2x8x1x128xf32, #tpu.memory_space<vmem>> -> memref<4x2x8x128xf32, #tpu.memory_space<vmem>>
    %dma_start3A_164 = arith.constant 4 : i32
    %dma_start3A_165 = arith.constant 0 : i32
    %dma_start3A_166 = arith.constant 0 : i32
    %dma_start3A_167 = arith.constant 0 : i32
    %dma_start3A_168 = tpu.memref_slice %arg2[%add3A, %dma_start3A_156, %dma_start3A_164, %dma_start3A_165, %dma_start3A_166, %dma_start3A_167] : memref<32x6x32x2x8x128xf32, #tpu.memory_space<hbm>> -> memref<1x1x4x2x8x128xf32, #tpu.memory_space<hbm>>
    %dma_start3A_169 = tpu.memref_squeeze %dma_start3A_168 : memref<1x1x4x2x8x128xf32, #tpu.memory_space<hbm>> -> memref<4x2x8x128xf32, #tpu.memory_space<hbm>>
    %dma_start3A_170 = arith.constant 0 : i32
    %dma_start3A_171 = arith.constant 0 : i32
    %dma_start3A_172 = arith.constant 0 : i32
    %dma_start3A_173 = arith.constant 0 : i32
    %dma_start3A_174 = tpu.memref_slice %arg5[%dma_start3A_170, %dma_start3A_171, %dma_start3A_172, %dma_start3A_157, %dma_start3A_173] : memref<4x2x8x4x128xf32, #tpu.memory_space<vmem>> -> memref<4x2x8x1x128xf32, #tpu.memory_space<vmem>>
    %dma_start3A_175 = tpu.memref_squeeze %dma_start3A_174 : memref<4x2x8x1x128xf32, #tpu.memory_space<vmem>> -> memref<4x2x8x128xf32, #tpu.memory_space<vmem>>
    %dma_start3A_176 = arith.constant 4 : i32
    %dma_start3A_177 = arith.constant 0 : i32
    %dma_start3A_178 = arith.constant 0 : i32
    %dma_start3A_179 = arith.constant 0 : i32
    %dma_start3A_180 = tpu.memref_slice %arg2[%add3A, %dma_start3A_156, %dma_start3A_176, %dma_start3A_177, %dma_start3A_178, %dma_start3A_179] : memref<32x6x32x2x8x128xf32, #tpu.memory_space<hbm>> -> memref<1x1x4x2x8x128xf32, #tpu.memory_space<hbm>>
    %dma_start3A_181 = tpu.memref_squeeze %dma_start3A_180 : memref<1x1x4x2x8x128xf32, #tpu.memory_space<hbm>> -> memref<4x2x8x128xf32, #tpu.memory_space<hbm>>
    tpu.enqueue_dma source(%dma_start3A_181 : memref<4x2x8x128xf32, #tpu.memory_space<hbm>>) target(%dma_start3A_175 : memref<4x2x8x128xf32, #tpu.memory_space<vmem>>) target_semaphore(%arg9 : memref<!tpu.dma_semaphore, #tpu.memory_space<semaphore_mem>>)
    %dma_start3A_182 = arith.constant 3 : i32
    %dma_start3A_183 = arith.constant 3 : i32
    %dma_start3A_184 = arith.constant 0 : i32
    %dma_start3A_185 = arith.constant 0 : i32
    %dma_start3A_186 = arith.constant 0 : i32
    %dma_start3A_187 = arith.constant 0 : i32
    %dma_start3A_188 = tpu.memref_slice %arg5[%dma_start3A_184, %dma_start3A_185, %dma_start3A_186, %dma_start3A_183, %dma_start3A_187] : memref<4x2x8x4x128xf32, #tpu.memory_space<vmem>> -> memref<4x2x8x1x128xf32, #tpu.memory_space<vmem>>
    %dma_start3A_189 = tpu.memref_squeeze %dma_start3A_188 : memref<4x2x8x1x128xf32, #tpu.memory_space<vmem>> -> memref<4x2x8x128xf32, #tpu.memory_space<vmem>>
    %dma_start3A_190 = arith.constant 4 : i32
    %dma_start3A_191 = arith.constant 0 : i32
    %dma_start3A_192 = arith.constant 0 : i32
    %dma_start3A_193 = arith.constant 0 : i32
    %dma_start3A_194 = tpu.memref_slice %arg2[%add3A, %dma_start3A_182, %dma_start3A_190, %dma_start3A_191, %dma_start3A_192, %dma_start3A_193] : memref<32x6x32x2x8x128xf32, #tpu.memory_space<hbm>> -> memref<1x1x4x2x8x128xf32, #tpu.memory_space<hbm>>
    %dma_start3A_195 = tpu.memref_squeeze %dma_start3A_194 : memref<1x1x4x2x8x128xf32, #tpu.memory_space<hbm>> -> memref<4x2x8x128xf32, #tpu.memory_space<hbm>>
    %dma_start3A_196 = arith.constant 0 : i32
    %dma_start3A_197 = arith.constant 0 : i32
    %dma_start3A_198 = arith.constant 0 : i32
    %dma_start3A_199 = arith.constant 0 : i32
    %dma_start3A_200 = tpu.memref_slice %arg5[%dma_start3A_196, %dma_start3A_197, %dma_start3A_198, %dma_start3A_183, %dma_start3A_199] : memref<4x2x8x4x128xf32, #tpu.memory_space<vmem>> -> memref<4x2x8x1x128xf32, #tpu.memory_space<vmem>>
    %dma_start3A_201 = tpu.memref_squeeze %dma_start3A_200 : memref<4x2x8x1x128xf32, #tpu.memory_space<vmem>> -> memref<4x2x8x128xf32, #tpu.memory_space<vmem>>
    %dma_start3A_202 = arith.constant 4 : i32
    %dma_start3A_203 = arith.constant 0 : i32
    %dma_start3A_204 = arith.constant 0 : i32
    %dma_start3A_205 = arith.constant 0 : i32
    %dma_start3A_206 = tpu.memref_slice %arg2[%add3A, %dma_start3A_182, %dma_start3A_202, %dma_start3A_203, %dma_start3A_204, %dma_start3A_205] : memref<32x6x32x2x8x128xf32, #tpu.memory_space<hbm>> -> memref<1x1x4x2x8x128xf32, #tpu.memory_space<hbm>>
    %dma_start3A_207 = tpu.memref_squeeze %dma_start3A_206 : memref<1x1x4x2x8x128xf32, #tpu.memory_space<hbm>> -> memref<4x2x8x128xf32, #tpu.memory_space<hbm>>
    tpu.enqueue_dma source(%dma_start3A_207 : memref<4x2x8x128xf32, #tpu.memory_space<hbm>>) target(%dma_start3A_201 : memref<4x2x8x128xf32, #tpu.memory_space<vmem>>) target_semaphore(%arg9 : memref<!tpu.dma_semaphore, #tpu.memory_space<semaphore_mem>>)
    %dma_start3A_208 = arith.constant 0 : i32
    %dma_start3A_209 = arith.constant 0 : i32
    %dma_start3A_210 = arith.constant 0 : i32
    %dma_start3A_211 = arith.constant 0 : i32
    %dma_start3A_212 = arith.constant 0 : i32
    %dma_start3A_213 = arith.constant 0 : i32
    %dma_start3A_214 = tpu.memref_slice %arg6[%dma_start3A_210, %dma_start3A_211, %dma_start3A_212, %dma_start3A_209, %dma_start3A_213] : memref<4x2x8x4x128xf32, #tpu.memory_space<vmem>> -> memref<4x2x8x1x128xf32, #tpu.memory_space<vmem>>
    %dma_start3A_215 = tpu.memref_squeeze %dma_start3A_214 : memref<4x2x8x1x128xf32, #tpu.memory_space<vmem>> -> memref<4x2x8x128xf32, #tpu.memory_space<vmem>>
    %dma_start3A_216 = arith.constant 8 : i32
    %dma_start3A_217 = arith.constant 0 : i32
    %dma_start3A_218 = arith.constant 0 : i32
    %dma_start3A_219 = arith.constant 0 : i32
    %dma_start3A_220 = tpu.memref_slice %arg2[%add3A, %dma_start3A_208, %dma_start3A_216, %dma_start3A_217, %dma_start3A_218, %dma_start3A_219] : memref<32x6x32x2x8x128xf32, #tpu.memory_space<hbm>> -> memref<1x1x4x2x8x128xf32, #tpu.memory_space<hbm>>
    %dma_start3A_221 = tpu.memref_squeeze %dma_start3A_220 : memref<1x1x4x2x8x128xf32, #tpu.memory_space<hbm>> -> memref<4x2x8x128xf32, #tpu.memory_space<hbm>>
    %dma_start3A_222 = arith.constant 0 : i32
    %dma_start3A_223 = arith.constant 0 : i32
    %dma_start3A_224 = arith.constant 0 : i32
    %dma_start3A_225 = arith.constant 0 : i32
    %dma_start3A_226 = tpu.memref_slice %arg6[%dma_start3A_222, %dma_start3A_223, %dma_start3A_224, %dma_start3A_209, %dma_start3A_225] : memref<4x2x8x4x128xf32, #tpu.memory_space<vmem>> -> memref<4x2x8x1x128xf32, #tpu.memory_space<vmem>>
    %dma_start3A_227 = tpu.memref_squeeze %dma_start3A_226 : memref<4x2x8x1x128xf32, #tpu.memory_space<vmem>> -> memref<4x2x8x128xf32, #tpu.memory_space<vmem>>
    %dma_start3A_228 = arith.constant 8 : i32
    %dma_start3A_229 = arith.constant 0 : i32
    %dma_start3A_230 = arith.constant 0 : i32
    %dma_start3A_231 = arith.constant 0 : i32
    %dma_start3A_232 = tpu.memref_slice %arg2[%add3A, %dma_start3A_208, %dma_start3A_228, %dma_start3A_229, %dma_start3A_230, %dma_start3A_231] : memref<32x6x32x2x8x128xf32, #tpu.memory_space<hbm>> -> memref<1x1x4x2x8x128xf32, #tpu.memory_space<hbm>>
    %dma_start3A_233 = tpu.memref_squeeze %dma_start3A_232 : memref<1x1x4x2x8x128xf32, #tpu.memory_space<hbm>> -> memref<4x2x8x128xf32, #tpu.memory_space<hbm>>
    tpu.enqueue_dma source(%dma_start3A_233 : memref<4x2x8x128xf32, #tpu.memory_space<hbm>>) target(%dma_start3A_227 : memref<4x2x8x128xf32, #tpu.memory_space<vmem>>) target_semaphore(%arg10 : memref<!tpu.dma_semaphore, #tpu.memory_space<semaphore_mem>>)
    %dma_start3A_234 = arith.constant 1 : i32
    %dma_start3A_235 = arith.constant 1 : i32
    %dma_start3A_236 = arith.constant 0 : i32
    %dma_start3A_237 = arith.constant 0 : i32
    %dma_start3A_238 = arith.constant 0 : i32
    %dma_start3A_239 = arith.constant 0 : i32
    %dma_start3A_240 = tpu.memref_slice %arg6[%dma_start3A_236, %dma_start3A_237, %dma_start3A_238, %dma_start3A_235, %dma_start3A_239] : memref<4x2x8x4x128xf32, #tpu.memory_space<vmem>> -> memref<4x2x8x1x128xf32, #tpu.memory_space<vmem>>
    %dma_start3A_241 = tpu.memref_squeeze %dma_start3A_240 : memref<4x2x8x1x128xf32, #tpu.memory_space<vmem>> -> memref<4x2x8x128xf32, #tpu.memory_space<vmem>>
    %dma_start3A_242 = arith.constant 8 : i32
    %dma_start3A_243 = arith.constant 0 : i32
    %dma_start3A_244 = arith.constant 0 : i32
    %dma_start3A_245 = arith.constant 0 : i32
    %dma_start3A_246 = tpu.memref_slice %arg2[%add3A, %dma_start3A_234, %dma_start3A_242, %dma_start3A_243, %dma_start3A_244, %dma_start3A_245] : memref<32x6x32x2x8x128xf32, #tpu.memory_space<hbm>> -> memref<1x1x4x2x8x128xf32, #tpu.memory_space<hbm>>
    %dma_start3A_247 = tpu.memref_squeeze %dma_start3A_246 : memref<1x1x4x2x8x128xf32, #tpu.memory_space<hbm>> -> memref<4x2x8x128xf32, #tpu.memory_space<hbm>>
    %dma_start3A_248 = arith.constant 0 : i32
    %dma_start3A_249 = arith.constant 0 : i32
    %dma_start3A_250 = arith.constant 0 : i32
    %dma_start3A_251 = arith.constant 0 : i32
    %dma_start3A_252 = tpu.memref_slice %arg6[%dma_start3A_248, %dma_start3A_249, %dma_start3A_250, %dma_start3A_235, %dma_start3A_251] : memref<4x2x8x4x128xf32, #tpu.memory_space<vmem>> -> memref<4x2x8x1x128xf32, #tpu.memory_space<vmem>>
    %dma_start3A_253 = tpu.memref_squeeze %dma_start3A_252 : memref<4x2x8x1x128xf32, #tpu.memory_space<vmem>> -> memref<4x2x8x128xf32, #tpu.memory_space<vmem>>
    %dma_start3A_254 = arith.constant 8 : i32
    %dma_start3A_255 = arith.constant 0 : i32
    %dma_start3A_256 = arith.constant 0 : i32
    %dma_start3A_257 = arith.constant 0 : i32
    %dma_start3A_258 = tpu.memref_slice %arg2[%add3A, %dma_start3A_234, %dma_start3A_254, %dma_start3A_255, %dma_start3A_256, %dma_start3A_257] : memref<32x6x32x2x8x128xf32, #tpu.memory_space<hbm>> -> memref<1x1x4x2x8x128xf32, #tpu.memory_space<hbm>>
    %dma_start3A_259 = tpu.memref_squeeze %dma_start3A_258 : memref<1x1x4x2x8x128xf32, #tpu.memory_space<hbm>> -> memref<4x2x8x128xf32, #tpu.memory_space<hbm>>
    tpu.enqueue_dma source(%dma_start3A_259 : memref<4x2x8x128xf32, #tpu.memory_space<hbm>>) target(%dma_start3A_253 : memref<4x2x8x128xf32, #tpu.memory_space<vmem>>) target_semaphore(%arg10 : memref<!tpu.dma_semaphore, #tpu.memory_space<semaphore_mem>>)
    %dma_start3A_260 = arith.constant 2 : i32
    %dma_start3A_261 = arith.constant 2 : i32
    %dma_start3A_262 = arith.constant 0 : i32
    %dma_start3A_263 = arith.constant 0 : i32
    %dma_start3A_264 = arith.constant 0 : i32
    %dma_start3A_265 = arith.constant 0 : i32
    %dma_start3A_266 = tpu.memref_slice %arg6[%dma_start3A_262, %dma_start3A_263, %dma_start3A_264, %dma_start3A_261, %dma_start3A_265] : memref<4x2x8x4x128xf32, #tpu.memory_space<vmem>> -> memref<4x2x8x1x128xf32, #tpu.memory_space<vmem>>
    %dma_start3A_267 = tpu.memref_squeeze %dma_start3A_266 : memref<4x2x8x1x128xf32, #tpu.memory_space<vmem>> -> memref<4x2x8x128xf32, #tpu.memory_space<vmem>>
    %dma_start3A_268 = arith.constant 8 : i32
    %dma_start3A_269 = arith.constant 0 : i32
    %dma_start3A_270 = arith.constant 0 : i32
    %dma_start3A_271 = arith.constant 0 : i32
    %dma_start3A_272 = tpu.memref_slice %arg2[%add3A, %dma_start3A_260, %dma_start3A_268, %dma_start3A_269, %dma_start3A_270, %dma_start3A_271] : memref<32x6x32x2x8x128xf32, #tpu.memory_space<hbm>> -> memref<1x1x4x2x8x128xf32, #tpu.memory_space<hbm>>
    %dma_start3A_273 = tpu.memref_squeeze %dma_start3A_272 : memref<1x1x4x2x8x128xf32, #tpu.memory_space<hbm>> -> memref<4x2x8x128xf32, #tpu.memory_space<hbm>>
    %dma_start3A_274 = arith.constant 0 : i32
    %dma_start3A_275 = arith.constant 0 : i32
    %dma_start3A_276 = arith.constant 0 : i32
    %dma_start3A_277 = arith.constant 0 : i32
    %dma_start3A_278 = tpu.memref_slice %arg6[%dma_start3A_274, %dma_start3A_275, %dma_start3A_276, %dma_start3A_261, %dma_start3A_277] : memref<4x2x8x4x128xf32, #tpu.memory_space<vmem>> -> memref<4x2x8x1x128xf32, #tpu.memory_space<vmem>>
    %dma_start3A_279 = tpu.memref_squeeze %dma_start3A_278 : memref<4x2x8x1x128xf32, #tpu.memory_space<vmem>> -> memref<4x2x8x128xf32, #tpu.memory_space<vmem>>
    %dma_start3A_280 = arith.constant 8 : i32
    %dma_start3A_281 = arith.constant 0 : i32
    %dma_start3A_282 = arith.constant 0 : i32
    %dma_start3A_283 = arith.constant 0 : i32
    %dma_start3A_284 = tpu.memref_slice %arg2[%add3A, %dma_start3A_260, %dma_start3A_280, %dma_start3A_281, %dma_start3A_282, %dma_start3A_283] : memref<32x6x32x2x8x128xf32, #tpu.memory_space<hbm>> -> memref<1x1x4x2x8x128xf32, #tpu.memory_space<hbm>>
    %dma_start3A_285 = tpu.memref_squeeze %dma_start3A_284 : memref<1x1x4x2x8x128xf32, #tpu.memory_space<hbm>> -> memref<4x2x8x128xf32, #tpu.memory_space<hbm>>
    tpu.enqueue_dma source(%dma_start3A_285 : memref<4x2x8x128xf32, #tpu.memory_space<hbm>>) target(%dma_start3A_279 : memref<4x2x8x128xf32, #tpu.memory_space<vmem>>) target_semaphore(%arg10 : memref<!tpu.dma_semaphore, #tpu.memory_space<semaphore_mem>>)
    %dma_start3A_286 = arith.constant 3 : i32
    %dma_start3A_287 = arith.constant 3 : i32
    %dma_start3A_288 = arith.constant 0 : i32
    %dma_start3A_289 = arith.constant 0 : i32
    %dma_start3A_290 = arith.constant 0 : i32
    %dma_start3A_291 = arith.constant 0 : i32
    %dma_start3A_292 = tpu.memref_slice %arg6[%dma_start3A_288, %dma_start3A_289, %dma_start3A_290, %dma_start3A_287, %dma_start3A_291] : memref<4x2x8x4x128xf32, #tpu.memory_space<vmem>> -> memref<4x2x8x1x128xf32, #tpu.memory_space<vmem>>
    %dma_start3A_293 = tpu.memref_squeeze %dma_start3A_292 : memref<4x2x8x1x128xf32, #tpu.memory_space<vmem>> -> memref<4x2x8x128xf32, #tpu.memory_space<vmem>>
    %dma_start3A_294 = arith.constant 8 : i32
    %dma_start3A_295 = arith.constant 0 : i32
    %dma_start3A_296 = arith.constant 0 : i32
    %dma_start3A_297 = arith.constant 0 : i32
    %dma_start3A_298 = tpu.memref_slice %arg2[%add3A, %dma_start3A_286, %dma_start3A_294, %dma_start3A_295, %dma_start3A_296, %dma_start3A_297] : memref<32x6x32x2x8x128xf32, #tpu.memory_space<hbm>> -> memref<1x1x4x2x8x128xf32, #tpu.memory_space<hbm>>
    %dma_start3A_299 = tpu.memref_squeeze %dma_start3A_298 : memref<1x1x4x2x8x128xf32, #tpu.memory_space<hbm>> -> memref<4x2x8x128xf32, #tpu.memory_space<hbm>>
    %dma_start3A_300 = arith.constant 0 : i32
    %dma_start3A_301 = arith.constant 0 : i32
    %dma_start3A_302 = arith.constant 0 : i32
    %dma_start3A_303 = arith.constant 0 : i32
    %dma_start3A_304 = tpu.memref_slice %arg6[%dma_start3A_300, %dma_start3A_301, %dma_start3A_302, %dma_start3A_287, %dma_start3A_303] : memref<4x2x8x4x128xf32, #tpu.memory_space<vmem>> -> memref<4x2x8x1x128xf32, #tpu.memory_space<vmem>>
    %dma_start3A_305 = tpu.memref_squeeze %dma_start3A_304 : memref<4x2x8x1x128xf32, #tpu.memory_space<vmem>> -> memref<4x2x8x128xf32, #tpu.memory_space<vmem>>
    %dma_start3A_306 = arith.constant 8 : i32
    %dma_start3A_307 = arith.constant 0 : i32
    %dma_start3A_308 = arith.constant 0 : i32
    %dma_start3A_309 = arith.constant 0 : i32
    %dma_start3A_310 = tpu.memref_slice %arg2[%add3A, %dma_start3A_286, %dma_start3A_306, %dma_start3A_307, %dma_start3A_308, %dma_start3A_309] : memref<32x6x32x2x8x128xf32, #tpu.memory_space<hbm>> -> memref<1x1x4x2x8x128xf32, #tpu.memory_space<hbm>>
    %dma_start3A_311 = tpu.memref_squeeze %dma_start3A_310 : memref<1x1x4x2x8x128xf32, #tpu.memory_space<hbm>> -> memref<4x2x8x128xf32, #tpu.memory_space<hbm>>
    tpu.enqueue_dma source(%dma_start3A_311 : memref<4x2x8x128xf32, #tpu.memory_space<hbm>>) target(%dma_start3A_305 : memref<4x2x8x128xf32, #tpu.memory_space<vmem>>) target_semaphore(%arg10 : memref<!tpu.dma_semaphore, #tpu.memory_space<semaphore_mem>>)
    %dma_wait3A = arith.constant 0 : i32
    %dma_wait3A_312 = arith.constant 0 : i32
    %dma_wait3A_313 = arith.constant 0 : i32
    %dma_wait3A_314 = arith.constant 0 : i32
    %dma_wait3A_315 = arith.constant 0 : i32
    %dma_wait3A_316 = arith.constant 0 : i32
    %dma_wait3A_317 = tpu.memref_slice %arg4[%dma_wait3A_313, %dma_wait3A_314, %dma_wait3A_315, %dma_wait3A_312, %dma_wait3A_316] : memref<4x2x8x4x128xf32, #tpu.memory_space<vmem>> -> memref<4x2x8x1x128xf32, #tpu.memory_space<vmem>>
    %dma_wait3A_318 = tpu.memref_squeeze %dma_wait3A_317 : memref<4x2x8x1x128xf32, #tpu.memory_space<vmem>> -> memref<4x2x8x128xf32, #tpu.memory_space<vmem>>
    %dma_wait3A_319 = arith.constant 0 : i32
    %dma_wait3A_320 = arith.constant 0 : i32
    %dma_wait3A_321 = arith.constant 0 : i32
    %dma_wait3A_322 = arith.constant 0 : i32
    %dma_wait3A_323 = tpu.memref_slice %arg2[%add3A, %dma_wait3A, %dma_wait3A_319, %dma_wait3A_320, %dma_wait3A_321, %dma_wait3A_322] : memref<32x6x32x2x8x128xf32, #tpu.memory_space<hbm>> -> memref<1x1x4x2x8x128xf32, #tpu.memory_space<hbm>>
    %dma_wait3A_324 = tpu.memref_squeeze %dma_wait3A_323 : memref<1x1x4x2x8x128xf32, #tpu.memory_space<hbm>> -> memref<4x2x8x128xf32, #tpu.memory_space<hbm>>
    %dma_wait3A_325 = arith.constant 0 : i32
    %dma_wait3A_326 = arith.constant 0 : i32
    %dma_wait3A_327 = arith.constant 0 : i32
    %dma_wait3A_328 = arith.constant 0 : i32
    %dma_wait3A_329 = tpu.memref_slice %arg4[%dma_wait3A_325, %dma_wait3A_326, %dma_wait3A_327, %dma_wait3A_312, %dma_wait3A_328] : memref<4x2x8x4x128xf32, #tpu.memory_space<vmem>> -> memref<4x2x8x1x128xf32, #tpu.memory_space<vmem>>
    %dma_wait3A_330 = tpu.memref_squeeze %dma_wait3A_329 : memref<4x2x8x1x128xf32, #tpu.memory_space<vmem>> -> memref<4x2x8x128xf32, #tpu.memory_space<vmem>>
    %dma_wait3A_331 = arith.constant 0 : i32
    %dma_wait3A_332 = arith.constant 0 : i32
    %dma_wait3A_333 = arith.constant 0 : i32
    %dma_wait3A_334 = arith.constant 0 : i32
    %dma_wait3A_335 = tpu.memref_slice %arg2[%add3A, %dma_wait3A, %dma_wait3A_331, %dma_wait3A_332, %dma_wait3A_333, %dma_wait3A_334] : memref<32x6x32x2x8x128xf32, #tpu.memory_space<hbm>> -> memref<1x1x4x2x8x128xf32, #tpu.memory_space<hbm>>
    %dma_wait3A_336 = tpu.memref_squeeze %dma_wait3A_335 : memref<1x1x4x2x8x128xf32, #tpu.memory_space<hbm>> -> memref<4x2x8x128xf32, #tpu.memory_space<hbm>>
    tpu.wait_dma2 semaphore(%arg8 : memref<!tpu.dma_semaphore, #tpu.memory_space<semaphore_mem>>) src(%dma_wait3A_336 : memref<4x2x8x128xf32, #tpu.memory_space<hbm>>) dst(%dma_wait3A_330 : memref<4x2x8x128xf32, #tpu.memory_space<vmem>>)
    %dma_wait3A_337 = arith.constant 1 : i32
    %dma_wait3A_338 = arith.constant 1 : i32
    %dma_wait3A_339 = arith.constant 0 : i32
    %dma_wait3A_340 = arith.constant 0 : i32
    %dma_wait3A_341 = arith.constant 0 : i32
    %dma_wait3A_342 = arith.constant 0 : i32
    %dma_wait3A_343 = tpu.memref_slice %arg4[%dma_wait3A_339, %dma_wait3A_340, %dma_wait3A_341, %dma_wait3A_338, %dma_wait3A_342] : memref<4x2x8x4x128xf32, #tpu.memory_space<vmem>> -> memref<4x2x8x1x128xf32, #tpu.memory_space<vmem>>
    %dma_wait3A_344 = tpu.memref_squeeze %dma_wait3A_343 : memref<4x2x8x1x128xf32, #tpu.memory_space<vmem>> -> memref<4x2x8x128xf32, #tpu.memory_space<vmem>>
    %dma_wait3A_345 = arith.constant 0 : i32
    %dma_wait3A_346 = arith.constant 0 : i32
    %dma_wait3A_347 = arith.constant 0 : i32
    %dma_wait3A_348 = arith.constant 0 : i32
    %dma_wait3A_349 = tpu.memref_slice %arg2[%add3A, %dma_wait3A_337, %dma_wait3A_345, %dma_wait3A_346, %dma_wait3A_347, %dma_wait3A_348] : memref<32x6x32x2x8x128xf32, #tpu.memory_space<hbm>> -> memref<1x1x4x2x8x128xf32, #tpu.memory_space<hbm>>
    %dma_wait3A_350 = tpu.memref_squeeze %dma_wait3A_349 : memref<1x1x4x2x8x128xf32, #tpu.memory_space<hbm>> -> memref<4x2x8x128xf32, #tpu.memory_space<hbm>>
    %dma_wait3A_351 = arith.constant 0 : i32
    %dma_wait3A_352 = arith.constant 0 : i32
    %dma_wait3A_353 = arith.constant 0 : i32
    %dma_wait3A_354 = arith.constant 0 : i32
    %dma_wait3A_355 = tpu.memref_slice %arg4[%dma_wait3A_351, %dma_wait3A_352, %dma_wait3A_353, %dma_wait3A_338, %dma_wait3A_354] : memref<4x2x8x4x128xf32, #tpu.memory_space<vmem>> -> memref<4x2x8x1x128xf32, #tpu.memory_space<vmem>>
    %dma_wait3A_356 = tpu.memref_squeeze %dma_wait3A_355 : memref<4x2x8x1x128xf32, #tpu.memory_space<vmem>> -> memref<4x2x8x128xf32, #tpu.memory_space<vmem>>
    %dma_wait3A_357 = arith.constant 0 : i32
    %dma_wait3A_358 = arith.constant 0 : i32
    %dma_wait3A_359 = arith.constant 0 : i32
    %dma_wait3A_360 = arith.constant 0 : i32
    %dma_wait3A_361 = tpu.memref_slice %arg2[%add3A, %dma_wait3A_337, %dma_wait3A_357, %dma_wait3A_358, %dma_wait3A_359, %dma_wait3A_360] : memref<32x6x32x2x8x128xf32, #tpu.memory_space<hbm>> -> memref<1x1x4x2x8x128xf32, #tpu.memory_space<hbm>>
    %dma_wait3A_362 = tpu.memref_squeeze %dma_wait3A_361 : memref<1x1x4x2x8x128xf32, #tpu.memory_space<hbm>> -> memref<4x2x8x128xf32, #tpu.memory_space<hbm>>
    tpu.wait_dma2 semaphore(%arg8 : memref<!tpu.dma_semaphore, #tpu.memory_space<semaphore_mem>>) src(%dma_wait3A_362 : memref<4x2x8x128xf32, #tpu.memory_space<hbm>>) dst(%dma_wait3A_356 : memref<4x2x8x128xf32, #tpu.memory_space<vmem>>)
    %dma_wait3A_363 = arith.constant 2 : i32
    %dma_wait3A_364 = arith.constant 2 : i32
    %dma_wait3A_365 = arith.constant 0 : i32
    %dma_wait3A_366 = arith.constant 0 : i32
    %dma_wait3A_367 = arith.constant 0 : i32
    %dma_wait3A_368 = arith.constant 0 : i32
    %dma_wait3A_369 = tpu.memref_slice %arg4[%dma_wait3A_365, %dma_wait3A_366, %dma_wait3A_367, %dma_wait3A_364, %dma_wait3A_368] : memref<4x2x8x4x128xf32, #tpu.memory_space<vmem>> -> memref<4x2x8x1x128xf32, #tpu.memory_space<vmem>>
    %dma_wait3A_370 = tpu.memref_squeeze %dma_wait3A_369 : memref<4x2x8x1x128xf32, #tpu.memory_space<vmem>> -> memref<4x2x8x128xf32, #tpu.memory_space<vmem>>
    %dma_wait3A_371 = arith.constant 0 : i32
    %dma_wait3A_372 = arith.constant 0 : i32
    %dma_wait3A_373 = arith.constant 0 : i32
    %dma_wait3A_374 = arith.constant 0 : i32
    %dma_wait3A_375 = tpu.memref_slice %arg2[%add3A, %dma_wait3A_363, %dma_wait3A_371, %dma_wait3A_372, %dma_wait3A_373, %dma_wait3A_374] : memref<32x6x32x2x8x128xf32, #tpu.memory_space<hbm>> -> memref<1x1x4x2x8x128xf32, #tpu.memory_space<hbm>>
    %dma_wait3A_376 = tpu.memref_squeeze %dma_wait3A_375 : memref<1x1x4x2x8x128xf32, #tpu.memory_space<hbm>> -> memref<4x2x8x128xf32, #tpu.memory_space<hbm>>
    %dma_wait3A_377 = arith.constant 0 : i32
    %dma_wait3A_378 = arith.constant 0 : i32
    %dma_wait3A_379 = arith.constant 0 : i32
    %dma_wait3A_380 = arith.constant 0 : i32
    %dma_wait3A_381 = tpu.memref_slice %arg4[%dma_wait3A_377, %dma_wait3A_378, %dma_wait3A_379, %dma_wait3A_364, %dma_wait3A_380] : memref<4x2x8x4x128xf32, #tpu.memory_space<vmem>> -> memref<4x2x8x1x128xf32, #tpu.memory_space<vmem>>
    %dma_wait3A_382 = tpu.memref_squeeze %dma_wait3A_381 : memref<4x2x8x1x128xf32, #tpu.memory_space<vmem>> -> memref<4x2x8x128xf32, #tpu.memory_space<vmem>>
    %dma_wait3A_383 = arith.constant 0 : i32
    %dma_wait3A_384 = arith.constant 0 : i32
    %dma_wait3A_385 = arith.constant 0 : i32
    %dma_wait3A_386 = arith.constant 0 : i32
    %dma_wait3A_387 = tpu.memref_slice %arg2[%add3A, %dma_wait3A_363, %dma_wait3A_383, %dma_wait3A_384, %dma_wait3A_385, %dma_wait3A_386] : memref<32x6x32x2x8x128xf32, #tpu.memory_space<hbm>> -> memref<1x1x4x2x8x128xf32, #tpu.memory_space<hbm>>
    %dma_wait3A_388 = tpu.memref_squeeze %dma_wait3A_387 : memref<1x1x4x2x8x128xf32, #tpu.memory_space<hbm>> -> memref<4x2x8x128xf32, #tpu.memory_space<hbm>>
    tpu.wait_dma2 semaphore(%arg8 : memref<!tpu.dma_semaphore, #tpu.memory_space<semaphore_mem>>) src(%dma_wait3A_388 : memref<4x2x8x128xf32, #tpu.memory_space<hbm>>) dst(%dma_wait3A_382 : memref<4x2x8x128xf32, #tpu.memory_space<vmem>>)
    %dma_wait3A_389 = arith.constant 3 : i32
    %dma_wait3A_390 = arith.constant 3 : i32
    %dma_wait3A_391 = arith.constant 0 : i32
    %dma_wait3A_392 = arith.constant 0 : i32
    %dma_wait3A_393 = arith.constant 0 : i32
    %dma_wait3A_394 = arith.constant 0 : i32
    %dma_wait3A_395 = tpu.memref_slice %arg4[%dma_wait3A_391, %dma_wait3A_392, %dma_wait3A_393, %dma_wait3A_390, %dma_wait3A_394] : memref<4x2x8x4x128xf32, #tpu.memory_space<vmem>> -> memref<4x2x8x1x128xf32, #tpu.memory_space<vmem>>
    %dma_wait3A_396 = tpu.memref_squeeze %dma_wait3A_395 : memref<4x2x8x1x128xf32, #tpu.memory_space<vmem>> -> memref<4x2x8x128xf32, #tpu.memory_space<vmem>>
    %dma_wait3A_397 = arith.constant 0 : i32
    %dma_wait3A_398 = arith.constant 0 : i32
    %dma_wait3A_399 = arith.constant 0 : i32
    %dma_wait3A_400 = arith.constant 0 : i32
    %dma_wait3A_401 = tpu.memref_slice %arg2[%add3A, %dma_wait3A_389, %dma_wait3A_397, %dma_wait3A_398, %dma_wait3A_399, %dma_wait3A_400] : memref<32x6x32x2x8x128xf32, #tpu.memory_space<hbm>> -> memref<1x1x4x2x8x128xf32, #tpu.memory_space<hbm>>
    %dma_wait3A_402 = tpu.memref_squeeze %dma_wait3A_401 : memref<1x1x4x2x8x128xf32, #tpu.memory_space<hbm>> -> memref<4x2x8x128xf32, #tpu.memory_space<hbm>>
    %dma_wait3A_403 = arith.constant 0 : i32
    %dma_wait3A_404 = arith.constant 0 : i32
    %dma_wait3A_405 = arith.constant 0 : i32
    %dma_wait3A_406 = arith.constant 0 : i32
    %dma_wait3A_407 = tpu.memref_slice %arg4[%dma_wait3A_403, %dma_wait3A_404, %dma_wait3A_405, %dma_wait3A_390, %dma_wait3A_406] : memref<4x2x8x4x128xf32, #tpu.memory_space<vmem>> -> memref<4x2x8x1x128xf32, #tpu.memory_space<vmem>>
    %dma_wait3A_408 = tpu.memref_squeeze %dma_wait3A_407 : memref<4x2x8x1x128xf32, #tpu.memory_space<vmem>> -> memref<4x2x8x128xf32, #tpu.memory_space<vmem>>
    %dma_wait3A_409 = arith.constant 0 : i32
    %dma_wait3A_410 = arith.constant 0 : i32
    %dma_wait3A_411 = arith.constant 0 : i32
    %dma_wait3A_412 = arith.constant 0 : i32
    %dma_wait3A_413 = tpu.memref_slice %arg2[%add3A, %dma_wait3A_389, %dma_wait3A_409, %dma_wait3A_410, %dma_wait3A_411, %dma_wait3A_412] : memref<32x6x32x2x8x128xf32, #tpu.memory_space<hbm>> -> memref<1x1x4x2x8x128xf32, #tpu.memory_space<hbm>>
    %dma_wait3A_414 = tpu.memref_squeeze %dma_wait3A_413 : memref<1x1x4x2x8x128xf32, #tpu.memory_space<hbm>> -> memref<4x2x8x128xf32, #tpu.memory_space<hbm>>
    tpu.wait_dma2 semaphore(%arg8 : memref<!tpu.dma_semaphore, #tpu.memory_space<semaphore_mem>>) src(%dma_wait3A_414 : memref<4x2x8x128xf32, #tpu.memory_space<hbm>>) dst(%dma_wait3A_408 : memref<4x2x8x128xf32, #tpu.memory_space<vmem>>)
    %dma_start3A_415 = arith.constant 0 : i32
    %dma_start3A_416 = arith.constant 0 : i32
    %dma_start3A_417 = arith.constant 0 : i32
    %dma_start3A_418 = arith.constant 0 : i32
    %dma_start3A_419 = arith.constant 0 : i32
    %dma_start3A_420 = arith.constant 0 : i32
    %dma_start3A_421 = tpu.memref_slice %arg4[%dma_start3A_417, %dma_start3A_415, %dma_start3A_418, %dma_start3A_419, %dma_start3A_420] : memref<4x2x8x4x128xf32, #tpu.memory_space<vmem>> -> memref<4x1x8x4x128xf32, #tpu.memory_space<vmem>>
    %dma_start3A_422 = tpu.memref_squeeze %dma_start3A_421 : memref<4x1x8x4x128xf32, #tpu.memory_space<vmem>> -> memref<4x8x4x128xf32, #tpu.memory_space<vmem>>
    %dma_start3A_423 = arith.constant 0 : i32
    %dma_start3A_424 = arith.constant 0 : i32
    %dma_start3A_425 = arith.constant 0 : i32
    %dma_start3A_426 = arith.constant 0 : i32
    %dma_start3A_427 = tpu.memref_slice %arg3[%add3A, %dma_start3A_423, %dma_start3A_424, %dma_start3A_416, %dma_start3A_425, %dma_start3A_426] : memref<32x32x8x2x4x128xf32, #tpu.memory_space<hbm>> -> memref<1x4x8x1x4x128xf32, #tpu.memory_space<hbm>>
    %dma_start3A_428 = tpu.memref_squeeze %dma_start3A_427 : memref<1x4x8x1x4x128xf32, #tpu.memory_space<hbm>> -> memref<4x8x4x128xf32, #tpu.memory_space<hbm>>
    %dma_start3A_429 = arith.constant 0 : i32
    %dma_start3A_430 = arith.constant 0 : i32
    %dma_start3A_431 = arith.constant 0 : i32
    %dma_start3A_432 = arith.constant 0 : i32
    %dma_start3A_433 = tpu.memref_slice %arg3[%add3A, %dma_start3A_429, %dma_start3A_430, %dma_start3A_416, %dma_start3A_431, %dma_start3A_432] : memref<32x32x8x2x4x128xf32, #tpu.memory_space<hbm>> -> memref<1x4x8x1x4x128xf32, #tpu.memory_space<hbm>>
    %dma_start3A_434 = tpu.memref_squeeze %dma_start3A_433 : memref<1x4x8x1x4x128xf32, #tpu.memory_space<hbm>> -> memref<4x8x4x128xf32, #tpu.memory_space<hbm>>
    %dma_start3A_435 = arith.constant 0 : i32
    %dma_start3A_436 = arith.constant 0 : i32
    %dma_start3A_437 = arith.constant 0 : i32
    %dma_start3A_438 = arith.constant 0 : i32
    %dma_start3A_439 = tpu.memref_slice %arg4[%dma_start3A_435, %dma_start3A_415, %dma_start3A_436, %dma_start3A_437, %dma_start3A_438] : memref<4x2x8x4x128xf32, #tpu.memory_space<vmem>> -> memref<4x1x8x4x128xf32, #tpu.memory_space<vmem>>
    %dma_start3A_440 = tpu.memref_squeeze %dma_start3A_439 : memref<4x1x8x4x128xf32, #tpu.memory_space<vmem>> -> memref<4x8x4x128xf32, #tpu.memory_space<vmem>>
    tpu.enqueue_dma source(%dma_start3A_440 : memref<4x8x4x128xf32, #tpu.memory_space<vmem>>) target(%dma_start3A_434 : memref<4x8x4x128xf32, #tpu.memory_space<hbm>>) target_semaphore(%arg12 : memref<!tpu.dma_semaphore, #tpu.memory_space<semaphore_mem>>)
    %dma_start3A_441 = arith.constant 1 : i32
    %dma_start3A_442 = arith.constant 1 : i32
    %dma_start3A_443 = arith.constant 0 : i32
    %dma_start3A_444 = arith.constant 0 : i32
    %dma_start3A_445 = arith.constant 0 : i32
    %dma_start3A_446 = arith.constant 0 : i32
    %dma_start3A_447 = tpu.memref_slice %arg4[%dma_start3A_443, %dma_start3A_441, %dma_start3A_444, %dma_start3A_445, %dma_start3A_446] : memref<4x2x8x4x128xf32, #tpu.memory_space<vmem>> -> memref<4x1x8x4x128xf32, #tpu.memory_space<vmem>>
    %dma_start3A_448 = tpu.memref_squeeze %dma_start3A_447 : memref<4x1x8x4x128xf32, #tpu.memory_space<vmem>> -> memref<4x8x4x128xf32, #tpu.memory_space<vmem>>
    %dma_start3A_449 = arith.constant 0 : i32
    %dma_start3A_450 = arith.constant 0 : i32
    %dma_start3A_451 = arith.constant 0 : i32
    %dma_start3A_452 = arith.constant 0 : i32
    %dma_start3A_453 = tpu.memref_slice %arg3[%add3A, %dma_start3A_449, %dma_start3A_450, %dma_start3A_442, %dma_start3A_451, %dma_start3A_452] : memref<32x32x8x2x4x128xf32, #tpu.memory_space<hbm>> -> memref<1x4x8x1x4x128xf32, #tpu.memory_space<hbm>>
    %dma_start3A_454 = tpu.memref_squeeze %dma_start3A_453 : memref<1x4x8x1x4x128xf32, #tpu.memory_space<hbm>> -> memref<4x8x4x128xf32, #tpu.memory_space<hbm>>
    %dma_start3A_455 = arith.constant 0 : i32
    %dma_start3A_456 = arith.constant 0 : i32
    %dma_start3A_457 = arith.constant 0 : i32
    %dma_start3A_458 = arith.constant 0 : i32
    %dma_start3A_459 = tpu.memref_slice %arg3[%add3A, %dma_start3A_455, %dma_start3A_456, %dma_start3A_442, %dma_start3A_457, %dma_start3A_458] : memref<32x32x8x2x4x128xf32, #tpu.memory_space<hbm>> -> memref<1x4x8x1x4x128xf32, #tpu.memory_space<hbm>>
    %dma_start3A_460 = tpu.memref_squeeze %dma_start3A_459 : memref<1x4x8x1x4x128xf32, #tpu.memory_space<hbm>> -> memref<4x8x4x128xf32, #tpu.memory_space<hbm>>
    %dma_start3A_461 = arith.constant 0 : i32
    %dma_start3A_462 = arith.constant 0 : i32
    %dma_start3A_463 = arith.constant 0 : i32
    %dma_start3A_464 = arith.constant 0 : i32
    %dma_start3A_465 = tpu.memref_slice %arg4[%dma_start3A_461, %dma_start3A_441, %dma_start3A_462, %dma_start3A_463, %dma_start3A_464] : memref<4x2x8x4x128xf32, #tpu.memory_space<vmem>> -> memref<4x1x8x4x128xf32, #tpu.memory_space<vmem>>
    %dma_start3A_466 = tpu.memref_squeeze %dma_start3A_465 : memref<4x1x8x4x128xf32, #tpu.memory_space<vmem>> -> memref<4x8x4x128xf32, #tpu.memory_space<vmem>>
    tpu.enqueue_dma source(%dma_start3A_466 : memref<4x8x4x128xf32, #tpu.memory_space<vmem>>) target(%dma_start3A_460 : memref<4x8x4x128xf32, #tpu.memory_space<hbm>>) target_semaphore(%arg12 : memref<!tpu.dma_semaphore, #tpu.memory_space<semaphore_mem>>)
    %dma_start3A_467 = arith.constant 0 : i32
    %dma_start3A_468 = arith.constant 0 : i32
    %dma_start3A_469 = arith.constant 0 : i32
    %dma_start3A_470 = arith.constant 0 : i32
    %dma_start3A_471 = arith.constant 0 : i32
    %dma_start3A_472 = arith.constant 0 : i32
    %dma_start3A_473 = tpu.memref_slice %arg7[%dma_start3A_469, %dma_start3A_470, %dma_start3A_471, %dma_start3A_468, %dma_start3A_472] : memref<4x2x8x4x128xf32, #tpu.memory_space<vmem>> -> memref<4x2x8x1x128xf32, #tpu.memory_space<vmem>>
    %dma_start3A_474 = tpu.memref_squeeze %dma_start3A_473 : memref<4x2x8x1x128xf32, #tpu.memory_space<vmem>> -> memref<4x2x8x128xf32, #tpu.memory_space<vmem>>
    %dma_start3A_475 = arith.constant 12 : i32
    %dma_start3A_476 = arith.constant 0 : i32
    %dma_start3A_477 = arith.constant 0 : i32
    %dma_start3A_478 = arith.constant 0 : i32
    %dma_start3A_479 = tpu.memref_slice %arg2[%add3A, %dma_start3A_467, %dma_start3A_475, %dma_start3A_476, %dma_start3A_477, %dma_start3A_478] : memref<32x6x32x2x8x128xf32, #tpu.memory_space<hbm>> -> memref<1x1x4x2x8x128xf32, #tpu.memory_space<hbm>>
    %dma_start3A_480 = tpu.memref_squeeze %dma_start3A_479 : memref<1x1x4x2x8x128xf32, #tpu.memory_space<hbm>> -> memref<4x2x8x128xf32, #tpu.memory_space<hbm>>
    %dma_start3A_481 = arith.constant 0 : i32
    %dma_start3A_482 = arith.constant 0 : i32
    %dma_start3A_483 = arith.constant 0 : i32
    %dma_start3A_484 = arith.constant 0 : i32
    %dma_start3A_485 = tpu.memref_slice %arg7[%dma_start3A_481, %dma_start3A_482, %dma_start3A_483, %dma_start3A_468, %dma_start3A_484] : memref<4x2x8x4x128xf32, #tpu.memory_space<vmem>> -> memref<4x2x8x1x128xf32, #tpu.memory_space<vmem>>
    %dma_start3A_486 = tpu.memref_squeeze %dma_start3A_485 : memref<4x2x8x1x128xf32, #tpu.memory_space<vmem>> -> memref<4x2x8x128xf32, #tpu.memory_space<vmem>>
    %dma_start3A_487 = arith.constant 12 : i32
    %dma_start3A_488 = arith.constant 0 : i32
    %dma_start3A_489 = arith.constant 0 : i32
    %dma_start3A_490 = arith.constant 0 : i32
    %dma_start3A_491 = tpu.memref_slice %arg2[%add3A, %dma_start3A_467, %dma_start3A_487, %dma_start3A_488, %dma_start3A_489, %dma_start3A_490] : memref<32x6x32x2x8x128xf32, #tpu.memory_space<hbm>> -> memref<1x1x4x2x8x128xf32, #tpu.memory_space<hbm>>
    %dma_start3A_492 = tpu.memref_squeeze %dma_start3A_491 : memref<1x1x4x2x8x128xf32, #tpu.memory_space<hbm>> -> memref<4x2x8x128xf32, #tpu.memory_space<hbm>>
    tpu.enqueue_dma source(%dma_start3A_492 : memref<4x2x8x128xf32, #tpu.memory_space<hbm>>) target(%dma_start3A_486 : memref<4x2x8x128xf32, #tpu.memory_space<vmem>>) target_semaphore(%arg11 : memref<!tpu.dma_semaphore, #tpu.memory_space<semaphore_mem>>)
    %dma_start3A_493 = arith.constant 1 : i32
    %dma_start3A_494 = arith.constant 1 : i32
    %dma_start3A_495 = arith.constant 0 : i32
    %dma_start3A_496 = arith.constant 0 : i32
    %dma_start3A_497 = arith.constant 0 : i32
    %dma_start3A_498 = arith.constant 0 : i32
    %dma_start3A_499 = tpu.memref_slice %arg7[%dma_start3A_495, %dma_start3A_496, %dma_start3A_497, %dma_start3A_494, %dma_start3A_498] : memref<4x2x8x4x128xf32, #tpu.memory_space<vmem>> -> memref<4x2x8x1x128xf32, #tpu.memory_space<vmem>>
    %dma_start3A_500 = tpu.memref_squeeze %dma_start3A_499 : memref<4x2x8x1x128xf32, #tpu.memory_space<vmem>> -> memref<4x2x8x128xf32, #tpu.memory_space<vmem>>
    %dma_start3A_501 = arith.constant 12 : i32
    %dma_start3A_502 = arith.constant 0 : i32
    %dma_start3A_503 = arith.constant 0 : i32
    %dma_start3A_504 = arith.constant 0 : i32
    %dma_start3A_505 = tpu.memref_slice %arg2[%add3A, %dma_start3A_493, %dma_start3A_501, %dma_start3A_502, %dma_start3A_503, %dma_start3A_504] : memref<32x6x32x2x8x128xf32, #tpu.memory_space<hbm>> -> memref<1x1x4x2x8x128xf32, #tpu.memory_space<hbm>>
    %dma_start3A_506 = tpu.memref_squeeze %dma_start3A_505 : memref<1x1x4x2x8x128xf32, #tpu.memory_space<hbm>> -> memref<4x2x8x128xf32, #tpu.memory_space<hbm>>
    %dma_start3A_507 = arith.constant 0 : i32
    %dma_start3A_508 = arith.constant 0 : i32
    %dma_start3A_509 = arith.constant 0 : i32
    %dma_start3A_510 = arith.constant 0 : i32
    %dma_start3A_511 = tpu.memref_slice %arg7[%dma_start3A_507, %dma_start3A_508, %dma_start3A_509, %dma_start3A_494, %dma_start3A_510] : memref<4x2x8x4x128xf32, #tpu.memory_space<vmem>> -> memref<4x2x8x1x128xf32, #tpu.memory_space<vmem>>
    %dma_start3A_512 = tpu.memref_squeeze %dma_start3A_511 : memref<4x2x8x1x128xf32, #tpu.memory_space<vmem>> -> memref<4x2x8x128xf32, #tpu.memory_space<vmem>>
    %dma_start3A_513 = arith.constant 12 : i32
    %dma_start3A_514 = arith.constant 0 : i32
    %dma_start3A_515 = arith.constant 0 : i32
    %dma_start3A_516 = arith.constant 0 : i32
    %dma_start3A_517 = tpu.memref_slice %arg2[%add3A, %dma_start3A_493, %dma_start3A_513, %dma_start3A_514, %dma_start3A_515, %dma_start3A_516] : memref<32x6x32x2x8x128xf32, #tpu.memory_space<hbm>> -> memref<1x1x4x2x8x128xf32, #tpu.memory_space<hbm>>
    %dma_start3A_518 = tpu.memref_squeeze %dma_start3A_517 : memref<1x1x4x2x8x128xf32, #tpu.memory_space<hbm>> -> memref<4x2x8x128xf32, #tpu.memory_space<hbm>>
    tpu.enqueue_dma source(%dma_start3A_518 : memref<4x2x8x128xf32, #tpu.memory_space<hbm>>) target(%dma_start3A_512 : memref<4x2x8x128xf32, #tpu.memory_space<vmem>>) target_semaphore(%arg11 : memref<!tpu.dma_semaphore, #tpu.memory_space<semaphore_mem>>)
    %dma_start3A_519 = arith.constant 2 : i32
    %dma_start3A_520 = arith.constant 2 : i32
    %dma_start3A_521 = arith.constant 0 : i32
    %dma_start3A_522 = arith.constant 0 : i32
    %dma_start3A_523 = arith.constant 0 : i32
    %dma_start3A_524 = arith.constant 0 : i32
    %dma_start3A_525 = tpu.memref_slice %arg7[%dma_start3A_521, %dma_start3A_522, %dma_start3A_523, %dma_start3A_520, %dma_start3A_524] : memref<4x2x8x4x128xf32, #tpu.memory_space<vmem>> -> memref<4x2x8x1x128xf32, #tpu.memory_space<vmem>>
    %dma_start3A_526 = tpu.memref_squeeze %dma_start3A_525 : memref<4x2x8x1x128xf32, #tpu.memory_space<vmem>> -> memref<4x2x8x128xf32, #tpu.memory_space<vmem>>
    %dma_start3A_527 = arith.constant 12 : i32
    %dma_start3A_528 = arith.constant 0 : i32
    %dma_start3A_529 = arith.constant 0 : i32
    %dma_start3A_530 = arith.constant 0 : i32
    %dma_start3A_531 = tpu.memref_slice %arg2[%add3A, %dma_start3A_519, %dma_start3A_527, %dma_start3A_528, %dma_start3A_529, %dma_start3A_530] : memref<32x6x32x2x8x128xf32, #tpu.memory_space<hbm>> -> memref<1x1x4x2x8x128xf32, #tpu.memory_space<hbm>>
    %dma_start3A_532 = tpu.memref_squeeze %dma_start3A_531 : memref<1x1x4x2x8x128xf32, #tpu.memory_space<hbm>> -> memref<4x2x8x128xf32, #tpu.memory_space<hbm>>
    %dma_start3A_533 = arith.constant 0 : i32
    %dma_start3A_534 = arith.constant 0 : i32
    %dma_start3A_535 = arith.constant 0 : i32
    %dma_start3A_536 = arith.constant 0 : i32
    %dma_start3A_537 = tpu.memref_slice %arg7[%dma_start3A_533, %dma_start3A_534, %dma_start3A_535, %dma_start3A_520, %dma_start3A_536] : memref<4x2x8x4x128xf32, #tpu.memory_space<vmem>> -> memref<4x2x8x1x128xf32, #tpu.memory_space<vmem>>
    %dma_start3A_538 = tpu.memref_squeeze %dma_start3A_537 : memref<4x2x8x1x128xf32, #tpu.memory_space<vmem>> -> memref<4x2x8x128xf32, #tpu.memory_space<vmem>>
    %dma_start3A_539 = arith.constant 12 : i32
    %dma_start3A_540 = arith.constant 0 : i32
    %dma_start3A_541 = arith.constant 0 : i32
    %dma_start3A_542 = arith.constant 0 : i32
    %dma_start3A_543 = tpu.memref_slice %arg2[%add3A, %dma_start3A_519, %dma_start3A_539, %dma_start3A_540, %dma_start3A_541, %dma_start3A_542] : memref<32x6x32x2x8x128xf32, #tpu.memory_space<hbm>> -> memref<1x1x4x2x8x128xf32, #tpu.memory_space<hbm>>
    %dma_start3A_544 = tpu.memref_squeeze %dma_start3A_543 : memref<1x1x4x2x8x128xf32, #tpu.memory_space<hbm>> -> memref<4x2x8x128xf32, #tpu.memory_space<hbm>>
    tpu.enqueue_dma source(%dma_start3A_544 : memref<4x2x8x128xf32, #tpu.memory_space<hbm>>) target(%dma_start3A_538 : memref<4x2x8x128xf32, #tpu.memory_space<vmem>>) target_semaphore(%arg11 : memref<!tpu.dma_semaphore, #tpu.memory_space<semaphore_mem>>)
    %dma_start3A_545 = arith.constant 3 : i32
    %dma_start3A_546 = arith.constant 3 : i32
    %dma_start3A_547 = arith.constant 0 : i32
    %dma_start3A_548 = arith.constant 0 : i32
    %dma_start3A_549 = arith.constant 0 : i32
    %dma_start3A_550 = arith.constant 0 : i32
    %dma_start3A_551 = tpu.memref_slice %arg7[%dma_start3A_547, %dma_start3A_548, %dma_start3A_549, %dma_start3A_546, %dma_start3A_550] : memref<4x2x8x4x128xf32, #tpu.memory_space<vmem>> -> memref<4x2x8x1x128xf32, #tpu.memory_space<vmem>>
    %dma_start3A_552 = tpu.memref_squeeze %dma_start3A_551 : memref<4x2x8x1x128xf32, #tpu.memory_space<vmem>> -> memref<4x2x8x128xf32, #tpu.memory_space<vmem>>
    %dma_start3A_553 = arith.constant 12 : i32
    %dma_start3A_554 = arith.constant 0 : i32
    %dma_start3A_555 = arith.constant 0 : i32
    %dma_start3A_556 = arith.constant 0 : i32
    %dma_start3A_557 = tpu.memref_slice %arg2[%add3A, %dma_start3A_545, %dma_start3A_553, %dma_start3A_554, %dma_start3A_555, %dma_start3A_556] : memref<32x6x32x2x8x128xf32, #tpu.memory_space<hbm>> -> memref<1x1x4x2x8x128xf32, #tpu.memory_space<hbm>>
    %dma_start3A_558 = tpu.memref_squeeze %dma_start3A_557 : memref<1x1x4x2x8x128xf32, #tpu.memory_space<hbm>> -> memref<4x2x8x128xf32, #tpu.memory_space<hbm>>
    %dma_start3A_559 = arith.constant 0 : i32
    %dma_start3A_560 = arith.constant 0 : i32
    %dma_start3A_561 = arith.constant 0 : i32
    %dma_start3A_562 = arith.constant 0 : i32
    %dma_start3A_563 = tpu.memref_slice %arg7[%dma_start3A_559, %dma_start3A_560, %dma_start3A_561, %dma_start3A_546, %dma_start3A_562] : memref<4x2x8x4x128xf32, #tpu.memory_space<vmem>> -> memref<4x2x8x1x128xf32, #tpu.memory_space<vmem>>
    %dma_start3A_564 = tpu.memref_squeeze %dma_start3A_563 : memref<4x2x8x1x128xf32, #tpu.memory_space<vmem>> -> memref<4x2x8x128xf32, #tpu.memory_space<vmem>>
    %dma_start3A_565 = arith.constant 12 : i32
    %dma_start3A_566 = arith.constant 0 : i32
    %dma_start3A_567 = arith.constant 0 : i32
    %dma_start3A_568 = arith.constant 0 : i32
    %dma_start3A_569 = tpu.memref_slice %arg2[%add3A, %dma_start3A_545, %dma_start3A_565, %dma_start3A_566, %dma_start3A_567, %dma_start3A_568] : memref<32x6x32x2x8x128xf32, #tpu.memory_space<hbm>> -> memref<1x1x4x2x8x128xf32, #tpu.memory_space<hbm>>
    %dma_start3A_570 = tpu.memref_squeeze %dma_start3A_569 : memref<1x1x4x2x8x128xf32, #tpu.memory_space<hbm>> -> memref<4x2x8x128xf32, #tpu.memory_space<hbm>>
    tpu.enqueue_dma source(%dma_start3A_570 : memref<4x2x8x128xf32, #tpu.memory_space<hbm>>) target(%dma_start3A_564 : memref<4x2x8x128xf32, #tpu.memory_space<vmem>>) target_semaphore(%arg11 : memref<!tpu.dma_semaphore, #tpu.memory_space<semaphore_mem>>)
    %dma_wait3A_571 = arith.constant 0 : i32
    %dma_wait3A_572 = arith.constant 0 : i32
    %dma_wait3A_573 = arith.constant 0 : i32
    %dma_wait3A_574 = arith.constant 0 : i32
    %dma_wait3A_575 = arith.constant 0 : i32
    %dma_wait3A_576 = arith.constant 0 : i32
    %dma_wait3A_577 = tpu.memref_slice %arg5[%dma_wait3A_573, %dma_wait3A_574, %dma_wait3A_575, %dma_wait3A_572, %dma_wait3A_576] : memref<4x2x8x4x128xf32, #tpu.memory_space<vmem>> -> memref<4x2x8x1x128xf32, #tpu.memory_space<vmem>>
    %dma_wait3A_578 = tpu.memref_squeeze %dma_wait3A_577 : memref<4x2x8x1x128xf32, #tpu.memory_space<vmem>> -> memref<4x2x8x128xf32, #tpu.memory_space<vmem>>
    %dma_wait3A_579 = arith.constant 4 : i32
    %dma_wait3A_580 = arith.constant 0 : i32
    %dma_wait3A_581 = arith.constant 0 : i32
    %dma_wait3A_582 = arith.constant 0 : i32
    %dma_wait3A_583 = tpu.memref_slice %arg2[%add3A, %dma_wait3A_571, %dma_wait3A_579, %dma_wait3A_580, %dma_wait3A_581, %dma_wait3A_582] : memref<32x6x32x2x8x128xf32, #tpu.memory_space<hbm>> -> memref<1x1x4x2x8x128xf32, #tpu.memory_space<hbm>>
    %dma_wait3A_584 = tpu.memref_squeeze %dma_wait3A_583 : memref<1x1x4x2x8x128xf32, #tpu.memory_space<hbm>> -> memref<4x2x8x128xf32, #tpu.memory_space<hbm>>
    %dma_wait3A_585 = arith.constant 0 : i32
    %dma_wait3A_586 = arith.constant 0 : i32
    %dma_wait3A_587 = arith.constant 0 : i32
    %dma_wait3A_588 = arith.constant 0 : i32
    %dma_wait3A_589 = tpu.memref_slice %arg5[%dma_wait3A_585, %dma_wait3A_586, %dma_wait3A_587, %dma_wait3A_572, %dma_wait3A_588] : memref<4x2x8x4x128xf32, #tpu.memory_space<vmem>> -> memref<4x2x8x1x128xf32, #tpu.memory_space<vmem>>
    %dma_wait3A_590 = tpu.memref_squeeze %dma_wait3A_589 : memref<4x2x8x1x128xf32, #tpu.memory_space<vmem>> -> memref<4x2x8x128xf32, #tpu.memory_space<vmem>>
    %dma_wait3A_591 = arith.constant 4 : i32
    %dma_wait3A_592 = arith.constant 0 : i32
    %dma_wait3A_593 = arith.constant 0 : i32
    %dma_wait3A_594 = arith.constant 0 : i32
    %dma_wait3A_595 = tpu.memref_slice %arg2[%add3A, %dma_wait3A_571, %dma_wait3A_591, %dma_wait3A_592, %dma_wait3A_593, %dma_wait3A_594] : memref<32x6x32x2x8x128xf32, #tpu.memory_space<hbm>> -> memref<1x1x4x2x8x128xf32, #tpu.memory_space<hbm>>
    %dma_wait3A_596 = tpu.memref_squeeze %dma_wait3A_595 : memref<1x1x4x2x8x128xf32, #tpu.memory_space<hbm>> -> memref<4x2x8x128xf32, #tpu.memory_space<hbm>>
    tpu.wait_dma2 semaphore(%arg9 : memref<!tpu.dma_semaphore, #tpu.memory_space<semaphore_mem>>) src(%dma_wait3A_596 : memref<4x2x8x128xf32, #tpu.memory_space<hbm>>) dst(%dma_wait3A_590 : memref<4x2x8x128xf32, #tpu.memory_space<vmem>>)
    %dma_wait3A_597 = arith.constant 1 : i32
    %dma_wait3A_598 = arith.constant 1 : i32
    %dma_wait3A_599 = arith.constant 0 : i32
    %dma_wait3A_600 = arith.constant 0 : i32
    %dma_wait3A_601 = arith.constant 0 : i32
    %dma_wait3A_602 = arith.constant 0 : i32
    %dma_wait3A_603 = tpu.memref_slice %arg5[%dma_wait3A_599, %dma_wait3A_600, %dma_wait3A_601, %dma_wait3A_598, %dma_wait3A_602] : memref<4x2x8x4x128xf32, #tpu.memory_space<vmem>> -> memref<4x2x8x1x128xf32, #tpu.memory_space<vmem>>
    %dma_wait3A_604 = tpu.memref_squeeze %dma_wait3A_603 : memref<4x2x8x1x128xf32, #tpu.memory_space<vmem>> -> memref<4x2x8x128xf32, #tpu.memory_space<vmem>>
    %dma_wait3A_605 = arith.constant 4 : i32
    %dma_wait3A_606 = arith.constant 0 : i32
    %dma_wait3A_607 = arith.constant 0 : i32
    %dma_wait3A_608 = arith.constant 0 : i32
    %dma_wait3A_609 = tpu.memref_slice %arg2[%add3A, %dma_wait3A_597, %dma_wait3A_605, %dma_wait3A_606, %dma_wait3A_607, %dma_wait3A_608] : memref<32x6x32x2x8x128xf32, #tpu.memory_space<hbm>> -> memref<1x1x4x2x8x128xf32, #tpu.memory_space<hbm>>
    %dma_wait3A_610 = tpu.memref_squeeze %dma_wait3A_609 : memref<1x1x4x2x8x128xf32, #tpu.memory_space<hbm>> -> memref<4x2x8x128xf32, #tpu.memory_space<hbm>>
    %dma_wait3A_611 = arith.constant 0 : i32
    %dma_wait3A_612 = arith.constant 0 : i32
    %dma_wait3A_613 = arith.constant 0 : i32
    %dma_wait3A_614 = arith.constant 0 : i32
    %dma_wait3A_615 = tpu.memref_slice %arg5[%dma_wait3A_611, %dma_wait3A_612, %dma_wait3A_613, %dma_wait3A_598, %dma_wait3A_614] : memref<4x2x8x4x128xf32, #tpu.memory_space<vmem>> -> memref<4x2x8x1x128xf32, #tpu.memory_space<vmem>>
    %dma_wait3A_616 = tpu.memref_squeeze %dma_wait3A_615 : memref<4x2x8x1x128xf32, #tpu.memory_space<vmem>> -> memref<4x2x8x128xf32, #tpu.memory_space<vmem>>
    %dma_wait3A_617 = arith.constant 4 : i32
    %dma_wait3A_618 = arith.constant 0 : i32
    %dma_wait3A_619 = arith.constant 0 : i32
    %dma_wait3A_620 = arith.constant 0 : i32
    %dma_wait3A_621 = tpu.memref_slice %arg2[%add3A, %dma_wait3A_597, %dma_wait3A_617, %dma_wait3A_618, %dma_wait3A_619, %dma_wait3A_620] : memref<32x6x32x2x8x128xf32, #tpu.memory_space<hbm>> -> memref<1x1x4x2x8x128xf32, #tpu.memory_space<hbm>>
    %dma_wait3A_622 = tpu.memref_squeeze %dma_wait3A_621 : memref<1x1x4x2x8x128xf32, #tpu.memory_space<hbm>> -> memref<4x2x8x128xf32, #tpu.memory_space<hbm>>
    tpu.wait_dma2 semaphore(%arg9 : memref<!tpu.dma_semaphore, #tpu.memory_space<semaphore_mem>>) src(%dma_wait3A_622 : memref<4x2x8x128xf32, #tpu.memory_space<hbm>>) dst(%dma_wait3A_616 : memref<4x2x8x128xf32, #tpu.memory_space<vmem>>)
    %dma_wait3A_623 = arith.constant 2 : i32
    %dma_wait3A_624 = arith.constant 2 : i32
    %dma_wait3A_625 = arith.constant 0 : i32
    %dma_wait3A_626 = arith.constant 0 : i32
    %dma_wait3A_627 = arith.constant 0 : i32
    %dma_wait3A_628 = arith.constant 0 : i32
    %dma_wait3A_629 = tpu.memref_slice %arg5[%dma_wait3A_625, %dma_wait3A_626, %dma_wait3A_627, %dma_wait3A_624, %dma_wait3A_628] : memref<4x2x8x4x128xf32, #tpu.memory_space<vmem>> -> memref<4x2x8x1x128xf32, #tpu.memory_space<vmem>>
    %dma_wait3A_630 = tpu.memref_squeeze %dma_wait3A_629 : memref<4x2x8x1x128xf32, #tpu.memory_space<vmem>> -> memref<4x2x8x128xf32, #tpu.memory_space<vmem>>
    %dma_wait3A_631 = arith.constant 4 : i32
    %dma_wait3A_632 = arith.constant 0 : i32
    %dma_wait3A_633 = arith.constant 0 : i32
    %dma_wait3A_634 = arith.constant 0 : i32
    %dma_wait3A_635 = tpu.memref_slice %arg2[%add3A, %dma_wait3A_623, %dma_wait3A_631, %dma_wait3A_632, %dma_wait3A_633, %dma_wait3A_634] : memref<32x6x32x2x8x128xf32, #tpu.memory_space<hbm>> -> memref<1x1x4x2x8x128xf32, #tpu.memory_space<hbm>>
    %dma_wait3A_636 = tpu.memref_squeeze %dma_wait3A_635 : memref<1x1x4x2x8x128xf32, #tpu.memory_space<hbm>> -> memref<4x2x8x128xf32, #tpu.memory_space<hbm>>
    %dma_wait3A_637 = arith.constant 0 : i32
    %dma_wait3A_638 = arith.constant 0 : i32
    %dma_wait3A_639 = arith.constant 0 : i32
    %dma_wait3A_640 = arith.constant 0 : i32
    %dma_wait3A_641 = tpu.memref_slice %arg5[%dma_wait3A_637, %dma_wait3A_638, %dma_wait3A_639, %dma_wait3A_624, %dma_wait3A_640] : memref<4x2x8x4x128xf32, #tpu.memory_space<vmem>> -> memref<4x2x8x1x128xf32, #tpu.memory_space<vmem>>
    %dma_wait3A_642 = tpu.memref_squeeze %dma_wait3A_641 : memref<4x2x8x1x128xf32, #tpu.memory_space<vmem>> -> memref<4x2x8x128xf32, #tpu.memory_space<vmem>>
    %dma_wait3A_643 = arith.constant 4 : i32
    %dma_wait3A_644 = arith.constant 0 : i32
    %dma_wait3A_645 = arith.constant 0 : i32
    %dma_wait3A_646 = arith.constant 0 : i32
    %dma_wait3A_647 = tpu.memref_slice %arg2[%add3A, %dma_wait3A_623, %dma_wait3A_643, %dma_wait3A_644, %dma_wait3A_645, %dma_wait3A_646] : memref<32x6x32x2x8x128xf32, #tpu.memory_space<hbm>> -> memref<1x1x4x2x8x128xf32, #tpu.memory_space<hbm>>
    %dma_wait3A_648 = tpu.memref_squeeze %dma_wait3A_647 : memref<1x1x4x2x8x128xf32, #tpu.memory_space<hbm>> -> memref<4x2x8x128xf32, #tpu.memory_space<hbm>>
    tpu.wait_dma2 semaphore(%arg9 : memref<!tpu.dma_semaphore, #tpu.memory_space<semaphore_mem>>) src(%dma_wait3A_648 : memref<4x2x8x128xf32, #tpu.memory_space<hbm>>) dst(%dma_wait3A_642 : memref<4x2x8x128xf32, #tpu.memory_space<vmem>>)
    %dma_wait3A_649 = arith.constant 3 : i32
    %dma_wait3A_650 = arith.constant 3 : i32
    %dma_wait3A_651 = arith.constant 0 : i32
    %dma_wait3A_652 = arith.constant 0 : i32
    %dma_wait3A_653 = arith.constant 0 : i32
    %dma_wait3A_654 = arith.constant 0 : i32
    %dma_wait3A_655 = tpu.memref_slice %arg5[%dma_wait3A_651, %dma_wait3A_652, %dma_wait3A_653, %dma_wait3A_650, %dma_wait3A_654] : memref<4x2x8x4x128xf32, #tpu.memory_space<vmem>> -> memref<4x2x8x1x128xf32, #tpu.memory_space<vmem>>
    %dma_wait3A_656 = tpu.memref_squeeze %dma_wait3A_655 : memref<4x2x8x1x128xf32, #tpu.memory_space<vmem>> -> memref<4x2x8x128xf32, #tpu.memory_space<vmem>>
    %dma_wait3A_657 = arith.constant 4 : i32
    %dma_wait3A_658 = arith.constant 0 : i32
    %dma_wait3A_659 = arith.constant 0 : i32
    %dma_wait3A_660 = arith.constant 0 : i32
    %dma_wait3A_661 = tpu.memref_slice %arg2[%add3A, %dma_wait3A_649, %dma_wait3A_657, %dma_wait3A_658, %dma_wait3A_659, %dma_wait3A_660] : memref<32x6x32x2x8x128xf32, #tpu.memory_space<hbm>> -> memref<1x1x4x2x8x128xf32, #tpu.memory_space<hbm>>
    %dma_wait3A_662 = tpu.memref_squeeze %dma_wait3A_661 : memref<1x1x4x2x8x128xf32, #tpu.memory_space<hbm>> -> memref<4x2x8x128xf32, #tpu.memory_space<hbm>>
    %dma_wait3A_663 = arith.constant 0 : i32
    %dma_wait3A_664 = arith.constant 0 : i32
    %dma_wait3A_665 = arith.constant 0 : i32
    %dma_wait3A_666 = arith.constant 0 : i32
    %dma_wait3A_667 = tpu.memref_slice %arg5[%dma_wait3A_663, %dma_wait3A_664, %dma_wait3A_665, %dma_wait3A_650, %dma_wait3A_666] : memref<4x2x8x4x128xf32, #tpu.memory_space<vmem>> -> memref<4x2x8x1x128xf32, #tpu.memory_space<vmem>>
    %dma_wait3A_668 = tpu.memref_squeeze %dma_wait3A_667 : memref<4x2x8x1x128xf32, #tpu.memory_space<vmem>> -> memref<4x2x8x128xf32, #tpu.memory_space<vmem>>
    %dma_wait3A_669 = arith.constant 4 : i32
    %dma_wait3A_670 = arith.constant 0 : i32
    %dma_wait3A_671 = arith.constant 0 : i32
    %dma_wait3A_672 = arith.constant 0 : i32
    %dma_wait3A_673 = tpu.memref_slice %arg2[%add3A, %dma_wait3A_649, %dma_wait3A_669, %dma_wait3A_670, %dma_wait3A_671, %dma_wait3A_672] : memref<32x6x32x2x8x128xf32, #tpu.memory_space<hbm>> -> memref<1x1x4x2x8x128xf32, #tpu.memory_space<hbm>>
    %dma_wait3A_674 = tpu.memref_squeeze %dma_wait3A_673 : memref<1x1x4x2x8x128xf32, #tpu.memory_space<hbm>> -> memref<4x2x8x128xf32, #tpu.memory_space<hbm>>
    tpu.wait_dma2 semaphore(%arg9 : memref<!tpu.dma_semaphore, #tpu.memory_space<semaphore_mem>>) src(%dma_wait3A_674 : memref<4x2x8x128xf32, #tpu.memory_space<hbm>>) dst(%dma_wait3A_668 : memref<4x2x8x128xf32, #tpu.memory_space<vmem>>)
    %dma_start3A_675 = arith.constant 0 : i32
    %dma_start3A_676 = arith.constant 0 : i32
    %dma_start3A_677 = arith.constant 0 : i32
    %dma_start3A_678 = arith.constant 0 : i32
    %dma_start3A_679 = arith.constant 0 : i32
    %dma_start3A_680 = arith.constant 0 : i32
    %dma_start3A_681 = tpu.memref_slice %arg5[%dma_start3A_677, %dma_start3A_675, %dma_start3A_678, %dma_start3A_679, %dma_start3A_680] : memref<4x2x8x4x128xf32, #tpu.memory_space<vmem>> -> memref<4x1x8x4x128xf32, #tpu.memory_space<vmem>>
    %dma_start3A_682 = tpu.memref_squeeze %dma_start3A_681 : memref<4x1x8x4x128xf32, #tpu.memory_space<vmem>> -> memref<4x8x4x128xf32, #tpu.memory_space<vmem>>
    %dma_start3A_683 = arith.constant 4 : i32
    %dma_start3A_684 = arith.constant 0 : i32
    %dma_start3A_685 = arith.constant 0 : i32
    %dma_start3A_686 = arith.constant 0 : i32
    %dma_start3A_687 = tpu.memref_slice %arg3[%add3A, %dma_start3A_683, %dma_start3A_684, %dma_start3A_676, %dma_start3A_685, %dma_start3A_686] : memref<32x32x8x2x4x128xf32, #tpu.memory_space<hbm>> -> memref<1x4x8x1x4x128xf32, #tpu.memory_space<hbm>>
    %dma_start3A_688 = tpu.memref_squeeze %dma_start3A_687 : memref<1x4x8x1x4x128xf32, #tpu.memory_space<hbm>> -> memref<4x8x4x128xf32, #tpu.memory_space<hbm>>
    %dma_start3A_689 = arith.constant 4 : i32
    %dma_start3A_690 = arith.constant 0 : i32
    %dma_start3A_691 = arith.constant 0 : i32
    %dma_start3A_692 = arith.constant 0 : i32
    %dma_start3A_693 = tpu.memref_slice %arg3[%add3A, %dma_start3A_689, %dma_start3A_690, %dma_start3A_676, %dma_start3A_691, %dma_start3A_692] : memref<32x32x8x2x4x128xf32, #tpu.memory_space<hbm>> -> memref<1x4x8x1x4x128xf32, #tpu.memory_space<hbm>>
    %dma_start3A_694 = tpu.memref_squeeze %dma_start3A_693 : memref<1x4x8x1x4x128xf32, #tpu.memory_space<hbm>> -> memref<4x8x4x128xf32, #tpu.memory_space<hbm>>
    %dma_start3A_695 = arith.constant 0 : i32
    %dma_start3A_696 = arith.constant 0 : i32
    %dma_start3A_697 = arith.constant 0 : i32
    %dma_start3A_698 = arith.constant 0 : i32
    %dma_start3A_699 = tpu.memref_slice %arg5[%dma_start3A_695, %dma_start3A_675, %dma_start3A_696, %dma_start3A_697, %dma_start3A_698] : memref<4x2x8x4x128xf32, #tpu.memory_space<vmem>> -> memref<4x1x8x4x128xf32, #tpu.memory_space<vmem>>
    %dma_start3A_700 = tpu.memref_squeeze %dma_start3A_699 : memref<4x1x8x4x128xf32, #tpu.memory_space<vmem>> -> memref<4x8x4x128xf32, #tpu.memory_space<vmem>>
    tpu.enqueue_dma source(%dma_start3A_700 : memref<4x8x4x128xf32, #tpu.memory_space<vmem>>) target(%dma_start3A_694 : memref<4x8x4x128xf32, #tpu.memory_space<hbm>>) target_semaphore(%arg13 : memref<!tpu.dma_semaphore, #tpu.memory_space<semaphore_mem>>)
    %dma_start3A_701 = arith.constant 1 : i32
    %dma_start3A_702 = arith.constant 1 : i32
    %dma_start3A_703 = arith.constant 0 : i32
    %dma_start3A_704 = arith.constant 0 : i32
    %dma_start3A_705 = arith.constant 0 : i32
    %dma_start3A_706 = arith.constant 0 : i32
    %dma_start3A_707 = tpu.memref_slice %arg5[%dma_start3A_703, %dma_start3A_701, %dma_start3A_704, %dma_start3A_705, %dma_start3A_706] : memref<4x2x8x4x128xf32, #tpu.memory_space<vmem>> -> memref<4x1x8x4x128xf32, #tpu.memory_space<vmem>>
    %dma_start3A_708 = tpu.memref_squeeze %dma_start3A_707 : memref<4x1x8x4x128xf32, #tpu.memory_space<vmem>> -> memref<4x8x4x128xf32, #tpu.memory_space<vmem>>
    %dma_start3A_709 = arith.constant 4 : i32
    %dma_start3A_710 = arith.constant 0 : i32
    %dma_start3A_711 = arith.constant 0 : i32
    %dma_start3A_712 = arith.constant 0 : i32
    %dma_start3A_713 = tpu.memref_slice %arg3[%add3A, %dma_start3A_709, %dma_start3A_710, %dma_start3A_702, %dma_start3A_711, %dma_start3A_712] : memref<32x32x8x2x4x128xf32, #tpu.memory_space<hbm>> -> memref<1x4x8x1x4x128xf32, #tpu.memory_space<hbm>>
    %dma_start3A_714 = tpu.memref_squeeze %dma_start3A_713 : memref<1x4x8x1x4x128xf32, #tpu.memory_space<hbm>> -> memref<4x8x4x128xf32, #tpu.memory_space<hbm>>
    %dma_start3A_715 = arith.constant 4 : i32
    %dma_start3A_716 = arith.constant 0 : i32
    %dma_start3A_717 = arith.constant 0 : i32
    %dma_start3A_718 = arith.constant 0 : i32
    %dma_start3A_719 = tpu.memref_slice %arg3[%add3A, %dma_start3A_715, %dma_start3A_716, %dma_start3A_702, %dma_start3A_717, %dma_start3A_718] : memref<32x32x8x2x4x128xf32, #tpu.memory_space<hbm>> -> memref<1x4x8x1x4x128xf32, #tpu.memory_space<hbm>>
    %dma_start3A_720 = tpu.memref_squeeze %dma_start3A_719 : memref<1x4x8x1x4x128xf32, #tpu.memory_space<hbm>> -> memref<4x8x4x128xf32, #tpu.memory_space<hbm>>
    %dma_start3A_721 = arith.constant 0 : i32
    %dma_start3A_722 = arith.constant 0 : i32
    %dma_start3A_723 = arith.constant 0 : i32
    %dma_start3A_724 = arith.constant 0 : i32
    %dma_start3A_725 = tpu.memref_slice %arg5[%dma_start3A_721, %dma_start3A_701, %dma_start3A_722, %dma_start3A_723, %dma_start3A_724] : memref<4x2x8x4x128xf32, #tpu.memory_space<vmem>> -> memref<4x1x8x4x128xf32, #tpu.memory_space<vmem>>
    %dma_start3A_726 = tpu.memref_squeeze %dma_start3A_725 : memref<4x1x8x4x128xf32, #tpu.memory_space<vmem>> -> memref<4x8x4x128xf32, #tpu.memory_space<vmem>>
    tpu.enqueue_dma source(%dma_start3A_726 : memref<4x8x4x128xf32, #tpu.memory_space<vmem>>) target(%dma_start3A_720 : memref<4x8x4x128xf32, #tpu.memory_space<hbm>>) target_semaphore(%arg13 : memref<!tpu.dma_semaphore, #tpu.memory_space<semaphore_mem>>)
    %dma_wait3A_727 = arith.constant 0 : i32
    %dma_wait3A_728 = arith.constant 0 : i32
    %dma_wait3A_729 = arith.constant 0 : i32
    %dma_wait3A_730 = arith.constant 0 : i32
    %dma_wait3A_731 = arith.constant 0 : i32
    %dma_wait3A_732 = arith.constant 0 : i32
    %dma_wait3A_733 = tpu.memref_slice %arg4[%dma_wait3A_729, %dma_wait3A_727, %dma_wait3A_730, %dma_wait3A_731, %dma_wait3A_732] : memref<4x2x8x4x128xf32, #tpu.memory_space<vmem>> -> memref<4x1x8x4x128xf32, #tpu.memory_space<vmem>>
    %dma_wait3A_734 = tpu.memref_squeeze %dma_wait3A_733 : memref<4x1x8x4x128xf32, #tpu.memory_space<vmem>> -> memref<4x8x4x128xf32, #tpu.memory_space<vmem>>
    %dma_wait3A_735 = arith.constant 0 : i32
    %dma_wait3A_736 = arith.constant 0 : i32
    %dma_wait3A_737 = arith.constant 0 : i32
    %dma_wait3A_738 = arith.constant 0 : i32
    %dma_wait3A_739 = tpu.memref_slice %arg3[%add3A, %dma_wait3A_735, %dma_wait3A_736, %dma_wait3A_728, %dma_wait3A_737, %dma_wait3A_738] : memref<32x32x8x2x4x128xf32, #tpu.memory_space<hbm>> -> memref<1x4x8x1x4x128xf32, #tpu.memory_space<hbm>>
    %dma_wait3A_740 = tpu.memref_squeeze %dma_wait3A_739 : memref<1x4x8x1x4x128xf32, #tpu.memory_space<hbm>> -> memref<4x8x4x128xf32, #tpu.memory_space<hbm>>
    %dma_wait3A_741 = arith.constant 0 : i32
    %dma_wait3A_742 = arith.constant 0 : i32
    %dma_wait3A_743 = arith.constant 0 : i32
    %dma_wait3A_744 = arith.constant 0 : i32
    %dma_wait3A_745 = tpu.memref_slice %arg3[%add3A, %dma_wait3A_741, %dma_wait3A_742, %dma_wait3A_728, %dma_wait3A_743, %dma_wait3A_744] : memref<32x32x8x2x4x128xf32, #tpu.memory_space<hbm>> -> memref<1x4x8x1x4x128xf32, #tpu.memory_space<hbm>>
    %dma_wait3A_746 = tpu.memref_squeeze %dma_wait3A_745 : memref<1x4x8x1x4x128xf32, #tpu.memory_space<hbm>> -> memref<4x8x4x128xf32, #tpu.memory_space<hbm>>
    %dma_wait3A_747 = arith.constant 0 : i32
    %dma_wait3A_748 = arith.constant 0 : i32
    %dma_wait3A_749 = arith.constant 0 : i32
    %dma_wait3A_750 = arith.constant 0 : i32
    %dma_wait3A_751 = tpu.memref_slice %arg4[%dma_wait3A_747, %dma_wait3A_727, %dma_wait3A_748, %dma_wait3A_749, %dma_wait3A_750] : memref<4x2x8x4x128xf32, #tpu.memory_space<vmem>> -> memref<4x1x8x4x128xf32, #tpu.memory_space<vmem>>
    %dma_wait3A_752 = tpu.memref_squeeze %dma_wait3A_751 : memref<4x1x8x4x128xf32, #tpu.memory_space<vmem>> -> memref<4x8x4x128xf32, #tpu.memory_space<vmem>>
    tpu.wait_dma2 semaphore(%arg12 : memref<!tpu.dma_semaphore, #tpu.memory_space<semaphore_mem>>) src(%dma_wait3A_752 : memref<4x8x4x128xf32, #tpu.memory_space<vmem>>) dst(%dma_wait3A_746 : memref<4x8x4x128xf32, #tpu.memory_space<hbm>>)
    %dma_wait3A_753 = arith.constant 1 : i32
    %dma_wait3A_754 = arith.constant 1 : i32
    %dma_wait3A_755 = arith.constant 0 : i32
    %dma_wait3A_756 = arith.constant 0 : i32
    %dma_wait3A_757 = arith.constant 0 : i32
    %dma_wait3A_758 = arith.constant 0 : i32
    %dma_wait3A_759 = tpu.memref_slice %arg4[%dma_wait3A_755, %dma_wait3A_753, %dma_wait3A_756, %dma_wait3A_757, %dma_wait3A_758] : memref<4x2x8x4x128xf32, #tpu.memory_space<vmem>> -> memref<4x1x8x4x128xf32, #tpu.memory_space<vmem>>
    %dma_wait3A_760 = tpu.memref_squeeze %dma_wait3A_759 : memref<4x1x8x4x128xf32, #tpu.memory_space<vmem>> -> memref<4x8x4x128xf32, #tpu.memory_space<vmem>>
    %dma_wait3A_761 = arith.constant 0 : i32
    %dma_wait3A_762 = arith.constant 0 : i32
    %dma_wait3A_763 = arith.constant 0 : i32
    %dma_wait3A_764 = arith.constant 0 : i32
    %dma_wait3A_765 = tpu.memref_slice %arg3[%add3A, %dma_wait3A_761, %dma_wait3A_762, %dma_wait3A_754, %dma_wait3A_763, %dma_wait3A_764] : memref<32x32x8x2x4x128xf32, #tpu.memory_space<hbm>> -> memref<1x4x8x1x4x128xf32, #tpu.memory_space<hbm>>
    %dma_wait3A_766 = tpu.memref_squeeze %dma_wait3A_765 : memref<1x4x8x1x4x128xf32, #tpu.memory_space<hbm>> -> memref<4x8x4x128xf32, #tpu.memory_space<hbm>>
    %dma_wait3A_767 = arith.constant 0 : i32
    %dma_wait3A_768 = arith.constant 0 : i32
    %dma_wait3A_769 = arith.constant 0 : i32
    %dma_wait3A_770 = arith.constant 0 : i32
    %dma_wait3A_771 = tpu.memref_slice %arg3[%add3A, %dma_wait3A_767, %dma_wait3A_768, %dma_wait3A_754, %dma_wait3A_769, %dma_wait3A_770] : memref<32x32x8x2x4x128xf32, #tpu.memory_space<hbm>> -> memref<1x4x8x1x4x128xf32, #tpu.memory_space<hbm>>
    %dma_wait3A_772 = tpu.memref_squeeze %dma_wait3A_771 : memref<1x4x8x1x4x128xf32, #tpu.memory_space<hbm>> -> memref<4x8x4x128xf32, #tpu.memory_space<hbm>>
    %dma_wait3A_773 = arith.constant 0 : i32
    %dma_wait3A_774 = arith.constant 0 : i32
    %dma_wait3A_775 = arith.constant 0 : i32
    %dma_wait3A_776 = arith.constant 0 : i32
    %dma_wait3A_777 = tpu.memref_slice %arg4[%dma_wait3A_773, %dma_wait3A_753, %dma_wait3A_774, %dma_wait3A_775, %dma_wait3A_776] : memref<4x2x8x4x128xf32, #tpu.memory_space<vmem>> -> memref<4x1x8x4x128xf32, #tpu.memory_space<vmem>>
    %dma_wait3A_778 = tpu.memref_squeeze %dma_wait3A_777 : memref<4x1x8x4x128xf32, #tpu.memory_space<vmem>> -> memref<4x8x4x128xf32, #tpu.memory_space<vmem>>
    tpu.wait_dma2 semaphore(%arg12 : memref<!tpu.dma_semaphore, #tpu.memory_space<semaphore_mem>>) src(%dma_wait3A_778 : memref<4x8x4x128xf32, #tpu.memory_space<vmem>>) dst(%dma_wait3A_772 : memref<4x8x4x128xf32, #tpu.memory_space<hbm>>)
    %dma_start3A_779 = arith.constant 0 : i32
    %dma_start3A_780 = arith.constant 0 : i32
    %dma_start3A_781 = arith.constant 0 : i32
    %dma_start3A_782 = arith.constant 0 : i32
    %dma_start3A_783 = arith.constant 0 : i32
    %dma_start3A_784 = arith.constant 0 : i32
    %dma_start3A_785 = tpu.memref_slice %arg4[%dma_start3A_781, %dma_start3A_782, %dma_start3A_783, %dma_start3A_780, %dma_start3A_784] : memref<4x2x8x4x128xf32, #tpu.memory_space<vmem>> -> memref<4x2x8x1x128xf32, #tpu.memory_space<vmem>>
    %dma_start3A_786 = tpu.memref_squeeze %dma_start3A_785 : memref<4x2x8x1x128xf32, #tpu.memory_space<vmem>> -> memref<4x2x8x128xf32, #tpu.memory_space<vmem>>
    %dma_start3A_787 = arith.constant 16 : i32
    %dma_start3A_788 = arith.constant 0 : i32
    %dma_start3A_789 = arith.constant 0 : i32
    %dma_start3A_790 = arith.constant 0 : i32
    %dma_start3A_791 = tpu.memref_slice %arg2[%add3A, %dma_start3A_779, %dma_start3A_787, %dma_start3A_788, %dma_start3A_789, %dma_start3A_790] : memref<32x6x32x2x8x128xf32, #tpu.memory_space<hbm>> -> memref<1x1x4x2x8x128xf32, #tpu.memory_space<hbm>>
    %dma_start3A_792 = tpu.memref_squeeze %dma_start3A_791 : memref<1x1x4x2x8x128xf32, #tpu.memory_space<hbm>> -> memref<4x2x8x128xf32, #tpu.memory_space<hbm>>
    %dma_start3A_793 = arith.constant 0 : i32
    %dma_start3A_794 = arith.constant 0 : i32
    %dma_start3A_795 = arith.constant 0 : i32
    %dma_start3A_796 = arith.constant 0 : i32
    %dma_start3A_797 = tpu.memref_slice %arg4[%dma_start3A_793, %dma_start3A_794, %dma_start3A_795, %dma_start3A_780, %dma_start3A_796] : memref<4x2x8x4x128xf32, #tpu.memory_space<vmem>> -> memref<4x2x8x1x128xf32, #tpu.memory_space<vmem>>
    %dma_start3A_798 = tpu.memref_squeeze %dma_start3A_797 : memref<4x2x8x1x128xf32, #tpu.memory_space<vmem>> -> memref<4x2x8x128xf32, #tpu.memory_space<vmem>>
    %dma_start3A_799 = arith.constant 16 : i32
    %dma_start3A_800 = arith.constant 0 : i32
    %dma_start3A_801 = arith.constant 0 : i32
    %dma_start3A_802 = arith.constant 0 : i32
    %dma_start3A_803 = tpu.memref_slice %arg2[%add3A, %dma_start3A_779, %dma_start3A_799, %dma_start3A_800, %dma_start3A_801, %dma_start3A_802] : memref<32x6x32x2x8x128xf32, #tpu.memory_space<hbm>> -> memref<1x1x4x2x8x128xf32, #tpu.memory_space<hbm>>
    %dma_start3A_804 = tpu.memref_squeeze %dma_start3A_803 : memref<1x1x4x2x8x128xf32, #tpu.memory_space<hbm>> -> memref<4x2x8x128xf32, #tpu.memory_space<hbm>>
    tpu.enqueue_dma source(%dma_start3A_804 : memref<4x2x8x128xf32, #tpu.memory_space<hbm>>) target(%dma_start3A_798 : memref<4x2x8x128xf32, #tpu.memory_space<vmem>>) target_semaphore(%arg8 : memref<!tpu.dma_semaphore, #tpu.memory_space<semaphore_mem>>)
    %dma_start3A_805 = arith.constant 1 : i32
    %dma_start3A_806 = arith.constant 1 : i32
    %dma_start3A_807 = arith.constant 0 : i32
    %dma_start3A_808 = arith.constant 0 : i32
    %dma_start3A_809 = arith.constant 0 : i32
    %dma_start3A_810 = arith.constant 0 : i32
    %dma_start3A_811 = tpu.memref_slice %arg4[%dma_start3A_807, %dma_start3A_808, %dma_start3A_809, %dma_start3A_806, %dma_start3A_810] : memref<4x2x8x4x128xf32, #tpu.memory_space<vmem>> -> memref<4x2x8x1x128xf32, #tpu.memory_space<vmem>>
    %dma_start3A_812 = tpu.memref_squeeze %dma_start3A_811 : memref<4x2x8x1x128xf32, #tpu.memory_space<vmem>> -> memref<4x2x8x128xf32, #tpu.memory_space<vmem>>
    %dma_start3A_813 = arith.constant 16 : i32
    %dma_start3A_814 = arith.constant 0 : i32
    %dma_start3A_815 = arith.constant 0 : i32
    %dma_start3A_816 = arith.constant 0 : i32
    %dma_start3A_817 = tpu.memref_slice %arg2[%add3A, %dma_start3A_805, %dma_start3A_813, %dma_start3A_814, %dma_start3A_815, %dma_start3A_816] : memref<32x6x32x2x8x128xf32, #tpu.memory_space<hbm>> -> memref<1x1x4x2x8x128xf32, #tpu.memory_space<hbm>>
    %dma_start3A_818 = tpu.memref_squeeze %dma_start3A_817 : memref<1x1x4x2x8x128xf32, #tpu.memory_space<hbm>> -> memref<4x2x8x128xf32, #tpu.memory_space<hbm>>
    %dma_start3A_819 = arith.constant 0 : i32
    %dma_start3A_820 = arith.constant 0 : i32
    %dma_start3A_821 = arith.constant 0 : i32
    %dma_start3A_822 = arith.constant 0 : i32
    %dma_start3A_823 = tpu.memref_slice %arg4[%dma_start3A_819, %dma_start3A_820, %dma_start3A_821, %dma_start3A_806, %dma_start3A_822] : memref<4x2x8x4x128xf32, #tpu.memory_space<vmem>> -> memref<4x2x8x1x128xf32, #tpu.memory_space<vmem>>
    %dma_start3A_824 = tpu.memref_squeeze %dma_start3A_823 : memref<4x2x8x1x128xf32, #tpu.memory_space<vmem>> -> memref<4x2x8x128xf32, #tpu.memory_space<vmem>>
    %dma_start3A_825 = arith.constant 16 : i32
    %dma_start3A_826 = arith.constant 0 : i32
    %dma_start3A_827 = arith.constant 0 : i32
    %dma_start3A_828 = arith.constant 0 : i32
    %dma_start3A_829 = tpu.memref_slice %arg2[%add3A, %dma_start3A_805, %dma_start3A_825, %dma_start3A_826, %dma_start3A_827, %dma_start3A_828] : memref<32x6x32x2x8x128xf32, #tpu.memory_space<hbm>> -> memref<1x1x4x2x8x128xf32, #tpu.memory_space<hbm>>
    %dma_start3A_830 = tpu.memref_squeeze %dma_start3A_829 : memref<1x1x4x2x8x128xf32, #tpu.memory_space<hbm>> -> memref<4x2x8x128xf32, #tpu.memory_space<hbm>>
    tpu.enqueue_dma source(%dma_start3A_830 : memref<4x2x8x128xf32, #tpu.memory_space<hbm>>) target(%dma_start3A_824 : memref<4x2x8x128xf32, #tpu.memory_space<vmem>>) target_semaphore(%arg8 : memref<!tpu.dma_semaphore, #tpu.memory_space<semaphore_mem>>)
    %dma_start3A_831 = arith.constant 2 : i32
    %dma_start3A_832 = arith.constant 2 : i32
    %dma_start3A_833 = arith.constant 0 : i32
    %dma_start3A_834 = arith.constant 0 : i32
    %dma_start3A_835 = arith.constant 0 : i32
    %dma_start3A_836 = arith.constant 0 : i32
    %dma_start3A_837 = tpu.memref_slice %arg4[%dma_start3A_833, %dma_start3A_834, %dma_start3A_835, %dma_start3A_832, %dma_start3A_836] : memref<4x2x8x4x128xf32, #tpu.memory_space<vmem>> -> memref<4x2x8x1x128xf32, #tpu.memory_space<vmem>>
    %dma_start3A_838 = tpu.memref_squeeze %dma_start3A_837 : memref<4x2x8x1x128xf32, #tpu.memory_space<vmem>> -> memref<4x2x8x128xf32, #tpu.memory_space<vmem>>
    %dma_start3A_839 = arith.constant 16 : i32
    %dma_start3A_840 = arith.constant 0 : i32
    %dma_start3A_841 = arith.constant 0 : i32
    %dma_start3A_842 = arith.constant 0 : i32
    %dma_start3A_843 = tpu.memref_slice %arg2[%add3A, %dma_start3A_831, %dma_start3A_839, %dma_start3A_840, %dma_start3A_841, %dma_start3A_842] : memref<32x6x32x2x8x128xf32, #tpu.memory_space<hbm>> -> memref<1x1x4x2x8x128xf32, #tpu.memory_space<hbm>>
    %dma_start3A_844 = tpu.memref_squeeze %dma_start3A_843 : memref<1x1x4x2x8x128xf32, #tpu.memory_space<hbm>> -> memref<4x2x8x128xf32, #tpu.memory_space<hbm>>
    %dma_start3A_845 = arith.constant 0 : i32
    %dma_start3A_846 = arith.constant 0 : i32
    %dma_start3A_847 = arith.constant 0 : i32
    %dma_start3A_848 = arith.constant 0 : i32
    %dma_start3A_849 = tpu.memref_slice %arg4[%dma_start3A_845, %dma_start3A_846, %dma_start3A_847, %dma_start3A_832, %dma_start3A_848] : memref<4x2x8x4x128xf32, #tpu.memory_space<vmem>> -> memref<4x2x8x1x128xf32, #tpu.memory_space<vmem>>
    %dma_start3A_850 = tpu.memref_squeeze %dma_start3A_849 : memref<4x2x8x1x128xf32, #tpu.memory_space<vmem>> -> memref<4x2x8x128xf32, #tpu.memory_space<vmem>>
    %dma_start3A_851 = arith.constant 16 : i32
    %dma_start3A_852 = arith.constant 0 : i32
    %dma_start3A_853 = arith.constant 0 : i32
    %dma_start3A_854 = arith.constant 0 : i32
    %dma_start3A_855 = tpu.memref_slice %arg2[%add3A, %dma_start3A_831, %dma_start3A_851, %dma_start3A_852, %dma_start3A_853, %dma_start3A_854] : memref<32x6x32x2x8x128xf32, #tpu.memory_space<hbm>> -> memref<1x1x4x2x8x128xf32, #tpu.memory_space<hbm>>
    %dma_start3A_856 = tpu.memref_squeeze %dma_start3A_855 : memref<1x1x4x2x8x128xf32, #tpu.memory_space<hbm>> -> memref<4x2x8x128xf32, #tpu.memory_space<hbm>>
    tpu.enqueue_dma source(%dma_start3A_856 : memref<4x2x8x128xf32, #tpu.memory_space<hbm>>) target(%dma_start3A_850 : memref<4x2x8x128xf32, #tpu.memory_space<vmem>>) target_semaphore(%arg8 : memref<!tpu.dma_semaphore, #tpu.memory_space<semaphore_mem>>)
    %dma_start3A_857 = arith.constant 3 : i32
    %dma_start3A_858 = arith.constant 3 : i32
    %dma_start3A_859 = arith.constant 0 : i32
    %dma_start3A_860 = arith.constant 0 : i32
    %dma_start3A_861 = arith.constant 0 : i32
    %dma_start3A_862 = arith.constant 0 : i32
    %dma_start3A_863 = tpu.memref_slice %arg4[%dma_start3A_859, %dma_start3A_860, %dma_start3A_861, %dma_start3A_858, %dma_start3A_862] : memref<4x2x8x4x128xf32, #tpu.memory_space<vmem>> -> memref<4x2x8x1x128xf32, #tpu.memory_space<vmem>>
    %dma_start3A_864 = tpu.memref_squeeze %dma_start3A_863 : memref<4x2x8x1x128xf32, #tpu.memory_space<vmem>> -> memref<4x2x8x128xf32, #tpu.memory_space<vmem>>
    %dma_start3A_865 = arith.constant 16 : i32
    %dma_start3A_866 = arith.constant 0 : i32
    %dma_start3A_867 = arith.constant 0 : i32
    %dma_start3A_868 = arith.constant 0 : i32
    %dma_start3A_869 = tpu.memref_slice %arg2[%add3A, %dma_start3A_857, %dma_start3A_865, %dma_start3A_866, %dma_start3A_867, %dma_start3A_868] : memref<32x6x32x2x8x128xf32, #tpu.memory_space<hbm>> -> memref<1x1x4x2x8x128xf32, #tpu.memory_space<hbm>>
    %dma_start3A_870 = tpu.memref_squeeze %dma_start3A_869 : memref<1x1x4x2x8x128xf32, #tpu.memory_space<hbm>> -> memref<4x2x8x128xf32, #tpu.memory_space<hbm>>
    %dma_start3A_871 = arith.constant 0 : i32
    %dma_start3A_872 = arith.constant 0 : i32
    %dma_start3A_873 = arith.constant 0 : i32
    %dma_start3A_874 = arith.constant 0 : i32
    %dma_start3A_875 = tpu.memref_slice %arg4[%dma_start3A_871, %dma_start3A_872, %dma_start3A_873, %dma_start3A_858, %dma_start3A_874] : memref<4x2x8x4x128xf32, #tpu.memory_space<vmem>> -> memref<4x2x8x1x128xf32, #tpu.memory_space<vmem>>
    %dma_start3A_876 = tpu.memref_squeeze %dma_start3A_875 : memref<4x2x8x1x128xf32, #tpu.memory_space<vmem>> -> memref<4x2x8x128xf32, #tpu.memory_space<vmem>>
    %dma_start3A_877 = arith.constant 16 : i32
    %dma_start3A_878 = arith.constant 0 : i32
    %dma_start3A_879 = arith.constant 0 : i32
    %dma_start3A_880 = arith.constant 0 : i32
    %dma_start3A_881 = tpu.memref_slice %arg2[%add3A, %dma_start3A_857, %dma_start3A_877, %dma_start3A_878, %dma_start3A_879, %dma_start3A_880] : memref<32x6x32x2x8x128xf32, #tpu.memory_space<hbm>> -> memref<1x1x4x2x8x128xf32, #tpu.memory_space<hbm>>
    %dma_start3A_882 = tpu.memref_squeeze %dma_start3A_881 : memref<1x1x4x2x8x128xf32, #tpu.memory_space<hbm>> -> memref<4x2x8x128xf32, #tpu.memory_space<hbm>>
    tpu.enqueue_dma source(%dma_start3A_882 : memref<4x2x8x128xf32, #tpu.memory_space<hbm>>) target(%dma_start3A_876 : memref<4x2x8x128xf32, #tpu.memory_space<vmem>>) target_semaphore(%arg8 : memref<!tpu.dma_semaphore, #tpu.memory_space<semaphore_mem>>)
    %dma_wait3A_883 = arith.constant 0 : i32
    %dma_wait3A_884 = arith.constant 0 : i32
    %dma_wait3A_885 = arith.constant 0 : i32
    %dma_wait3A_886 = arith.constant 0 : i32
    %dma_wait3A_887 = arith.constant 0 : i32
    %dma_wait3A_888 = arith.constant 0 : i32
    %dma_wait3A_889 = tpu.memref_slice %arg6[%dma_wait3A_885, %dma_wait3A_886, %dma_wait3A_887, %dma_wait3A_884, %dma_wait3A_888] : memref<4x2x8x4x128xf32, #tpu.memory_space<vmem>> -> memref<4x2x8x1x128xf32, #tpu.memory_space<vmem>>
    %dma_wait3A_890 = tpu.memref_squeeze %dma_wait3A_889 : memref<4x2x8x1x128xf32, #tpu.memory_space<vmem>> -> memref<4x2x8x128xf32, #tpu.memory_space<vmem>>
    %dma_wait3A_891 = arith.constant 8 : i32
    %dma_wait3A_892 = arith.constant 0 : i32
    %dma_wait3A_893 = arith.constant 0 : i32
    %dma_wait3A_894 = arith.constant 0 : i32
    %dma_wait3A_895 = tpu.memref_slice %arg2[%add3A, %dma_wait3A_883, %dma_wait3A_891, %dma_wait3A_892, %dma_wait3A_893, %dma_wait3A_894] : memref<32x6x32x2x8x128xf32, #tpu.memory_space<hbm>> -> memref<1x1x4x2x8x128xf32, #tpu.memory_space<hbm>>
    %dma_wait3A_896 = tpu.memref_squeeze %dma_wait3A_895 : memref<1x1x4x2x8x128xf32, #tpu.memory_space<hbm>> -> memref<4x2x8x128xf32, #tpu.memory_space<hbm>>
    %dma_wait3A_897 = arith.constant 0 : i32
    %dma_wait3A_898 = arith.constant 0 : i32
    %dma_wait3A_899 = arith.constant 0 : i32
    %dma_wait3A_900 = arith.constant 0 : i32
    %dma_wait3A_901 = tpu.memref_slice %arg6[%dma_wait3A_897, %dma_wait3A_898, %dma_wait3A_899, %dma_wait3A_884, %dma_wait3A_900] : memref<4x2x8x4x128xf32, #tpu.memory_space<vmem>> -> memref<4x2x8x1x128xf32, #tpu.memory_space<vmem>>
    %dma_wait3A_902 = tpu.memref_squeeze %dma_wait3A_901 : memref<4x2x8x1x128xf32, #tpu.memory_space<vmem>> -> memref<4x2x8x128xf32, #tpu.memory_space<vmem>>
    %dma_wait3A_903 = arith.constant 8 : i32
    %dma_wait3A_904 = arith.constant 0 : i32
    %dma_wait3A_905 = arith.constant 0 : i32
    %dma_wait3A_906 = arith.constant 0 : i32
    %dma_wait3A_907 = tpu.memref_slice %arg2[%add3A, %dma_wait3A_883, %dma_wait3A_903, %dma_wait3A_904, %dma_wait3A_905, %dma_wait3A_906] : memref<32x6x32x2x8x128xf32, #tpu.memory_space<hbm>> -> memref<1x1x4x2x8x128xf32, #tpu.memory_space<hbm>>
    %dma_wait3A_908 = tpu.memref_squeeze %dma_wait3A_907 : memref<1x1x4x2x8x128xf32, #tpu.memory_space<hbm>> -> memref<4x2x8x128xf32, #tpu.memory_space<hbm>>
    tpu.wait_dma2 semaphore(%arg10 : memref<!tpu.dma_semaphore, #tpu.memory_space<semaphore_mem>>) src(%dma_wait3A_908 : memref<4x2x8x128xf32, #tpu.memory_space<hbm>>) dst(%dma_wait3A_902 : memref<4x2x8x128xf32, #tpu.memory_space<vmem>>)
    %dma_wait3A_909 = arith.constant 1 : i32
    %dma_wait3A_910 = arith.constant 1 : i32
    %dma_wait3A_911 = arith.constant 0 : i32
    %dma_wait3A_912 = arith.constant 0 : i32
    %dma_wait3A_913 = arith.constant 0 : i32
    %dma_wait3A_914 = arith.constant 0 : i32
    %dma_wait3A_915 = tpu.memref_slice %arg6[%dma_wait3A_911, %dma_wait3A_912, %dma_wait3A_913, %dma_wait3A_910, %dma_wait3A_914] : memref<4x2x8x4x128xf32, #tpu.memory_space<vmem>> -> memref<4x2x8x1x128xf32, #tpu.memory_space<vmem>>
    %dma_wait3A_916 = tpu.memref_squeeze %dma_wait3A_915 : memref<4x2x8x1x128xf32, #tpu.memory_space<vmem>> -> memref<4x2x8x128xf32, #tpu.memory_space<vmem>>
    %dma_wait3A_917 = arith.constant 8 : i32
    %dma_wait3A_918 = arith.constant 0 : i32
    %dma_wait3A_919 = arith.constant 0 : i32
    %dma_wait3A_920 = arith.constant 0 : i32
    %dma_wait3A_921 = tpu.memref_slice %arg2[%add3A, %dma_wait3A_909, %dma_wait3A_917, %dma_wait3A_918, %dma_wait3A_919, %dma_wait3A_920] : memref<32x6x32x2x8x128xf32, #tpu.memory_space<hbm>> -> memref<1x1x4x2x8x128xf32, #tpu.memory_space<hbm>>
    %dma_wait3A_922 = tpu.memref_squeeze %dma_wait3A_921 : memref<1x1x4x2x8x128xf32, #tpu.memory_space<hbm>> -> memref<4x2x8x128xf32, #tpu.memory_space<hbm>>
    %dma_wait3A_923 = arith.constant 0 : i32
    %dma_wait3A_924 = arith.constant 0 : i32
    %dma_wait3A_925 = arith.constant 0 : i32
    %dma_wait3A_926 = arith.constant 0 : i32
    %dma_wait3A_927 = tpu.memref_slice %arg6[%dma_wait3A_923, %dma_wait3A_924, %dma_wait3A_925, %dma_wait3A_910, %dma_wait3A_926] : memref<4x2x8x4x128xf32, #tpu.memory_space<vmem>> -> memref<4x2x8x1x128xf32, #tpu.memory_space<vmem>>
    %dma_wait3A_928 = tpu.memref_squeeze %dma_wait3A_927 : memref<4x2x8x1x128xf32, #tpu.memory_space<vmem>> -> memref<4x2x8x128xf32, #tpu.memory_space<vmem>>
    %dma_wait3A_929 = arith.constant 8 : i32
    %dma_wait3A_930 = arith.constant 0 : i32
    %dma_wait3A_931 = arith.constant 0 : i32
    %dma_wait3A_932 = arith.constant 0 : i32
    %dma_wait3A_933 = tpu.memref_slice %arg2[%add3A, %dma_wait3A_909, %dma_wait3A_929, %dma_wait3A_930, %dma_wait3A_931, %dma_wait3A_932] : memref<32x6x32x2x8x128xf32, #tpu.memory_space<hbm>> -> memref<1x1x4x2x8x128xf32, #tpu.memory_space<hbm>>
    %dma_wait3A_934 = tpu.memref_squeeze %dma_wait3A_933 : memref<1x1x4x2x8x128xf32, #tpu.memory_space<hbm>> -> memref<4x2x8x128xf32, #tpu.memory_space<hbm>>
    tpu.wait_dma2 semaphore(%arg10 : memref<!tpu.dma_semaphore, #tpu.memory_space<semaphore_mem>>) src(%dma_wait3A_934 : memref<4x2x8x128xf32, #tpu.memory_space<hbm>>) dst(%dma_wait3A_928 : memref<4x2x8x128xf32, #tpu.memory_space<vmem>>)
    %dma_wait3A_935 = arith.constant 2 : i32
    %dma_wait3A_936 = arith.constant 2 : i32
    %dma_wait3A_937 = arith.constant 0 : i32
    %dma_wait3A_938 = arith.constant 0 : i32
    %dma_wait3A_939 = arith.constant 0 : i32
    %dma_wait3A_940 = arith.constant 0 : i32
    %dma_wait3A_941 = tpu.memref_slice %arg6[%dma_wait3A_937, %dma_wait3A_938, %dma_wait3A_939, %dma_wait3A_936, %dma_wait3A_940] : memref<4x2x8x4x128xf32, #tpu.memory_space<vmem>> -> memref<4x2x8x1x128xf32, #tpu.memory_space<vmem>>
    %dma_wait3A_942 = tpu.memref_squeeze %dma_wait3A_941 : memref<4x2x8x1x128xf32, #tpu.memory_space<vmem>> -> memref<4x2x8x128xf32, #tpu.memory_space<vmem>>
    %dma_wait3A_943 = arith.constant 8 : i32
    %dma_wait3A_944 = arith.constant 0 : i32
    %dma_wait3A_945 = arith.constant 0 : i32
    %dma_wait3A_946 = arith.constant 0 : i32
    %dma_wait3A_947 = tpu.memref_slice %arg2[%add3A, %dma_wait3A_935, %dma_wait3A_943, %dma_wait3A_944, %dma_wait3A_945, %dma_wait3A_946] : memref<32x6x32x2x8x128xf32, #tpu.memory_space<hbm>> -> memref<1x1x4x2x8x128xf32, #tpu.memory_space<hbm>>
    %dma_wait3A_948 = tpu.memref_squeeze %dma_wait3A_947 : memref<1x1x4x2x8x128xf32, #tpu.memory_space<hbm>> -> memref<4x2x8x128xf32, #tpu.memory_space<hbm>>
    %dma_wait3A_949 = arith.constant 0 : i32
    %dma_wait3A_950 = arith.constant 0 : i32
    %dma_wait3A_951 = arith.constant 0 : i32
    %dma_wait3A_952 = arith.constant 0 : i32
    %dma_wait3A_953 = tpu.memref_slice %arg6[%dma_wait3A_949, %dma_wait3A_950, %dma_wait3A_951, %dma_wait3A_936, %dma_wait3A_952] : memref<4x2x8x4x128xf32, #tpu.memory_space<vmem>> -> memref<4x2x8x1x128xf32, #tpu.memory_space<vmem>>
    %dma_wait3A_954 = tpu.memref_squeeze %dma_wait3A_953 : memref<4x2x8x1x128xf32, #tpu.memory_space<vmem>> -> memref<4x2x8x128xf32, #tpu.memory_space<vmem>>
    %dma_wait3A_955 = arith.constant 8 : i32
    %dma_wait3A_956 = arith.constant 0 : i32
    %dma_wait3A_957 = arith.constant 0 : i32
    %dma_wait3A_958 = arith.constant 0 : i32
    %dma_wait3A_959 = tpu.memref_slice %arg2[%add3A, %dma_wait3A_935, %dma_wait3A_955, %dma_wait3A_956, %dma_wait3A_957, %dma_wait3A_958] : memref<32x6x32x2x8x128xf32, #tpu.memory_space<hbm>> -> memref<1x1x4x2x8x128xf32, #tpu.memory_space<hbm>>
    %dma_wait3A_960 = tpu.memref_squeeze %dma_wait3A_959 : memref<1x1x4x2x8x128xf32, #tpu.memory_space<hbm>> -> memref<4x2x8x128xf32, #tpu.memory_space<hbm>>
    tpu.wait_dma2 semaphore(%arg10 : memref<!tpu.dma_semaphore, #tpu.memory_space<semaphore_mem>>) src(%dma_wait3A_960 : memref<4x2x8x128xf32, #tpu.memory_space<hbm>>) dst(%dma_wait3A_954 : memref<4x2x8x128xf32, #tpu.memory_space<vmem>>)
    %dma_wait3A_961 = arith.constant 3 : i32
    %dma_wait3A_962 = arith.constant 3 : i32
    %dma_wait3A_963 = arith.constant 0 : i32
    %dma_wait3A_964 = arith.constant 0 : i32
    %dma_wait3A_965 = arith.constant 0 : i32
    %dma_wait3A_966 = arith.constant 0 : i32
    %dma_wait3A_967 = tpu.memref_slice %arg6[%dma_wait3A_963, %dma_wait3A_964, %dma_wait3A_965, %dma_wait3A_962, %dma_wait3A_966] : memref<4x2x8x4x128xf32, #tpu.memory_space<vmem>> -> memref<4x2x8x1x128xf32, #tpu.memory_space<vmem>>
    %dma_wait3A_968 = tpu.memref_squeeze %dma_wait3A_967 : memref<4x2x8x1x128xf32, #tpu.memory_space<vmem>> -> memref<4x2x8x128xf32, #tpu.memory_space<vmem>>
    %dma_wait3A_969 = arith.constant 8 : i32
    %dma_wait3A_970 = arith.constant 0 : i32
    %dma_wait3A_971 = arith.constant 0 : i32
    %dma_wait3A_972 = arith.constant 0 : i32
    %dma_wait3A_973 = tpu.memref_slice %arg2[%add3A, %dma_wait3A_961, %dma_wait3A_969, %dma_wait3A_970, %dma_wait3A_971, %dma_wait3A_972] : memref<32x6x32x2x8x128xf32, #tpu.memory_space<hbm>> -> memref<1x1x4x2x8x128xf32, #tpu.memory_space<hbm>>
    %dma_wait3A_974 = tpu.memref_squeeze %dma_wait3A_973 : memref<1x1x4x2x8x128xf32, #tpu.memory_space<hbm>> -> memref<4x2x8x128xf32, #tpu.memory_space<hbm>>
    %dma_wait3A_975 = arith.constant 0 : i32
    %dma_wait3A_976 = arith.constant 0 : i32
    %dma_wait3A_977 = arith.constant 0 : i32
    %dma_wait3A_978 = arith.constant 0 : i32
    %dma_wait3A_979 = tpu.memref_slice %arg6[%dma_wait3A_975, %dma_wait3A_976, %dma_wait3A_977, %dma_wait3A_962, %dma_wait3A_978] : memref<4x2x8x4x128xf32, #tpu.memory_space<vmem>> -> memref<4x2x8x1x128xf32, #tpu.memory_space<vmem>>
    %dma_wait3A_980 = tpu.memref_squeeze %dma_wait3A_979 : memref<4x2x8x1x128xf32, #tpu.memory_space<vmem>> -> memref<4x2x8x128xf32, #tpu.memory_space<vmem>>
    %dma_wait3A_981 = arith.constant 8 : i32
    %dma_wait3A_982 = arith.constant 0 : i32
    %dma_wait3A_983 = arith.constant 0 : i32
    %dma_wait3A_984 = arith.constant 0 : i32
    %dma_wait3A_985 = tpu.memref_slice %arg2[%add3A, %dma_wait3A_961, %dma_wait3A_981, %dma_wait3A_982, %dma_wait3A_983, %dma_wait3A_984] : memref<32x6x32x2x8x128xf32, #tpu.memory_space<hbm>> -> memref<1x1x4x2x8x128xf32, #tpu.memory_space<hbm>>
    %dma_wait3A_986 = tpu.memref_squeeze %dma_wait3A_985 : memref<1x1x4x2x8x128xf32, #tpu.memory_space<hbm>> -> memref<4x2x8x128xf32, #tpu.memory_space<hbm>>
    tpu.wait_dma2 semaphore(%arg10 : memref<!tpu.dma_semaphore, #tpu.memory_space<semaphore_mem>>) src(%dma_wait3A_986 : memref<4x2x8x128xf32, #tpu.memory_space<hbm>>) dst(%dma_wait3A_980 : memref<4x2x8x128xf32, #tpu.memory_space<vmem>>)
    %dma_start3A_987 = arith.constant 0 : i32
    %dma_start3A_988 = arith.constant 0 : i32
    %dma_start3A_989 = arith.constant 0 : i32
    %dma_start3A_990 = arith.constant 0 : i32
    %dma_start3A_991 = arith.constant 0 : i32
    %dma_start3A_992 = arith.constant 0 : i32
    %dma_start3A_993 = tpu.memref_slice %arg6[%dma_start3A_989, %dma_start3A_987, %dma_start3A_990, %dma_start3A_991, %dma_start3A_992] : memref<4x2x8x4x128xf32, #tpu.memory_space<vmem>> -> memref<4x1x8x4x128xf32, #tpu.memory_space<vmem>>
    %dma_start3A_994 = tpu.memref_squeeze %dma_start3A_993 : memref<4x1x8x4x128xf32, #tpu.memory_space<vmem>> -> memref<4x8x4x128xf32, #tpu.memory_space<vmem>>
    %dma_start3A_995 = arith.constant 8 : i32
    %dma_start3A_996 = arith.constant 0 : i32
    %dma_start3A_997 = arith.constant 0 : i32
    %dma_start3A_998 = arith.constant 0 : i32
    %dma_start3A_999 = tpu.memref_slice %arg3[%add3A, %dma_start3A_995, %dma_start3A_996, %dma_start3A_988, %dma_start3A_997, %dma_start3A_998] : memref<32x32x8x2x4x128xf32, #tpu.memory_space<hbm>> -> memref<1x4x8x1x4x128xf32, #tpu.memory_space<hbm>>
    %dma_start3A_1000 = tpu.memref_squeeze %dma_start3A_999 : memref<1x4x8x1x4x128xf32, #tpu.memory_space<hbm>> -> memref<4x8x4x128xf32, #tpu.memory_space<hbm>>
    %dma_start3A_1001 = arith.constant 8 : i32
    %dma_start3A_1002 = arith.constant 0 : i32
    %dma_start3A_1003 = arith.constant 0 : i32
    %dma_start3A_1004 = arith.constant 0 : i32
    %dma_start3A_1005 = tpu.memref_slice %arg3[%add3A, %dma_start3A_1001, %dma_start3A_1002, %dma_start3A_988, %dma_start3A_1003, %dma_start3A_1004] : memref<32x32x8x2x4x128xf32, #tpu.memory_space<hbm>> -> memref<1x4x8x1x4x128xf32, #tpu.memory_space<hbm>>
    %dma_start3A_1006 = tpu.memref_squeeze %dma_start3A_1005 : memref<1x4x8x1x4x128xf32, #tpu.memory_space<hbm>> -> memref<4x8x4x128xf32, #tpu.memory_space<hbm>>
    %dma_start3A_1007 = arith.constant 0 : i32
    %dma_start3A_1008 = arith.constant 0 : i32
    %dma_start3A_1009 = arith.constant 0 : i32
    %dma_start3A_1010 = arith.constant 0 : i32
    %dma_start3A_1011 = tpu.memref_slice %arg6[%dma_start3A_1007, %dma_start3A_987, %dma_start3A_1008, %dma_start3A_1009, %dma_start3A_1010] : memref<4x2x8x4x128xf32, #tpu.memory_space<vmem>> -> memref<4x1x8x4x128xf32, #tpu.memory_space<vmem>>
    %dma_start3A_1012 = tpu.memref_squeeze %dma_start3A_1011 : memref<4x1x8x4x128xf32, #tpu.memory_space<vmem>> -> memref<4x8x4x128xf32, #tpu.memory_space<vmem>>
    tpu.enqueue_dma source(%dma_start3A_1012 : memref<4x8x4x128xf32, #tpu.memory_space<vmem>>) target(%dma_start3A_1006 : memref<4x8x4x128xf32, #tpu.memory_space<hbm>>) target_semaphore(%arg14 : memref<!tpu.dma_semaphore, #tpu.memory_space<semaphore_mem>>)
    %dma_start3A_1013 = arith.constant 1 : i32
    %dma_start3A_1014 = arith.constant 1 : i32
    %dma_start3A_1015 = arith.constant 0 : i32
    %dma_start3A_1016 = arith.constant 0 : i32
    %dma_start3A_1017 = arith.constant 0 : i32
    %dma_start3A_1018 = arith.constant 0 : i32
    %dma_start3A_1019 = tpu.memref_slice %arg6[%dma_start3A_1015, %dma_start3A_1013, %dma_start3A_1016, %dma_start3A_1017, %dma_start3A_1018] : memref<4x2x8x4x128xf32, #tpu.memory_space<vmem>> -> memref<4x1x8x4x128xf32, #tpu.memory_space<vmem>>
    %dma_start3A_1020 = tpu.memref_squeeze %dma_start3A_1019 : memref<4x1x8x4x128xf32, #tpu.memory_space<vmem>> -> memref<4x8x4x128xf32, #tpu.memory_space<vmem>>
    %dma_start3A_1021 = arith.constant 8 : i32
    %dma_start3A_1022 = arith.constant 0 : i32
    %dma_start3A_1023 = arith.constant 0 : i32
    %dma_start3A_1024 = arith.constant 0 : i32
    %dma_start3A_1025 = tpu.memref_slice %arg3[%add3A, %dma_start3A_1021, %dma_start3A_1022, %dma_start3A_1014, %dma_start3A_1023, %dma_start3A_1024] : memref<32x32x8x2x4x128xf32, #tpu.memory_space<hbm>> -> memref<1x4x8x1x4x128xf32, #tpu.memory_space<hbm>>
    %dma_start3A_1026 = tpu.memref_squeeze %dma_start3A_1025 : memref<1x4x8x1x4x128xf32, #tpu.memory_space<hbm>> -> memref<4x8x4x128xf32, #tpu.memory_space<hbm>>
    %dma_start3A_1027 = arith.constant 8 : i32
    %dma_start3A_1028 = arith.constant 0 : i32
    %dma_start3A_1029 = arith.constant 0 : i32
    %dma_start3A_1030 = arith.constant 0 : i32
    %dma_start3A_1031 = tpu.memref_slice %arg3[%add3A, %dma_start3A_1027, %dma_start3A_1028, %dma_start3A_1014, %dma_start3A_1029, %dma_start3A_1030] : memref<32x32x8x2x4x128xf32, #tpu.memory_space<hbm>> -> memref<1x4x8x1x4x128xf32, #tpu.memory_space<hbm>>
    %dma_start3A_1032 = tpu.memref_squeeze %dma_start3A_1031 : memref<1x4x8x1x4x128xf32, #tpu.memory_space<hbm>> -> memref<4x8x4x128xf32, #tpu.memory_space<hbm>>
    %dma_start3A_1033 = arith.constant 0 : i32
    %dma_start3A_1034 = arith.constant 0 : i32
    %dma_start3A_1035 = arith.constant 0 : i32
    %dma_start3A_1036 = arith.constant 0 : i32
    %dma_start3A_1037 = tpu.memref_slice %arg6[%dma_start3A_1033, %dma_start3A_1013, %dma_start3A_1034, %dma_start3A_1035, %dma_start3A_1036] : memref<4x2x8x4x128xf32, #tpu.memory_space<vmem>> -> memref<4x1x8x4x128xf32, #tpu.memory_space<vmem>>
    %dma_start3A_1038 = tpu.memref_squeeze %dma_start3A_1037 : memref<4x1x8x4x128xf32, #tpu.memory_space<vmem>> -> memref<4x8x4x128xf32, #tpu.memory_space<vmem>>
    tpu.enqueue_dma source(%dma_start3A_1038 : memref<4x8x4x128xf32, #tpu.memory_space<vmem>>) target(%dma_start3A_1032 : memref<4x8x4x128xf32, #tpu.memory_space<hbm>>) target_semaphore(%arg14 : memref<!tpu.dma_semaphore, #tpu.memory_space<semaphore_mem>>)
    %dma_wait3A_1039 = arith.constant 0 : i32
    %dma_wait3A_1040 = arith.constant 0 : i32
    %dma_wait3A_1041 = arith.constant 0 : i32
    %dma_wait3A_1042 = arith.constant 0 : i32
    %dma_wait3A_1043 = arith.constant 0 : i32
    %dma_wait3A_1044 = arith.constant 0 : i32
    %dma_wait3A_1045 = tpu.memref_slice %arg5[%dma_wait3A_1041, %dma_wait3A_1039, %dma_wait3A_1042, %dma_wait3A_1043, %dma_wait3A_1044] : memref<4x2x8x4x128xf32, #tpu.memory_space<vmem>> -> memref<4x1x8x4x128xf32, #tpu.memory_space<vmem>>
    %dma_wait3A_1046 = tpu.memref_squeeze %dma_wait3A_1045 : memref<4x1x8x4x128xf32, #tpu.memory_space<vmem>> -> memref<4x8x4x128xf32, #tpu.memory_space<vmem>>
    %dma_wait3A_1047 = arith.constant 4 : i32
    %dma_wait3A_1048 = arith.constant 0 : i32
    %dma_wait3A_1049 = arith.constant 0 : i32
    %dma_wait3A_1050 = arith.constant 0 : i32
    %dma_wait3A_1051 = tpu.memref_slice %arg3[%add3A, %dma_wait3A_1047, %dma_wait3A_1048, %dma_wait3A_1040, %dma_wait3A_1049, %dma_wait3A_1050] : memref<32x32x8x2x4x128xf32, #tpu.memory_space<hbm>> -> memref<1x4x8x1x4x128xf32, #tpu.memory_space<hbm>>
    %dma_wait3A_1052 = tpu.memref_squeeze %dma_wait3A_1051 : memref<1x4x8x1x4x128xf32, #tpu.memory_space<hbm>> -> memref<4x8x4x128xf32, #tpu.memory_space<hbm>>
    %dma_wait3A_1053 = arith.constant 4 : i32
    %dma_wait3A_1054 = arith.constant 0 : i32
    %dma_wait3A_1055 = arith.constant 0 : i32
    %dma_wait3A_1056 = arith.constant 0 : i32
    %dma_wait3A_1057 = tpu.memref_slice %arg3[%add3A, %dma_wait3A_1053, %dma_wait3A_1054, %dma_wait3A_1040, %dma_wait3A_1055, %dma_wait3A_1056] : memref<32x32x8x2x4x128xf32, #tpu.memory_space<hbm>> -> memref<1x4x8x1x4x128xf32, #tpu.memory_space<hbm>>
    %dma_wait3A_1058 = tpu.memref_squeeze %dma_wait3A_1057 : memref<1x4x8x1x4x128xf32, #tpu.memory_space<hbm>> -> memref<4x8x4x128xf32, #tpu.memory_space<hbm>>
    %dma_wait3A_1059 = arith.constant 0 : i32
    %dma_wait3A_1060 = arith.constant 0 : i32
    %dma_wait3A_1061 = arith.constant 0 : i32
    %dma_wait3A_1062 = arith.constant 0 : i32
    %dma_wait3A_1063 = tpu.memref_slice %arg5[%dma_wait3A_1059, %dma_wait3A_1039, %dma_wait3A_1060, %dma_wait3A_1061, %dma_wait3A_1062] : memref<4x2x8x4x128xf32, #tpu.memory_space<vmem>> -> memref<4x1x8x4x128xf32, #tpu.memory_space<vmem>>
    %dma_wait3A_1064 = tpu.memref_squeeze %dma_wait3A_1063 : memref<4x1x8x4x128xf32, #tpu.memory_space<vmem>> -> memref<4x8x4x128xf32, #tpu.memory_space<vmem>>
    tpu.wait_dma2 semaphore(%arg13 : memref<!tpu.dma_semaphore, #tpu.memory_space<semaphore_mem>>) src(%dma_wait3A_1064 : memref<4x8x4x128xf32, #tpu.memory_space<vmem>>) dst(%dma_wait3A_1058 : memref<4x8x4x128xf32, #tpu.memory_space<hbm>>)
    %dma_wait3A_1065 = arith.constant 1 : i32
    %dma_wait3A_1066 = arith.constant 1 : i32
    %dma_wait3A_1067 = arith.constant 0 : i32
    %dma_wait3A_1068 = arith.constant 0 : i32
    %dma_wait3A_1069 = arith.constant 0 : i32
    %dma_wait3A_1070 = arith.constant 0 : i32
    %dma_wait3A_1071 = tpu.memref_slice %arg5[%dma_wait3A_1067, %dma_wait3A_1065, %dma_wait3A_1068, %dma_wait3A_1069, %dma_wait3A_1070] : memref<4x2x8x4x128xf32, #tpu.memory_space<vmem>> -> memref<4x1x8x4x128xf32, #tpu.memory_space<vmem>>
    %dma_wait3A_1072 = tpu.memref_squeeze %dma_wait3A_1071 : memref<4x1x8x4x128xf32, #tpu.memory_space<vmem>> -> memref<4x8x4x128xf32, #tpu.memory_space<vmem>>
    %dma_wait3A_1073 = arith.constant 4 : i32
    %dma_wait3A_1074 = arith.constant 0 : i32
    %dma_wait3A_1075 = arith.constant 0 : i32
    %dma_wait3A_1076 = arith.constant 0 : i32
    %dma_wait3A_1077 = tpu.memref_slice %arg3[%add3A, %dma_wait3A_1073, %dma_wait3A_1074, %dma_wait3A_1066, %dma_wait3A_1075, %dma_wait3A_1076] : memref<32x32x8x2x4x128xf32, #tpu.memory_space<hbm>> -> memref<1x4x8x1x4x128xf32, #tpu.memory_space<hbm>>
    %dma_wait3A_1078 = tpu.memref_squeeze %dma_wait3A_1077 : memref<1x4x8x1x4x128xf32, #tpu.memory_space<hbm>> -> memref<4x8x4x128xf32, #tpu.memory_space<hbm>>
    %dma_wait3A_1079 = arith.constant 4 : i32
    %dma_wait3A_1080 = arith.constant 0 : i32
    %dma_wait3A_1081 = arith.constant 0 : i32
    %dma_wait3A_1082 = arith.constant 0 : i32
    %dma_wait3A_1083 = tpu.memref_slice %arg3[%add3A, %dma_wait3A_1079, %dma_wait3A_1080, %dma_wait3A_1066, %dma_wait3A_1081, %dma_wait3A_1082] : memref<32x32x8x2x4x128xf32, #tpu.memory_space<hbm>> -> memref<1x4x8x1x4x128xf32, #tpu.memory_space<hbm>>
    %dma_wait3A_1084 = tpu.memref_squeeze %dma_wait3A_1083 : memref<1x4x8x1x4x128xf32, #tpu.memory_space<hbm>> -> memref<4x8x4x128xf32, #tpu.memory_space<hbm>>
    %dma_wait3A_1085 = arith.constant 0 : i32
    %dma_wait3A_1086 = arith.constant 0 : i32
    %dma_wait3A_1087 = arith.constant 0 : i32
    %dma_wait3A_1088 = arith.constant 0 : i32
    %dma_wait3A_1089 = tpu.memref_slice %arg5[%dma_wait3A_1085, %dma_wait3A_1065, %dma_wait3A_1086, %dma_wait3A_1087, %dma_wait3A_1088] : memref<4x2x8x4x128xf32, #tpu.memory_space<vmem>> -> memref<4x1x8x4x128xf32, #tpu.memory_space<vmem>>
    %dma_wait3A_1090 = tpu.memref_squeeze %dma_wait3A_1089 : memref<4x1x8x4x128xf32, #tpu.memory_space<vmem>> -> memref<4x8x4x128xf32, #tpu.memory_space<vmem>>
    tpu.wait_dma2 semaphore(%arg13 : memref<!tpu.dma_semaphore, #tpu.memory_space<semaphore_mem>>) src(%dma_wait3A_1090 : memref<4x8x4x128xf32, #tpu.memory_space<vmem>>) dst(%dma_wait3A_1084 : memref<4x8x4x128xf32, #tpu.memory_space<hbm>>)
    %dma_start3A_1091 = arith.constant 0 : i32
    %dma_start3A_1092 = arith.constant 0 : i32
    %dma_start3A_1093 = arith.constant 0 : i32
    %dma_start3A_1094 = arith.constant 0 : i32
    %dma_start3A_1095 = arith.constant 0 : i32
    %dma_start3A_1096 = arith.constant 0 : i32
    %dma_start3A_1097 = tpu.memref_slice %arg5[%dma_start3A_1093, %dma_start3A_1094, %dma_start3A_1095, %dma_start3A_1092, %dma_start3A_1096] : memref<4x2x8x4x128xf32, #tpu.memory_space<vmem>> -> memref<4x2x8x1x128xf32, #tpu.memory_space<vmem>>
    %dma_start3A_1098 = tpu.memref_squeeze %dma_start3A_1097 : memref<4x2x8x1x128xf32, #tpu.memory_space<vmem>> -> memref<4x2x8x128xf32, #tpu.memory_space<vmem>>
    %dma_start3A_1099 = arith.constant 20 : i32
    %dma_start3A_1100 = arith.constant 0 : i32
    %dma_start3A_1101 = arith.constant 0 : i32
    %dma_start3A_1102 = arith.constant 0 : i32
    %dma_start3A_1103 = tpu.memref_slice %arg2[%add3A, %dma_start3A_1091, %dma_start3A_1099, %dma_start3A_1100, %dma_start3A_1101, %dma_start3A_1102] : memref<32x6x32x2x8x128xf32, #tpu.memory_space<hbm>> -> memref<1x1x4x2x8x128xf32, #tpu.memory_space<hbm>>
    %dma_start3A_1104 = tpu.memref_squeeze %dma_start3A_1103 : memref<1x1x4x2x8x128xf32, #tpu.memory_space<hbm>> -> memref<4x2x8x128xf32, #tpu.memory_space<hbm>>
    %dma_start3A_1105 = arith.constant 0 : i32
    %dma_start3A_1106 = arith.constant 0 : i32
    %dma_start3A_1107 = arith.constant 0 : i32
    %dma_start3A_1108 = arith.constant 0 : i32
    %dma_start3A_1109 = tpu.memref_slice %arg5[%dma_start3A_1105, %dma_start3A_1106, %dma_start3A_1107, %dma_start3A_1092, %dma_start3A_1108] : memref<4x2x8x4x128xf32, #tpu.memory_space<vmem>> -> memref<4x2x8x1x128xf32, #tpu.memory_space<vmem>>
    %dma_start3A_1110 = tpu.memref_squeeze %dma_start3A_1109 : memref<4x2x8x1x128xf32, #tpu.memory_space<vmem>> -> memref<4x2x8x128xf32, #tpu.memory_space<vmem>>
    %dma_start3A_1111 = arith.constant 20 : i32
    %dma_start3A_1112 = arith.constant 0 : i32
    %dma_start3A_1113 = arith.constant 0 : i32
    %dma_start3A_1114 = arith.constant 0 : i32
    %dma_start3A_1115 = tpu.memref_slice %arg2[%add3A, %dma_start3A_1091, %dma_start3A_1111, %dma_start3A_1112, %dma_start3A_1113, %dma_start3A_1114] : memref<32x6x32x2x8x128xf32, #tpu.memory_space<hbm>> -> memref<1x1x4x2x8x128xf32, #tpu.memory_space<hbm>>
    %dma_start3A_1116 = tpu.memref_squeeze %dma_start3A_1115 : memref<1x1x4x2x8x128xf32, #tpu.memory_space<hbm>> -> memref<4x2x8x128xf32, #tpu.memory_space<hbm>>
    tpu.enqueue_dma source(%dma_start3A_1116 : memref<4x2x8x128xf32, #tpu.memory_space<hbm>>) target(%dma_start3A_1110 : memref<4x2x8x128xf32, #tpu.memory_space<vmem>>) target_semaphore(%arg9 : memref<!tpu.dma_semaphore, #tpu.memory_space<semaphore_mem>>)
    %dma_start3A_1117 = arith.constant 1 : i32
    %dma_start3A_1118 = arith.constant 1 : i32
    %dma_start3A_1119 = arith.constant 0 : i32
    %dma_start3A_1120 = arith.constant 0 : i32
    %dma_start3A_1121 = arith.constant 0 : i32
    %dma_start3A_1122 = arith.constant 0 : i32
    %dma_start3A_1123 = tpu.memref_slice %arg5[%dma_start3A_1119, %dma_start3A_1120, %dma_start3A_1121, %dma_start3A_1118, %dma_start3A_1122] : memref<4x2x8x4x128xf32, #tpu.memory_space<vmem>> -> memref<4x2x8x1x128xf32, #tpu.memory_space<vmem>>
    %dma_start3A_1124 = tpu.memref_squeeze %dma_start3A_1123 : memref<4x2x8x1x128xf32, #tpu.memory_space<vmem>> -> memref<4x2x8x128xf32, #tpu.memory_space<vmem>>
    %dma_start3A_1125 = arith.constant 20 : i32
    %dma_start3A_1126 = arith.constant 0 : i32
    %dma_start3A_1127 = arith.constant 0 : i32
    %dma_start3A_1128 = arith.constant 0 : i32
    %dma_start3A_1129 = tpu.memref_slice %arg2[%add3A, %dma_start3A_1117, %dma_start3A_1125, %dma_start3A_1126, %dma_start3A_1127, %dma_start3A_1128] : memref<32x6x32x2x8x128xf32, #tpu.memory_space<hbm>> -> memref<1x1x4x2x8x128xf32, #tpu.memory_space<hbm>>
    %dma_start3A_1130 = tpu.memref_squeeze %dma_start3A_1129 : memref<1x1x4x2x8x128xf32, #tpu.memory_space<hbm>> -> memref<4x2x8x128xf32, #tpu.memory_space<hbm>>
    %dma_start3A_1131 = arith.constant 0 : i32
    %dma_start3A_1132 = arith.constant 0 : i32
    %dma_start3A_1133 = arith.constant 0 : i32
    %dma_start3A_1134 = arith.constant 0 : i32
    %dma_start3A_1135 = tpu.memref_slice %arg5[%dma_start3A_1131, %dma_start3A_1132, %dma_start3A_1133, %dma_start3A_1118, %dma_start3A_1134] : memref<4x2x8x4x128xf32, #tpu.memory_space<vmem>> -> memref<4x2x8x1x128xf32, #tpu.memory_space<vmem>>
    %dma_start3A_1136 = tpu.memref_squeeze %dma_start3A_1135 : memref<4x2x8x1x128xf32, #tpu.memory_space<vmem>> -> memref<4x2x8x128xf32, #tpu.memory_space<vmem>>
    %dma_start3A_1137 = arith.constant 20 : i32
    %dma_start3A_1138 = arith.constant 0 : i32
    %dma_start3A_1139 = arith.constant 0 : i32
    %dma_start3A_1140 = arith.constant 0 : i32
    %dma_start3A_1141 = tpu.memref_slice %arg2[%add3A, %dma_start3A_1117, %dma_start3A_1137, %dma_start3A_1138, %dma_start3A_1139, %dma_start3A_1140] : memref<32x6x32x2x8x128xf32, #tpu.memory_space<hbm>> -> memref<1x1x4x2x8x128xf32, #tpu.memory_space<hbm>>
    %dma_start3A_1142 = tpu.memref_squeeze %dma_start3A_1141 : memref<1x1x4x2x8x128xf32, #tpu.memory_space<hbm>> -> memref<4x2x8x128xf32, #tpu.memory_space<hbm>>
    tpu.enqueue_dma source(%dma_start3A_1142 : memref<4x2x8x128xf32, #tpu.memory_space<hbm>>) target(%dma_start3A_1136 : memref<4x2x8x128xf32, #tpu.memory_space<vmem>>) target_semaphore(%arg9 : memref<!tpu.dma_semaphore, #tpu.memory_space<semaphore_mem>>)
    %dma_start3A_1143 = arith.constant 2 : i32
    %dma_start3A_1144 = arith.constant 2 : i32
    %dma_start3A_1145 = arith.constant 0 : i32
    %dma_start3A_1146 = arith.constant 0 : i32
    %dma_start3A_1147 = arith.constant 0 : i32
    %dma_start3A_1148 = arith.constant 0 : i32
    %dma_start3A_1149 = tpu.memref_slice %arg5[%dma_start3A_1145, %dma_start3A_1146, %dma_start3A_1147, %dma_start3A_1144, %dma_start3A_1148] : memref<4x2x8x4x128xf32, #tpu.memory_space<vmem>> -> memref<4x2x8x1x128xf32, #tpu.memory_space<vmem>>
    %dma_start3A_1150 = tpu.memref_squeeze %dma_start3A_1149 : memref<4x2x8x1x128xf32, #tpu.memory_space<vmem>> -> memref<4x2x8x128xf32, #tpu.memory_space<vmem>>
    %dma_start3A_1151 = arith.constant 20 : i32
    %dma_start3A_1152 = arith.constant 0 : i32
    %dma_start3A_1153 = arith.constant 0 : i32
    %dma_start3A_1154 = arith.constant 0 : i32
    %dma_start3A_1155 = tpu.memref_slice %arg2[%add3A, %dma_start3A_1143, %dma_start3A_1151, %dma_start3A_1152, %dma_start3A_1153, %dma_start3A_1154] : memref<32x6x32x2x8x128xf32, #tpu.memory_space<hbm>> -> memref<1x1x4x2x8x128xf32, #tpu.memory_space<hbm>>
    %dma_start3A_1156 = tpu.memref_squeeze %dma_start3A_1155 : memref<1x1x4x2x8x128xf32, #tpu.memory_space<hbm>> -> memref<4x2x8x128xf32, #tpu.memory_space<hbm>>
    %dma_start3A_1157 = arith.constant 0 : i32
    %dma_start3A_1158 = arith.constant 0 : i32
    %dma_start3A_1159 = arith.constant 0 : i32
    %dma_start3A_1160 = arith.constant 0 : i32
    %dma_start3A_1161 = tpu.memref_slice %arg5[%dma_start3A_1157, %dma_start3A_1158, %dma_start3A_1159, %dma_start3A_1144, %dma_start3A_1160] : memref<4x2x8x4x128xf32, #tpu.memory_space<vmem>> -> memref<4x2x8x1x128xf32, #tpu.memory_space<vmem>>
    %dma_start3A_1162 = tpu.memref_squeeze %dma_start3A_1161 : memref<4x2x8x1x128xf32, #tpu.memory_space<vmem>> -> memref<4x2x8x128xf32, #tpu.memory_space<vmem>>
    %dma_start3A_1163 = arith.constant 20 : i32
    %dma_start3A_1164 = arith.constant 0 : i32
    %dma_start3A_1165 = arith.constant 0 : i32
    %dma_start3A_1166 = arith.constant 0 : i32
    %dma_start3A_1167 = tpu.memref_slice %arg2[%add3A, %dma_start3A_1143, %dma_start3A_1163, %dma_start3A_1164, %dma_start3A_1165, %dma_start3A_1166] : memref<32x6x32x2x8x128xf32, #tpu.memory_space<hbm>> -> memref<1x1x4x2x8x128xf32, #tpu.memory_space<hbm>>
    %dma_start3A_1168 = tpu.memref_squeeze %dma_start3A_1167 : memref<1x1x4x2x8x128xf32, #tpu.memory_space<hbm>> -> memref<4x2x8x128xf32, #tpu.memory_space<hbm>>
    tpu.enqueue_dma source(%dma_start3A_1168 : memref<4x2x8x128xf32, #tpu.memory_space<hbm>>) target(%dma_start3A_1162 : memref<4x2x8x128xf32, #tpu.memory_space<vmem>>) target_semaphore(%arg9 : memref<!tpu.dma_semaphore, #tpu.memory_space<semaphore_mem>>)
    %dma_start3A_1169 = arith.constant 3 : i32
    %dma_start3A_1170 = arith.constant 3 : i32
    %dma_start3A_1171 = arith.constant 0 : i32
    %dma_start3A_1172 = arith.constant 0 : i32
    %dma_start3A_1173 = arith.constant 0 : i32
    %dma_start3A_1174 = arith.constant 0 : i32
    %dma_start3A_1175 = tpu.memref_slice %arg5[%dma_start3A_1171, %dma_start3A_1172, %dma_start3A_1173, %dma_start3A_1170, %dma_start3A_1174] : memref<4x2x8x4x128xf32, #tpu.memory_space<vmem>> -> memref<4x2x8x1x128xf32, #tpu.memory_space<vmem>>
    %dma_start3A_1176 = tpu.memref_squeeze %dma_start3A_1175 : memref<4x2x8x1x128xf32, #tpu.memory_space<vmem>> -> memref<4x2x8x128xf32, #tpu.memory_space<vmem>>
    %dma_start3A_1177 = arith.constant 20 : i32
    %dma_start3A_1178 = arith.constant 0 : i32
    %dma_start3A_1179 = arith.constant 0 : i32
    %dma_start3A_1180 = arith.constant 0 : i32
    %dma_start3A_1181 = tpu.memref_slice %arg2[%add3A, %dma_start3A_1169, %dma_start3A_1177, %dma_start3A_1178, %dma_start3A_1179, %dma_start3A_1180] : memref<32x6x32x2x8x128xf32, #tpu.memory_space<hbm>> -> memref<1x1x4x2x8x128xf32, #tpu.memory_space<hbm>>
    %dma_start3A_1182 = tpu.memref_squeeze %dma_start3A_1181 : memref<1x1x4x2x8x128xf32, #tpu.memory_space<hbm>> -> memref<4x2x8x128xf32, #tpu.memory_space<hbm>>
    %dma_start3A_1183 = arith.constant 0 : i32
    %dma_start3A_1184 = arith.constant 0 : i32
    %dma_start3A_1185 = arith.constant 0 : i32
    %dma_start3A_1186 = arith.constant 0 : i32
    %dma_start3A_1187 = tpu.memref_slice %arg5[%dma_start3A_1183, %dma_start3A_1184, %dma_start3A_1185, %dma_start3A_1170, %dma_start3A_1186] : memref<4x2x8x4x128xf32, #tpu.memory_space<vmem>> -> memref<4x2x8x1x128xf32, #tpu.memory_space<vmem>>
    %dma_start3A_1188 = tpu.memref_squeeze %dma_start3A_1187 : memref<4x2x8x1x128xf32, #tpu.memory_space<vmem>> -> memref<4x2x8x128xf32, #tpu.memory_space<vmem>>
    %dma_start3A_1189 = arith.constant 20 : i32
    %dma_start3A_1190 = arith.constant 0 : i32
    %dma_start3A_1191 = arith.constant 0 : i32
    %dma_start3A_1192 = arith.constant 0 : i32
    %dma_start3A_1193 = tpu.memref_slice %arg2[%add3A, %dma_start3A_1169, %dma_start3A_1189, %dma_start3A_1190, %dma_start3A_1191, %dma_start3A_1192] : memref<32x6x32x2x8x128xf32, #tpu.memory_space<hbm>> -> memref<1x1x4x2x8x128xf32, #tpu.memory_space<hbm>>
    %dma_start3A_1194 = tpu.memref_squeeze %dma_start3A_1193 : memref<1x1x4x2x8x128xf32, #tpu.memory_space<hbm>> -> memref<4x2x8x128xf32, #tpu.memory_space<hbm>>
    tpu.enqueue_dma source(%dma_start3A_1194 : memref<4x2x8x128xf32, #tpu.memory_space<hbm>>) target(%dma_start3A_1188 : memref<4x2x8x128xf32, #tpu.memory_space<vmem>>) target_semaphore(%arg9 : memref<!tpu.dma_semaphore, #tpu.memory_space<semaphore_mem>>)
    %dma_wait3A_1195 = arith.constant 0 : i32
    %dma_wait3A_1196 = arith.constant 0 : i32
    %dma_wait3A_1197 = arith.constant 0 : i32
    %dma_wait3A_1198 = arith.constant 0 : i32
    %dma_wait3A_1199 = arith.constant 0 : i32
    %dma_wait3A_1200 = arith.constant 0 : i32
    %dma_wait3A_1201 = tpu.memref_slice %arg7[%dma_wait3A_1197, %dma_wait3A_1198, %dma_wait3A_1199, %dma_wait3A_1196, %dma_wait3A_1200] : memref<4x2x8x4x128xf32, #tpu.memory_space<vmem>> -> memref<4x2x8x1x128xf32, #tpu.memory_space<vmem>>
    %dma_wait3A_1202 = tpu.memref_squeeze %dma_wait3A_1201 : memref<4x2x8x1x128xf32, #tpu.memory_space<vmem>> -> memref<4x2x8x128xf32, #tpu.memory_space<vmem>>
    %dma_wait3A_1203 = arith.constant 12 : i32
    %dma_wait3A_1204 = arith.constant 0 : i32
    %dma_wait3A_1205 = arith.constant 0 : i32
    %dma_wait3A_1206 = arith.constant 0 : i32
    %dma_wait3A_1207 = tpu.memref_slice %arg2[%add3A, %dma_wait3A_1195, %dma_wait3A_1203, %dma_wait3A_1204, %dma_wait3A_1205, %dma_wait3A_1206] : memref<32x6x32x2x8x128xf32, #tpu.memory_space<hbm>> -> memref<1x1x4x2x8x128xf32, #tpu.memory_space<hbm>>
    %dma_wait3A_1208 = tpu.memref_squeeze %dma_wait3A_1207 : memref<1x1x4x2x8x128xf32, #tpu.memory_space<hbm>> -> memref<4x2x8x128xf32, #tpu.memory_space<hbm>>
    %dma_wait3A_1209 = arith.constant 0 : i32
    %dma_wait3A_1210 = arith.constant 0 : i32
    %dma_wait3A_1211 = arith.constant 0 : i32
    %dma_wait3A_1212 = arith.constant 0 : i32
    %dma_wait3A_1213 = tpu.memref_slice %arg7[%dma_wait3A_1209, %dma_wait3A_1210, %dma_wait3A_1211, %dma_wait3A_1196, %dma_wait3A_1212] : memref<4x2x8x4x128xf32, #tpu.memory_space<vmem>> -> memref<4x2x8x1x128xf32, #tpu.memory_space<vmem>>
    %dma_wait3A_1214 = tpu.memref_squeeze %dma_wait3A_1213 : memref<4x2x8x1x128xf32, #tpu.memory_space<vmem>> -> memref<4x2x8x128xf32, #tpu.memory_space<vmem>>
    %dma_wait3A_1215 = arith.constant 12 : i32
    %dma_wait3A_1216 = arith.constant 0 : i32
    %dma_wait3A_1217 = arith.constant 0 : i32
    %dma_wait3A_1218 = arith.constant 0 : i32
    %dma_wait3A_1219 = tpu.memref_slice %arg2[%add3A, %dma_wait3A_1195, %dma_wait3A_1215, %dma_wait3A_1216, %dma_wait3A_1217, %dma_wait3A_1218] : memref<32x6x32x2x8x128xf32, #tpu.memory_space<hbm>> -> memref<1x1x4x2x8x128xf32, #tpu.memory_space<hbm>>
    %dma_wait3A_1220 = tpu.memref_squeeze %dma_wait3A_1219 : memref<1x1x4x2x8x128xf32, #tpu.memory_space<hbm>> -> memref<4x2x8x128xf32, #tpu.memory_space<hbm>>
    tpu.wait_dma2 semaphore(%arg11 : memref<!tpu.dma_semaphore, #tpu.memory_space<semaphore_mem>>) src(%dma_wait3A_1220 : memref<4x2x8x128xf32, #tpu.memory_space<hbm>>) dst(%dma_wait3A_1214 : memref<4x2x8x128xf32, #tpu.memory_space<vmem>>)
    %dma_wait3A_1221 = arith.constant 1 : i32
    %dma_wait3A_1222 = arith.constant 1 : i32
    %dma_wait3A_1223 = arith.constant 0 : i32
    %dma_wait3A_1224 = arith.constant 0 : i32
    %dma_wait3A_1225 = arith.constant 0 : i32
    %dma_wait3A_1226 = arith.constant 0 : i32
    %dma_wait3A_1227 = tpu.memref_slice %arg7[%dma_wait3A_1223, %dma_wait3A_1224, %dma_wait3A_1225, %dma_wait3A_1222, %dma_wait3A_1226] : memref<4x2x8x4x128xf32, #tpu.memory_space<vmem>> -> memref<4x2x8x1x128xf32, #tpu.memory_space<vmem>>
    %dma_wait3A_1228 = tpu.memref_squeeze %dma_wait3A_1227 : memref<4x2x8x1x128xf32, #tpu.memory_space<vmem>> -> memref<4x2x8x128xf32, #tpu.memory_space<vmem>>
    %dma_wait3A_1229 = arith.constant 12 : i32
    %dma_wait3A_1230 = arith.constant 0 : i32
    %dma_wait3A_1231 = arith.constant 0 : i32
    %dma_wait3A_1232 = arith.constant 0 : i32
    %dma_wait3A_1233 = tpu.memref_slice %arg2[%add3A, %dma_wait3A_1221, %dma_wait3A_1229, %dma_wait3A_1230, %dma_wait3A_1231, %dma_wait3A_1232] : memref<32x6x32x2x8x128xf32, #tpu.memory_space<hbm>> -> memref<1x1x4x2x8x128xf32, #tpu.memory_space<hbm>>
    %dma_wait3A_1234 = tpu.memref_squeeze %dma_wait3A_1233 : memref<1x1x4x2x8x128xf32, #tpu.memory_space<hbm>> -> memref<4x2x8x128xf32, #tpu.memory_space<hbm>>
    %dma_wait3A_1235 = arith.constant 0 : i32
    %dma_wait3A_1236 = arith.constant 0 : i32
    %dma_wait3A_1237 = arith.constant 0 : i32
    %dma_wait3A_1238 = arith.constant 0 : i32
    %dma_wait3A_1239 = tpu.memref_slice %arg7[%dma_wait3A_1235, %dma_wait3A_1236, %dma_wait3A_1237, %dma_wait3A_1222, %dma_wait3A_1238] : memref<4x2x8x4x128xf32, #tpu.memory_space<vmem>> -> memref<4x2x8x1x128xf32, #tpu.memory_space<vmem>>
    %dma_wait3A_1240 = tpu.memref_squeeze %dma_wait3A_1239 : memref<4x2x8x1x128xf32, #tpu.memory_space<vmem>> -> memref<4x2x8x128xf32, #tpu.memory_space<vmem>>
    %dma_wait3A_1241 = arith.constant 12 : i32
    %dma_wait3A_1242 = arith.constant 0 : i32
    %dma_wait3A_1243 = arith.constant 0 : i32
    %dma_wait3A_1244 = arith.constant 0 : i32
    %dma_wait3A_1245 = tpu.memref_slice %arg2[%add3A, %dma_wait3A_1221, %dma_wait3A_1241, %dma_wait3A_1242, %dma_wait3A_1243, %dma_wait3A_1244] : memref<32x6x32x2x8x128xf32, #tpu.memory_space<hbm>> -> memref<1x1x4x2x8x128xf32, #tpu.memory_space<hbm>>
    %dma_wait3A_1246 = tpu.memref_squeeze %dma_wait3A_1245 : memref<1x1x4x2x8x128xf32, #tpu.memory_space<hbm>> -> memref<4x2x8x128xf32, #tpu.memory_space<hbm>>
    tpu.wait_dma2 semaphore(%arg11 : memref<!tpu.dma_semaphore, #tpu.memory_space<semaphore_mem>>) src(%dma_wait3A_1246 : memref<4x2x8x128xf32, #tpu.memory_space<hbm>>) dst(%dma_wait3A_1240 : memref<4x2x8x128xf32, #tpu.memory_space<vmem>>)
    %dma_wait3A_1247 = arith.constant 2 : i32
    %dma_wait3A_1248 = arith.constant 2 : i32
    %dma_wait3A_1249 = arith.constant 0 : i32
    %dma_wait3A_1250 = arith.constant 0 : i32
    %dma_wait3A_1251 = arith.constant 0 : i32
    %dma_wait3A_1252 = arith.constant 0 : i32
    %dma_wait3A_1253 = tpu.memref_slice %arg7[%dma_wait3A_1249, %dma_wait3A_1250, %dma_wait3A_1251, %dma_wait3A_1248, %dma_wait3A_1252] : memref<4x2x8x4x128xf32, #tpu.memory_space<vmem>> -> memref<4x2x8x1x128xf32, #tpu.memory_space<vmem>>
    %dma_wait3A_1254 = tpu.memref_squeeze %dma_wait3A_1253 : memref<4x2x8x1x128xf32, #tpu.memory_space<vmem>> -> memref<4x2x8x128xf32, #tpu.memory_space<vmem>>
    %dma_wait3A_1255 = arith.constant 12 : i32
    %dma_wait3A_1256 = arith.constant 0 : i32
    %dma_wait3A_1257 = arith.constant 0 : i32
    %dma_wait3A_1258 = arith.constant 0 : i32
    %dma_wait3A_1259 = tpu.memref_slice %arg2[%add3A, %dma_wait3A_1247, %dma_wait3A_1255, %dma_wait3A_1256, %dma_wait3A_1257, %dma_wait3A_1258] : memref<32x6x32x2x8x128xf32, #tpu.memory_space<hbm>> -> memref<1x1x4x2x8x128xf32, #tpu.memory_space<hbm>>
    %dma_wait3A_1260 = tpu.memref_squeeze %dma_wait3A_1259 : memref<1x1x4x2x8x128xf32, #tpu.memory_space<hbm>> -> memref<4x2x8x128xf32, #tpu.memory_space<hbm>>
    %dma_wait3A_1261 = arith.constant 0 : i32
    %dma_wait3A_1262 = arith.constant 0 : i32
    %dma_wait3A_1263 = arith.constant 0 : i32
    %dma_wait3A_1264 = arith.constant 0 : i32
    %dma_wait3A_1265 = tpu.memref_slice %arg7[%dma_wait3A_1261, %dma_wait3A_1262, %dma_wait3A_1263, %dma_wait3A_1248, %dma_wait3A_1264] : memref<4x2x8x4x128xf32, #tpu.memory_space<vmem>> -> memref<4x2x8x1x128xf32, #tpu.memory_space<vmem>>
    %dma_wait3A_1266 = tpu.memref_squeeze %dma_wait3A_1265 : memref<4x2x8x1x128xf32, #tpu.memory_space<vmem>> -> memref<4x2x8x128xf32, #tpu.memory_space<vmem>>
    %dma_wait3A_1267 = arith.constant 12 : i32
    %dma_wait3A_1268 = arith.constant 0 : i32
    %dma_wait3A_1269 = arith.constant 0 : i32
    %dma_wait3A_1270 = arith.constant 0 : i32
    %dma_wait3A_1271 = tpu.memref_slice %arg2[%add3A, %dma_wait3A_1247, %dma_wait3A_1267, %dma_wait3A_1268, %dma_wait3A_1269, %dma_wait3A_1270] : memref<32x6x32x2x8x128xf32, #tpu.memory_space<hbm>> -> memref<1x1x4x2x8x128xf32, #tpu.memory_space<hbm>>
    %dma_wait3A_1272 = tpu.memref_squeeze %dma_wait3A_1271 : memref<1x1x4x2x8x128xf32, #tpu.memory_space<hbm>> -> memref<4x2x8x128xf32, #tpu.memory_space<hbm>>
    tpu.wait_dma2 semaphore(%arg11 : memref<!tpu.dma_semaphore, #tpu.memory_space<semaphore_mem>>) src(%dma_wait3A_1272 : memref<4x2x8x128xf32, #tpu.memory_space<hbm>>) dst(%dma_wait3A_1266 : memref<4x2x8x128xf32, #tpu.memory_space<vmem>>)
    %dma_wait3A_1273 = arith.constant 3 : i32
    %dma_wait3A_1274 = arith.constant 3 : i32
    %dma_wait3A_1275 = arith.constant 0 : i32
    %dma_wait3A_1276 = arith.constant 0 : i32
    %dma_wait3A_1277 = arith.constant 0 : i32
    %dma_wait3A_1278 = arith.constant 0 : i32
    %dma_wait3A_1279 = tpu.memref_slice %arg7[%dma_wait3A_1275, %dma_wait3A_1276, %dma_wait3A_1277, %dma_wait3A_1274, %dma_wait3A_1278] : memref<4x2x8x4x128xf32, #tpu.memory_space<vmem>> -> memref<4x2x8x1x128xf32, #tpu.memory_space<vmem>>
    %dma_wait3A_1280 = tpu.memref_squeeze %dma_wait3A_1279 : memref<4x2x8x1x128xf32, #tpu.memory_space<vmem>> -> memref<4x2x8x128xf32, #tpu.memory_space<vmem>>
    %dma_wait3A_1281 = arith.constant 12 : i32
    %dma_wait3A_1282 = arith.constant 0 : i32
    %dma_wait3A_1283 = arith.constant 0 : i32
    %dma_wait3A_1284 = arith.constant 0 : i32
    %dma_wait3A_1285 = tpu.memref_slice %arg2[%add3A, %dma_wait3A_1273, %dma_wait3A_1281, %dma_wait3A_1282, %dma_wait3A_1283, %dma_wait3A_1284] : memref<32x6x32x2x8x128xf32, #tpu.memory_space<hbm>> -> memref<1x1x4x2x8x128xf32, #tpu.memory_space<hbm>>
    %dma_wait3A_1286 = tpu.memref_squeeze %dma_wait3A_1285 : memref<1x1x4x2x8x128xf32, #tpu.memory_space<hbm>> -> memref<4x2x8x128xf32, #tpu.memory_space<hbm>>
    %dma_wait3A_1287 = arith.constant 0 : i32
    %dma_wait3A_1288 = arith.constant 0 : i32
    %dma_wait3A_1289 = arith.constant 0 : i32
    %dma_wait3A_1290 = arith.constant 0 : i32
    %dma_wait3A_1291 = tpu.memref_slice %arg7[%dma_wait3A_1287, %dma_wait3A_1288, %dma_wait3A_1289, %dma_wait3A_1274, %dma_wait3A_1290] : memref<4x2x8x4x128xf32, #tpu.memory_space<vmem>> -> memref<4x2x8x1x128xf32, #tpu.memory_space<vmem>>
    %dma_wait3A_1292 = tpu.memref_squeeze %dma_wait3A_1291 : memref<4x2x8x1x128xf32, #tpu.memory_space<vmem>> -> memref<4x2x8x128xf32, #tpu.memory_space<vmem>>
    %dma_wait3A_1293 = arith.constant 12 : i32
    %dma_wait3A_1294 = arith.constant 0 : i32
    %dma_wait3A_1295 = arith.constant 0 : i32
    %dma_wait3A_1296 = arith.constant 0 : i32
    %dma_wait3A_1297 = tpu.memref_slice %arg2[%add3A, %dma_wait3A_1273, %dma_wait3A_1293, %dma_wait3A_1294, %dma_wait3A_1295, %dma_wait3A_1296] : memref<32x6x32x2x8x128xf32, #tpu.memory_space<hbm>> -> memref<1x1x4x2x8x128xf32, #tpu.memory_space<hbm>>
    %dma_wait3A_1298 = tpu.memref_squeeze %dma_wait3A_1297 : memref<1x1x4x2x8x128xf32, #tpu.memory_space<hbm>> -> memref<4x2x8x128xf32, #tpu.memory_space<hbm>>
    tpu.wait_dma2 semaphore(%arg11 : memref<!tpu.dma_semaphore, #tpu.memory_space<semaphore_mem>>) src(%dma_wait3A_1298 : memref<4x2x8x128xf32, #tpu.memory_space<hbm>>) dst(%dma_wait3A_1292 : memref<4x2x8x128xf32, #tpu.memory_space<vmem>>)
    %dma_start3A_1299 = arith.constant 0 : i32
    %dma_start3A_1300 = arith.constant 0 : i32
    %dma_start3A_1301 = arith.constant 0 : i32
    %dma_start3A_1302 = arith.constant 0 : i32
    %dma_start3A_1303 = arith.constant 0 : i32
    %dma_start3A_1304 = arith.constant 0 : i32
    %dma_start3A_1305 = tpu.memref_slice %arg7[%dma_start3A_1301, %dma_start3A_1299, %dma_start3A_1302, %dma_start3A_1303, %dma_start3A_1304] : memref<4x2x8x4x128xf32, #tpu.memory_space<vmem>> -> memref<4x1x8x4x128xf32, #tpu.memory_space<vmem>>
    %dma_start3A_1306 = tpu.memref_squeeze %dma_start3A_1305 : memref<4x1x8x4x128xf32, #tpu.memory_space<vmem>> -> memref<4x8x4x128xf32, #tpu.memory_space<vmem>>
    %dma_start3A_1307 = arith.constant 12 : i32
    %dma_start3A_1308 = arith.constant 0 : i32
    %dma_start3A_1309 = arith.constant 0 : i32
    %dma_start3A_1310 = arith.constant 0 : i32
    %dma_start3A_1311 = tpu.memref_slice %arg3[%add3A, %dma_start3A_1307, %dma_start3A_1308, %dma_start3A_1300, %dma_start3A_1309, %dma_start3A_1310] : memref<32x32x8x2x4x128xf32, #tpu.memory_space<hbm>> -> memref<1x4x8x1x4x128xf32, #tpu.memory_space<hbm>>
    %dma_start3A_1312 = tpu.memref_squeeze %dma_start3A_1311 : memref<1x4x8x1x4x128xf32, #tpu.memory_space<hbm>> -> memref<4x8x4x128xf32, #tpu.memory_space<hbm>>
    %dma_start3A_1313 = arith.constant 12 : i32
    %dma_start3A_1314 = arith.constant 0 : i32
    %dma_start3A_1315 = arith.constant 0 : i32
    %dma_start3A_1316 = arith.constant 0 : i32
    %dma_start3A_1317 = tpu.memref_slice %arg3[%add3A, %dma_start3A_1313, %dma_start3A_1314, %dma_start3A_1300, %dma_start3A_1315, %dma_start3A_1316] : memref<32x32x8x2x4x128xf32, #tpu.memory_space<hbm>> -> memref<1x4x8x1x4x128xf32, #tpu.memory_space<hbm>>
    %dma_start3A_1318 = tpu.memref_squeeze %dma_start3A_1317 : memref<1x4x8x1x4x128xf32, #tpu.memory_space<hbm>> -> memref<4x8x4x128xf32, #tpu.memory_space<hbm>>
    %dma_start3A_1319 = arith.constant 0 : i32
    %dma_start3A_1320 = arith.constant 0 : i32
    %dma_start3A_1321 = arith.constant 0 : i32
    %dma_start3A_1322 = arith.constant 0 : i32
    %dma_start3A_1323 = tpu.memref_slice %arg7[%dma_start3A_1319, %dma_start3A_1299, %dma_start3A_1320, %dma_start3A_1321, %dma_start3A_1322] : memref<4x2x8x4x128xf32, #tpu.memory_space<vmem>> -> memref<4x1x8x4x128xf32, #tpu.memory_space<vmem>>
    %dma_start3A_1324 = tpu.memref_squeeze %dma_start3A_1323 : memref<4x1x8x4x128xf32, #tpu.memory_space<vmem>> -> memref<4x8x4x128xf32, #tpu.memory_space<vmem>>
    tpu.enqueue_dma source(%dma_start3A_1324 : memref<4x8x4x128xf32, #tpu.memory_space<vmem>>) target(%dma_start3A_1318 : memref<4x8x4x128xf32, #tpu.memory_space<hbm>>) target_semaphore(%arg15 : memref<!tpu.dma_semaphore, #tpu.memory_space<semaphore_mem>>)
    %dma_start3A_1325 = arith.constant 1 : i32
    %dma_start3A_1326 = arith.constant 1 : i32
    %dma_start3A_1327 = arith.constant 0 : i32
    %dma_start3A_1328 = arith.constant 0 : i32
    %dma_start3A_1329 = arith.constant 0 : i32
    %dma_start3A_1330 = arith.constant 0 : i32
    %dma_start3A_1331 = tpu.memref_slice %arg7[%dma_start3A_1327, %dma_start3A_1325, %dma_start3A_1328, %dma_start3A_1329, %dma_start3A_1330] : memref<4x2x8x4x128xf32, #tpu.memory_space<vmem>> -> memref<4x1x8x4x128xf32, #tpu.memory_space<vmem>>
    %dma_start3A_1332 = tpu.memref_squeeze %dma_start3A_1331 : memref<4x1x8x4x128xf32, #tpu.memory_space<vmem>> -> memref<4x8x4x128xf32, #tpu.memory_space<vmem>>
    %dma_start3A_1333 = arith.constant 12 : i32
    %dma_start3A_1334 = arith.constant 0 : i32
    %dma_start3A_1335 = arith.constant 0 : i32
    %dma_start3A_1336 = arith.constant 0 : i32
    %dma_start3A_1337 = tpu.memref_slice %arg3[%add3A, %dma_start3A_1333, %dma_start3A_1334, %dma_start3A_1326, %dma_start3A_1335, %dma_start3A_1336] : memref<32x32x8x2x4x128xf32, #tpu.memory_space<hbm>> -> memref<1x4x8x1x4x128xf32, #tpu.memory_space<hbm>>
    %dma_start3A_1338 = tpu.memref_squeeze %dma_start3A_1337 : memref<1x4x8x1x4x128xf32, #tpu.memory_space<hbm>> -> memref<4x8x4x128xf32, #tpu.memory_space<hbm>>
    %dma_start3A_1339 = arith.constant 12 : i32
    %dma_start3A_1340 = arith.constant 0 : i32
    %dma_start3A_1341 = arith.constant 0 : i32
    %dma_start3A_1342 = arith.constant 0 : i32
    %dma_start3A_1343 = tpu.memref_slice %arg3[%add3A, %dma_start3A_1339, %dma_start3A_1340, %dma_start3A_1326, %dma_start3A_1341, %dma_start3A_1342] : memref<32x32x8x2x4x128xf32, #tpu.memory_space<hbm>> -> memref<1x4x8x1x4x128xf32, #tpu.memory_space<hbm>>
    %dma_start3A_1344 = tpu.memref_squeeze %dma_start3A_1343 : memref<1x4x8x1x4x128xf32, #tpu.memory_space<hbm>> -> memref<4x8x4x128xf32, #tpu.memory_space<hbm>>
    %dma_start3A_1345 = arith.constant 0 : i32
    %dma_start3A_1346 = arith.constant 0 : i32
    %dma_start3A_1347 = arith.constant 0 : i32
    %dma_start3A_1348 = arith.constant 0 : i32
    %dma_start3A_1349 = tpu.memref_slice %arg7[%dma_start3A_1345, %dma_start3A_1325, %dma_start3A_1346, %dma_start3A_1347, %dma_start3A_1348] : memref<4x2x8x4x128xf32, #tpu.memory_space<vmem>> -> memref<4x1x8x4x128xf32, #tpu.memory_space<vmem>>
    %dma_start3A_1350 = tpu.memref_squeeze %dma_start3A_1349 : memref<4x1x8x4x128xf32, #tpu.memory_space<vmem>> -> memref<4x8x4x128xf32, #tpu.memory_space<vmem>>
    tpu.enqueue_dma source(%dma_start3A_1350 : memref<4x8x4x128xf32, #tpu.memory_space<vmem>>) target(%dma_start3A_1344 : memref<4x8x4x128xf32, #tpu.memory_space<hbm>>) target_semaphore(%arg15 : memref<!tpu.dma_semaphore, #tpu.memory_space<semaphore_mem>>)
    %dma_wait3A_1351 = arith.constant 0 : i32
    %dma_wait3A_1352 = arith.constant 0 : i32
    %dma_wait3A_1353 = arith.constant 0 : i32
    %dma_wait3A_1354 = arith.constant 0 : i32
    %dma_wait3A_1355 = arith.constant 0 : i32
    %dma_wait3A_1356 = arith.constant 0 : i32
    %dma_wait3A_1357 = tpu.memref_slice %arg6[%dma_wait3A_1353, %dma_wait3A_1351, %dma_wait3A_1354, %dma_wait3A_1355, %dma_wait3A_1356] : memref<4x2x8x4x128xf32, #tpu.memory_space<vmem>> -> memref<4x1x8x4x128xf32, #tpu.memory_space<vmem>>
    %dma_wait3A_1358 = tpu.memref_squeeze %dma_wait3A_1357 : memref<4x1x8x4x128xf32, #tpu.memory_space<vmem>> -> memref<4x8x4x128xf32, #tpu.memory_space<vmem>>
    %dma_wait3A_1359 = arith.constant 8 : i32
    %dma_wait3A_1360 = arith.constant 0 : i32
    %dma_wait3A_1361 = arith.constant 0 : i32
    %dma_wait3A_1362 = arith.constant 0 : i32
    %dma_wait3A_1363 = tpu.memref_slice %arg3[%add3A, %dma_wait3A_1359, %dma_wait3A_1360, %dma_wait3A_1352, %dma_wait3A_1361, %dma_wait3A_1362] : memref<32x32x8x2x4x128xf32, #tpu.memory_space<hbm>> -> memref<1x4x8x1x4x128xf32, #tpu.memory_space<hbm>>
    %dma_wait3A_1364 = tpu.memref_squeeze %dma_wait3A_1363 : memref<1x4x8x1x4x128xf32, #tpu.memory_space<hbm>> -> memref<4x8x4x128xf32, #tpu.memory_space<hbm>>
    %dma_wait3A_1365 = arith.constant 8 : i32
    %dma_wait3A_1366 = arith.constant 0 : i32
    %dma_wait3A_1367 = arith.constant 0 : i32
    %dma_wait3A_1368 = arith.constant 0 : i32
    %dma_wait3A_1369 = tpu.memref_slice %arg3[%add3A, %dma_wait3A_1365, %dma_wait3A_1366, %dma_wait3A_1352, %dma_wait3A_1367, %dma_wait3A_1368] : memref<32x32x8x2x4x128xf32, #tpu.memory_space<hbm>> -> memref<1x4x8x1x4x128xf32, #tpu.memory_space<hbm>>
    %dma_wait3A_1370 = tpu.memref_squeeze %dma_wait3A_1369 : memref<1x4x8x1x4x128xf32, #tpu.memory_space<hbm>> -> memref<4x8x4x128xf32, #tpu.memory_space<hbm>>
    %dma_wait3A_1371 = arith.constant 0 : i32
    %dma_wait3A_1372 = arith.constant 0 : i32
    %dma_wait3A_1373 = arith.constant 0 : i32
    %dma_wait3A_1374 = arith.constant 0 : i32
    %dma_wait3A_1375 = tpu.memref_slice %arg6[%dma_wait3A_1371, %dma_wait3A_1351, %dma_wait3A_1372, %dma_wait3A_1373, %dma_wait3A_1374] : memref<4x2x8x4x128xf32, #tpu.memory_space<vmem>> -> memref<4x1x8x4x128xf32, #tpu.memory_space<vmem>>
    %dma_wait3A_1376 = tpu.memref_squeeze %dma_wait3A_1375 : memref<4x1x8x4x128xf32, #tpu.memory_space<vmem>> -> memref<4x8x4x128xf32, #tpu.memory_space<vmem>>
    tpu.wait_dma2 semaphore(%arg14 : memref<!tpu.dma_semaphore, #tpu.memory_space<semaphore_mem>>) src(%dma_wait3A_1376 : memref<4x8x4x128xf32, #tpu.memory_space<vmem>>) dst(%dma_wait3A_1370 : memref<4x8x4x128xf32, #tpu.memory_space<hbm>>)
    %dma_wait3A_1377 = arith.constant 1 : i32
    %dma_wait3A_1378 = arith.constant 1 : i32
    %dma_wait3A_1379 = arith.constant 0 : i32
    %dma_wait3A_1380 = arith.constant 0 : i32
    %dma_wait3A_1381 = arith.constant 0 : i32
    %dma_wait3A_1382 = arith.constant 0 : i32
    %dma_wait3A_1383 = tpu.memref_slice %arg6[%dma_wait3A_1379, %dma_wait3A_1377, %dma_wait3A_1380, %dma_wait3A_1381, %dma_wait3A_1382] : memref<4x2x8x4x128xf32, #tpu.memory_space<vmem>> -> memref<4x1x8x4x128xf32, #tpu.memory_space<vmem>>
    %dma_wait3A_1384 = tpu.memref_squeeze %dma_wait3A_1383 : memref<4x1x8x4x128xf32, #tpu.memory_space<vmem>> -> memref<4x8x4x128xf32, #tpu.memory_space<vmem>>
    %dma_wait3A_1385 = arith.constant 8 : i32
    %dma_wait3A_1386 = arith.constant 0 : i32
    %dma_wait3A_1387 = arith.constant 0 : i32
    %dma_wait3A_1388 = arith.constant 0 : i32
    %dma_wait3A_1389 = tpu.memref_slice %arg3[%add3A, %dma_wait3A_1385, %dma_wait3A_1386, %dma_wait3A_1378, %dma_wait3A_1387, %dma_wait3A_1388] : memref<32x32x8x2x4x128xf32, #tpu.memory_space<hbm>> -> memref<1x4x8x1x4x128xf32, #tpu.memory_space<hbm>>
    %dma_wait3A_1390 = tpu.memref_squeeze %dma_wait3A_1389 : memref<1x4x8x1x4x128xf32, #tpu.memory_space<hbm>> -> memref<4x8x4x128xf32, #tpu.memory_space<hbm>>
    %dma_wait3A_1391 = arith.constant 8 : i32
    %dma_wait3A_1392 = arith.constant 0 : i32
    %dma_wait3A_1393 = arith.constant 0 : i32
    %dma_wait3A_1394 = arith.constant 0 : i32
    %dma_wait3A_1395 = tpu.memref_slice %arg3[%add3A, %dma_wait3A_1391, %dma_wait3A_1392, %dma_wait3A_1378, %dma_wait3A_1393, %dma_wait3A_1394] : memref<32x32x8x2x4x128xf32, #tpu.memory_space<hbm>> -> memref<1x4x8x1x4x128xf32, #tpu.memory_space<hbm>>
    %dma_wait3A_1396 = tpu.memref_squeeze %dma_wait3A_1395 : memref<1x4x8x1x4x128xf32, #tpu.memory_space<hbm>> -> memref<4x8x4x128xf32, #tpu.memory_space<hbm>>
    %dma_wait3A_1397 = arith.constant 0 : i32
    %dma_wait3A_1398 = arith.constant 0 : i32
    %dma_wait3A_1399 = arith.constant 0 : i32
    %dma_wait3A_1400 = arith.constant 0 : i32
    %dma_wait3A_1401 = tpu.memref_slice %arg6[%dma_wait3A_1397, %dma_wait3A_1377, %dma_wait3A_1398, %dma_wait3A_1399, %dma_wait3A_1400] : memref<4x2x8x4x128xf32, #tpu.memory_space<vmem>> -> memref<4x1x8x4x128xf32, #tpu.memory_space<vmem>>
    %dma_wait3A_1402 = tpu.memref_squeeze %dma_wait3A_1401 : memref<4x1x8x4x128xf32, #tpu.memory_space<vmem>> -> memref<4x8x4x128xf32, #tpu.memory_space<vmem>>
    tpu.wait_dma2 semaphore(%arg14 : memref<!tpu.dma_semaphore, #tpu.memory_space<semaphore_mem>>) src(%dma_wait3A_1402 : memref<4x8x4x128xf32, #tpu.memory_space<vmem>>) dst(%dma_wait3A_1396 : memref<4x8x4x128xf32, #tpu.memory_space<hbm>>)
    %dma_start3A_1403 = arith.constant 0 : i32
    %dma_start3A_1404 = arith.constant 0 : i32
    %dma_start3A_1405 = arith.constant 0 : i32
    %dma_start3A_1406 = arith.constant 0 : i32
    %dma_start3A_1407 = arith.constant 0 : i32
    %dma_start3A_1408 = arith.constant 0 : i32
    %dma_start3A_1409 = tpu.memref_slice %arg6[%dma_start3A_1405, %dma_start3A_1406, %dma_start3A_1407, %dma_start3A_1404, %dma_start3A_1408] : memref<4x2x8x4x128xf32, #tpu.memory_space<vmem>> -> memref<4x2x8x1x128xf32, #tpu.memory_space<vmem>>
    %dma_start3A_1410 = tpu.memref_squeeze %dma_start3A_1409 : memref<4x2x8x1x128xf32, #tpu.memory_space<vmem>> -> memref<4x2x8x128xf32, #tpu.memory_space<vmem>>
    %dma_start3A_1411 = arith.constant 24 : i32
    %dma_start3A_1412 = arith.constant 0 : i32
    %dma_start3A_1413 = arith.constant 0 : i32
    %dma_start3A_1414 = arith.constant 0 : i32
    %dma_start3A_1415 = tpu.memref_slice %arg2[%add3A, %dma_start3A_1403, %dma_start3A_1411, %dma_start3A_1412, %dma_start3A_1413, %dma_start3A_1414] : memref<32x6x32x2x8x128xf32, #tpu.memory_space<hbm>> -> memref<1x1x4x2x8x128xf32, #tpu.memory_space<hbm>>
    %dma_start3A_1416 = tpu.memref_squeeze %dma_start3A_1415 : memref<1x1x4x2x8x128xf32, #tpu.memory_space<hbm>> -> memref<4x2x8x128xf32, #tpu.memory_space<hbm>>
    %dma_start3A_1417 = arith.constant 0 : i32
    %dma_start3A_1418 = arith.constant 0 : i32
    %dma_start3A_1419 = arith.constant 0 : i32
    %dma_start3A_1420 = arith.constant 0 : i32
    %dma_start3A_1421 = tpu.memref_slice %arg6[%dma_start3A_1417, %dma_start3A_1418, %dma_start3A_1419, %dma_start3A_1404, %dma_start3A_1420] : memref<4x2x8x4x128xf32, #tpu.memory_space<vmem>> -> memref<4x2x8x1x128xf32, #tpu.memory_space<vmem>>
    %dma_start3A_1422 = tpu.memref_squeeze %dma_start3A_1421 : memref<4x2x8x1x128xf32, #tpu.memory_space<vmem>> -> memref<4x2x8x128xf32, #tpu.memory_space<vmem>>
    %dma_start3A_1423 = arith.constant 24 : i32
    %dma_start3A_1424 = arith.constant 0 : i32
    %dma_start3A_1425 = arith.constant 0 : i32
    %dma_start3A_1426 = arith.constant 0 : i32
    %dma_start3A_1427 = tpu.memref_slice %arg2[%add3A, %dma_start3A_1403, %dma_start3A_1423, %dma_start3A_1424, %dma_start3A_1425, %dma_start3A_1426] : memref<32x6x32x2x8x128xf32, #tpu.memory_space<hbm>> -> memref<1x1x4x2x8x128xf32, #tpu.memory_space<hbm>>
    %dma_start3A_1428 = tpu.memref_squeeze %dma_start3A_1427 : memref<1x1x4x2x8x128xf32, #tpu.memory_space<hbm>> -> memref<4x2x8x128xf32, #tpu.memory_space<hbm>>
    tpu.enqueue_dma source(%dma_start3A_1428 : memref<4x2x8x128xf32, #tpu.memory_space<hbm>>) target(%dma_start3A_1422 : memref<4x2x8x128xf32, #tpu.memory_space<vmem>>) target_semaphore(%arg10 : memref<!tpu.dma_semaphore, #tpu.memory_space<semaphore_mem>>)
    %dma_start3A_1429 = arith.constant 1 : i32
    %dma_start3A_1430 = arith.constant 1 : i32
    %dma_start3A_1431 = arith.constant 0 : i32
    %dma_start3A_1432 = arith.constant 0 : i32
    %dma_start3A_1433 = arith.constant 0 : i32
    %dma_start3A_1434 = arith.constant 0 : i32
    %dma_start3A_1435 = tpu.memref_slice %arg6[%dma_start3A_1431, %dma_start3A_1432, %dma_start3A_1433, %dma_start3A_1430, %dma_start3A_1434] : memref<4x2x8x4x128xf32, #tpu.memory_space<vmem>> -> memref<4x2x8x1x128xf32, #tpu.memory_space<vmem>>
    %dma_start3A_1436 = tpu.memref_squeeze %dma_start3A_1435 : memref<4x2x8x1x128xf32, #tpu.memory_space<vmem>> -> memref<4x2x8x128xf32, #tpu.memory_space<vmem>>
    %dma_start3A_1437 = arith.constant 24 : i32
    %dma_start3A_1438 = arith.constant 0 : i32
    %dma_start3A_1439 = arith.constant 0 : i32
    %dma_start3A_1440 = arith.constant 0 : i32
    %dma_start3A_1441 = tpu.memref_slice %arg2[%add3A, %dma_start3A_1429, %dma_start3A_1437, %dma_start3A_1438, %dma_start3A_1439, %dma_start3A_1440] : memref<32x6x32x2x8x128xf32, #tpu.memory_space<hbm>> -> memref<1x1x4x2x8x128xf32, #tpu.memory_space<hbm>>
    %dma_start3A_1442 = tpu.memref_squeeze %dma_start3A_1441 : memref<1x1x4x2x8x128xf32, #tpu.memory_space<hbm>> -> memref<4x2x8x128xf32, #tpu.memory_space<hbm>>
    %dma_start3A_1443 = arith.constant 0 : i32
    %dma_start3A_1444 = arith.constant 0 : i32
    %dma_start3A_1445 = arith.constant 0 : i32
    %dma_start3A_1446 = arith.constant 0 : i32
    %dma_start3A_1447 = tpu.memref_slice %arg6[%dma_start3A_1443, %dma_start3A_1444, %dma_start3A_1445, %dma_start3A_1430, %dma_start3A_1446] : memref<4x2x8x4x128xf32, #tpu.memory_space<vmem>> -> memref<4x2x8x1x128xf32, #tpu.memory_space<vmem>>
    %dma_start3A_1448 = tpu.memref_squeeze %dma_start3A_1447 : memref<4x2x8x1x128xf32, #tpu.memory_space<vmem>> -> memref<4x2x8x128xf32, #tpu.memory_space<vmem>>
    %dma_start3A_1449 = arith.constant 24 : i32
    %dma_start3A_1450 = arith.constant 0 : i32
    %dma_start3A_1451 = arith.constant 0 : i32
    %dma_start3A_1452 = arith.constant 0 : i32
    %dma_start3A_1453 = tpu.memref_slice %arg2[%add3A, %dma_start3A_1429, %dma_start3A_1449, %dma_start3A_1450, %dma_start3A_1451, %dma_start3A_1452] : memref<32x6x32x2x8x128xf32, #tpu.memory_space<hbm>> -> memref<1x1x4x2x8x128xf32, #tpu.memory_space<hbm>>
    %dma_start3A_1454 = tpu.memref_squeeze %dma_start3A_1453 : memref<1x1x4x2x8x128xf32, #tpu.memory_space<hbm>> -> memref<4x2x8x128xf32, #tpu.memory_space<hbm>>
    tpu.enqueue_dma source(%dma_start3A_1454 : memref<4x2x8x128xf32, #tpu.memory_space<hbm>>) target(%dma_start3A_1448 : memref<4x2x8x128xf32, #tpu.memory_space<vmem>>) target_semaphore(%arg10 : memref<!tpu.dma_semaphore, #tpu.memory_space<semaphore_mem>>)
    %dma_start3A_1455 = arith.constant 2 : i32
    %dma_start3A_1456 = arith.constant 2 : i32
    %dma_start3A_1457 = arith.constant 0 : i32
    %dma_start3A_1458 = arith.constant 0 : i32
    %dma_start3A_1459 = arith.constant 0 : i32
    %dma_start3A_1460 = arith.constant 0 : i32
    %dma_start3A_1461 = tpu.memref_slice %arg6[%dma_start3A_1457, %dma_start3A_1458, %dma_start3A_1459, %dma_start3A_1456, %dma_start3A_1460] : memref<4x2x8x4x128xf32, #tpu.memory_space<vmem>> -> memref<4x2x8x1x128xf32, #tpu.memory_space<vmem>>
    %dma_start3A_1462 = tpu.memref_squeeze %dma_start3A_1461 : memref<4x2x8x1x128xf32, #tpu.memory_space<vmem>> -> memref<4x2x8x128xf32, #tpu.memory_space<vmem>>
    %dma_start3A_1463 = arith.constant 24 : i32
    %dma_start3A_1464 = arith.constant 0 : i32
    %dma_start3A_1465 = arith.constant 0 : i32
    %dma_start3A_1466 = arith.constant 0 : i32
    %dma_start3A_1467 = tpu.memref_slice %arg2[%add3A, %dma_start3A_1455, %dma_start3A_1463, %dma_start3A_1464, %dma_start3A_1465, %dma_start3A_1466] : memref<32x6x32x2x8x128xf32, #tpu.memory_space<hbm>> -> memref<1x1x4x2x8x128xf32, #tpu.memory_space<hbm>>
    %dma_start3A_1468 = tpu.memref_squeeze %dma_start3A_1467 : memref<1x1x4x2x8x128xf32, #tpu.memory_space<hbm>> -> memref<4x2x8x128xf32, #tpu.memory_space<hbm>>
    %dma_start3A_1469 = arith.constant 0 : i32
    %dma_start3A_1470 = arith.constant 0 : i32
    %dma_start3A_1471 = arith.constant 0 : i32
    %dma_start3A_1472 = arith.constant 0 : i32
    %dma_start3A_1473 = tpu.memref_slice %arg6[%dma_start3A_1469, %dma_start3A_1470, %dma_start3A_1471, %dma_start3A_1456, %dma_start3A_1472] : memref<4x2x8x4x128xf32, #tpu.memory_space<vmem>> -> memref<4x2x8x1x128xf32, #tpu.memory_space<vmem>>
    %dma_start3A_1474 = tpu.memref_squeeze %dma_start3A_1473 : memref<4x2x8x1x128xf32, #tpu.memory_space<vmem>> -> memref<4x2x8x128xf32, #tpu.memory_space<vmem>>
    %dma_start3A_1475 = arith.constant 24 : i32
    %dma_start3A_1476 = arith.constant 0 : i32
    %dma_start3A_1477 = arith.constant 0 : i32
    %dma_start3A_1478 = arith.constant 0 : i32
    %dma_start3A_1479 = tpu.memref_slice %arg2[%add3A, %dma_start3A_1455, %dma_start3A_1475, %dma_start3A_1476, %dma_start3A_1477, %dma_start3A_1478] : memref<32x6x32x2x8x128xf32, #tpu.memory_space<hbm>> -> memref<1x1x4x2x8x128xf32, #tpu.memory_space<hbm>>
    %dma_start3A_1480 = tpu.memref_squeeze %dma_start3A_1479 : memref<1x1x4x2x8x128xf32, #tpu.memory_space<hbm>> -> memref<4x2x8x128xf32, #tpu.memory_space<hbm>>
    tpu.enqueue_dma source(%dma_start3A_1480 : memref<4x2x8x128xf32, #tpu.memory_space<hbm>>) target(%dma_start3A_1474 : memref<4x2x8x128xf32, #tpu.memory_space<vmem>>) target_semaphore(%arg10 : memref<!tpu.dma_semaphore, #tpu.memory_space<semaphore_mem>>)
    %dma_start3A_1481 = arith.constant 3 : i32
    %dma_start3A_1482 = arith.constant 3 : i32
    %dma_start3A_1483 = arith.constant 0 : i32
    %dma_start3A_1484 = arith.constant 0 : i32
    %dma_start3A_1485 = arith.constant 0 : i32
    %dma_start3A_1486 = arith.constant 0 : i32
    %dma_start3A_1487 = tpu.memref_slice %arg6[%dma_start3A_1483, %dma_start3A_1484, %dma_start3A_1485, %dma_start3A_1482, %dma_start3A_1486] : memref<4x2x8x4x128xf32, #tpu.memory_space<vmem>> -> memref<4x2x8x1x128xf32, #tpu.memory_space<vmem>>
    %dma_start3A_1488 = tpu.memref_squeeze %dma_start3A_1487 : memref<4x2x8x1x128xf32, #tpu.memory_space<vmem>> -> memref<4x2x8x128xf32, #tpu.memory_space<vmem>>
    %dma_start3A_1489 = arith.constant 24 : i32
    %dma_start3A_1490 = arith.constant 0 : i32
    %dma_start3A_1491 = arith.constant 0 : i32
    %dma_start3A_1492 = arith.constant 0 : i32
    %dma_start3A_1493 = tpu.memref_slice %arg2[%add3A, %dma_start3A_1481, %dma_start3A_1489, %dma_start3A_1490, %dma_start3A_1491, %dma_start3A_1492] : memref<32x6x32x2x8x128xf32, #tpu.memory_space<hbm>> -> memref<1x1x4x2x8x128xf32, #tpu.memory_space<hbm>>
    %dma_start3A_1494 = tpu.memref_squeeze %dma_start3A_1493 : memref<1x1x4x2x8x128xf32, #tpu.memory_space<hbm>> -> memref<4x2x8x128xf32, #tpu.memory_space<hbm>>
    %dma_start3A_1495 = arith.constant 0 : i32
    %dma_start3A_1496 = arith.constant 0 : i32
    %dma_start3A_1497 = arith.constant 0 : i32
    %dma_start3A_1498 = arith.constant 0 : i32
    %dma_start3A_1499 = tpu.memref_slice %arg6[%dma_start3A_1495, %dma_start3A_1496, %dma_start3A_1497, %dma_start3A_1482, %dma_start3A_1498] : memref<4x2x8x4x128xf32, #tpu.memory_space<vmem>> -> memref<4x2x8x1x128xf32, #tpu.memory_space<vmem>>
    %dma_start3A_1500 = tpu.memref_squeeze %dma_start3A_1499 : memref<4x2x8x1x128xf32, #tpu.memory_space<vmem>> -> memref<4x2x8x128xf32, #tpu.memory_space<vmem>>
    %dma_start3A_1501 = arith.constant 24 : i32
    %dma_start3A_1502 = arith.constant 0 : i32
    %dma_start3A_1503 = arith.constant 0 : i32
    %dma_start3A_1504 = arith.constant 0 : i32
    %dma_start3A_1505 = tpu.memref_slice %arg2[%add3A, %dma_start3A_1481, %dma_start3A_1501, %dma_start3A_1502, %dma_start3A_1503, %dma_start3A_1504] : memref<32x6x32x2x8x128xf32, #tpu.memory_space<hbm>> -> memref<1x1x4x2x8x128xf32, #tpu.memory_space<hbm>>
    %dma_start3A_1506 = tpu.memref_squeeze %dma_start3A_1505 : memref<1x1x4x2x8x128xf32, #tpu.memory_space<hbm>> -> memref<4x2x8x128xf32, #tpu.memory_space<hbm>>
    tpu.enqueue_dma source(%dma_start3A_1506 : memref<4x2x8x128xf32, #tpu.memory_space<hbm>>) target(%dma_start3A_1500 : memref<4x2x8x128xf32, #tpu.memory_space<vmem>>) target_semaphore(%arg10 : memref<!tpu.dma_semaphore, #tpu.memory_space<semaphore_mem>>)
    %dma_wait3A_1507 = arith.constant 0 : i32
    %dma_wait3A_1508 = arith.constant 0 : i32
    %dma_wait3A_1509 = arith.constant 0 : i32
    %dma_wait3A_1510 = arith.constant 0 : i32
    %dma_wait3A_1511 = arith.constant 0 : i32
    %dma_wait3A_1512 = arith.constant 0 : i32
    %dma_wait3A_1513 = tpu.memref_slice %arg4[%dma_wait3A_1509, %dma_wait3A_1510, %dma_wait3A_1511, %dma_wait3A_1508, %dma_wait3A_1512] : memref<4x2x8x4x128xf32, #tpu.memory_space<vmem>> -> memref<4x2x8x1x128xf32, #tpu.memory_space<vmem>>
    %dma_wait3A_1514 = tpu.memref_squeeze %dma_wait3A_1513 : memref<4x2x8x1x128xf32, #tpu.memory_space<vmem>> -> memref<4x2x8x128xf32, #tpu.memory_space<vmem>>
    %dma_wait3A_1515 = arith.constant 16 : i32
    %dma_wait3A_1516 = arith.constant 0 : i32
    %dma_wait3A_1517 = arith.constant 0 : i32
    %dma_wait3A_1518 = arith.constant 0 : i32
    %dma_wait3A_1519 = tpu.memref_slice %arg2[%add3A, %dma_wait3A_1507, %dma_wait3A_1515, %dma_wait3A_1516, %dma_wait3A_1517, %dma_wait3A_1518] : memref<32x6x32x2x8x128xf32, #tpu.memory_space<hbm>> -> memref<1x1x4x2x8x128xf32, #tpu.memory_space<hbm>>
    %dma_wait3A_1520 = tpu.memref_squeeze %dma_wait3A_1519 : memref<1x1x4x2x8x128xf32, #tpu.memory_space<hbm>> -> memref<4x2x8x128xf32, #tpu.memory_space<hbm>>
    %dma_wait3A_1521 = arith.constant 0 : i32
    %dma_wait3A_1522 = arith.constant 0 : i32
    %dma_wait3A_1523 = arith.constant 0 : i32
    %dma_wait3A_1524 = arith.constant 0 : i32
    %dma_wait3A_1525 = tpu.memref_slice %arg4[%dma_wait3A_1521, %dma_wait3A_1522, %dma_wait3A_1523, %dma_wait3A_1508, %dma_wait3A_1524] : memref<4x2x8x4x128xf32, #tpu.memory_space<vmem>> -> memref<4x2x8x1x128xf32, #tpu.memory_space<vmem>>
    %dma_wait3A_1526 = tpu.memref_squeeze %dma_wait3A_1525 : memref<4x2x8x1x128xf32, #tpu.memory_space<vmem>> -> memref<4x2x8x128xf32, #tpu.memory_space<vmem>>
    %dma_wait3A_1527 = arith.constant 16 : i32
    %dma_wait3A_1528 = arith.constant 0 : i32
    %dma_wait3A_1529 = arith.constant 0 : i32
    %dma_wait3A_1530 = arith.constant 0 : i32
    %dma_wait3A_1531 = tpu.memref_slice %arg2[%add3A, %dma_wait3A_1507, %dma_wait3A_1527, %dma_wait3A_1528, %dma_wait3A_1529, %dma_wait3A_1530] : memref<32x6x32x2x8x128xf32, #tpu.memory_space<hbm>> -> memref<1x1x4x2x8x128xf32, #tpu.memory_space<hbm>>
    %dma_wait3A_1532 = tpu.memref_squeeze %dma_wait3A_1531 : memref<1x1x4x2x8x128xf32, #tpu.memory_space<hbm>> -> memref<4x2x8x128xf32, #tpu.memory_space<hbm>>
    tpu.wait_dma2 semaphore(%arg8 : memref<!tpu.dma_semaphore, #tpu.memory_space<semaphore_mem>>) src(%dma_wait3A_1532 : memref<4x2x8x128xf32, #tpu.memory_space<hbm>>) dst(%dma_wait3A_1526 : memref<4x2x8x128xf32, #tpu.memory_space<vmem>>)
    %dma_wait3A_1533 = arith.constant 1 : i32
    %dma_wait3A_1534 = arith.constant 1 : i32
    %dma_wait3A_1535 = arith.constant 0 : i32
    %dma_wait3A_1536 = arith.constant 0 : i32
    %dma_wait3A_1537 = arith.constant 0 : i32
    %dma_wait3A_1538 = arith.constant 0 : i32
    %dma_wait3A_1539 = tpu.memref_slice %arg4[%dma_wait3A_1535, %dma_wait3A_1536, %dma_wait3A_1537, %dma_wait3A_1534, %dma_wait3A_1538] : memref<4x2x8x4x128xf32, #tpu.memory_space<vmem>> -> memref<4x2x8x1x128xf32, #tpu.memory_space<vmem>>
    %dma_wait3A_1540 = tpu.memref_squeeze %dma_wait3A_1539 : memref<4x2x8x1x128xf32, #tpu.memory_space<vmem>> -> memref<4x2x8x128xf32, #tpu.memory_space<vmem>>
    %dma_wait3A_1541 = arith.constant 16 : i32
    %dma_wait3A_1542 = arith.constant 0 : i32
    %dma_wait3A_1543 = arith.constant 0 : i32
    %dma_wait3A_1544 = arith.constant 0 : i32
    %dma_wait3A_1545 = tpu.memref_slice %arg2[%add3A, %dma_wait3A_1533, %dma_wait3A_1541, %dma_wait3A_1542, %dma_wait3A_1543, %dma_wait3A_1544] : memref<32x6x32x2x8x128xf32, #tpu.memory_space<hbm>> -> memref<1x1x4x2x8x128xf32, #tpu.memory_space<hbm>>
    %dma_wait3A_1546 = tpu.memref_squeeze %dma_wait3A_1545 : memref<1x1x4x2x8x128xf32, #tpu.memory_space<hbm>> -> memref<4x2x8x128xf32, #tpu.memory_space<hbm>>
    %dma_wait3A_1547 = arith.constant 0 : i32
    %dma_wait3A_1548 = arith.constant 0 : i32
    %dma_wait3A_1549 = arith.constant 0 : i32
    %dma_wait3A_1550 = arith.constant 0 : i32
    %dma_wait3A_1551 = tpu.memref_slice %arg4[%dma_wait3A_1547, %dma_wait3A_1548, %dma_wait3A_1549, %dma_wait3A_1534, %dma_wait3A_1550] : memref<4x2x8x4x128xf32, #tpu.memory_space<vmem>> -> memref<4x2x8x1x128xf32, #tpu.memory_space<vmem>>
    %dma_wait3A_1552 = tpu.memref_squeeze %dma_wait3A_1551 : memref<4x2x8x1x128xf32, #tpu.memory_space<vmem>> -> memref<4x2x8x128xf32, #tpu.memory_space<vmem>>
    %dma_wait3A_1553 = arith.constant 16 : i32
    %dma_wait3A_1554 = arith.constant 0 : i32
    %dma_wait3A_1555 = arith.constant 0 : i32
    %dma_wait3A_1556 = arith.constant 0 : i32
    %dma_wait3A_1557 = tpu.memref_slice %arg2[%add3A, %dma_wait3A_1533, %dma_wait3A_1553, %dma_wait3A_1554, %dma_wait3A_1555, %dma_wait3A_1556] : memref<32x6x32x2x8x128xf32, #tpu.memory_space<hbm>> -> memref<1x1x4x2x8x128xf32, #tpu.memory_space<hbm>>
    %dma_wait3A_1558 = tpu.memref_squeeze %dma_wait3A_1557 : memref<1x1x4x2x8x128xf32, #tpu.memory_space<hbm>> -> memref<4x2x8x128xf32, #tpu.memory_space<hbm>>
    tpu.wait_dma2 semaphore(%arg8 : memref<!tpu.dma_semaphore, #tpu.memory_space<semaphore_mem>>) src(%dma_wait3A_1558 : memref<4x2x8x128xf32, #tpu.memory_space<hbm>>) dst(%dma_wait3A_1552 : memref<4x2x8x128xf32, #tpu.memory_space<vmem>>)
    %dma_wait3A_1559 = arith.constant 2 : i32
    %dma_wait3A_1560 = arith.constant 2 : i32
    %dma_wait3A_1561 = arith.constant 0 : i32
    %dma_wait3A_1562 = arith.constant 0 : i32
    %dma_wait3A_1563 = arith.constant 0 : i32
    %dma_wait3A_1564 = arith.constant 0 : i32
    %dma_wait3A_1565 = tpu.memref_slice %arg4[%dma_wait3A_1561, %dma_wait3A_1562, %dma_wait3A_1563, %dma_wait3A_1560, %dma_wait3A_1564] : memref<4x2x8x4x128xf32, #tpu.memory_space<vmem>> -> memref<4x2x8x1x128xf32, #tpu.memory_space<vmem>>
    %dma_wait3A_1566 = tpu.memref_squeeze %dma_wait3A_1565 : memref<4x2x8x1x128xf32, #tpu.memory_space<vmem>> -> memref<4x2x8x128xf32, #tpu.memory_space<vmem>>
    %dma_wait3A_1567 = arith.constant 16 : i32
    %dma_wait3A_1568 = arith.constant 0 : i32
    %dma_wait3A_1569 = arith.constant 0 : i32
    %dma_wait3A_1570 = arith.constant 0 : i32
    %dma_wait3A_1571 = tpu.memref_slice %arg2[%add3A, %dma_wait3A_1559, %dma_wait3A_1567, %dma_wait3A_1568, %dma_wait3A_1569, %dma_wait3A_1570] : memref<32x6x32x2x8x128xf32, #tpu.memory_space<hbm>> -> memref<1x1x4x2x8x128xf32, #tpu.memory_space<hbm>>
    %dma_wait3A_1572 = tpu.memref_squeeze %dma_wait3A_1571 : memref<1x1x4x2x8x128xf32, #tpu.memory_space<hbm>> -> memref<4x2x8x128xf32, #tpu.memory_space<hbm>>
    %dma_wait3A_1573 = arith.constant 0 : i32
    %dma_wait3A_1574 = arith.constant 0 : i32
    %dma_wait3A_1575 = arith.constant 0 : i32
    %dma_wait3A_1576 = arith.constant 0 : i32
    %dma_wait3A_1577 = tpu.memref_slice %arg4[%dma_wait3A_1573, %dma_wait3A_1574, %dma_wait3A_1575, %dma_wait3A_1560, %dma_wait3A_1576] : memref<4x2x8x4x128xf32, #tpu.memory_space<vmem>> -> memref<4x2x8x1x128xf32, #tpu.memory_space<vmem>>
    %dma_wait3A_1578 = tpu.memref_squeeze %dma_wait3A_1577 : memref<4x2x8x1x128xf32, #tpu.memory_space<vmem>> -> memref<4x2x8x128xf32, #tpu.memory_space<vmem>>
    %dma_wait3A_1579 = arith.constant 16 : i32
    %dma_wait3A_1580 = arith.constant 0 : i32
    %dma_wait3A_1581 = arith.constant 0 : i32
    %dma_wait3A_1582 = arith.constant 0 : i32
    %dma_wait3A_1583 = tpu.memref_slice %arg2[%add3A, %dma_wait3A_1559, %dma_wait3A_1579, %dma_wait3A_1580, %dma_wait3A_1581, %dma_wait3A_1582] : memref<32x6x32x2x8x128xf32, #tpu.memory_space<hbm>> -> memref<1x1x4x2x8x128xf32, #tpu.memory_space<hbm>>
    %dma_wait3A_1584 = tpu.memref_squeeze %dma_wait3A_1583 : memref<1x1x4x2x8x128xf32, #tpu.memory_space<hbm>> -> memref<4x2x8x128xf32, #tpu.memory_space<hbm>>
    tpu.wait_dma2 semaphore(%arg8 : memref<!tpu.dma_semaphore, #tpu.memory_space<semaphore_mem>>) src(%dma_wait3A_1584 : memref<4x2x8x128xf32, #tpu.memory_space<hbm>>) dst(%dma_wait3A_1578 : memref<4x2x8x128xf32, #tpu.memory_space<vmem>>)
    %dma_wait3A_1585 = arith.constant 3 : i32
    %dma_wait3A_1586 = arith.constant 3 : i32
    %dma_wait3A_1587 = arith.constant 0 : i32
    %dma_wait3A_1588 = arith.constant 0 : i32
    %dma_wait3A_1589 = arith.constant 0 : i32
    %dma_wait3A_1590 = arith.constant 0 : i32
    %dma_wait3A_1591 = tpu.memref_slice %arg4[%dma_wait3A_1587, %dma_wait3A_1588, %dma_wait3A_1589, %dma_wait3A_1586, %dma_wait3A_1590] : memref<4x2x8x4x128xf32, #tpu.memory_space<vmem>> -> memref<4x2x8x1x128xf32, #tpu.memory_space<vmem>>
    %dma_wait3A_1592 = tpu.memref_squeeze %dma_wait3A_1591 : memref<4x2x8x1x128xf32, #tpu.memory_space<vmem>> -> memref<4x2x8x128xf32, #tpu.memory_space<vmem>>
    %dma_wait3A_1593 = arith.constant 16 : i32
    %dma_wait3A_1594 = arith.constant 0 : i32
    %dma_wait3A_1595 = arith.constant 0 : i32
    %dma_wait3A_1596 = arith.constant 0 : i32
    %dma_wait3A_1597 = tpu.memref_slice %arg2[%add3A, %dma_wait3A_1585, %dma_wait3A_1593, %dma_wait3A_1594, %dma_wait3A_1595, %dma_wait3A_1596] : memref<32x6x32x2x8x128xf32, #tpu.memory_space<hbm>> -> memref<1x1x4x2x8x128xf32, #tpu.memory_space<hbm>>
    %dma_wait3A_1598 = tpu.memref_squeeze %dma_wait3A_1597 : memref<1x1x4x2x8x128xf32, #tpu.memory_space<hbm>> -> memref<4x2x8x128xf32, #tpu.memory_space<hbm>>
    %dma_wait3A_1599 = arith.constant 0 : i32
    %dma_wait3A_1600 = arith.constant 0 : i32
    %dma_wait3A_1601 = arith.constant 0 : i32
    %dma_wait3A_1602 = arith.constant 0 : i32
    %dma_wait3A_1603 = tpu.memref_slice %arg4[%dma_wait3A_1599, %dma_wait3A_1600, %dma_wait3A_1601, %dma_wait3A_1586, %dma_wait3A_1602] : memref<4x2x8x4x128xf32, #tpu.memory_space<vmem>> -> memref<4x2x8x1x128xf32, #tpu.memory_space<vmem>>
    %dma_wait3A_1604 = tpu.memref_squeeze %dma_wait3A_1603 : memref<4x2x8x1x128xf32, #tpu.memory_space<vmem>> -> memref<4x2x8x128xf32, #tpu.memory_space<vmem>>
    %dma_wait3A_1605 = arith.constant 16 : i32
    %dma_wait3A_1606 = arith.constant 0 : i32
    %dma_wait3A_1607 = arith.constant 0 : i32
    %dma_wait3A_1608 = arith.constant 0 : i32
    %dma_wait3A_1609 = tpu.memref_slice %arg2[%add3A, %dma_wait3A_1585, %dma_wait3A_1605, %dma_wait3A_1606, %dma_wait3A_1607, %dma_wait3A_1608] : memref<32x6x32x2x8x128xf32, #tpu.memory_space<hbm>> -> memref<1x1x4x2x8x128xf32, #tpu.memory_space<hbm>>
    %dma_wait3A_1610 = tpu.memref_squeeze %dma_wait3A_1609 : memref<1x1x4x2x8x128xf32, #tpu.memory_space<hbm>> -> memref<4x2x8x128xf32, #tpu.memory_space<hbm>>
    tpu.wait_dma2 semaphore(%arg8 : memref<!tpu.dma_semaphore, #tpu.memory_space<semaphore_mem>>) src(%dma_wait3A_1610 : memref<4x2x8x128xf32, #tpu.memory_space<hbm>>) dst(%dma_wait3A_1604 : memref<4x2x8x128xf32, #tpu.memory_space<vmem>>)
    %dma_start3A_1611 = arith.constant 0 : i32
    %dma_start3A_1612 = arith.constant 0 : i32
    %dma_start3A_1613 = arith.constant 0 : i32
    %dma_start3A_1614 = arith.constant 0 : i32
    %dma_start3A_1615 = arith.constant 0 : i32
    %dma_start3A_1616 = arith.constant 0 : i32
    %dma_start3A_1617 = tpu.memref_slice %arg4[%dma_start3A_1613, %dma_start3A_1611, %dma_start3A_1614, %dma_start3A_1615, %dma_start3A_1616] : memref<4x2x8x4x128xf32, #tpu.memory_space<vmem>> -> memref<4x1x8x4x128xf32, #tpu.memory_space<vmem>>
    %dma_start3A_1618 = tpu.memref_squeeze %dma_start3A_1617 : memref<4x1x8x4x128xf32, #tpu.memory_space<vmem>> -> memref<4x8x4x128xf32, #tpu.memory_space<vmem>>
    %dma_start3A_1619 = arith.constant 16 : i32
    %dma_start3A_1620 = arith.constant 0 : i32
    %dma_start3A_1621 = arith.constant 0 : i32
    %dma_start3A_1622 = arith.constant 0 : i32
    %dma_start3A_1623 = tpu.memref_slice %arg3[%add3A, %dma_start3A_1619, %dma_start3A_1620, %dma_start3A_1612, %dma_start3A_1621, %dma_start3A_1622] : memref<32x32x8x2x4x128xf32, #tpu.memory_space<hbm>> -> memref<1x4x8x1x4x128xf32, #tpu.memory_space<hbm>>
    %dma_start3A_1624 = tpu.memref_squeeze %dma_start3A_1623 : memref<1x4x8x1x4x128xf32, #tpu.memory_space<hbm>> -> memref<4x8x4x128xf32, #tpu.memory_space<hbm>>
    %dma_start3A_1625 = arith.constant 16 : i32
    %dma_start3A_1626 = arith.constant 0 : i32
    %dma_start3A_1627 = arith.constant 0 : i32
    %dma_start3A_1628 = arith.constant 0 : i32
    %dma_start3A_1629 = tpu.memref_slice %arg3[%add3A, %dma_start3A_1625, %dma_start3A_1626, %dma_start3A_1612, %dma_start3A_1627, %dma_start3A_1628] : memref<32x32x8x2x4x128xf32, #tpu.memory_space<hbm>> -> memref<1x4x8x1x4x128xf32, #tpu.memory_space<hbm>>
    %dma_start3A_1630 = tpu.memref_squeeze %dma_start3A_1629 : memref<1x4x8x1x4x128xf32, #tpu.memory_space<hbm>> -> memref<4x8x4x128xf32, #tpu.memory_space<hbm>>
    %dma_start3A_1631 = arith.constant 0 : i32
    %dma_start3A_1632 = arith.constant 0 : i32
    %dma_start3A_1633 = arith.constant 0 : i32
    %dma_start3A_1634 = arith.constant 0 : i32
    %dma_start3A_1635 = tpu.memref_slice %arg4[%dma_start3A_1631, %dma_start3A_1611, %dma_start3A_1632, %dma_start3A_1633, %dma_start3A_1634] : memref<4x2x8x4x128xf32, #tpu.memory_space<vmem>> -> memref<4x1x8x4x128xf32, #tpu.memory_space<vmem>>
    %dma_start3A_1636 = tpu.memref_squeeze %dma_start3A_1635 : memref<4x1x8x4x128xf32, #tpu.memory_space<vmem>> -> memref<4x8x4x128xf32, #tpu.memory_space<vmem>>
    tpu.enqueue_dma source(%dma_start3A_1636 : memref<4x8x4x128xf32, #tpu.memory_space<vmem>>) target(%dma_start3A_1630 : memref<4x8x4x128xf32, #tpu.memory_space<hbm>>) target_semaphore(%arg12 : memref<!tpu.dma_semaphore, #tpu.memory_space<semaphore_mem>>)
    %dma_start3A_1637 = arith.constant 1 : i32
    %dma_start3A_1638 = arith.constant 1 : i32
    %dma_start3A_1639 = arith.constant 0 : i32
    %dma_start3A_1640 = arith.constant 0 : i32
    %dma_start3A_1641 = arith.constant 0 : i32
    %dma_start3A_1642 = arith.constant 0 : i32
    %dma_start3A_1643 = tpu.memref_slice %arg4[%dma_start3A_1639, %dma_start3A_1637, %dma_start3A_1640, %dma_start3A_1641, %dma_start3A_1642] : memref<4x2x8x4x128xf32, #tpu.memory_space<vmem>> -> memref<4x1x8x4x128xf32, #tpu.memory_space<vmem>>
    %dma_start3A_1644 = tpu.memref_squeeze %dma_start3A_1643 : memref<4x1x8x4x128xf32, #tpu.memory_space<vmem>> -> memref<4x8x4x128xf32, #tpu.memory_space<vmem>>
    %dma_start3A_1645 = arith.constant 16 : i32
    %dma_start3A_1646 = arith.constant 0 : i32
    %dma_start3A_1647 = arith.constant 0 : i32
    %dma_start3A_1648 = arith.constant 0 : i32
    %dma_start3A_1649 = tpu.memref_slice %arg3[%add3A, %dma_start3A_1645, %dma_start3A_1646, %dma_start3A_1638, %dma_start3A_1647, %dma_start3A_1648] : memref<32x32x8x2x4x128xf32, #tpu.memory_space<hbm>> -> memref<1x4x8x1x4x128xf32, #tpu.memory_space<hbm>>
    %dma_start3A_1650 = tpu.memref_squeeze %dma_start3A_1649 : memref<1x4x8x1x4x128xf32, #tpu.memory_space<hbm>> -> memref<4x8x4x128xf32, #tpu.memory_space<hbm>>
    %dma_start3A_1651 = arith.constant 16 : i32
    %dma_start3A_1652 = arith.constant 0 : i32
    %dma_start3A_1653 = arith.constant 0 : i32
    %dma_start3A_1654 = arith.constant 0 : i32
    %dma_start3A_1655 = tpu.memref_slice %arg3[%add3A, %dma_start3A_1651, %dma_start3A_1652, %dma_start3A_1638, %dma_start3A_1653, %dma_start3A_1654] : memref<32x32x8x2x4x128xf32, #tpu.memory_space<hbm>> -> memref<1x4x8x1x4x128xf32, #tpu.memory_space<hbm>>
    %dma_start3A_1656 = tpu.memref_squeeze %dma_start3A_1655 : memref<1x4x8x1x4x128xf32, #tpu.memory_space<hbm>> -> memref<4x8x4x128xf32, #tpu.memory_space<hbm>>
    %dma_start3A_1657 = arith.constant 0 : i32
    %dma_start3A_1658 = arith.constant 0 : i32
    %dma_start3A_1659 = arith.constant 0 : i32
    %dma_start3A_1660 = arith.constant 0 : i32
    %dma_start3A_1661 = tpu.memref_slice %arg4[%dma_start3A_1657, %dma_start3A_1637, %dma_start3A_1658, %dma_start3A_1659, %dma_start3A_1660] : memref<4x2x8x4x128xf32, #tpu.memory_space<vmem>> -> memref<4x1x8x4x128xf32, #tpu.memory_space<vmem>>
    %dma_start3A_1662 = tpu.memref_squeeze %dma_start3A_1661 : memref<4x1x8x4x128xf32, #tpu.memory_space<vmem>> -> memref<4x8x4x128xf32, #tpu.memory_space<vmem>>
    tpu.enqueue_dma source(%dma_start3A_1662 : memref<4x8x4x128xf32, #tpu.memory_space<vmem>>) target(%dma_start3A_1656 : memref<4x8x4x128xf32, #tpu.memory_space<hbm>>) target_semaphore(%arg12 : memref<!tpu.dma_semaphore, #tpu.memory_space<semaphore_mem>>)
    %dma_wait3A_1663 = arith.constant 0 : i32
    %dma_wait3A_1664 = arith.constant 0 : i32
    %dma_wait3A_1665 = arith.constant 0 : i32
    %dma_wait3A_1666 = arith.constant 0 : i32
    %dma_wait3A_1667 = arith.constant 0 : i32
    %dma_wait3A_1668 = arith.constant 0 : i32
    %dma_wait3A_1669 = tpu.memref_slice %arg7[%dma_wait3A_1665, %dma_wait3A_1663, %dma_wait3A_1666, %dma_wait3A_1667, %dma_wait3A_1668] : memref<4x2x8x4x128xf32, #tpu.memory_space<vmem>> -> memref<4x1x8x4x128xf32, #tpu.memory_space<vmem>>
    %dma_wait3A_1670 = tpu.memref_squeeze %dma_wait3A_1669 : memref<4x1x8x4x128xf32, #tpu.memory_space<vmem>> -> memref<4x8x4x128xf32, #tpu.memory_space<vmem>>
    %dma_wait3A_1671 = arith.constant 12 : i32
    %dma_wait3A_1672 = arith.constant 0 : i32
    %dma_wait3A_1673 = arith.constant 0 : i32
    %dma_wait3A_1674 = arith.constant 0 : i32
    %dma_wait3A_1675 = tpu.memref_slice %arg3[%add3A, %dma_wait3A_1671, %dma_wait3A_1672, %dma_wait3A_1664, %dma_wait3A_1673, %dma_wait3A_1674] : memref<32x32x8x2x4x128xf32, #tpu.memory_space<hbm>> -> memref<1x4x8x1x4x128xf32, #tpu.memory_space<hbm>>
    %dma_wait3A_1676 = tpu.memref_squeeze %dma_wait3A_1675 : memref<1x4x8x1x4x128xf32, #tpu.memory_space<hbm>> -> memref<4x8x4x128xf32, #tpu.memory_space<hbm>>
    %dma_wait3A_1677 = arith.constant 12 : i32
    %dma_wait3A_1678 = arith.constant 0 : i32
    %dma_wait3A_1679 = arith.constant 0 : i32
    %dma_wait3A_1680 = arith.constant 0 : i32
    %dma_wait3A_1681 = tpu.memref_slice %arg3[%add3A, %dma_wait3A_1677, %dma_wait3A_1678, %dma_wait3A_1664, %dma_wait3A_1679, %dma_wait3A_1680] : memref<32x32x8x2x4x128xf32, #tpu.memory_space<hbm>> -> memref<1x4x8x1x4x128xf32, #tpu.memory_space<hbm>>
    %dma_wait3A_1682 = tpu.memref_squeeze %dma_wait3A_1681 : memref<1x4x8x1x4x128xf32, #tpu.memory_space<hbm>> -> memref<4x8x4x128xf32, #tpu.memory_space<hbm>>
    %dma_wait3A_1683 = arith.constant 0 : i32
    %dma_wait3A_1684 = arith.constant 0 : i32
    %dma_wait3A_1685 = arith.constant 0 : i32
    %dma_wait3A_1686 = arith.constant 0 : i32
    %dma_wait3A_1687 = tpu.memref_slice %arg7[%dma_wait3A_1683, %dma_wait3A_1663, %dma_wait3A_1684, %dma_wait3A_1685, %dma_wait3A_1686] : memref<4x2x8x4x128xf32, #tpu.memory_space<vmem>> -> memref<4x1x8x4x128xf32, #tpu.memory_space<vmem>>
    %dma_wait3A_1688 = tpu.memref_squeeze %dma_wait3A_1687 : memref<4x1x8x4x128xf32, #tpu.memory_space<vmem>> -> memref<4x8x4x128xf32, #tpu.memory_space<vmem>>
    tpu.wait_dma2 semaphore(%arg15 : memref<!tpu.dma_semaphore, #tpu.memory_space<semaphore_mem>>) src(%dma_wait3A_1688 : memref<4x8x4x128xf32, #tpu.memory_space<vmem>>) dst(%dma_wait3A_1682 : memref<4x8x4x128xf32, #tpu.memory_space<hbm>>)
    %dma_wait3A_1689 = arith.constant 1 : i32
    %dma_wait3A_1690 = arith.constant 1 : i32
    %dma_wait3A_1691 = arith.constant 0 : i32
    %dma_wait3A_1692 = arith.constant 0 : i32
    %dma_wait3A_1693 = arith.constant 0 : i32
    %dma_wait3A_1694 = arith.constant 0 : i32
    %dma_wait3A_1695 = tpu.memref_slice %arg7[%dma_wait3A_1691, %dma_wait3A_1689, %dma_wait3A_1692, %dma_wait3A_1693, %dma_wait3A_1694] : memref<4x2x8x4x128xf32, #tpu.memory_space<vmem>> -> memref<4x1x8x4x128xf32, #tpu.memory_space<vmem>>
    %dma_wait3A_1696 = tpu.memref_squeeze %dma_wait3A_1695 : memref<4x1x8x4x128xf32, #tpu.memory_space<vmem>> -> memref<4x8x4x128xf32, #tpu.memory_space<vmem>>
    %dma_wait3A_1697 = arith.constant 12 : i32
    %dma_wait3A_1698 = arith.constant 0 : i32
    %dma_wait3A_1699 = arith.constant 0 : i32
    %dma_wait3A_1700 = arith.constant 0 : i32
    %dma_wait3A_1701 = tpu.memref_slice %arg3[%add3A, %dma_wait3A_1697, %dma_wait3A_1698, %dma_wait3A_1690, %dma_wait3A_1699, %dma_wait3A_1700] : memref<32x32x8x2x4x128xf32, #tpu.memory_space<hbm>> -> memref<1x4x8x1x4x128xf32, #tpu.memory_space<hbm>>
    %dma_wait3A_1702 = tpu.memref_squeeze %dma_wait3A_1701 : memref<1x4x8x1x4x128xf32, #tpu.memory_space<hbm>> -> memref<4x8x4x128xf32, #tpu.memory_space<hbm>>
    %dma_wait3A_1703 = arith.constant 12 : i32
    %dma_wait3A_1704 = arith.constant 0 : i32
    %dma_wait3A_1705 = arith.constant 0 : i32
    %dma_wait3A_1706 = arith.constant 0 : i32
    %dma_wait3A_1707 = tpu.memref_slice %arg3[%add3A, %dma_wait3A_1703, %dma_wait3A_1704, %dma_wait3A_1690, %dma_wait3A_1705, %dma_wait3A_1706] : memref<32x32x8x2x4x128xf32, #tpu.memory_space<hbm>> -> memref<1x4x8x1x4x128xf32, #tpu.memory_space<hbm>>
    %dma_wait3A_1708 = tpu.memref_squeeze %dma_wait3A_1707 : memref<1x4x8x1x4x128xf32, #tpu.memory_space<hbm>> -> memref<4x8x4x128xf32, #tpu.memory_space<hbm>>
    %dma_wait3A_1709 = arith.constant 0 : i32
    %dma_wait3A_1710 = arith.constant 0 : i32
    %dma_wait3A_1711 = arith.constant 0 : i32
    %dma_wait3A_1712 = arith.constant 0 : i32
    %dma_wait3A_1713 = tpu.memref_slice %arg7[%dma_wait3A_1709, %dma_wait3A_1689, %dma_wait3A_1710, %dma_wait3A_1711, %dma_wait3A_1712] : memref<4x2x8x4x128xf32, #tpu.memory_space<vmem>> -> memref<4x1x8x4x128xf32, #tpu.memory_space<vmem>>
    %dma_wait3A_1714 = tpu.memref_squeeze %dma_wait3A_1713 : memref<4x1x8x4x128xf32, #tpu.memory_space<vmem>> -> memref<4x8x4x128xf32, #tpu.memory_space<vmem>>
    tpu.wait_dma2 semaphore(%arg15 : memref<!tpu.dma_semaphore, #tpu.memory_space<semaphore_mem>>) src(%dma_wait3A_1714 : memref<4x8x4x128xf32, #tpu.memory_space<vmem>>) dst(%dma_wait3A_1708 : memref<4x8x4x128xf32, #tpu.memory_space<hbm>>)
    %dma_start3A_1715 = arith.constant 0 : i32
    %dma_start3A_1716 = arith.constant 0 : i32
    %dma_start3A_1717 = arith.constant 0 : i32
    %dma_start3A_1718 = arith.constant 0 : i32
    %dma_start3A_1719 = arith.constant 0 : i32
    %dma_start3A_1720 = arith.constant 0 : i32
    %dma_start3A_1721 = tpu.memref_slice %arg7[%dma_start3A_1717, %dma_start3A_1718, %dma_start3A_1719, %dma_start3A_1716, %dma_start3A_1720] : memref<4x2x8x4x128xf32, #tpu.memory_space<vmem>> -> memref<4x2x8x1x128xf32, #tpu.memory_space<vmem>>
    %dma_start3A_1722 = tpu.memref_squeeze %dma_start3A_1721 : memref<4x2x8x1x128xf32, #tpu.memory_space<vmem>> -> memref<4x2x8x128xf32, #tpu.memory_space<vmem>>
    %dma_start3A_1723 = arith.constant 28 : i32
    %dma_start3A_1724 = arith.constant 0 : i32
    %dma_start3A_1725 = arith.constant 0 : i32
    %dma_start3A_1726 = arith.constant 0 : i32
    %dma_start3A_1727 = tpu.memref_slice %arg2[%add3A, %dma_start3A_1715, %dma_start3A_1723, %dma_start3A_1724, %dma_start3A_1725, %dma_start3A_1726] : memref<32x6x32x2x8x128xf32, #tpu.memory_space<hbm>> -> memref<1x1x4x2x8x128xf32, #tpu.memory_space<hbm>>
    %dma_start3A_1728 = tpu.memref_squeeze %dma_start3A_1727 : memref<1x1x4x2x8x128xf32, #tpu.memory_space<hbm>> -> memref<4x2x8x128xf32, #tpu.memory_space<hbm>>
    %dma_start3A_1729 = arith.constant 0 : i32
    %dma_start3A_1730 = arith.constant 0 : i32
    %dma_start3A_1731 = arith.constant 0 : i32
    %dma_start3A_1732 = arith.constant 0 : i32
    %dma_start3A_1733 = tpu.memref_slice %arg7[%dma_start3A_1729, %dma_start3A_1730, %dma_start3A_1731, %dma_start3A_1716, %dma_start3A_1732] : memref<4x2x8x4x128xf32, #tpu.memory_space<vmem>> -> memref<4x2x8x1x128xf32, #tpu.memory_space<vmem>>
    %dma_start3A_1734 = tpu.memref_squeeze %dma_start3A_1733 : memref<4x2x8x1x128xf32, #tpu.memory_space<vmem>> -> memref<4x2x8x128xf32, #tpu.memory_space<vmem>>
    %dma_start3A_1735 = arith.constant 28 : i32
    %dma_start3A_1736 = arith.constant 0 : i32
    %dma_start3A_1737 = arith.constant 0 : i32
    %dma_start3A_1738 = arith.constant 0 : i32
    %dma_start3A_1739 = tpu.memref_slice %arg2[%add3A, %dma_start3A_1715, %dma_start3A_1735, %dma_start3A_1736, %dma_start3A_1737, %dma_start3A_1738] : memref<32x6x32x2x8x128xf32, #tpu.memory_space<hbm>> -> memref<1x1x4x2x8x128xf32, #tpu.memory_space<hbm>>
    %dma_start3A_1740 = tpu.memref_squeeze %dma_start3A_1739 : memref<1x1x4x2x8x128xf32, #tpu.memory_space<hbm>> -> memref<4x2x8x128xf32, #tpu.memory_space<hbm>>
    tpu.enqueue_dma source(%dma_start3A_1740 : memref<4x2x8x128xf32, #tpu.memory_space<hbm>>) target(%dma_start3A_1734 : memref<4x2x8x128xf32, #tpu.memory_space<vmem>>) target_semaphore(%arg11 : memref<!tpu.dma_semaphore, #tpu.memory_space<semaphore_mem>>)
    %dma_start3A_1741 = arith.constant 1 : i32
    %dma_start3A_1742 = arith.constant 1 : i32
    %dma_start3A_1743 = arith.constant 0 : i32
    %dma_start3A_1744 = arith.constant 0 : i32
    %dma_start3A_1745 = arith.constant 0 : i32
    %dma_start3A_1746 = arith.constant 0 : i32
    %dma_start3A_1747 = tpu.memref_slice %arg7[%dma_start3A_1743, %dma_start3A_1744, %dma_start3A_1745, %dma_start3A_1742, %dma_start3A_1746] : memref<4x2x8x4x128xf32, #tpu.memory_space<vmem>> -> memref<4x2x8x1x128xf32, #tpu.memory_space<vmem>>
    %dma_start3A_1748 = tpu.memref_squeeze %dma_start3A_1747 : memref<4x2x8x1x128xf32, #tpu.memory_space<vmem>> -> memref<4x2x8x128xf32, #tpu.memory_space<vmem>>
    %dma_start3A_1749 = arith.constant 28 : i32
    %dma_start3A_1750 = arith.constant 0 : i32
    %dma_start3A_1751 = arith.constant 0 : i32
    %dma_start3A_1752 = arith.constant 0 : i32
    %dma_start3A_1753 = tpu.memref_slice %arg2[%add3A, %dma_start3A_1741, %dma_start3A_1749, %dma_start3A_1750, %dma_start3A_1751, %dma_start3A_1752] : memref<32x6x32x2x8x128xf32, #tpu.memory_space<hbm>> -> memref<1x1x4x2x8x128xf32, #tpu.memory_space<hbm>>
    %dma_start3A_1754 = tpu.memref_squeeze %dma_start3A_1753 : memref<1x1x4x2x8x128xf32, #tpu.memory_space<hbm>> -> memref<4x2x8x128xf32, #tpu.memory_space<hbm>>
    %dma_start3A_1755 = arith.constant 0 : i32
    %dma_start3A_1756 = arith.constant 0 : i32
    %dma_start3A_1757 = arith.constant 0 : i32
    %dma_start3A_1758 = arith.constant 0 : i32
    %dma_start3A_1759 = tpu.memref_slice %arg7[%dma_start3A_1755, %dma_start3A_1756, %dma_start3A_1757, %dma_start3A_1742, %dma_start3A_1758] : memref<4x2x8x4x128xf32, #tpu.memory_space<vmem>> -> memref<4x2x8x1x128xf32, #tpu.memory_space<vmem>>
    %dma_start3A_1760 = tpu.memref_squeeze %dma_start3A_1759 : memref<4x2x8x1x128xf32, #tpu.memory_space<vmem>> -> memref<4x2x8x128xf32, #tpu.memory_space<vmem>>
    %dma_start3A_1761 = arith.constant 28 : i32
    %dma_start3A_1762 = arith.constant 0 : i32
    %dma_start3A_1763 = arith.constant 0 : i32
    %dma_start3A_1764 = arith.constant 0 : i32
    %dma_start3A_1765 = tpu.memref_slice %arg2[%add3A, %dma_start3A_1741, %dma_start3A_1761, %dma_start3A_1762, %dma_start3A_1763, %dma_start3A_1764] : memref<32x6x32x2x8x128xf32, #tpu.memory_space<hbm>> -> memref<1x1x4x2x8x128xf32, #tpu.memory_space<hbm>>
    %dma_start3A_1766 = tpu.memref_squeeze %dma_start3A_1765 : memref<1x1x4x2x8x128xf32, #tpu.memory_space<hbm>> -> memref<4x2x8x128xf32, #tpu.memory_space<hbm>>
    tpu.enqueue_dma source(%dma_start3A_1766 : memref<4x2x8x128xf32, #tpu.memory_space<hbm>>) target(%dma_start3A_1760 : memref<4x2x8x128xf32, #tpu.memory_space<vmem>>) target_semaphore(%arg11 : memref<!tpu.dma_semaphore, #tpu.memory_space<semaphore_mem>>)
    %dma_start3A_1767 = arith.constant 2 : i32
    %dma_start3A_1768 = arith.constant 2 : i32
    %dma_start3A_1769 = arith.constant 0 : i32
    %dma_start3A_1770 = arith.constant 0 : i32
    %dma_start3A_1771 = arith.constant 0 : i32
    %dma_start3A_1772 = arith.constant 0 : i32
    %dma_start3A_1773 = tpu.memref_slice %arg7[%dma_start3A_1769, %dma_start3A_1770, %dma_start3A_1771, %dma_start3A_1768, %dma_start3A_1772] : memref<4x2x8x4x128xf32, #tpu.memory_space<vmem>> -> memref<4x2x8x1x128xf32, #tpu.memory_space<vmem>>
    %dma_start3A_1774 = tpu.memref_squeeze %dma_start3A_1773 : memref<4x2x8x1x128xf32, #tpu.memory_space<vmem>> -> memref<4x2x8x128xf32, #tpu.memory_space<vmem>>
    %dma_start3A_1775 = arith.constant 28 : i32
    %dma_start3A_1776 = arith.constant 0 : i32
    %dma_start3A_1777 = arith.constant 0 : i32
    %dma_start3A_1778 = arith.constant 0 : i32
    %dma_start3A_1779 = tpu.memref_slice %arg2[%add3A, %dma_start3A_1767, %dma_start3A_1775, %dma_start3A_1776, %dma_start3A_1777, %dma_start3A_1778] : memref<32x6x32x2x8x128xf32, #tpu.memory_space<hbm>> -> memref<1x1x4x2x8x128xf32, #tpu.memory_space<hbm>>
    %dma_start3A_1780 = tpu.memref_squeeze %dma_start3A_1779 : memref<1x1x4x2x8x128xf32, #tpu.memory_space<hbm>> -> memref<4x2x8x128xf32, #tpu.memory_space<hbm>>
    %dma_start3A_1781 = arith.constant 0 : i32
    %dma_start3A_1782 = arith.constant 0 : i32
    %dma_start3A_1783 = arith.constant 0 : i32
    %dma_start3A_1784 = arith.constant 0 : i32
    %dma_start3A_1785 = tpu.memref_slice %arg7[%dma_start3A_1781, %dma_start3A_1782, %dma_start3A_1783, %dma_start3A_1768, %dma_start3A_1784] : memref<4x2x8x4x128xf32, #tpu.memory_space<vmem>> -> memref<4x2x8x1x128xf32, #tpu.memory_space<vmem>>
    %dma_start3A_1786 = tpu.memref_squeeze %dma_start3A_1785 : memref<4x2x8x1x128xf32, #tpu.memory_space<vmem>> -> memref<4x2x8x128xf32, #tpu.memory_space<vmem>>
    %dma_start3A_1787 = arith.constant 28 : i32
    %dma_start3A_1788 = arith.constant 0 : i32
    %dma_start3A_1789 = arith.constant 0 : i32
    %dma_start3A_1790 = arith.constant 0 : i32
    %dma_start3A_1791 = tpu.memref_slice %arg2[%add3A, %dma_start3A_1767, %dma_start3A_1787, %dma_start3A_1788, %dma_start3A_1789, %dma_start3A_1790] : memref<32x6x32x2x8x128xf32, #tpu.memory_space<hbm>> -> memref<1x1x4x2x8x128xf32, #tpu.memory_space<hbm>>
    %dma_start3A_1792 = tpu.memref_squeeze %dma_start3A_1791 : memref<1x1x4x2x8x128xf32, #tpu.memory_space<hbm>> -> memref<4x2x8x128xf32, #tpu.memory_space<hbm>>
    tpu.enqueue_dma source(%dma_start3A_1792 : memref<4x2x8x128xf32, #tpu.memory_space<hbm>>) target(%dma_start3A_1786 : memref<4x2x8x128xf32, #tpu.memory_space<vmem>>) target_semaphore(%arg11 : memref<!tpu.dma_semaphore, #tpu.memory_space<semaphore_mem>>)
    %dma_start3A_1793 = arith.constant 3 : i32
    %dma_start3A_1794 = arith.constant 3 : i32
    %dma_start3A_1795 = arith.constant 0 : i32
    %dma_start3A_1796 = arith.constant 0 : i32
    %dma_start3A_1797 = arith.constant 0 : i32
    %dma_start3A_1798 = arith.constant 0 : i32
    %dma_start3A_1799 = tpu.memref_slice %arg7[%dma_start3A_1795, %dma_start3A_1796, %dma_start3A_1797, %dma_start3A_1794, %dma_start3A_1798] : memref<4x2x8x4x128xf32, #tpu.memory_space<vmem>> -> memref<4x2x8x1x128xf32, #tpu.memory_space<vmem>>
    %dma_start3A_1800 = tpu.memref_squeeze %dma_start3A_1799 : memref<4x2x8x1x128xf32, #tpu.memory_space<vmem>> -> memref<4x2x8x128xf32, #tpu.memory_space<vmem>>
    %dma_start3A_1801 = arith.constant 28 : i32
    %dma_start3A_1802 = arith.constant 0 : i32
    %dma_start3A_1803 = arith.constant 0 : i32
    %dma_start3A_1804 = arith.constant 0 : i32
    %dma_start3A_1805 = tpu.memref_slice %arg2[%add3A, %dma_start3A_1793, %dma_start3A_1801, %dma_start3A_1802, %dma_start3A_1803, %dma_start3A_1804] : memref<32x6x32x2x8x128xf32, #tpu.memory_space<hbm>> -> memref<1x1x4x2x8x128xf32, #tpu.memory_space<hbm>>
    %dma_start3A_1806 = tpu.memref_squeeze %dma_start3A_1805 : memref<1x1x4x2x8x128xf32, #tpu.memory_space<hbm>> -> memref<4x2x8x128xf32, #tpu.memory_space<hbm>>
    %dma_start3A_1807 = arith.constant 0 : i32
    %dma_start3A_1808 = arith.constant 0 : i32
    %dma_start3A_1809 = arith.constant 0 : i32
    %dma_start3A_1810 = arith.constant 0 : i32
    %dma_start3A_1811 = tpu.memref_slice %arg7[%dma_start3A_1807, %dma_start3A_1808, %dma_start3A_1809, %dma_start3A_1794, %dma_start3A_1810] : memref<4x2x8x4x128xf32, #tpu.memory_space<vmem>> -> memref<4x2x8x1x128xf32, #tpu.memory_space<vmem>>
    %dma_start3A_1812 = tpu.memref_squeeze %dma_start3A_1811 : memref<4x2x8x1x128xf32, #tpu.memory_space<vmem>> -> memref<4x2x8x128xf32, #tpu.memory_space<vmem>>
    %dma_start3A_1813 = arith.constant 28 : i32
    %dma_start3A_1814 = arith.constant 0 : i32
    %dma_start3A_1815 = arith.constant 0 : i32
    %dma_start3A_1816 = arith.constant 0 : i32
    %dma_start3A_1817 = tpu.memref_slice %arg2[%add3A, %dma_start3A_1793, %dma_start3A_1813, %dma_start3A_1814, %dma_start3A_1815, %dma_start3A_1816] : memref<32x6x32x2x8x128xf32, #tpu.memory_space<hbm>> -> memref<1x1x4x2x8x128xf32, #tpu.memory_space<hbm>>
    %dma_start3A_1818 = tpu.memref_squeeze %dma_start3A_1817 : memref<1x1x4x2x8x128xf32, #tpu.memory_space<hbm>> -> memref<4x2x8x128xf32, #tpu.memory_space<hbm>>
    tpu.enqueue_dma source(%dma_start3A_1818 : memref<4x2x8x128xf32, #tpu.memory_space<hbm>>) target(%dma_start3A_1812 : memref<4x2x8x128xf32, #tpu.memory_space<vmem>>) target_semaphore(%arg11 : memref<!tpu.dma_semaphore, #tpu.memory_space<semaphore_mem>>)
    %dma_wait3A_1819 = arith.constant 0 : i32
    %dma_wait3A_1820 = arith.constant 0 : i32
    %dma_wait3A_1821 = arith.constant 0 : i32
    %dma_wait3A_1822 = arith.constant 0 : i32
    %dma_wait3A_1823 = arith.constant 0 : i32
    %dma_wait3A_1824 = arith.constant 0 : i32
    %dma_wait3A_1825 = tpu.memref_slice %arg5[%dma_wait3A_1821, %dma_wait3A_1822, %dma_wait3A_1823, %dma_wait3A_1820, %dma_wait3A_1824] : memref<4x2x8x4x128xf32, #tpu.memory_space<vmem>> -> memref<4x2x8x1x128xf32, #tpu.memory_space<vmem>>
    %dma_wait3A_1826 = tpu.memref_squeeze %dma_wait3A_1825 : memref<4x2x8x1x128xf32, #tpu.memory_space<vmem>> -> memref<4x2x8x128xf32, #tpu.memory_space<vmem>>
    %dma_wait3A_1827 = arith.constant 20 : i32
    %dma_wait3A_1828 = arith.constant 0 : i32
    %dma_wait3A_1829 = arith.constant 0 : i32
    %dma_wait3A_1830 = arith.constant 0 : i32
    %dma_wait3A_1831 = tpu.memref_slice %arg2[%add3A, %dma_wait3A_1819, %dma_wait3A_1827, %dma_wait3A_1828, %dma_wait3A_1829, %dma_wait3A_1830] : memref<32x6x32x2x8x128xf32, #tpu.memory_space<hbm>> -> memref<1x1x4x2x8x128xf32, #tpu.memory_space<hbm>>
    %dma_wait3A_1832 = tpu.memref_squeeze %dma_wait3A_1831 : memref<1x1x4x2x8x128xf32, #tpu.memory_space<hbm>> -> memref<4x2x8x128xf32, #tpu.memory_space<hbm>>
    %dma_wait3A_1833 = arith.constant 0 : i32
    %dma_wait3A_1834 = arith.constant 0 : i32
    %dma_wait3A_1835 = arith.constant 0 : i32
    %dma_wait3A_1836 = arith.constant 0 : i32
    %dma_wait3A_1837 = tpu.memref_slice %arg5[%dma_wait3A_1833, %dma_wait3A_1834, %dma_wait3A_1835, %dma_wait3A_1820, %dma_wait3A_1836] : memref<4x2x8x4x128xf32, #tpu.memory_space<vmem>> -> memref<4x2x8x1x128xf32, #tpu.memory_space<vmem>>
    %dma_wait3A_1838 = tpu.memref_squeeze %dma_wait3A_1837 : memref<4x2x8x1x128xf32, #tpu.memory_space<vmem>> -> memref<4x2x8x128xf32, #tpu.memory_space<vmem>>
    %dma_wait3A_1839 = arith.constant 20 : i32
    %dma_wait3A_1840 = arith.constant 0 : i32
    %dma_wait3A_1841 = arith.constant 0 : i32
    %dma_wait3A_1842 = arith.constant 0 : i32
    %dma_wait3A_1843 = tpu.memref_slice %arg2[%add3A, %dma_wait3A_1819, %dma_wait3A_1839, %dma_wait3A_1840, %dma_wait3A_1841, %dma_wait3A_1842] : memref<32x6x32x2x8x128xf32, #tpu.memory_space<hbm>> -> memref<1x1x4x2x8x128xf32, #tpu.memory_space<hbm>>
    %dma_wait3A_1844 = tpu.memref_squeeze %dma_wait3A_1843 : memref<1x1x4x2x8x128xf32, #tpu.memory_space<hbm>> -> memref<4x2x8x128xf32, #tpu.memory_space<hbm>>
    tpu.wait_dma2 semaphore(%arg9 : memref<!tpu.dma_semaphore, #tpu.memory_space<semaphore_mem>>) src(%dma_wait3A_1844 : memref<4x2x8x128xf32, #tpu.memory_space<hbm>>) dst(%dma_wait3A_1838 : memref<4x2x8x128xf32, #tpu.memory_space<vmem>>)
    %dma_wait3A_1845 = arith.constant 1 : i32
    %dma_wait3A_1846 = arith.constant 1 : i32
    %dma_wait3A_1847 = arith.constant 0 : i32
    %dma_wait3A_1848 = arith.constant 0 : i32
    %dma_wait3A_1849 = arith.constant 0 : i32
    %dma_wait3A_1850 = arith.constant 0 : i32
    %dma_wait3A_1851 = tpu.memref_slice %arg5[%dma_wait3A_1847, %dma_wait3A_1848, %dma_wait3A_1849, %dma_wait3A_1846, %dma_wait3A_1850] : memref<4x2x8x4x128xf32, #tpu.memory_space<vmem>> -> memref<4x2x8x1x128xf32, #tpu.memory_space<vmem>>
    %dma_wait3A_1852 = tpu.memref_squeeze %dma_wait3A_1851 : memref<4x2x8x1x128xf32, #tpu.memory_space<vmem>> -> memref<4x2x8x128xf32, #tpu.memory_space<vmem>>
    %dma_wait3A_1853 = arith.constant 20 : i32
    %dma_wait3A_1854 = arith.constant 0 : i32
    %dma_wait3A_1855 = arith.constant 0 : i32
    %dma_wait3A_1856 = arith.constant 0 : i32
    %dma_wait3A_1857 = tpu.memref_slice %arg2[%add3A, %dma_wait3A_1845, %dma_wait3A_1853, %dma_wait3A_1854, %dma_wait3A_1855, %dma_wait3A_1856] : memref<32x6x32x2x8x128xf32, #tpu.memory_space<hbm>> -> memref<1x1x4x2x8x128xf32, #tpu.memory_space<hbm>>
    %dma_wait3A_1858 = tpu.memref_squeeze %dma_wait3A_1857 : memref<1x1x4x2x8x128xf32, #tpu.memory_space<hbm>> -> memref<4x2x8x128xf32, #tpu.memory_space<hbm>>
    %dma_wait3A_1859 = arith.constant 0 : i32
    %dma_wait3A_1860 = arith.constant 0 : i32
    %dma_wait3A_1861 = arith.constant 0 : i32
    %dma_wait3A_1862 = arith.constant 0 : i32
    %dma_wait3A_1863 = tpu.memref_slice %arg5[%dma_wait3A_1859, %dma_wait3A_1860, %dma_wait3A_1861, %dma_wait3A_1846, %dma_wait3A_1862] : memref<4x2x8x4x128xf32, #tpu.memory_space<vmem>> -> memref<4x2x8x1x128xf32, #tpu.memory_space<vmem>>
    %dma_wait3A_1864 = tpu.memref_squeeze %dma_wait3A_1863 : memref<4x2x8x1x128xf32, #tpu.memory_space<vmem>> -> memref<4x2x8x128xf32, #tpu.memory_space<vmem>>
    %dma_wait3A_1865 = arith.constant 20 : i32
    %dma_wait3A_1866 = arith.constant 0 : i32
    %dma_wait3A_1867 = arith.constant 0 : i32
    %dma_wait3A_1868 = arith.constant 0 : i32
    %dma_wait3A_1869 = tpu.memref_slice %arg2[%add3A, %dma_wait3A_1845, %dma_wait3A_1865, %dma_wait3A_1866, %dma_wait3A_1867, %dma_wait3A_1868] : memref<32x6x32x2x8x128xf32, #tpu.memory_space<hbm>> -> memref<1x1x4x2x8x128xf32, #tpu.memory_space<hbm>>
    %dma_wait3A_1870 = tpu.memref_squeeze %dma_wait3A_1869 : memref<1x1x4x2x8x128xf32, #tpu.memory_space<hbm>> -> memref<4x2x8x128xf32, #tpu.memory_space<hbm>>
    tpu.wait_dma2 semaphore(%arg9 : memref<!tpu.dma_semaphore, #tpu.memory_space<semaphore_mem>>) src(%dma_wait3A_1870 : memref<4x2x8x128xf32, #tpu.memory_space<hbm>>) dst(%dma_wait3A_1864 : memref<4x2x8x128xf32, #tpu.memory_space<vmem>>)
    %dma_wait3A_1871 = arith.constant 2 : i32
    %dma_wait3A_1872 = arith.constant 2 : i32
    %dma_wait3A_1873 = arith.constant 0 : i32
    %dma_wait3A_1874 = arith.constant 0 : i32
    %dma_wait3A_1875 = arith.constant 0 : i32
    %dma_wait3A_1876 = arith.constant 0 : i32
    %dma_wait3A_1877 = tpu.memref_slice %arg5[%dma_wait3A_1873, %dma_wait3A_1874, %dma_wait3A_1875, %dma_wait3A_1872, %dma_wait3A_1876] : memref<4x2x8x4x128xf32, #tpu.memory_space<vmem>> -> memref<4x2x8x1x128xf32, #tpu.memory_space<vmem>>
    %dma_wait3A_1878 = tpu.memref_squeeze %dma_wait3A_1877 : memref<4x2x8x1x128xf32, #tpu.memory_space<vmem>> -> memref<4x2x8x128xf32, #tpu.memory_space<vmem>>
    %dma_wait3A_1879 = arith.constant 20 : i32
    %dma_wait3A_1880 = arith.constant 0 : i32
    %dma_wait3A_1881 = arith.constant 0 : i32
    %dma_wait3A_1882 = arith.constant 0 : i32
    %dma_wait3A_1883 = tpu.memref_slice %arg2[%add3A, %dma_wait3A_1871, %dma_wait3A_1879, %dma_wait3A_1880, %dma_wait3A_1881, %dma_wait3A_1882] : memref<32x6x32x2x8x128xf32, #tpu.memory_space<hbm>> -> memref<1x1x4x2x8x128xf32, #tpu.memory_space<hbm>>
    %dma_wait3A_1884 = tpu.memref_squeeze %dma_wait3A_1883 : memref<1x1x4x2x8x128xf32, #tpu.memory_space<hbm>> -> memref<4x2x8x128xf32, #tpu.memory_space<hbm>>
    %dma_wait3A_1885 = arith.constant 0 : i32
    %dma_wait3A_1886 = arith.constant 0 : i32
    %dma_wait3A_1887 = arith.constant 0 : i32
    %dma_wait3A_1888 = arith.constant 0 : i32
    %dma_wait3A_1889 = tpu.memref_slice %arg5[%dma_wait3A_1885, %dma_wait3A_1886, %dma_wait3A_1887, %dma_wait3A_1872, %dma_wait3A_1888] : memref<4x2x8x4x128xf32, #tpu.memory_space<vmem>> -> memref<4x2x8x1x128xf32, #tpu.memory_space<vmem>>
    %dma_wait3A_1890 = tpu.memref_squeeze %dma_wait3A_1889 : memref<4x2x8x1x128xf32, #tpu.memory_space<vmem>> -> memref<4x2x8x128xf32, #tpu.memory_space<vmem>>
    %dma_wait3A_1891 = arith.constant 20 : i32
    %dma_wait3A_1892 = arith.constant 0 : i32
    %dma_wait3A_1893 = arith.constant 0 : i32
    %dma_wait3A_1894 = arith.constant 0 : i32
    %dma_wait3A_1895 = tpu.memref_slice %arg2[%add3A, %dma_wait3A_1871, %dma_wait3A_1891, %dma_wait3A_1892, %dma_wait3A_1893, %dma_wait3A_1894] : memref<32x6x32x2x8x128xf32, #tpu.memory_space<hbm>> -> memref<1x1x4x2x8x128xf32, #tpu.memory_space<hbm>>
    %dma_wait3A_1896 = tpu.memref_squeeze %dma_wait3A_1895 : memref<1x1x4x2x8x128xf32, #tpu.memory_space<hbm>> -> memref<4x2x8x128xf32, #tpu.memory_space<hbm>>
    tpu.wait_dma2 semaphore(%arg9 : memref<!tpu.dma_semaphore, #tpu.memory_space<semaphore_mem>>) src(%dma_wait3A_1896 : memref<4x2x8x128xf32, #tpu.memory_space<hbm>>) dst(%dma_wait3A_1890 : memref<4x2x8x128xf32, #tpu.memory_space<vmem>>)
    %dma_wait3A_1897 = arith.constant 3 : i32
    %dma_wait3A_1898 = arith.constant 3 : i32
    %dma_wait3A_1899 = arith.constant 0 : i32
    %dma_wait3A_1900 = arith.constant 0 : i32
    %dma_wait3A_1901 = arith.constant 0 : i32
    %dma_wait3A_1902 = arith.constant 0 : i32
    %dma_wait3A_1903 = tpu.memref_slice %arg5[%dma_wait3A_1899, %dma_wait3A_1900, %dma_wait3A_1901, %dma_wait3A_1898, %dma_wait3A_1902] : memref<4x2x8x4x128xf32, #tpu.memory_space<vmem>> -> memref<4x2x8x1x128xf32, #tpu.memory_space<vmem>>
    %dma_wait3A_1904 = tpu.memref_squeeze %dma_wait3A_1903 : memref<4x2x8x1x128xf32, #tpu.memory_space<vmem>> -> memref<4x2x8x128xf32, #tpu.memory_space<vmem>>
    %dma_wait3A_1905 = arith.constant 20 : i32
    %dma_wait3A_1906 = arith.constant 0 : i32
    %dma_wait3A_1907 = arith.constant 0 : i32
    %dma_wait3A_1908 = arith.constant 0 : i32
    %dma_wait3A_1909 = tpu.memref_slice %arg2[%add3A, %dma_wait3A_1897, %dma_wait3A_1905, %dma_wait3A_1906, %dma_wait3A_1907, %dma_wait3A_1908] : memref<32x6x32x2x8x128xf32, #tpu.memory_space<hbm>> -> memref<1x1x4x2x8x128xf32, #tpu.memory_space<hbm>>
    %dma_wait3A_1910 = tpu.memref_squeeze %dma_wait3A_1909 : memref<1x1x4x2x8x128xf32, #tpu.memory_space<hbm>> -> memref<4x2x8x128xf32, #tpu.memory_space<hbm>>
    %dma_wait3A_1911 = arith.constant 0 : i32
    %dma_wait3A_1912 = arith.constant 0 : i32
    %dma_wait3A_1913 = arith.constant 0 : i32
    %dma_wait3A_1914 = arith.constant 0 : i32
    %dma_wait3A_1915 = tpu.memref_slice %arg5[%dma_wait3A_1911, %dma_wait3A_1912, %dma_wait3A_1913, %dma_wait3A_1898, %dma_wait3A_1914] : memref<4x2x8x4x128xf32, #tpu.memory_space<vmem>> -> memref<4x2x8x1x128xf32, #tpu.memory_space<vmem>>
    %dma_wait3A_1916 = tpu.memref_squeeze %dma_wait3A_1915 : memref<4x2x8x1x128xf32, #tpu.memory_space<vmem>> -> memref<4x2x8x128xf32, #tpu.memory_space<vmem>>
    %dma_wait3A_1917 = arith.constant 20 : i32
    %dma_wait3A_1918 = arith.constant 0 : i32
    %dma_wait3A_1919 = arith.constant 0 : i32
    %dma_wait3A_1920 = arith.constant 0 : i32
    %dma_wait3A_1921 = tpu.memref_slice %arg2[%add3A, %dma_wait3A_1897, %dma_wait3A_1917, %dma_wait3A_1918, %dma_wait3A_1919, %dma_wait3A_1920] : memref<32x6x32x2x8x128xf32, #tpu.memory_space<hbm>> -> memref<1x1x4x2x8x128xf32, #tpu.memory_space<hbm>>
    %dma_wait3A_1922 = tpu.memref_squeeze %dma_wait3A_1921 : memref<1x1x4x2x8x128xf32, #tpu.memory_space<hbm>> -> memref<4x2x8x128xf32, #tpu.memory_space<hbm>>
    tpu.wait_dma2 semaphore(%arg9 : memref<!tpu.dma_semaphore, #tpu.memory_space<semaphore_mem>>) src(%dma_wait3A_1922 : memref<4x2x8x128xf32, #tpu.memory_space<hbm>>) dst(%dma_wait3A_1916 : memref<4x2x8x128xf32, #tpu.memory_space<vmem>>)
    %dma_start3A_1923 = arith.constant 0 : i32
    %dma_start3A_1924 = arith.constant 0 : i32
    %dma_start3A_1925 = arith.constant 0 : i32
    %dma_start3A_1926 = arith.constant 0 : i32
    %dma_start3A_1927 = arith.constant 0 : i32
    %dma_start3A_1928 = arith.constant 0 : i32
    %dma_start3A_1929 = tpu.memref_slice %arg5[%dma_start3A_1925, %dma_start3A_1923, %dma_start3A_1926, %dma_start3A_1927, %dma_start3A_1928] : memref<4x2x8x4x128xf32, #tpu.memory_space<vmem>> -> memref<4x1x8x4x128xf32, #tpu.memory_space<vmem>>
    %dma_start3A_1930 = tpu.memref_squeeze %dma_start3A_1929 : memref<4x1x8x4x128xf32, #tpu.memory_space<vmem>> -> memref<4x8x4x128xf32, #tpu.memory_space<vmem>>
    %dma_start3A_1931 = arith.constant 20 : i32
    %dma_start3A_1932 = arith.constant 0 : i32
    %dma_start3A_1933 = arith.constant 0 : i32
    %dma_start3A_1934 = arith.constant 0 : i32
    %dma_start3A_1935 = tpu.memref_slice %arg3[%add3A, %dma_start3A_1931, %dma_start3A_1932, %dma_start3A_1924, %dma_start3A_1933, %dma_start3A_1934] : memref<32x32x8x2x4x128xf32, #tpu.memory_space<hbm>> -> memref<1x4x8x1x4x128xf32, #tpu.memory_space<hbm>>
    %dma_start3A_1936 = tpu.memref_squeeze %dma_start3A_1935 : memref<1x4x8x1x4x128xf32, #tpu.memory_space<hbm>> -> memref<4x8x4x128xf32, #tpu.memory_space<hbm>>
    %dma_start3A_1937 = arith.constant 20 : i32
    %dma_start3A_1938 = arith.constant 0 : i32
    %dma_start3A_1939 = arith.constant 0 : i32
    %dma_start3A_1940 = arith.constant 0 : i32
    %dma_start3A_1941 = tpu.memref_slice %arg3[%add3A, %dma_start3A_1937, %dma_start3A_1938, %dma_start3A_1924, %dma_start3A_1939, %dma_start3A_1940] : memref<32x32x8x2x4x128xf32, #tpu.memory_space<hbm>> -> memref<1x4x8x1x4x128xf32, #tpu.memory_space<hbm>>
    %dma_start3A_1942 = tpu.memref_squeeze %dma_start3A_1941 : memref<1x4x8x1x4x128xf32, #tpu.memory_space<hbm>> -> memref<4x8x4x128xf32, #tpu.memory_space<hbm>>
    %dma_start3A_1943 = arith.constant 0 : i32
    %dma_start3A_1944 = arith.constant 0 : i32
    %dma_start3A_1945 = arith.constant 0 : i32
    %dma_start3A_1946 = arith.constant 0 : i32
    %dma_start3A_1947 = tpu.memref_slice %arg5[%dma_start3A_1943, %dma_start3A_1923, %dma_start3A_1944, %dma_start3A_1945, %dma_start3A_1946] : memref<4x2x8x4x128xf32, #tpu.memory_space<vmem>> -> memref<4x1x8x4x128xf32, #tpu.memory_space<vmem>>
    %dma_start3A_1948 = tpu.memref_squeeze %dma_start3A_1947 : memref<4x1x8x4x128xf32, #tpu.memory_space<vmem>> -> memref<4x8x4x128xf32, #tpu.memory_space<vmem>>
    tpu.enqueue_dma source(%dma_start3A_1948 : memref<4x8x4x128xf32, #tpu.memory_space<vmem>>) target(%dma_start3A_1942 : memref<4x8x4x128xf32, #tpu.memory_space<hbm>>) target_semaphore(%arg13 : memref<!tpu.dma_semaphore, #tpu.memory_space<semaphore_mem>>)
    %dma_start3A_1949 = arith.constant 1 : i32
    %dma_start3A_1950 = arith.constant 1 : i32
    %dma_start3A_1951 = arith.constant 0 : i32
    %dma_start3A_1952 = arith.constant 0 : i32
    %dma_start3A_1953 = arith.constant 0 : i32
    %dma_start3A_1954 = arith.constant 0 : i32
    %dma_start3A_1955 = tpu.memref_slice %arg5[%dma_start3A_1951, %dma_start3A_1949, %dma_start3A_1952, %dma_start3A_1953, %dma_start3A_1954] : memref<4x2x8x4x128xf32, #tpu.memory_space<vmem>> -> memref<4x1x8x4x128xf32, #tpu.memory_space<vmem>>
    %dma_start3A_1956 = tpu.memref_squeeze %dma_start3A_1955 : memref<4x1x8x4x128xf32, #tpu.memory_space<vmem>> -> memref<4x8x4x128xf32, #tpu.memory_space<vmem>>
    %dma_start3A_1957 = arith.constant 20 : i32
    %dma_start3A_1958 = arith.constant 0 : i32
    %dma_start3A_1959 = arith.constant 0 : i32
    %dma_start3A_1960 = arith.constant 0 : i32
    %dma_start3A_1961 = tpu.memref_slice %arg3[%add3A, %dma_start3A_1957, %dma_start3A_1958, %dma_start3A_1950, %dma_start3A_1959, %dma_start3A_1960] : memref<32x32x8x2x4x128xf32, #tpu.memory_space<hbm>> -> memref<1x4x8x1x4x128xf32, #tpu.memory_space<hbm>>
    %dma_start3A_1962 = tpu.memref_squeeze %dma_start3A_1961 : memref<1x4x8x1x4x128xf32, #tpu.memory_space<hbm>> -> memref<4x8x4x128xf32, #tpu.memory_space<hbm>>
    %dma_start3A_1963 = arith.constant 20 : i32
    %dma_start3A_1964 = arith.constant 0 : i32
    %dma_start3A_1965 = arith.constant 0 : i32
    %dma_start3A_1966 = arith.constant 0 : i32
    %dma_start3A_1967 = tpu.memref_slice %arg3[%add3A, %dma_start3A_1963, %dma_start3A_1964, %dma_start3A_1950, %dma_start3A_1965, %dma_start3A_1966] : memref<32x32x8x2x4x128xf32, #tpu.memory_space<hbm>> -> memref<1x4x8x1x4x128xf32, #tpu.memory_space<hbm>>
    %dma_start3A_1968 = tpu.memref_squeeze %dma_start3A_1967 : memref<1x4x8x1x4x128xf32, #tpu.memory_space<hbm>> -> memref<4x8x4x128xf32, #tpu.memory_space<hbm>>
    %dma_start3A_1969 = arith.constant 0 : i32
    %dma_start3A_1970 = arith.constant 0 : i32
    %dma_start3A_1971 = arith.constant 0 : i32
    %dma_start3A_1972 = arith.constant 0 : i32
    %dma_start3A_1973 = tpu.memref_slice %arg5[%dma_start3A_1969, %dma_start3A_1949, %dma_start3A_1970, %dma_start3A_1971, %dma_start3A_1972] : memref<4x2x8x4x128xf32, #tpu.memory_space<vmem>> -> memref<4x1x8x4x128xf32, #tpu.memory_space<vmem>>
    %dma_start3A_1974 = tpu.memref_squeeze %dma_start3A_1973 : memref<4x1x8x4x128xf32, #tpu.memory_space<vmem>> -> memref<4x8x4x128xf32, #tpu.memory_space<vmem>>
    tpu.enqueue_dma source(%dma_start3A_1974 : memref<4x8x4x128xf32, #tpu.memory_space<vmem>>) target(%dma_start3A_1968 : memref<4x8x4x128xf32, #tpu.memory_space<hbm>>) target_semaphore(%arg13 : memref<!tpu.dma_semaphore, #tpu.memory_space<semaphore_mem>>)
    %dma_wait3A_1975 = arith.constant 0 : i32
    %dma_wait3A_1976 = arith.constant 0 : i32
    %dma_wait3A_1977 = arith.constant 0 : i32
    %dma_wait3A_1978 = arith.constant 0 : i32
    %dma_wait3A_1979 = arith.constant 0 : i32
    %dma_wait3A_1980 = arith.constant 0 : i32
    %dma_wait3A_1981 = tpu.memref_slice %arg6[%dma_wait3A_1977, %dma_wait3A_1978, %dma_wait3A_1979, %dma_wait3A_1976, %dma_wait3A_1980] : memref<4x2x8x4x128xf32, #tpu.memory_space<vmem>> -> memref<4x2x8x1x128xf32, #tpu.memory_space<vmem>>
    %dma_wait3A_1982 = tpu.memref_squeeze %dma_wait3A_1981 : memref<4x2x8x1x128xf32, #tpu.memory_space<vmem>> -> memref<4x2x8x128xf32, #tpu.memory_space<vmem>>
    %dma_wait3A_1983 = arith.constant 24 : i32
    %dma_wait3A_1984 = arith.constant 0 : i32
    %dma_wait3A_1985 = arith.constant 0 : i32
    %dma_wait3A_1986 = arith.constant 0 : i32
    %dma_wait3A_1987 = tpu.memref_slice %arg2[%add3A, %dma_wait3A_1975, %dma_wait3A_1983, %dma_wait3A_1984, %dma_wait3A_1985, %dma_wait3A_1986] : memref<32x6x32x2x8x128xf32, #tpu.memory_space<hbm>> -> memref<1x1x4x2x8x128xf32, #tpu.memory_space<hbm>>
    %dma_wait3A_1988 = tpu.memref_squeeze %dma_wait3A_1987 : memref<1x1x4x2x8x128xf32, #tpu.memory_space<hbm>> -> memref<4x2x8x128xf32, #tpu.memory_space<hbm>>
    %dma_wait3A_1989 = arith.constant 0 : i32
    %dma_wait3A_1990 = arith.constant 0 : i32
    %dma_wait3A_1991 = arith.constant 0 : i32
    %dma_wait3A_1992 = arith.constant 0 : i32
    %dma_wait3A_1993 = tpu.memref_slice %arg6[%dma_wait3A_1989, %dma_wait3A_1990, %dma_wait3A_1991, %dma_wait3A_1976, %dma_wait3A_1992] : memref<4x2x8x4x128xf32, #tpu.memory_space<vmem>> -> memref<4x2x8x1x128xf32, #tpu.memory_space<vmem>>
    %dma_wait3A_1994 = tpu.memref_squeeze %dma_wait3A_1993 : memref<4x2x8x1x128xf32, #tpu.memory_space<vmem>> -> memref<4x2x8x128xf32, #tpu.memory_space<vmem>>
    %dma_wait3A_1995 = arith.constant 24 : i32
    %dma_wait3A_1996 = arith.constant 0 : i32
    %dma_wait3A_1997 = arith.constant 0 : i32
    %dma_wait3A_1998 = arith.constant 0 : i32
    %dma_wait3A_1999 = tpu.memref_slice %arg2[%add3A, %dma_wait3A_1975, %dma_wait3A_1995, %dma_wait3A_1996, %dma_wait3A_1997, %dma_wait3A_1998] : memref<32x6x32x2x8x128xf32, #tpu.memory_space<hbm>> -> memref<1x1x4x2x8x128xf32, #tpu.memory_space<hbm>>
    %dma_wait3A_2000 = tpu.memref_squeeze %dma_wait3A_1999 : memref<1x1x4x2x8x128xf32, #tpu.memory_space<hbm>> -> memref<4x2x8x128xf32, #tpu.memory_space<hbm>>
    tpu.wait_dma2 semaphore(%arg10 : memref<!tpu.dma_semaphore, #tpu.memory_space<semaphore_mem>>) src(%dma_wait3A_2000 : memref<4x2x8x128xf32, #tpu.memory_space<hbm>>) dst(%dma_wait3A_1994 : memref<4x2x8x128xf32, #tpu.memory_space<vmem>>)
    %dma_wait3A_2001 = arith.constant 1 : i32
    %dma_wait3A_2002 = arith.constant 1 : i32
    %dma_wait3A_2003 = arith.constant 0 : i32
    %dma_wait3A_2004 = arith.constant 0 : i32
    %dma_wait3A_2005 = arith.constant 0 : i32
    %dma_wait3A_2006 = arith.constant 0 : i32
    %dma_wait3A_2007 = tpu.memref_slice %arg6[%dma_wait3A_2003, %dma_wait3A_2004, %dma_wait3A_2005, %dma_wait3A_2002, %dma_wait3A_2006] : memref<4x2x8x4x128xf32, #tpu.memory_space<vmem>> -> memref<4x2x8x1x128xf32, #tpu.memory_space<vmem>>
    %dma_wait3A_2008 = tpu.memref_squeeze %dma_wait3A_2007 : memref<4x2x8x1x128xf32, #tpu.memory_space<vmem>> -> memref<4x2x8x128xf32, #tpu.memory_space<vmem>>
    %dma_wait3A_2009 = arith.constant 24 : i32
    %dma_wait3A_2010 = arith.constant 0 : i32
    %dma_wait3A_2011 = arith.constant 0 : i32
    %dma_wait3A_2012 = arith.constant 0 : i32
    %dma_wait3A_2013 = tpu.memref_slice %arg2[%add3A, %dma_wait3A_2001, %dma_wait3A_2009, %dma_wait3A_2010, %dma_wait3A_2011, %dma_wait3A_2012] : memref<32x6x32x2x8x128xf32, #tpu.memory_space<hbm>> -> memref<1x1x4x2x8x128xf32, #tpu.memory_space<hbm>>
    %dma_wait3A_2014 = tpu.memref_squeeze %dma_wait3A_2013 : memref<1x1x4x2x8x128xf32, #tpu.memory_space<hbm>> -> memref<4x2x8x128xf32, #tpu.memory_space<hbm>>
    %dma_wait3A_2015 = arith.constant 0 : i32
    %dma_wait3A_2016 = arith.constant 0 : i32
    %dma_wait3A_2017 = arith.constant 0 : i32
    %dma_wait3A_2018 = arith.constant 0 : i32
    %dma_wait3A_2019 = tpu.memref_slice %arg6[%dma_wait3A_2015, %dma_wait3A_2016, %dma_wait3A_2017, %dma_wait3A_2002, %dma_wait3A_2018] : memref<4x2x8x4x128xf32, #tpu.memory_space<vmem>> -> memref<4x2x8x1x128xf32, #tpu.memory_space<vmem>>
    %dma_wait3A_2020 = tpu.memref_squeeze %dma_wait3A_2019 : memref<4x2x8x1x128xf32, #tpu.memory_space<vmem>> -> memref<4x2x8x128xf32, #tpu.memory_space<vmem>>
    %dma_wait3A_2021 = arith.constant 24 : i32
    %dma_wait3A_2022 = arith.constant 0 : i32
    %dma_wait3A_2023 = arith.constant 0 : i32
    %dma_wait3A_2024 = arith.constant 0 : i32
    %dma_wait3A_2025 = tpu.memref_slice %arg2[%add3A, %dma_wait3A_2001, %dma_wait3A_2021, %dma_wait3A_2022, %dma_wait3A_2023, %dma_wait3A_2024] : memref<32x6x32x2x8x128xf32, #tpu.memory_space<hbm>> -> memref<1x1x4x2x8x128xf32, #tpu.memory_space<hbm>>
    %dma_wait3A_2026 = tpu.memref_squeeze %dma_wait3A_2025 : memref<1x1x4x2x8x128xf32, #tpu.memory_space<hbm>> -> memref<4x2x8x128xf32, #tpu.memory_space<hbm>>
    tpu.wait_dma2 semaphore(%arg10 : memref<!tpu.dma_semaphore, #tpu.memory_space<semaphore_mem>>) src(%dma_wait3A_2026 : memref<4x2x8x128xf32, #tpu.memory_space<hbm>>) dst(%dma_wait3A_2020 : memref<4x2x8x128xf32, #tpu.memory_space<vmem>>)
    %dma_wait3A_2027 = arith.constant 2 : i32
    %dma_wait3A_2028 = arith.constant 2 : i32
    %dma_wait3A_2029 = arith.constant 0 : i32
    %dma_wait3A_2030 = arith.constant 0 : i32
    %dma_wait3A_2031 = arith.constant 0 : i32
    %dma_wait3A_2032 = arith.constant 0 : i32
    %dma_wait3A_2033 = tpu.memref_slice %arg6[%dma_wait3A_2029, %dma_wait3A_2030, %dma_wait3A_2031, %dma_wait3A_2028, %dma_wait3A_2032] : memref<4x2x8x4x128xf32, #tpu.memory_space<vmem>> -> memref<4x2x8x1x128xf32, #tpu.memory_space<vmem>>
    %dma_wait3A_2034 = tpu.memref_squeeze %dma_wait3A_2033 : memref<4x2x8x1x128xf32, #tpu.memory_space<vmem>> -> memref<4x2x8x128xf32, #tpu.memory_space<vmem>>
    %dma_wait3A_2035 = arith.constant 24 : i32
    %dma_wait3A_2036 = arith.constant 0 : i32
    %dma_wait3A_2037 = arith.constant 0 : i32
    %dma_wait3A_2038 = arith.constant 0 : i32
    %dma_wait3A_2039 = tpu.memref_slice %arg2[%add3A, %dma_wait3A_2027, %dma_wait3A_2035, %dma_wait3A_2036, %dma_wait3A_2037, %dma_wait3A_2038] : memref<32x6x32x2x8x128xf32, #tpu.memory_space<hbm>> -> memref<1x1x4x2x8x128xf32, #tpu.memory_space<hbm>>
    %dma_wait3A_2040 = tpu.memref_squeeze %dma_wait3A_2039 : memref<1x1x4x2x8x128xf32, #tpu.memory_space<hbm>> -> memref<4x2x8x128xf32, #tpu.memory_space<hbm>>
    %dma_wait3A_2041 = arith.constant 0 : i32
    %dma_wait3A_2042 = arith.constant 0 : i32
    %dma_wait3A_2043 = arith.constant 0 : i32
    %dma_wait3A_2044 = arith.constant 0 : i32
    %dma_wait3A_2045 = tpu.memref_slice %arg6[%dma_wait3A_2041, %dma_wait3A_2042, %dma_wait3A_2043, %dma_wait3A_2028, %dma_wait3A_2044] : memref<4x2x8x4x128xf32, #tpu.memory_space<vmem>> -> memref<4x2x8x1x128xf32, #tpu.memory_space<vmem>>
    %dma_wait3A_2046 = tpu.memref_squeeze %dma_wait3A_2045 : memref<4x2x8x1x128xf32, #tpu.memory_space<vmem>> -> memref<4x2x8x128xf32, #tpu.memory_space<vmem>>
    %dma_wait3A_2047 = arith.constant 24 : i32
    %dma_wait3A_2048 = arith.constant 0 : i32
    %dma_wait3A_2049 = arith.constant 0 : i32
    %dma_wait3A_2050 = arith.constant 0 : i32
    %dma_wait3A_2051 = tpu.memref_slice %arg2[%add3A, %dma_wait3A_2027, %dma_wait3A_2047, %dma_wait3A_2048, %dma_wait3A_2049, %dma_wait3A_2050] : memref<32x6x32x2x8x128xf32, #tpu.memory_space<hbm>> -> memref<1x1x4x2x8x128xf32, #tpu.memory_space<hbm>>
    %dma_wait3A_2052 = tpu.memref_squeeze %dma_wait3A_2051 : memref<1x1x4x2x8x128xf32, #tpu.memory_space<hbm>> -> memref<4x2x8x128xf32, #tpu.memory_space<hbm>>
    tpu.wait_dma2 semaphore(%arg10 : memref<!tpu.dma_semaphore, #tpu.memory_space<semaphore_mem>>) src(%dma_wait3A_2052 : memref<4x2x8x128xf32, #tpu.memory_space<hbm>>) dst(%dma_wait3A_2046 : memref<4x2x8x128xf32, #tpu.memory_space<vmem>>)
    %dma_wait3A_2053 = arith.constant 3 : i32
    %dma_wait3A_2054 = arith.constant 3 : i32
    %dma_wait3A_2055 = arith.constant 0 : i32
    %dma_wait3A_2056 = arith.constant 0 : i32
    %dma_wait3A_2057 = arith.constant 0 : i32
    %dma_wait3A_2058 = arith.constant 0 : i32
    %dma_wait3A_2059 = tpu.memref_slice %arg6[%dma_wait3A_2055, %dma_wait3A_2056, %dma_wait3A_2057, %dma_wait3A_2054, %dma_wait3A_2058] : memref<4x2x8x4x128xf32, #tpu.memory_space<vmem>> -> memref<4x2x8x1x128xf32, #tpu.memory_space<vmem>>
    %dma_wait3A_2060 = tpu.memref_squeeze %dma_wait3A_2059 : memref<4x2x8x1x128xf32, #tpu.memory_space<vmem>> -> memref<4x2x8x128xf32, #tpu.memory_space<vmem>>
    %dma_wait3A_2061 = arith.constant 24 : i32
    %dma_wait3A_2062 = arith.constant 0 : i32
    %dma_wait3A_2063 = arith.constant 0 : i32
    %dma_wait3A_2064 = arith.constant 0 : i32
    %dma_wait3A_2065 = tpu.memref_slice %arg2[%add3A, %dma_wait3A_2053, %dma_wait3A_2061, %dma_wait3A_2062, %dma_wait3A_2063, %dma_wait3A_2064] : memref<32x6x32x2x8x128xf32, #tpu.memory_space<hbm>> -> memref<1x1x4x2x8x128xf32, #tpu.memory_space<hbm>>
    %dma_wait3A_2066 = tpu.memref_squeeze %dma_wait3A_2065 : memref<1x1x4x2x8x128xf32, #tpu.memory_space<hbm>> -> memref<4x2x8x128xf32, #tpu.memory_space<hbm>>
    %dma_wait3A_2067 = arith.constant 0 : i32
    %dma_wait3A_2068 = arith.constant 0 : i32
    %dma_wait3A_2069 = arith.constant 0 : i32
    %dma_wait3A_2070 = arith.constant 0 : i32
    %dma_wait3A_2071 = tpu.memref_slice %arg6[%dma_wait3A_2067, %dma_wait3A_2068, %dma_wait3A_2069, %dma_wait3A_2054, %dma_wait3A_2070] : memref<4x2x8x4x128xf32, #tpu.memory_space<vmem>> -> memref<4x2x8x1x128xf32, #tpu.memory_space<vmem>>
    %dma_wait3A_2072 = tpu.memref_squeeze %dma_wait3A_2071 : memref<4x2x8x1x128xf32, #tpu.memory_space<vmem>> -> memref<4x2x8x128xf32, #tpu.memory_space<vmem>>
    %dma_wait3A_2073 = arith.constant 24 : i32
    %dma_wait3A_2074 = arith.constant 0 : i32
    %dma_wait3A_2075 = arith.constant 0 : i32
    %dma_wait3A_2076 = arith.constant 0 : i32
    %dma_wait3A_2077 = tpu.memref_slice %arg2[%add3A, %dma_wait3A_2053, %dma_wait3A_2073, %dma_wait3A_2074, %dma_wait3A_2075, %dma_wait3A_2076] : memref<32x6x32x2x8x128xf32, #tpu.memory_space<hbm>> -> memref<1x1x4x2x8x128xf32, #tpu.memory_space<hbm>>
    %dma_wait3A_2078 = tpu.memref_squeeze %dma_wait3A_2077 : memref<1x1x4x2x8x128xf32, #tpu.memory_space<hbm>> -> memref<4x2x8x128xf32, #tpu.memory_space<hbm>>
    tpu.wait_dma2 semaphore(%arg10 : memref<!tpu.dma_semaphore, #tpu.memory_space<semaphore_mem>>) src(%dma_wait3A_2078 : memref<4x2x8x128xf32, #tpu.memory_space<hbm>>) dst(%dma_wait3A_2072 : memref<4x2x8x128xf32, #tpu.memory_space<vmem>>)
    %dma_start3A_2079 = arith.constant 0 : i32
    %dma_start3A_2080 = arith.constant 0 : i32
    %dma_start3A_2081 = arith.constant 0 : i32
    %dma_start3A_2082 = arith.constant 0 : i32
    %dma_start3A_2083 = arith.constant 0 : i32
    %dma_start3A_2084 = arith.constant 0 : i32
    %dma_start3A_2085 = tpu.memref_slice %arg6[%dma_start3A_2081, %dma_start3A_2079, %dma_start3A_2082, %dma_start3A_2083, %dma_start3A_2084] : memref<4x2x8x4x128xf32, #tpu.memory_space<vmem>> -> memref<4x1x8x4x128xf32, #tpu.memory_space<vmem>>
    %dma_start3A_2086 = tpu.memref_squeeze %dma_start3A_2085 : memref<4x1x8x4x128xf32, #tpu.memory_space<vmem>> -> memref<4x8x4x128xf32, #tpu.memory_space<vmem>>
    %dma_start3A_2087 = arith.constant 24 : i32
    %dma_start3A_2088 = arith.constant 0 : i32
    %dma_start3A_2089 = arith.constant 0 : i32
    %dma_start3A_2090 = arith.constant 0 : i32
    %dma_start3A_2091 = tpu.memref_slice %arg3[%add3A, %dma_start3A_2087, %dma_start3A_2088, %dma_start3A_2080, %dma_start3A_2089, %dma_start3A_2090] : memref<32x32x8x2x4x128xf32, #tpu.memory_space<hbm>> -> memref<1x4x8x1x4x128xf32, #tpu.memory_space<hbm>>
    %dma_start3A_2092 = tpu.memref_squeeze %dma_start3A_2091 : memref<1x4x8x1x4x128xf32, #tpu.memory_space<hbm>> -> memref<4x8x4x128xf32, #tpu.memory_space<hbm>>
    %dma_start3A_2093 = arith.constant 24 : i32
    %dma_start3A_2094 = arith.constant 0 : i32
    %dma_start3A_2095 = arith.constant 0 : i32
    %dma_start3A_2096 = arith.constant 0 : i32
    %dma_start3A_2097 = tpu.memref_slice %arg3[%add3A, %dma_start3A_2093, %dma_start3A_2094, %dma_start3A_2080, %dma_start3A_2095, %dma_start3A_2096] : memref<32x32x8x2x4x128xf32, #tpu.memory_space<hbm>> -> memref<1x4x8x1x4x128xf32, #tpu.memory_space<hbm>>
    %dma_start3A_2098 = tpu.memref_squeeze %dma_start3A_2097 : memref<1x4x8x1x4x128xf32, #tpu.memory_space<hbm>> -> memref<4x8x4x128xf32, #tpu.memory_space<hbm>>
    %dma_start3A_2099 = arith.constant 0 : i32
    %dma_start3A_2100 = arith.constant 0 : i32
    %dma_start3A_2101 = arith.constant 0 : i32
    %dma_start3A_2102 = arith.constant 0 : i32
    %dma_start3A_2103 = tpu.memref_slice %arg6[%dma_start3A_2099, %dma_start3A_2079, %dma_start3A_2100, %dma_start3A_2101, %dma_start3A_2102] : memref<4x2x8x4x128xf32, #tpu.memory_space<vmem>> -> memref<4x1x8x4x128xf32, #tpu.memory_space<vmem>>
    %dma_start3A_2104 = tpu.memref_squeeze %dma_start3A_2103 : memref<4x1x8x4x128xf32, #tpu.memory_space<vmem>> -> memref<4x8x4x128xf32, #tpu.memory_space<vmem>>
    tpu.enqueue_dma source(%dma_start3A_2104 : memref<4x8x4x128xf32, #tpu.memory_space<vmem>>) target(%dma_start3A_2098 : memref<4x8x4x128xf32, #tpu.memory_space<hbm>>) target_semaphore(%arg14 : memref<!tpu.dma_semaphore, #tpu.memory_space<semaphore_mem>>)
    %dma_start3A_2105 = arith.constant 1 : i32
    %dma_start3A_2106 = arith.constant 1 : i32
    %dma_start3A_2107 = arith.constant 0 : i32
    %dma_start3A_2108 = arith.constant 0 : i32
    %dma_start3A_2109 = arith.constant 0 : i32
    %dma_start3A_2110 = arith.constant 0 : i32
    %dma_start3A_2111 = tpu.memref_slice %arg6[%dma_start3A_2107, %dma_start3A_2105, %dma_start3A_2108, %dma_start3A_2109, %dma_start3A_2110] : memref<4x2x8x4x128xf32, #tpu.memory_space<vmem>> -> memref<4x1x8x4x128xf32, #tpu.memory_space<vmem>>
    %dma_start3A_2112 = tpu.memref_squeeze %dma_start3A_2111 : memref<4x1x8x4x128xf32, #tpu.memory_space<vmem>> -> memref<4x8x4x128xf32, #tpu.memory_space<vmem>>
    %dma_start3A_2113 = arith.constant 24 : i32
    %dma_start3A_2114 = arith.constant 0 : i32
    %dma_start3A_2115 = arith.constant 0 : i32
    %dma_start3A_2116 = arith.constant 0 : i32
    %dma_start3A_2117 = tpu.memref_slice %arg3[%add3A, %dma_start3A_2113, %dma_start3A_2114, %dma_start3A_2106, %dma_start3A_2115, %dma_start3A_2116] : memref<32x32x8x2x4x128xf32, #tpu.memory_space<hbm>> -> memref<1x4x8x1x4x128xf32, #tpu.memory_space<hbm>>
    %dma_start3A_2118 = tpu.memref_squeeze %dma_start3A_2117 : memref<1x4x8x1x4x128xf32, #tpu.memory_space<hbm>> -> memref<4x8x4x128xf32, #tpu.memory_space<hbm>>
    %dma_start3A_2119 = arith.constant 24 : i32
    %dma_start3A_2120 = arith.constant 0 : i32
    %dma_start3A_2121 = arith.constant 0 : i32
    %dma_start3A_2122 = arith.constant 0 : i32
    %dma_start3A_2123 = tpu.memref_slice %arg3[%add3A, %dma_start3A_2119, %dma_start3A_2120, %dma_start3A_2106, %dma_start3A_2121, %dma_start3A_2122] : memref<32x32x8x2x4x128xf32, #tpu.memory_space<hbm>> -> memref<1x4x8x1x4x128xf32, #tpu.memory_space<hbm>>
    %dma_start3A_2124 = tpu.memref_squeeze %dma_start3A_2123 : memref<1x4x8x1x4x128xf32, #tpu.memory_space<hbm>> -> memref<4x8x4x128xf32, #tpu.memory_space<hbm>>
    %dma_start3A_2125 = arith.constant 0 : i32
    %dma_start3A_2126 = arith.constant 0 : i32
    %dma_start3A_2127 = arith.constant 0 : i32
    %dma_start3A_2128 = arith.constant 0 : i32
    %dma_start3A_2129 = tpu.memref_slice %arg6[%dma_start3A_2125, %dma_start3A_2105, %dma_start3A_2126, %dma_start3A_2127, %dma_start3A_2128] : memref<4x2x8x4x128xf32, #tpu.memory_space<vmem>> -> memref<4x1x8x4x128xf32, #tpu.memory_space<vmem>>
    %dma_start3A_2130 = tpu.memref_squeeze %dma_start3A_2129 : memref<4x1x8x4x128xf32, #tpu.memory_space<vmem>> -> memref<4x8x4x128xf32, #tpu.memory_space<vmem>>
    tpu.enqueue_dma source(%dma_start3A_2130 : memref<4x8x4x128xf32, #tpu.memory_space<vmem>>) target(%dma_start3A_2124 : memref<4x8x4x128xf32, #tpu.memory_space<hbm>>) target_semaphore(%arg14 : memref<!tpu.dma_semaphore, #tpu.memory_space<semaphore_mem>>)
    %dma_wait3A_2131 = arith.constant 0 : i32
    %dma_wait3A_2132 = arith.constant 0 : i32
    %dma_wait3A_2133 = arith.constant 0 : i32
    %dma_wait3A_2134 = arith.constant 0 : i32
    %dma_wait3A_2135 = arith.constant 0 : i32
    %dma_wait3A_2136 = arith.constant 0 : i32
    %dma_wait3A_2137 = tpu.memref_slice %arg7[%dma_wait3A_2133, %dma_wait3A_2134, %dma_wait3A_2135, %dma_wait3A_2132, %dma_wait3A_2136] : memref<4x2x8x4x128xf32, #tpu.memory_space<vmem>> -> memref<4x2x8x1x128xf32, #tpu.memory_space<vmem>>
    %dma_wait3A_2138 = tpu.memref_squeeze %dma_wait3A_2137 : memref<4x2x8x1x128xf32, #tpu.memory_space<vmem>> -> memref<4x2x8x128xf32, #tpu.memory_space<vmem>>
    %dma_wait3A_2139 = arith.constant 28 : i32
    %dma_wait3A_2140 = arith.constant 0 : i32
    %dma_wait3A_2141 = arith.constant 0 : i32
    %dma_wait3A_2142 = arith.constant 0 : i32
    %dma_wait3A_2143 = tpu.memref_slice %arg2[%add3A, %dma_wait3A_2131, %dma_wait3A_2139, %dma_wait3A_2140, %dma_wait3A_2141, %dma_wait3A_2142] : memref<32x6x32x2x8x128xf32, #tpu.memory_space<hbm>> -> memref<1x1x4x2x8x128xf32, #tpu.memory_space<hbm>>
    %dma_wait3A_2144 = tpu.memref_squeeze %dma_wait3A_2143 : memref<1x1x4x2x8x128xf32, #tpu.memory_space<hbm>> -> memref<4x2x8x128xf32, #tpu.memory_space<hbm>>
    %dma_wait3A_2145 = arith.constant 0 : i32
    %dma_wait3A_2146 = arith.constant 0 : i32
    %dma_wait3A_2147 = arith.constant 0 : i32
    %dma_wait3A_2148 = arith.constant 0 : i32
    %dma_wait3A_2149 = tpu.memref_slice %arg7[%dma_wait3A_2145, %dma_wait3A_2146, %dma_wait3A_2147, %dma_wait3A_2132, %dma_wait3A_2148] : memref<4x2x8x4x128xf32, #tpu.memory_space<vmem>> -> memref<4x2x8x1x128xf32, #tpu.memory_space<vmem>>
    %dma_wait3A_2150 = tpu.memref_squeeze %dma_wait3A_2149 : memref<4x2x8x1x128xf32, #tpu.memory_space<vmem>> -> memref<4x2x8x128xf32, #tpu.memory_space<vmem>>
    %dma_wait3A_2151 = arith.constant 28 : i32
    %dma_wait3A_2152 = arith.constant 0 : i32
    %dma_wait3A_2153 = arith.constant 0 : i32
    %dma_wait3A_2154 = arith.constant 0 : i32
    %dma_wait3A_2155 = tpu.memref_slice %arg2[%add3A, %dma_wait3A_2131, %dma_wait3A_2151, %dma_wait3A_2152, %dma_wait3A_2153, %dma_wait3A_2154] : memref<32x6x32x2x8x128xf32, #tpu.memory_space<hbm>> -> memref<1x1x4x2x8x128xf32, #tpu.memory_space<hbm>>
    %dma_wait3A_2156 = tpu.memref_squeeze %dma_wait3A_2155 : memref<1x1x4x2x8x128xf32, #tpu.memory_space<hbm>> -> memref<4x2x8x128xf32, #tpu.memory_space<hbm>>
    tpu.wait_dma2 semaphore(%arg11 : memref<!tpu.dma_semaphore, #tpu.memory_space<semaphore_mem>>) src(%dma_wait3A_2156 : memref<4x2x8x128xf32, #tpu.memory_space<hbm>>) dst(%dma_wait3A_2150 : memref<4x2x8x128xf32, #tpu.memory_space<vmem>>)
    %dma_wait3A_2157 = arith.constant 1 : i32
    %dma_wait3A_2158 = arith.constant 1 : i32
    %dma_wait3A_2159 = arith.constant 0 : i32
    %dma_wait3A_2160 = arith.constant 0 : i32
    %dma_wait3A_2161 = arith.constant 0 : i32
    %dma_wait3A_2162 = arith.constant 0 : i32
    %dma_wait3A_2163 = tpu.memref_slice %arg7[%dma_wait3A_2159, %dma_wait3A_2160, %dma_wait3A_2161, %dma_wait3A_2158, %dma_wait3A_2162] : memref<4x2x8x4x128xf32, #tpu.memory_space<vmem>> -> memref<4x2x8x1x128xf32, #tpu.memory_space<vmem>>
    %dma_wait3A_2164 = tpu.memref_squeeze %dma_wait3A_2163 : memref<4x2x8x1x128xf32, #tpu.memory_space<vmem>> -> memref<4x2x8x128xf32, #tpu.memory_space<vmem>>
    %dma_wait3A_2165 = arith.constant 28 : i32
    %dma_wait3A_2166 = arith.constant 0 : i32
    %dma_wait3A_2167 = arith.constant 0 : i32
    %dma_wait3A_2168 = arith.constant 0 : i32
    %dma_wait3A_2169 = tpu.memref_slice %arg2[%add3A, %dma_wait3A_2157, %dma_wait3A_2165, %dma_wait3A_2166, %dma_wait3A_2167, %dma_wait3A_2168] : memref<32x6x32x2x8x128xf32, #tpu.memory_space<hbm>> -> memref<1x1x4x2x8x128xf32, #tpu.memory_space<hbm>>
    %dma_wait3A_2170 = tpu.memref_squeeze %dma_wait3A_2169 : memref<1x1x4x2x8x128xf32, #tpu.memory_space<hbm>> -> memref<4x2x8x128xf32, #tpu.memory_space<hbm>>
    %dma_wait3A_2171 = arith.constant 0 : i32
    %dma_wait3A_2172 = arith.constant 0 : i32
    %dma_wait3A_2173 = arith.constant 0 : i32
    %dma_wait3A_2174 = arith.constant 0 : i32
    %dma_wait3A_2175 = tpu.memref_slice %arg7[%dma_wait3A_2171, %dma_wait3A_2172, %dma_wait3A_2173, %dma_wait3A_2158, %dma_wait3A_2174] : memref<4x2x8x4x128xf32, #tpu.memory_space<vmem>> -> memref<4x2x8x1x128xf32, #tpu.memory_space<vmem>>
    %dma_wait3A_2176 = tpu.memref_squeeze %dma_wait3A_2175 : memref<4x2x8x1x128xf32, #tpu.memory_space<vmem>> -> memref<4x2x8x128xf32, #tpu.memory_space<vmem>>
    %dma_wait3A_2177 = arith.constant 28 : i32
    %dma_wait3A_2178 = arith.constant 0 : i32
    %dma_wait3A_2179 = arith.constant 0 : i32
    %dma_wait3A_2180 = arith.constant 0 : i32
    %dma_wait3A_2181 = tpu.memref_slice %arg2[%add3A, %dma_wait3A_2157, %dma_wait3A_2177, %dma_wait3A_2178, %dma_wait3A_2179, %dma_wait3A_2180] : memref<32x6x32x2x8x128xf32, #tpu.memory_space<hbm>> -> memref<1x1x4x2x8x128xf32, #tpu.memory_space<hbm>>
    %dma_wait3A_2182 = tpu.memref_squeeze %dma_wait3A_2181 : memref<1x1x4x2x8x128xf32, #tpu.memory_space<hbm>> -> memref<4x2x8x128xf32, #tpu.memory_space<hbm>>
    tpu.wait_dma2 semaphore(%arg11 : memref<!tpu.dma_semaphore, #tpu.memory_space<semaphore_mem>>) src(%dma_wait3A_2182 : memref<4x2x8x128xf32, #tpu.memory_space<hbm>>) dst(%dma_wait3A_2176 : memref<4x2x8x128xf32, #tpu.memory_space<vmem>>)
    %dma_wait3A_2183 = arith.constant 2 : i32
    %dma_wait3A_2184 = arith.constant 2 : i32
    %dma_wait3A_2185 = arith.constant 0 : i32
    %dma_wait3A_2186 = arith.constant 0 : i32
    %dma_wait3A_2187 = arith.constant 0 : i32
    %dma_wait3A_2188 = arith.constant 0 : i32
    %dma_wait3A_2189 = tpu.memref_slice %arg7[%dma_wait3A_2185, %dma_wait3A_2186, %dma_wait3A_2187, %dma_wait3A_2184, %dma_wait3A_2188] : memref<4x2x8x4x128xf32, #tpu.memory_space<vmem>> -> memref<4x2x8x1x128xf32, #tpu.memory_space<vmem>>
    %dma_wait3A_2190 = tpu.memref_squeeze %dma_wait3A_2189 : memref<4x2x8x1x128xf32, #tpu.memory_space<vmem>> -> memref<4x2x8x128xf32, #tpu.memory_space<vmem>>
    %dma_wait3A_2191 = arith.constant 28 : i32
    %dma_wait3A_2192 = arith.constant 0 : i32
    %dma_wait3A_2193 = arith.constant 0 : i32
    %dma_wait3A_2194 = arith.constant 0 : i32
    %dma_wait3A_2195 = tpu.memref_slice %arg2[%add3A, %dma_wait3A_2183, %dma_wait3A_2191, %dma_wait3A_2192, %dma_wait3A_2193, %dma_wait3A_2194] : memref<32x6x32x2x8x128xf32, #tpu.memory_space<hbm>> -> memref<1x1x4x2x8x128xf32, #tpu.memory_space<hbm>>
    %dma_wait3A_2196 = tpu.memref_squeeze %dma_wait3A_2195 : memref<1x1x4x2x8x128xf32, #tpu.memory_space<hbm>> -> memref<4x2x8x128xf32, #tpu.memory_space<hbm>>
    %dma_wait3A_2197 = arith.constant 0 : i32
    %dma_wait3A_2198 = arith.constant 0 : i32
    %dma_wait3A_2199 = arith.constant 0 : i32
    %dma_wait3A_2200 = arith.constant 0 : i32
    %dma_wait3A_2201 = tpu.memref_slice %arg7[%dma_wait3A_2197, %dma_wait3A_2198, %dma_wait3A_2199, %dma_wait3A_2184, %dma_wait3A_2200] : memref<4x2x8x4x128xf32, #tpu.memory_space<vmem>> -> memref<4x2x8x1x128xf32, #tpu.memory_space<vmem>>
    %dma_wait3A_2202 = tpu.memref_squeeze %dma_wait3A_2201 : memref<4x2x8x1x128xf32, #tpu.memory_space<vmem>> -> memref<4x2x8x128xf32, #tpu.memory_space<vmem>>
    %dma_wait3A_2203 = arith.constant 28 : i32
    %dma_wait3A_2204 = arith.constant 0 : i32
    %dma_wait3A_2205 = arith.constant 0 : i32
    %dma_wait3A_2206 = arith.constant 0 : i32
    %dma_wait3A_2207 = tpu.memref_slice %arg2[%add3A, %dma_wait3A_2183, %dma_wait3A_2203, %dma_wait3A_2204, %dma_wait3A_2205, %dma_wait3A_2206] : memref<32x6x32x2x8x128xf32, #tpu.memory_space<hbm>> -> memref<1x1x4x2x8x128xf32, #tpu.memory_space<hbm>>
    %dma_wait3A_2208 = tpu.memref_squeeze %dma_wait3A_2207 : memref<1x1x4x2x8x128xf32, #tpu.memory_space<hbm>> -> memref<4x2x8x128xf32, #tpu.memory_space<hbm>>
    tpu.wait_dma2 semaphore(%arg11 : memref<!tpu.dma_semaphore, #tpu.memory_space<semaphore_mem>>) src(%dma_wait3A_2208 : memref<4x2x8x128xf32, #tpu.memory_space<hbm>>) dst(%dma_wait3A_2202 : memref<4x2x8x128xf32, #tpu.memory_space<vmem>>)
    %dma_wait3A_2209 = arith.constant 3 : i32
    %dma_wait3A_2210 = arith.constant 3 : i32
    %dma_wait3A_2211 = arith.constant 0 : i32
    %dma_wait3A_2212 = arith.constant 0 : i32
    %dma_wait3A_2213 = arith.constant 0 : i32
    %dma_wait3A_2214 = arith.constant 0 : i32
    %dma_wait3A_2215 = tpu.memref_slice %arg7[%dma_wait3A_2211, %dma_wait3A_2212, %dma_wait3A_2213, %dma_wait3A_2210, %dma_wait3A_2214] : memref<4x2x8x4x128xf32, #tpu.memory_space<vmem>> -> memref<4x2x8x1x128xf32, #tpu.memory_space<vmem>>
    %dma_wait3A_2216 = tpu.memref_squeeze %dma_wait3A_2215 : memref<4x2x8x1x128xf32, #tpu.memory_space<vmem>> -> memref<4x2x8x128xf32, #tpu.memory_space<vmem>>
    %dma_wait3A_2217 = arith.constant 28 : i32
    %dma_wait3A_2218 = arith.constant 0 : i32
    %dma_wait3A_2219 = arith.constant 0 : i32
    %dma_wait3A_2220 = arith.constant 0 : i32
    %dma_wait3A_2221 = tpu.memref_slice %arg2[%add3A, %dma_wait3A_2209, %dma_wait3A_2217, %dma_wait3A_2218, %dma_wait3A_2219, %dma_wait3A_2220] : memref<32x6x32x2x8x128xf32, #tpu.memory_space<hbm>> -> memref<1x1x4x2x8x128xf32, #tpu.memory_space<hbm>>
    %dma_wait3A_2222 = tpu.memref_squeeze %dma_wait3A_2221 : memref<1x1x4x2x8x128xf32, #tpu.memory_space<hbm>> -> memref<4x2x8x128xf32, #tpu.memory_space<hbm>>
    %dma_wait3A_2223 = arith.constant 0 : i32
    %dma_wait3A_2224 = arith.constant 0 : i32
    %dma_wait3A_2225 = arith.constant 0 : i32
    %dma_wait3A_2226 = arith.constant 0 : i32
    %dma_wait3A_2227 = tpu.memref_slice %arg7[%dma_wait3A_2223, %dma_wait3A_2224, %dma_wait3A_2225, %dma_wait3A_2210, %dma_wait3A_2226] : memref<4x2x8x4x128xf32, #tpu.memory_space<vmem>> -> memref<4x2x8x1x128xf32, #tpu.memory_space<vmem>>
    %dma_wait3A_2228 = tpu.memref_squeeze %dma_wait3A_2227 : memref<4x2x8x1x128xf32, #tpu.memory_space<vmem>> -> memref<4x2x8x128xf32, #tpu.memory_space<vmem>>
    %dma_wait3A_2229 = arith.constant 28 : i32
    %dma_wait3A_2230 = arith.constant 0 : i32
    %dma_wait3A_2231 = arith.constant 0 : i32
    %dma_wait3A_2232 = arith.constant 0 : i32
    %dma_wait3A_2233 = tpu.memref_slice %arg2[%add3A, %dma_wait3A_2209, %dma_wait3A_2229, %dma_wait3A_2230, %dma_wait3A_2231, %dma_wait3A_2232] : memref<32x6x32x2x8x128xf32, #tpu.memory_space<hbm>> -> memref<1x1x4x2x8x128xf32, #tpu.memory_space<hbm>>
    %dma_wait3A_2234 = tpu.memref_squeeze %dma_wait3A_2233 : memref<1x1x4x2x8x128xf32, #tpu.memory_space<hbm>> -> memref<4x2x8x128xf32, #tpu.memory_space<hbm>>
    tpu.wait_dma2 semaphore(%arg11 : memref<!tpu.dma_semaphore, #tpu.memory_space<semaphore_mem>>) src(%dma_wait3A_2234 : memref<4x2x8x128xf32, #tpu.memory_space<hbm>>) dst(%dma_wait3A_2228 : memref<4x2x8x128xf32, #tpu.memory_space<vmem>>)
    %dma_start3A_2235 = arith.constant 0 : i32
    %dma_start3A_2236 = arith.constant 0 : i32
    %dma_start3A_2237 = arith.constant 0 : i32
    %dma_start3A_2238 = arith.constant 0 : i32
    %dma_start3A_2239 = arith.constant 0 : i32
    %dma_start3A_2240 = arith.constant 0 : i32
    %dma_start3A_2241 = tpu.memref_slice %arg7[%dma_start3A_2237, %dma_start3A_2235, %dma_start3A_2238, %dma_start3A_2239, %dma_start3A_2240] : memref<4x2x8x4x128xf32, #tpu.memory_space<vmem>> -> memref<4x1x8x4x128xf32, #tpu.memory_space<vmem>>
    %dma_start3A_2242 = tpu.memref_squeeze %dma_start3A_2241 : memref<4x1x8x4x128xf32, #tpu.memory_space<vmem>> -> memref<4x8x4x128xf32, #tpu.memory_space<vmem>>
    %dma_start3A_2243 = arith.constant 28 : i32
    %dma_start3A_2244 = arith.constant 0 : i32
    %dma_start3A_2245 = arith.constant 0 : i32
    %dma_start3A_2246 = arith.constant 0 : i32
    %dma_start3A_2247 = tpu.memref_slice %arg3[%add3A, %dma_start3A_2243, %dma_start3A_2244, %dma_start3A_2236, %dma_start3A_2245, %dma_start3A_2246] : memref<32x32x8x2x4x128xf32, #tpu.memory_space<hbm>> -> memref<1x4x8x1x4x128xf32, #tpu.memory_space<hbm>>
    %dma_start3A_2248 = tpu.memref_squeeze %dma_start3A_2247 : memref<1x4x8x1x4x128xf32, #tpu.memory_space<hbm>> -> memref<4x8x4x128xf32, #tpu.memory_space<hbm>>
    %dma_start3A_2249 = arith.constant 28 : i32
    %dma_start3A_2250 = arith.constant 0 : i32
    %dma_start3A_2251 = arith.constant 0 : i32
    %dma_start3A_2252 = arith.constant 0 : i32
    %dma_start3A_2253 = tpu.memref_slice %arg3[%add3A, %dma_start3A_2249, %dma_start3A_2250, %dma_start3A_2236, %dma_start3A_2251, %dma_start3A_2252] : memref<32x32x8x2x4x128xf32, #tpu.memory_space<hbm>> -> memref<1x4x8x1x4x128xf32, #tpu.memory_space<hbm>>
    %dma_start3A_2254 = tpu.memref_squeeze %dma_start3A_2253 : memref<1x4x8x1x4x128xf32, #tpu.memory_space<hbm>> -> memref<4x8x4x128xf32, #tpu.memory_space<hbm>>
    %dma_start3A_2255 = arith.constant 0 : i32
    %dma_start3A_2256 = arith.constant 0 : i32
    %dma_start3A_2257 = arith.constant 0 : i32
    %dma_start3A_2258 = arith.constant 0 : i32
    %dma_start3A_2259 = tpu.memref_slice %arg7[%dma_start3A_2255, %dma_start3A_2235, %dma_start3A_2256, %dma_start3A_2257, %dma_start3A_2258] : memref<4x2x8x4x128xf32, #tpu.memory_space<vmem>> -> memref<4x1x8x4x128xf32, #tpu.memory_space<vmem>>
    %dma_start3A_2260 = tpu.memref_squeeze %dma_start3A_2259 : memref<4x1x8x4x128xf32, #tpu.memory_space<vmem>> -> memref<4x8x4x128xf32, #tpu.memory_space<vmem>>
    tpu.enqueue_dma source(%dma_start3A_2260 : memref<4x8x4x128xf32, #tpu.memory_space<vmem>>) target(%dma_start3A_2254 : memref<4x8x4x128xf32, #tpu.memory_space<hbm>>) target_semaphore(%arg15 : memref<!tpu.dma_semaphore, #tpu.memory_space<semaphore_mem>>)
    %dma_start3A_2261 = arith.constant 1 : i32
    %dma_start3A_2262 = arith.constant 1 : i32
    %dma_start3A_2263 = arith.constant 0 : i32
    %dma_start3A_2264 = arith.constant 0 : i32
    %dma_start3A_2265 = arith.constant 0 : i32
    %dma_start3A_2266 = arith.constant 0 : i32
    %dma_start3A_2267 = tpu.memref_slice %arg7[%dma_start3A_2263, %dma_start3A_2261, %dma_start3A_2264, %dma_start3A_2265, %dma_start3A_2266] : memref<4x2x8x4x128xf32, #tpu.memory_space<vmem>> -> memref<4x1x8x4x128xf32, #tpu.memory_space<vmem>>
    %dma_start3A_2268 = tpu.memref_squeeze %dma_start3A_2267 : memref<4x1x8x4x128xf32, #tpu.memory_space<vmem>> -> memref<4x8x4x128xf32, #tpu.memory_space<vmem>>
    %dma_start3A_2269 = arith.constant 28 : i32
    %dma_start3A_2270 = arith.constant 0 : i32
    %dma_start3A_2271 = arith.constant 0 : i32
    %dma_start3A_2272 = arith.constant 0 : i32
    %dma_start3A_2273 = tpu.memref_slice %arg3[%add3A, %dma_start3A_2269, %dma_start3A_2270, %dma_start3A_2262, %dma_start3A_2271, %dma_start3A_2272] : memref<32x32x8x2x4x128xf32, #tpu.memory_space<hbm>> -> memref<1x4x8x1x4x128xf32, #tpu.memory_space<hbm>>
    %dma_start3A_2274 = tpu.memref_squeeze %dma_start3A_2273 : memref<1x4x8x1x4x128xf32, #tpu.memory_space<hbm>> -> memref<4x8x4x128xf32, #tpu.memory_space<hbm>>
    %dma_start3A_2275 = arith.constant 28 : i32
    %dma_start3A_2276 = arith.constant 0 : i32
    %dma_start3A_2277 = arith.constant 0 : i32
    %dma_start3A_2278 = arith.constant 0 : i32
    %dma_start3A_2279 = tpu.memref_slice %arg3[%add3A, %dma_start3A_2275, %dma_start3A_2276, %dma_start3A_2262, %dma_start3A_2277, %dma_start3A_2278] : memref<32x32x8x2x4x128xf32, #tpu.memory_space<hbm>> -> memref<1x4x8x1x4x128xf32, #tpu.memory_space<hbm>>
    %dma_start3A_2280 = tpu.memref_squeeze %dma_start3A_2279 : memref<1x4x8x1x4x128xf32, #tpu.memory_space<hbm>> -> memref<4x8x4x128xf32, #tpu.memory_space<hbm>>
    %dma_start3A_2281 = arith.constant 0 : i32
    %dma_start3A_2282 = arith.constant 0 : i32
    %dma_start3A_2283 = arith.constant 0 : i32
    %dma_start3A_2284 = arith.constant 0 : i32
    %dma_start3A_2285 = tpu.memref_slice %arg7[%dma_start3A_2281, %dma_start3A_2261, %dma_start3A_2282, %dma_start3A_2283, %dma_start3A_2284] : memref<4x2x8x4x128xf32, #tpu.memory_space<vmem>> -> memref<4x1x8x4x128xf32, #tpu.memory_space<vmem>>
    %dma_start3A_2286 = tpu.memref_squeeze %dma_start3A_2285 : memref<4x1x8x4x128xf32, #tpu.memory_space<vmem>> -> memref<4x8x4x128xf32, #tpu.memory_space<vmem>>
    tpu.enqueue_dma source(%dma_start3A_2286 : memref<4x8x4x128xf32, #tpu.memory_space<vmem>>) target(%dma_start3A_2280 : memref<4x8x4x128xf32, #tpu.memory_space<hbm>>) target_semaphore(%arg15 : memref<!tpu.dma_semaphore, #tpu.memory_space<semaphore_mem>>)
    %dma_wait3A_2287 = arith.constant 0 : i32
    %dma_wait3A_2288 = arith.constant 0 : i32
    %dma_wait3A_2289 = arith.constant 0 : i32
    %dma_wait3A_2290 = arith.constant 0 : i32
    %dma_wait3A_2291 = arith.constant 0 : i32
    %dma_wait3A_2292 = arith.constant 0 : i32
    %dma_wait3A_2293 = tpu.memref_slice %arg4[%dma_wait3A_2289, %dma_wait3A_2287, %dma_wait3A_2290, %dma_wait3A_2291, %dma_wait3A_2292] : memref<4x2x8x4x128xf32, #tpu.memory_space<vmem>> -> memref<4x1x8x4x128xf32, #tpu.memory_space<vmem>>
    %dma_wait3A_2294 = tpu.memref_squeeze %dma_wait3A_2293 : memref<4x1x8x4x128xf32, #tpu.memory_space<vmem>> -> memref<4x8x4x128xf32, #tpu.memory_space<vmem>>
    %dma_wait3A_2295 = arith.constant 16 : i32
    %dma_wait3A_2296 = arith.constant 0 : i32
    %dma_wait3A_2297 = arith.constant 0 : i32
    %dma_wait3A_2298 = arith.constant 0 : i32
    %dma_wait3A_2299 = tpu.memref_slice %arg3[%add3A, %dma_wait3A_2295, %dma_wait3A_2296, %dma_wait3A_2288, %dma_wait3A_2297, %dma_wait3A_2298] : memref<32x32x8x2x4x128xf32, #tpu.memory_space<hbm>> -> memref<1x4x8x1x4x128xf32, #tpu.memory_space<hbm>>
    %dma_wait3A_2300 = tpu.memref_squeeze %dma_wait3A_2299 : memref<1x4x8x1x4x128xf32, #tpu.memory_space<hbm>> -> memref<4x8x4x128xf32, #tpu.memory_space<hbm>>
    %dma_wait3A_2301 = arith.constant 16 : i32
    %dma_wait3A_2302 = arith.constant 0 : i32
    %dma_wait3A_2303 = arith.constant 0 : i32
    %dma_wait3A_2304 = arith.constant 0 : i32
    %dma_wait3A_2305 = tpu.memref_slice %arg3[%add3A, %dma_wait3A_2301, %dma_wait3A_2302, %dma_wait3A_2288, %dma_wait3A_2303, %dma_wait3A_2304] : memref<32x32x8x2x4x128xf32, #tpu.memory_space<hbm>> -> memref<1x4x8x1x4x128xf32, #tpu.memory_space<hbm>>
    %dma_wait3A_2306 = tpu.memref_squeeze %dma_wait3A_2305 : memref<1x4x8x1x4x128xf32, #tpu.memory_space<hbm>> -> memref<4x8x4x128xf32, #tpu.memory_space<hbm>>
    %dma_wait3A_2307 = arith.constant 0 : i32
    %dma_wait3A_2308 = arith.constant 0 : i32
    %dma_wait3A_2309 = arith.constant 0 : i32
    %dma_wait3A_2310 = arith.constant 0 : i32
    %dma_wait3A_2311 = tpu.memref_slice %arg4[%dma_wait3A_2307, %dma_wait3A_2287, %dma_wait3A_2308, %dma_wait3A_2309, %dma_wait3A_2310] : memref<4x2x8x4x128xf32, #tpu.memory_space<vmem>> -> memref<4x1x8x4x128xf32, #tpu.memory_space<vmem>>
    %dma_wait3A_2312 = tpu.memref_squeeze %dma_wait3A_2311 : memref<4x1x8x4x128xf32, #tpu.memory_space<vmem>> -> memref<4x8x4x128xf32, #tpu.memory_space<vmem>>
    tpu.wait_dma2 semaphore(%arg12 : memref<!tpu.dma_semaphore, #tpu.memory_space<semaphore_mem>>) src(%dma_wait3A_2312 : memref<4x8x4x128xf32, #tpu.memory_space<vmem>>) dst(%dma_wait3A_2306 : memref<4x8x4x128xf32, #tpu.memory_space<hbm>>)
    %dma_wait3A_2313 = arith.constant 1 : i32
    %dma_wait3A_2314 = arith.constant 1 : i32
    %dma_wait3A_2315 = arith.constant 0 : i32
    %dma_wait3A_2316 = arith.constant 0 : i32
    %dma_wait3A_2317 = arith.constant 0 : i32
    %dma_wait3A_2318 = arith.constant 0 : i32
    %dma_wait3A_2319 = tpu.memref_slice %arg4[%dma_wait3A_2315, %dma_wait3A_2313, %dma_wait3A_2316, %dma_wait3A_2317, %dma_wait3A_2318] : memref<4x2x8x4x128xf32, #tpu.memory_space<vmem>> -> memref<4x1x8x4x128xf32, #tpu.memory_space<vmem>>
    %dma_wait3A_2320 = tpu.memref_squeeze %dma_wait3A_2319 : memref<4x1x8x4x128xf32, #tpu.memory_space<vmem>> -> memref<4x8x4x128xf32, #tpu.memory_space<vmem>>
    %dma_wait3A_2321 = arith.constant 16 : i32
    %dma_wait3A_2322 = arith.constant 0 : i32
    %dma_wait3A_2323 = arith.constant 0 : i32
    %dma_wait3A_2324 = arith.constant 0 : i32
    %dma_wait3A_2325 = tpu.memref_slice %arg3[%add3A, %dma_wait3A_2321, %dma_wait3A_2322, %dma_wait3A_2314, %dma_wait3A_2323, %dma_wait3A_2324] : memref<32x32x8x2x4x128xf32, #tpu.memory_space<hbm>> -> memref<1x4x8x1x4x128xf32, #tpu.memory_space<hbm>>
    %dma_wait3A_2326 = tpu.memref_squeeze %dma_wait3A_2325 : memref<1x4x8x1x4x128xf32, #tpu.memory_space<hbm>> -> memref<4x8x4x128xf32, #tpu.memory_space<hbm>>
    %dma_wait3A_2327 = arith.constant 16 : i32
    %dma_wait3A_2328 = arith.constant 0 : i32
    %dma_wait3A_2329 = arith.constant 0 : i32
    %dma_wait3A_2330 = arith.constant 0 : i32
    %dma_wait3A_2331 = tpu.memref_slice %arg3[%add3A, %dma_wait3A_2327, %dma_wait3A_2328, %dma_wait3A_2314, %dma_wait3A_2329, %dma_wait3A_2330] : memref<32x32x8x2x4x128xf32, #tpu.memory_space<hbm>> -> memref<1x4x8x1x4x128xf32, #tpu.memory_space<hbm>>
    %dma_wait3A_2332 = tpu.memref_squeeze %dma_wait3A_2331 : memref<1x4x8x1x4x128xf32, #tpu.memory_space<hbm>> -> memref<4x8x4x128xf32, #tpu.memory_space<hbm>>
    %dma_wait3A_2333 = arith.constant 0 : i32
    %dma_wait3A_2334 = arith.constant 0 : i32
    %dma_wait3A_2335 = arith.constant 0 : i32
    %dma_wait3A_2336 = arith.constant 0 : i32
    %dma_wait3A_2337 = tpu.memref_slice %arg4[%dma_wait3A_2333, %dma_wait3A_2313, %dma_wait3A_2334, %dma_wait3A_2335, %dma_wait3A_2336] : memref<4x2x8x4x128xf32, #tpu.memory_space<vmem>> -> memref<4x1x8x4x128xf32, #tpu.memory_space<vmem>>
    %dma_wait3A_2338 = tpu.memref_squeeze %dma_wait3A_2337 : memref<4x1x8x4x128xf32, #tpu.memory_space<vmem>> -> memref<4x8x4x128xf32, #tpu.memory_space<vmem>>
    tpu.wait_dma2 semaphore(%arg12 : memref<!tpu.dma_semaphore, #tpu.memory_space<semaphore_mem>>) src(%dma_wait3A_2338 : memref<4x8x4x128xf32, #tpu.memory_space<vmem>>) dst(%dma_wait3A_2332 : memref<4x8x4x128xf32, #tpu.memory_space<hbm>>)
    %dma_wait3A_2339 = arith.constant 0 : i32
    %dma_wait3A_2340 = arith.constant 0 : i32
    %dma_wait3A_2341 = arith.constant 0 : i32
    %dma_wait3A_2342 = arith.constant 0 : i32
    %dma_wait3A_2343 = arith.constant 0 : i32
    %dma_wait3A_2344 = arith.constant 0 : i32
    %dma_wait3A_2345 = tpu.memref_slice %arg5[%dma_wait3A_2341, %dma_wait3A_2339, %dma_wait3A_2342, %dma_wait3A_2343, %dma_wait3A_2344] : memref<4x2x8x4x128xf32, #tpu.memory_space<vmem>> -> memref<4x1x8x4x128xf32, #tpu.memory_space<vmem>>
    %dma_wait3A_2346 = tpu.memref_squeeze %dma_wait3A_2345 : memref<4x1x8x4x128xf32, #tpu.memory_space<vmem>> -> memref<4x8x4x128xf32, #tpu.memory_space<vmem>>
    %dma_wait3A_2347 = arith.constant 20 : i32
    %dma_wait3A_2348 = arith.constant 0 : i32
    %dma_wait3A_2349 = arith.constant 0 : i32
    %dma_wait3A_2350 = arith.constant 0 : i32
    %dma_wait3A_2351 = tpu.memref_slice %arg3[%add3A, %dma_wait3A_2347, %dma_wait3A_2348, %dma_wait3A_2340, %dma_wait3A_2349, %dma_wait3A_2350] : memref<32x32x8x2x4x128xf32, #tpu.memory_space<hbm>> -> memref<1x4x8x1x4x128xf32, #tpu.memory_space<hbm>>
    %dma_wait3A_2352 = tpu.memref_squeeze %dma_wait3A_2351 : memref<1x4x8x1x4x128xf32, #tpu.memory_space<hbm>> -> memref<4x8x4x128xf32, #tpu.memory_space<hbm>>
    %dma_wait3A_2353 = arith.constant 20 : i32
    %dma_wait3A_2354 = arith.constant 0 : i32
    %dma_wait3A_2355 = arith.constant 0 : i32
    %dma_wait3A_2356 = arith.constant 0 : i32
    %dma_wait3A_2357 = tpu.memref_slice %arg3[%add3A, %dma_wait3A_2353, %dma_wait3A_2354, %dma_wait3A_2340, %dma_wait3A_2355, %dma_wait3A_2356] : memref<32x32x8x2x4x128xf32, #tpu.memory_space<hbm>> -> memref<1x4x8x1x4x128xf32, #tpu.memory_space<hbm>>
    %dma_wait3A_2358 = tpu.memref_squeeze %dma_wait3A_2357 : memref<1x4x8x1x4x128xf32, #tpu.memory_space<hbm>> -> memref<4x8x4x128xf32, #tpu.memory_space<hbm>>
    %dma_wait3A_2359 = arith.constant 0 : i32
    %dma_wait3A_2360 = arith.constant 0 : i32
    %dma_wait3A_2361 = arith.constant 0 : i32
    %dma_wait3A_2362 = arith.constant 0 : i32
    %dma_wait3A_2363 = tpu.memref_slice %arg5[%dma_wait3A_2359, %dma_wait3A_2339, %dma_wait3A_2360, %dma_wait3A_2361, %dma_wait3A_2362] : memref<4x2x8x4x128xf32, #tpu.memory_space<vmem>> -> memref<4x1x8x4x128xf32, #tpu.memory_space<vmem>>
    %dma_wait3A_2364 = tpu.memref_squeeze %dma_wait3A_2363 : memref<4x1x8x4x128xf32, #tpu.memory_space<vmem>> -> memref<4x8x4x128xf32, #tpu.memory_space<vmem>>
    tpu.wait_dma2 semaphore(%arg13 : memref<!tpu.dma_semaphore, #tpu.memory_space<semaphore_mem>>) src(%dma_wait3A_2364 : memref<4x8x4x128xf32, #tpu.memory_space<vmem>>) dst(%dma_wait3A_2358 : memref<4x8x4x128xf32, #tpu.memory_space<hbm>>)
    %dma_wait3A_2365 = arith.constant 1 : i32
    %dma_wait3A_2366 = arith.constant 1 : i32
    %dma_wait3A_2367 = arith.constant 0 : i32
    %dma_wait3A_2368 = arith.constant 0 : i32
    %dma_wait3A_2369 = arith.constant 0 : i32
    %dma_wait3A_2370 = arith.constant 0 : i32
    %dma_wait3A_2371 = tpu.memref_slice %arg5[%dma_wait3A_2367, %dma_wait3A_2365, %dma_wait3A_2368, %dma_wait3A_2369, %dma_wait3A_2370] : memref<4x2x8x4x128xf32, #tpu.memory_space<vmem>> -> memref<4x1x8x4x128xf32, #tpu.memory_space<vmem>>
    %dma_wait3A_2372 = tpu.memref_squeeze %dma_wait3A_2371 : memref<4x1x8x4x128xf32, #tpu.memory_space<vmem>> -> memref<4x8x4x128xf32, #tpu.memory_space<vmem>>
    %dma_wait3A_2373 = arith.constant 20 : i32
    %dma_wait3A_2374 = arith.constant 0 : i32
    %dma_wait3A_2375 = arith.constant 0 : i32
    %dma_wait3A_2376 = arith.constant 0 : i32
    %dma_wait3A_2377 = tpu.memref_slice %arg3[%add3A, %dma_wait3A_2373, %dma_wait3A_2374, %dma_wait3A_2366, %dma_wait3A_2375, %dma_wait3A_2376] : memref<32x32x8x2x4x128xf32, #tpu.memory_space<hbm>> -> memref<1x4x8x1x4x128xf32, #tpu.memory_space<hbm>>
    %dma_wait3A_2378 = tpu.memref_squeeze %dma_wait3A_2377 : memref<1x4x8x1x4x128xf32, #tpu.memory_space<hbm>> -> memref<4x8x4x128xf32, #tpu.memory_space<hbm>>
    %dma_wait3A_2379 = arith.constant 20 : i32
    %dma_wait3A_2380 = arith.constant 0 : i32
    %dma_wait3A_2381 = arith.constant 0 : i32
    %dma_wait3A_2382 = arith.constant 0 : i32
    %dma_wait3A_2383 = tpu.memref_slice %arg3[%add3A, %dma_wait3A_2379, %dma_wait3A_2380, %dma_wait3A_2366, %dma_wait3A_2381, %dma_wait3A_2382] : memref<32x32x8x2x4x128xf32, #tpu.memory_space<hbm>> -> memref<1x4x8x1x4x128xf32, #tpu.memory_space<hbm>>
    %dma_wait3A_2384 = tpu.memref_squeeze %dma_wait3A_2383 : memref<1x4x8x1x4x128xf32, #tpu.memory_space<hbm>> -> memref<4x8x4x128xf32, #tpu.memory_space<hbm>>
    %dma_wait3A_2385 = arith.constant 0 : i32
    %dma_wait3A_2386 = arith.constant 0 : i32
    %dma_wait3A_2387 = arith.constant 0 : i32
    %dma_wait3A_2388 = arith.constant 0 : i32
    %dma_wait3A_2389 = tpu.memref_slice %arg5[%dma_wait3A_2385, %dma_wait3A_2365, %dma_wait3A_2386, %dma_wait3A_2387, %dma_wait3A_2388] : memref<4x2x8x4x128xf32, #tpu.memory_space<vmem>> -> memref<4x1x8x4x128xf32, #tpu.memory_space<vmem>>
    %dma_wait3A_2390 = tpu.memref_squeeze %dma_wait3A_2389 : memref<4x1x8x4x128xf32, #tpu.memory_space<vmem>> -> memref<4x8x4x128xf32, #tpu.memory_space<vmem>>
    tpu.wait_dma2 semaphore(%arg13 : memref<!tpu.dma_semaphore, #tpu.memory_space<semaphore_mem>>) src(%dma_wait3A_2390 : memref<4x8x4x128xf32, #tpu.memory_space<vmem>>) dst(%dma_wait3A_2384 : memref<4x8x4x128xf32, #tpu.memory_space<hbm>>)
    %dma_wait3A_2391 = arith.constant 0 : i32
    %dma_wait3A_2392 = arith.constant 0 : i32
    %dma_wait3A_2393 = arith.constant 0 : i32
    %dma_wait3A_2394 = arith.constant 0 : i32
    %dma_wait3A_2395 = arith.constant 0 : i32
    %dma_wait3A_2396 = arith.constant 0 : i32
    %dma_wait3A_2397 = tpu.memref_slice %arg6[%dma_wait3A_2393, %dma_wait3A_2391, %dma_wait3A_2394, %dma_wait3A_2395, %dma_wait3A_2396] : memref<4x2x8x4x128xf32, #tpu.memory_space<vmem>> -> memref<4x1x8x4x128xf32, #tpu.memory_space<vmem>>
    %dma_wait3A_2398 = tpu.memref_squeeze %dma_wait3A_2397 : memref<4x1x8x4x128xf32, #tpu.memory_space<vmem>> -> memref<4x8x4x128xf32, #tpu.memory_space<vmem>>
    %dma_wait3A_2399 = arith.constant 24 : i32
    %dma_wait3A_2400 = arith.constant 0 : i32
    %dma_wait3A_2401 = arith.constant 0 : i32
    %dma_wait3A_2402 = arith.constant 0 : i32
    %dma_wait3A_2403 = tpu.memref_slice %arg3[%add3A, %dma_wait3A_2399, %dma_wait3A_2400, %dma_wait3A_2392, %dma_wait3A_2401, %dma_wait3A_2402] : memref<32x32x8x2x4x128xf32, #tpu.memory_space<hbm>> -> memref<1x4x8x1x4x128xf32, #tpu.memory_space<hbm>>
    %dma_wait3A_2404 = tpu.memref_squeeze %dma_wait3A_2403 : memref<1x4x8x1x4x128xf32, #tpu.memory_space<hbm>> -> memref<4x8x4x128xf32, #tpu.memory_space<hbm>>
    %dma_wait3A_2405 = arith.constant 24 : i32
    %dma_wait3A_2406 = arith.constant 0 : i32
    %dma_wait3A_2407 = arith.constant 0 : i32
    %dma_wait3A_2408 = arith.constant 0 : i32
    %dma_wait3A_2409 = tpu.memref_slice %arg3[%add3A, %dma_wait3A_2405, %dma_wait3A_2406, %dma_wait3A_2392, %dma_wait3A_2407, %dma_wait3A_2408] : memref<32x32x8x2x4x128xf32, #tpu.memory_space<hbm>> -> memref<1x4x8x1x4x128xf32, #tpu.memory_space<hbm>>
    %dma_wait3A_2410 = tpu.memref_squeeze %dma_wait3A_2409 : memref<1x4x8x1x4x128xf32, #tpu.memory_space<hbm>> -> memref<4x8x4x128xf32, #tpu.memory_space<hbm>>
    %dma_wait3A_2411 = arith.constant 0 : i32
    %dma_wait3A_2412 = arith.constant 0 : i32
    %dma_wait3A_2413 = arith.constant 0 : i32
    %dma_wait3A_2414 = arith.constant 0 : i32
    %dma_wait3A_2415 = tpu.memref_slice %arg6[%dma_wait3A_2411, %dma_wait3A_2391, %dma_wait3A_2412, %dma_wait3A_2413, %dma_wait3A_2414] : memref<4x2x8x4x128xf32, #tpu.memory_space<vmem>> -> memref<4x1x8x4x128xf32, #tpu.memory_space<vmem>>
    %dma_wait3A_2416 = tpu.memref_squeeze %dma_wait3A_2415 : memref<4x1x8x4x128xf32, #tpu.memory_space<vmem>> -> memref<4x8x4x128xf32, #tpu.memory_space<vmem>>
    tpu.wait_dma2 semaphore(%arg14 : memref<!tpu.dma_semaphore, #tpu.memory_space<semaphore_mem>>) src(%dma_wait3A_2416 : memref<4x8x4x128xf32, #tpu.memory_space<vmem>>) dst(%dma_wait3A_2410 : memref<4x8x4x128xf32, #tpu.memory_space<hbm>>)
    %dma_wait3A_2417 = arith.constant 1 : i32
    %dma_wait3A_2418 = arith.constant 1 : i32
    %dma_wait3A_2419 = arith.constant 0 : i32
    %dma_wait3A_2420 = arith.constant 0 : i32
    %dma_wait3A_2421 = arith.constant 0 : i32
    %dma_wait3A_2422 = arith.constant 0 : i32
    %dma_wait3A_2423 = tpu.memref_slice %arg6[%dma_wait3A_2419, %dma_wait3A_2417, %dma_wait3A_2420, %dma_wait3A_2421, %dma_wait3A_2422] : memref<4x2x8x4x128xf32, #tpu.memory_space<vmem>> -> memref<4x1x8x4x128xf32, #tpu.memory_space<vmem>>
    %dma_wait3A_2424 = tpu.memref_squeeze %dma_wait3A_2423 : memref<4x1x8x4x128xf32, #tpu.memory_space<vmem>> -> memref<4x8x4x128xf32, #tpu.memory_space<vmem>>
    %dma_wait3A_2425 = arith.constant 24 : i32
    %dma_wait3A_2426 = arith.constant 0 : i32
    %dma_wait3A_2427 = arith.constant 0 : i32
    %dma_wait3A_2428 = arith.constant 0 : i32
    %dma_wait3A_2429 = tpu.memref_slice %arg3[%add3A, %dma_wait3A_2425, %dma_wait3A_2426, %dma_wait3A_2418, %dma_wait3A_2427, %dma_wait3A_2428] : memref<32x32x8x2x4x128xf32, #tpu.memory_space<hbm>> -> memref<1x4x8x1x4x128xf32, #tpu.memory_space<hbm>>
    %dma_wait3A_2430 = tpu.memref_squeeze %dma_wait3A_2429 : memref<1x4x8x1x4x128xf32, #tpu.memory_space<hbm>> -> memref<4x8x4x128xf32, #tpu.memory_space<hbm>>
    %dma_wait3A_2431 = arith.constant 24 : i32
    %dma_wait3A_2432 = arith.constant 0 : i32
    %dma_wait3A_2433 = arith.constant 0 : i32
    %dma_wait3A_2434 = arith.constant 0 : i32
    %dma_wait3A_2435 = tpu.memref_slice %arg3[%add3A, %dma_wait3A_2431, %dma_wait3A_2432, %dma_wait3A_2418, %dma_wait3A_2433, %dma_wait3A_2434] : memref<32x32x8x2x4x128xf32, #tpu.memory_space<hbm>> -> memref<1x4x8x1x4x128xf32, #tpu.memory_space<hbm>>
    %dma_wait3A_2436 = tpu.memref_squeeze %dma_wait3A_2435 : memref<1x4x8x1x4x128xf32, #tpu.memory_space<hbm>> -> memref<4x8x4x128xf32, #tpu.memory_space<hbm>>
    %dma_wait3A_2437 = arith.constant 0 : i32
    %dma_wait3A_2438 = arith.constant 0 : i32
    %dma_wait3A_2439 = arith.constant 0 : i32
    %dma_wait3A_2440 = arith.constant 0 : i32
    %dma_wait3A_2441 = tpu.memref_slice %arg6[%dma_wait3A_2437, %dma_wait3A_2417, %dma_wait3A_2438, %dma_wait3A_2439, %dma_wait3A_2440] : memref<4x2x8x4x128xf32, #tpu.memory_space<vmem>> -> memref<4x1x8x4x128xf32, #tpu.memory_space<vmem>>
    %dma_wait3A_2442 = tpu.memref_squeeze %dma_wait3A_2441 : memref<4x1x8x4x128xf32, #tpu.memory_space<vmem>> -> memref<4x8x4x128xf32, #tpu.memory_space<vmem>>
    tpu.wait_dma2 semaphore(%arg14 : memref<!tpu.dma_semaphore, #tpu.memory_space<semaphore_mem>>) src(%dma_wait3A_2442 : memref<4x8x4x128xf32, #tpu.memory_space<vmem>>) dst(%dma_wait3A_2436 : memref<4x8x4x128xf32, #tpu.memory_space<hbm>>)
    %dma_wait3A_2443 = arith.constant 0 : i32
    %dma_wait3A_2444 = arith.constant 0 : i32
    %dma_wait3A_2445 = arith.constant 0 : i32
    %dma_wait3A_2446 = arith.constant 0 : i32
    %dma_wait3A_2447 = arith.constant 0 : i32
    %dma_wait3A_2448 = arith.constant 0 : i32
    %dma_wait3A_2449 = tpu.memref_slice %arg7[%dma_wait3A_2445, %dma_wait3A_2443, %dma_wait3A_2446, %dma_wait3A_2447, %dma_wait3A_2448] : memref<4x2x8x4x128xf32, #tpu.memory_space<vmem>> -> memref<4x1x8x4x128xf32, #tpu.memory_space<vmem>>
    %dma_wait3A_2450 = tpu.memref_squeeze %dma_wait3A_2449 : memref<4x1x8x4x128xf32, #tpu.memory_space<vmem>> -> memref<4x8x4x128xf32, #tpu.memory_space<vmem>>
    %dma_wait3A_2451 = arith.constant 28 : i32
    %dma_wait3A_2452 = arith.constant 0 : i32
    %dma_wait3A_2453 = arith.constant 0 : i32
    %dma_wait3A_2454 = arith.constant 0 : i32
    %dma_wait3A_2455 = tpu.memref_slice %arg3[%add3A, %dma_wait3A_2451, %dma_wait3A_2452, %dma_wait3A_2444, %dma_wait3A_2453, %dma_wait3A_2454] : memref<32x32x8x2x4x128xf32, #tpu.memory_space<hbm>> -> memref<1x4x8x1x4x128xf32, #tpu.memory_space<hbm>>
    %dma_wait3A_2456 = tpu.memref_squeeze %dma_wait3A_2455 : memref<1x4x8x1x4x128xf32, #tpu.memory_space<hbm>> -> memref<4x8x4x128xf32, #tpu.memory_space<hbm>>
    %dma_wait3A_2457 = arith.constant 28 : i32
    %dma_wait3A_2458 = arith.constant 0 : i32
    %dma_wait3A_2459 = arith.constant 0 : i32
    %dma_wait3A_2460 = arith.constant 0 : i32
    %dma_wait3A_2461 = tpu.memref_slice %arg3[%add3A, %dma_wait3A_2457, %dma_wait3A_2458, %dma_wait3A_2444, %dma_wait3A_2459, %dma_wait3A_2460] : memref<32x32x8x2x4x128xf32, #tpu.memory_space<hbm>> -> memref<1x4x8x1x4x128xf32, #tpu.memory_space<hbm>>
    %dma_wait3A_2462 = tpu.memref_squeeze %dma_wait3A_2461 : memref<1x4x8x1x4x128xf32, #tpu.memory_space<hbm>> -> memref<4x8x4x128xf32, #tpu.memory_space<hbm>>
    %dma_wait3A_2463 = arith.constant 0 : i32
    %dma_wait3A_2464 = arith.constant 0 : i32
    %dma_wait3A_2465 = arith.constant 0 : i32
    %dma_wait3A_2466 = arith.constant 0 : i32
    %dma_wait3A_2467 = tpu.memref_slice %arg7[%dma_wait3A_2463, %dma_wait3A_2443, %dma_wait3A_2464, %dma_wait3A_2465, %dma_wait3A_2466] : memref<4x2x8x4x128xf32, #tpu.memory_space<vmem>> -> memref<4x1x8x4x128xf32, #tpu.memory_space<vmem>>
    %dma_wait3A_2468 = tpu.memref_squeeze %dma_wait3A_2467 : memref<4x1x8x4x128xf32, #tpu.memory_space<vmem>> -> memref<4x8x4x128xf32, #tpu.memory_space<vmem>>
    tpu.wait_dma2 semaphore(%arg15 : memref<!tpu.dma_semaphore, #tpu.memory_space<semaphore_mem>>) src(%dma_wait3A_2468 : memref<4x8x4x128xf32, #tpu.memory_space<vmem>>) dst(%dma_wait3A_2462 : memref<4x8x4x128xf32, #tpu.memory_space<hbm>>)
    %dma_wait3A_2469 = arith.constant 1 : i32
    %dma_wait3A_2470 = arith.constant 1 : i32
    %dma_wait3A_2471 = arith.constant 0 : i32
    %dma_wait3A_2472 = arith.constant 0 : i32
    %dma_wait3A_2473 = arith.constant 0 : i32
    %dma_wait3A_2474 = arith.constant 0 : i32
    %dma_wait3A_2475 = tpu.memref_slice %arg7[%dma_wait3A_2471, %dma_wait3A_2469, %dma_wait3A_2472, %dma_wait3A_2473, %dma_wait3A_2474] : memref<4x2x8x4x128xf32, #tpu.memory_space<vmem>> -> memref<4x1x8x4x128xf32, #tpu.memory_space<vmem>>
    %dma_wait3A_2476 = tpu.memref_squeeze %dma_wait3A_2475 : memref<4x1x8x4x128xf32, #tpu.memory_space<vmem>> -> memref<4x8x4x128xf32, #tpu.memory_space<vmem>>
    %dma_wait3A_2477 = arith.constant 28 : i32
    %dma_wait3A_2478 = arith.constant 0 : i32
    %dma_wait3A_2479 = arith.constant 0 : i32
    %dma_wait3A_2480 = arith.constant 0 : i32
    %dma_wait3A_2481 = tpu.memref_slice %arg3[%add3A, %dma_wait3A_2477, %dma_wait3A_2478, %dma_wait3A_2470, %dma_wait3A_2479, %dma_wait3A_2480] : memref<32x32x8x2x4x128xf32, #tpu.memory_space<hbm>> -> memref<1x4x8x1x4x128xf32, #tpu.memory_space<hbm>>
    %dma_wait3A_2482 = tpu.memref_squeeze %dma_wait3A_2481 : memref<1x4x8x1x4x128xf32, #tpu.memory_space<hbm>> -> memref<4x8x4x128xf32, #tpu.memory_space<hbm>>
    %dma_wait3A_2483 = arith.constant 28 : i32
    %dma_wait3A_2484 = arith.constant 0 : i32
    %dma_wait3A_2485 = arith.constant 0 : i32
    %dma_wait3A_2486 = arith.constant 0 : i32
    %dma_wait3A_2487 = tpu.memref_slice %arg3[%add3A, %dma_wait3A_2483, %dma_wait3A_2484, %dma_wait3A_2470, %dma_wait3A_2485, %dma_wait3A_2486] : memref<32x32x8x2x4x128xf32, #tpu.memory_space<hbm>> -> memref<1x4x8x1x4x128xf32, #tpu.memory_space<hbm>>
    %dma_wait3A_2488 = tpu.memref_squeeze %dma_wait3A_2487 : memref<1x4x8x1x4x128xf32, #tpu.memory_space<hbm>> -> memref<4x8x4x128xf32, #tpu.memory_space<hbm>>
    %dma_wait3A_2489 = arith.constant 0 : i32
    %dma_wait3A_2490 = arith.constant 0 : i32
    %dma_wait3A_2491 = arith.constant 0 : i32
    %dma_wait3A_2492 = arith.constant 0 : i32
    %dma_wait3A_2493 = tpu.memref_slice %arg7[%dma_wait3A_2489, %dma_wait3A_2469, %dma_wait3A_2490, %dma_wait3A_2491, %dma_wait3A_2492] : memref<4x2x8x4x128xf32, #tpu.memory_space<vmem>> -> memref<4x1x8x4x128xf32, #tpu.memory_space<vmem>>
    %dma_wait3A_2494 = tpu.memref_squeeze %dma_wait3A_2493 : memref<4x1x8x4x128xf32, #tpu.memory_space<vmem>> -> memref<4x8x4x128xf32, #tpu.memory_space<vmem>>
    tpu.wait_dma2 semaphore(%arg15 : memref<!tpu.dma_semaphore, #tpu.memory_space<semaphore_mem>>) src(%dma_wait3A_2494 : memref<4x8x4x128xf32, #tpu.memory_space<vmem>>) dst(%dma_wait3A_2488 : memref<4x8x4x128xf32, #tpu.memory_space<hbm>>)
    return
  }
}

</mosaic_0001>

<sc_bundles>
// kernel: kernel.3.cloned.1.call-start
scs
__scs_entry_jumppad:
0x0: {  	(pc) =	sbr.rel $0x88, $3  }
0x1: {  	(tag) =	ssettag $0x0;
	lr =	simm.s32 $0x1  }
0x2: {  	[smem:$0x3FA0] =	sst lr;
	_ =	strace $0xD0000000  }
0x3: {  	_ = 	snop  }
0x4: {  	_ = 	snop  }
0x5: {  	_ = 	snop  }
0x6: {  	_ = 	snop  }
0x7: {  	_ = 	snop  }
__scs_overlays_trampoline_lowered:
0x8: {  	[smem:$0x3FAF] =	sst s0  }
0x9: {  	[smem:$0x3FB0] =	sst s1  }
0xa: {  	[smem:$0x3FB1] =	sst s2  }
0xb: {  	[smem:$0x3FB2] =	sst s3  }
0xc: {  	[smem:$0x3FB3] =	sst s4  }
0xd: {  	[smem:$0x3FB4] =	sst s5  }
0xe: {  	[smem:$0x3FB5] =	sst s6  }
0xf: {  	[smem:$0x3FB6] =	sst s7  }
0x10: {  	[smem:$0x3FB7] =	sst s8  }
0x11: {  	[smem:$0x3FB8] =	sst s9;
	s0 =	simm.s32 @!p0 $0x0  }
0x12: {  	s1 =	sld [smem:$0x3F9E];
	s0 =	simm.s32 @p0 $0x1  }
0x13: {  	[smem:$0x3FB9] =	sst s0;
	s0 =	simm.s32 @!p1 $0x0  }
0x14: {  	s2 =	sld [smem:$0x3F9D];
	s0 =	simm.s32 @p1 $0x1  }
0x15: {  	[smem:$0x3FBA] =	sst s0;
	s0 =	simm.s32 @!p2 $0x0  }
0x16: {  	s3 =	sld [smem:$0x3FDB];
	s0 =	simm.s32 @p2 $0x1  }
0x17: {  	s4 =	simm.s32 $0x1BF5;
	[smem:$0x3FBC] =	sst s0  }
0x18: {  	s0 =	sld [smem:$0x3F9F];
	_ =	swait.ge [sflag:s4], $0x0  }
0x19: {  	s7 =	sld [smem:$0x3FA0]  }
0x1a: {  	s8 =	sadd.s32 $0xFFFFE003, lr  }
0x1b: {  	s9 =	sadd.s32 $0xFFFFFEF7, lr;
	s5 =	simm.s32 $0xFFFFFFFF;
	p2 =	slt.u32 s8, $0xFFFFF086  }
0x1c: {  	p1 =	slt.u32 s9, $0xF7A;
	s5 =	simm.s32 @!p2 $0x0  }
0x1d: {  	s5 =	simm.s32 @p1 $0x1;
	p0 =	seq.s32 s7, s2  }
0x1e: {  	s7 =	smul.u32 @!p0 $0xF7A, s2;
	p2 =	seq.s32 @!p0 s5, $0x0  }
0x1f: {  	s9 =	smul.u32 $0xF7A, s1;
	s8 =	simm.s32 @!p0 $0x1BF5;
	p2 =	por !p2, p0  }
0x20: {  	[sflag:s8] =	ssyncset.s32 @!p0 $0xFFFFF086;
	s6 =	sadd.s32 @!p0 s3, s7;
	s7 =	simm.s32 @!p0 $0x108  }
0x21: {  	s3 =	sadd.s32 s3, s9;
	s6 =	sadd.s32 @!p0 $0x88, s6;
	s7 =	simm.s32 @p2 $0x1082  }
0x22: {  	[simem:s7], [sflag:s8] =	dma.local @!p0 [hbm:s6], $0xF7A  }
0x23: {  	s9 =	sor.u32 $0xD0000000, s2;
	s6 =	simm.s32 $0x108;
	_ =	swait.ge @!p0 [sflag:s8], $0x0  }
0x24: {  	s3 =	sadd.s32 $0x88, s3;
	s6 =	simm.s32 @!p1 $0x1082;
	[sflag:s4] =	ssyncset.s32 $0xFFFFF086  }
0x25: {  	[simem:s6], [sflag:s4] =	dma.local [hbm:s3], $0xF7A  }
0x26: {  	[smem:$0x3FA0] =	sst s1;
	(tag) =	ssettag s2;
	_ =	strace s9  }
0x27: {  	s1 =	sld [smem:$0x3FB0]  }
0x28: {  	s2 =	sld [smem:$0x3FB1]  }
0x29: {  	s4 =	sld [smem:$0x3FB3]  }
0x2a: {  	p0 =	seq.s32 s5, $0x0;
	s5 =	sld [smem:$0x3FB4]  }
0x2b: {  	s6 =	sld [smem:$0x3FB5]  }
0x2c: {  	s7 =	sld [smem:$0x3FB6]  }
0x2d: {  	s3 =	simm.s32 $0x108;
	s8 =	sld [smem:$0x3FB7]  }
0x2e: {  	s3 =	simm.s32 @!p0 $0x1082;
	s9 =	sld [smem:$0x3FB8]  }
0x2f: {  	lr =	sadd.s32 s0, s3;
	s0 =	sld [smem:$0x3FAF]  }
0x30: {  	s3 =	sld [smem:$0x3FB2]  }
0x31: {  	[smem:$0x3FBB] =	sst s10  }
0x32: {  	s10 =	sld [smem:$0x3FB9];
	_ =	sdelay $0x3  }
0x33: {  	p0 =	seq.s32 s10, $0x1;
	s10 =	sld [smem:$0x3FBB];
	_ =	sdelay $0x3  }
0x34: {  	[smem:$0x3FBB] =	sst s10  }
0x35: {  	s10 =	sld [smem:$0x3FBA];
	_ =	sdelay $0x3  }
0x36: {  	p1 =	seq.s32 s10, $0x1;
	s10 =	sld [smem:$0x3FBB];
	_ =	sdelay $0x3  }
0x37: {  	[smem:$0x3FBB] =	sst s10  }
0x38: {  	s10 =	sld [smem:$0x3FBC]  }
0x39: {  	_ = 	snop;
	(pc) =	sbr.ind lr, $3  }
0x3a: {  	_ = 	snop  }
0x3b: {  	_ = 	snop  }
0x3c: {  	p2 =	seq.s32 s10, $0x1;
	s10 =	sld [smem:$0x3FBB]  }
0x3d: {  	_ =	shalt  }
0x3e: {  	_ =	shalt  }
0x3f: {  	_ =	shalt  }
0x40: {  	_ =	shalt  }
0x41: {  	_ =	shalt  }
0x42: {  	_ =	shalt  }
0x43: {  	_ =	shalt  }
0x44: {  	_ =	shalt  }
0x45: {  	_ =	shalt  }
0x46: {  	_ =	shalt  }
0x47: {  	_ =	shalt  }
0x48: {  	_ =	shalt  }
0x49: {  	_ =	shalt  }
0x4a: {  	_ =	shalt  }
0x4b: {  	_ =	shalt  }
0x4c: {  	_ =	shalt  }
0x4d: {  	_ =	shalt  }
0x4e: {  	_ =	shalt  }
0x4f: {  	_ =	shalt  }
0x50: {  	_ =	shalt  }
0x51: {  	_ =	shalt  }
0x52: {  	_ =	shalt  }
0x53: {  	_ =	shalt  }
0x54: {  	_ =	shalt  }
0x55: {  	_ =	shalt  }
0x56: {  	_ =	shalt  }
0x57: {  	_ =	shalt  }
0x58: {  	_ =	shalt  }
0x59: {  	_ =	shalt  }
0x5a: {  	_ =	shalt  }
0x5b: {  	_ =	shalt  }
0x5c: {  	_ =	shalt  }
0x5d: {  	_ =	shalt  }
0x5e: {  	_ =	shalt  }
0x5f: {  	_ =	shalt  }
0x60: {  	_ =	shalt  }
0x61: {  	_ =	shalt  }
0x62: {  	_ =	shalt  }
0x63: {  	_ =	shalt  }
0x64: {  	_ =	shalt  }
0x65: {  	_ =	shalt  }
0x66: {  	_ =	shalt  }
0x67: {  	_ =	shalt  }
0x68: {  	_ =	shalt  }
0x69: {  	_ =	shalt  }
0x6a: {  	_ =	shalt  }
0x6b: {  	_ =	shalt  }
0x6c: {  	_ =	shalt  }
0x6d: {  	_ =	shalt  }
0x6e: {  	_ =	shalt  }
0x6f: {  	_ =	shalt  }
0x70: {  	_ =	shalt  }
0x71: {  	_ =	shalt  }
0x72: {  	_ =	shalt  }
0x73: {  	_ =	shalt  }
0x74: {  	_ =	shalt  }
0x75: {  	_ =	shalt  }
0x76: {  	_ =	shalt  }
0x77: {  	_ =	shalt  }
0x78: {  	_ =	shalt  }
0x79: {  	_ =	shalt  }
0x7a: {  	_ =	shalt  }
0x7b: {  	_ =	shalt  }
0x7c: {  	_ =	shalt  }
0x7d: {  	_ =	shalt  }
0x7e: {  	_ =	shalt  }
0x7f: {  	_ =	shalt  }
0x80: {  	_ =	shalt  }
0x81: {  	_ =	shalt  }
0x82: {  	_ =	shalt  }
0x83: {  	_ =	shalt  }
0x84: {  	_ =	shalt  }
0x85: {  	_ =	shalt  }
0x86: {  	_ =	shalt  }
0x87: {  	_ =	shalt  }
.Lfunc_end0:
.L_simem_size_0:
called_computation_lowered:
.L_overlay_start_0:
0x88: {  	s2 =	sld [smem:$0x3FD9]  }
0x89: {  	s3 =	sld [smem:$0x3FFE];
	_ =	sdelay $0x1  }
0x8a: {  	s1 =	srdreg.scid  }
0x8b: {  	s0 =	sand.u32 $0x1, s1  }
0x8c: {  	s18 =	sshll.u32 s0, $0xA;
	s2 =	sadd.s32 s3, s2  }
0x8d: {  	s2 =	sadd.s32 s2, s18  }
0x8e: {  	[smem:$0x3FC7] =	sst s2  }
0x8f: {  	_ = 	snop  }
0x90: {  	s2 =	sld [smem:$0x3FC9]  }
0x91: {  	s19 =	sld [smem:$0x3FD0];
	(tm) =	ssettm $0x1  }
0x92: {  	s4 =	sld [smem:$0x3FFB];
	_ =	sdelay $0x3  }
0x93: {  	_ =	strace s4  }
0x94: {  	s4 =	sld [smem:$0x3FFC];
	_ =	sdelay $0x3  }
0x95: {  	_ =	strace s4  }
0x96: {  	s4 =	sld [smem:$0x3FFD];
	_ =	sdelay $0x3  }
0x97: {  	_ =	strace s4  }
0x98: {  	_ =	strace $0x8FFFFFFF  }
0x99: {  	s20 =	sld [smem:$0x3FDB];
	_ =	sdelay $0x1  }
0x9a: {  	s5 =	simm.s32 $_scs_section_size  }
0x9b: {  	s6 =	simm.s32 $_size__tile_overlayer_lowered;
	s7 =	simm.s32 $_tile_overlayer_lowered  }
0x9c: {  	s23 =	simm.s32 $0x1BFF;
	s22 =	sshll.u32 s7, $0x1;
	s4 =	sadd.s32 s5, s20  }
0x9d: {  	s8 =	simm.s32 $0x0;
	s21 =	sshll.u32 s6, $0x1;
	s6 =	sadd.s32 s22, s4  }
0x9e: {  	[timem:s8], [sflag:s23] =	dma.local [hbm:s6], s21  }
0x9f: {  	_ =	swait.ge [sflag:s23], s21  }
0xa0: {  	s5 =	ssub.s32 $0x0, s21;
	[sflag:s23] =	ssyncset.done $0x0  }
0xa1: {  	[sflag:s23] =	ssyncadd.s32 s5;
	_ =	sdelay $0x1  }
0xa2: {  	s24 =	simm.s32 $0x1B8B  }
0xa3: {  	_ =	swait.ge [sflag:s24], $0x1  }
0xa4: {  	[sflag:s24] =	ssyncset.done $0x0  }
0xa5: {  	s25 =	simm.s32 $0x1B8E;
	[sflag:s24] =	ssyncadd.s32 $0xFFFFFFFF  }
0xa6: {  	s26 =	simm.s32 $execute0_lowered;
	[smem:$0x3FD2] =	sst s25  }
0xa7: {  	s5 =	sshll.u32 s26, $0x1;
	_ =	strace $0x80000046;
	[dreg:$0x1] =	wrdreg $0xFFFFFFFF  }
0xa8: {  	s28 =	simm.s32 $_size_execute0_lowered;
	s4 =	sadd.s32 s4, s5;
	[dreg:$0x0] =	wrdreg $0x0  }
0xa9: {  	s5 =	sshll.u32 s28, $0x1;
	[dreg:$0x2] =	wrdreg s4  }
0xaa: {  	[dreg:$0x3] =	wrdreg s5  }
0xab: {  	[dreg:$0x4] =	wrdreg $0xC0  }
0xac: {  	_ =	task [dreg:s8], $0x5FFFF  }
0xad: {  	[dreg:$0x1] =	wrdreg $0xFFFFFFFF  }
0xae: {  	[dreg:$0x0] =	wrdreg $0x60  }
0xaf: {  	[dreg:$0x2] =	wrdreg s2  }
0xb0: {  	[dreg:$0x3] =	wrdreg s19  }
0xb1: {  	[dreg:$0x4] =	wrdreg $0x9  }
0xb2: {  	_ =	task.clear_ibuf [dreg:s8], $0x5FFFF;
	_ =	strace $0x90000046  }
0xb3: {  	s29 =	simm.s32 $0x9;
	_ =	strace $0x80000048  }
0xb4: {  	_ =	swait.ge [sflag:s29], $0x1  }
0xb5: {  	[sflag:s29] =	ssyncadd.s32 $0xFFFFFFFF  }
0xb6: {  	_ =	strace $0x90000048  }
0xb7: {  	_ =	sfence  }
0xb8: {  	s30 =	sld [smem:$0x0];
	_ =	sdelay $0x2  }
0xb9: {  	s31 =	sshll.u32 s1, $0xD;
	s1 =	sshrl.u32 s1, $0x2  }
0xba: {  	s3 =	sand.u32 $0x4000, s31;
	s1 =	sadd.s32 s1, s30  }
0xbb: {  	s0 =	sor.u32 s3, s0;
	s1 =	sshll.u32 s1, $0x11  }
0xbc: {  	s0 =	sor.u32 s1, s0  }
0xbd: {  	s0 =	sadd.s32 $0x8F2B, s0  }
0xbe: {  	[sflag:s0] =	ssyncadd.remote.s32 $0x1  }
0xbf: {  	_ =	sfence.sel $0xFFFF  }
0xc0: {  	[dreg:$0x0] =	wrdreg $0xFFFFFFFF;
	(pc) =	sbr.abs _section_cstart, $3  }
0xc1: {  	[dreg:$0x1] =	wrdreg $0xFFFFFFFF  }
0xc2: {  	_ =	task.clear_ibuf [dreg:s8], $0x2FFFF;
	_ =	strace $0x9FFFFFFF  }
0xc3: {  	(tm) =	ssettm $0x7FFFFFFF  }
tec
execute0_lowered:
.L_overlay_start_1:
0x0: {  	(tag) =	ssettag $0x1  }
0x1: {  	s0 =	srdreg.scid;
	s1 =	stileid.u32  }
0x2: {  	s0 =	sand.u32 $0x1, s0;
	s1 =	sshll.u32 s1, $0x1  }
0x3: {  	s1 =	sor.u32 s0, s1;
	s0 =	ssub.s32 $0x2, s0  }
0x4: {  	s3 =	rddreg [dreg:$0x0];
	s5 =	smul.u32 $0x60000, s1;
	s6 =	sshrl.u32 s0, $0x1  }
0x5: {  	s4 =	rddreg [dreg:$0x1];
	s2 =	simm.s32 $0x0;
	s0 =	ssub.s32 s0, s6  }
0x6: {  	[smem:$0x7FF] =	sst s2;
	s5 =	sshrl.u32 s5, $0x3;
	s0 =	smax.u32 s0, $0x1  }
0x7: {  	_ =	strace $0x80000047;
	s7 =	sadd.s32 s3, s5;
	[dreg:$0x13] =	wrdreg s0  }
0x8: {  	s3 =	sadd.s32 $0x4000, s7;
	[dreg:$0x3] =	wrdreg s7  }
0x9: {  	s24 =	sadd.s32 $0x400, s7;
	[dreg:$0x5] =	wrdreg s3  }
0xa: {  	s25 =	sadd.s32 $0x4400, s7;
	[dreg:$0x7] =	wrdreg s24  }
0xb: {  	s26 =	sadd.s32 $0x800, s7;
	[dreg:$0x9] =	wrdreg s25  }
0xc: {  	s5 =	sadd.s32 $0x4800, s7;
	[dreg:$0xb] =	wrdreg s26  }
0xd: {  	s9 =	sadd.s32 $0x2000, s7;
	[dreg:$0xd] =	wrdreg s5  }
0xe: {  	s10 =	sadd.s32 $0x6000, s7;
	[dreg:$0x4] =	wrdreg s9  }
0xf: {  	s1 =	sshll.u32 s1, $0xF;
	s11 =	sadd.s32 $0x2400, s7;
	[dreg:$0x6] =	wrdreg s10  }
0x10: {  	s12 =	sadd.s32 $0x6400, s7;
	s13 =	sadd.s32 $0x2800, s7;
	[dreg:$0x8] =	wrdreg s11  }
0x11: {  	s14 =	sadd.s32 $0x6800, s7;
	s17 =	sadd.s32 $0xC00, s7;
	[dreg:$0xa] =	wrdreg s12  }
0x12: {  	s18 =	sadd.s32 $0x2C00, s7;
	s19 =	sadd.s32 $0x4C00, s7;
	[dreg:$0xc] =	wrdreg s13  }
0x13: {  	s20 =	sadd.s32 $0x6C00, s7;
	s5 =	sadd.s32 s4, s1;
	[dreg:$0xe] =	wrdreg s14  }
0x14: {  	s23 =	sadd.s32 $0x1000, s7;
	s1 =	sadd.s32 $0x40, s5;
	[dreg:$0xf] =	wrdreg s5  }
0x15: {  	s28 =	sadd.s32 $0x7000, s7;
	s6 =	sadd.s32 $0x1000, s5;
	[dreg:$0x10] =	wrdreg s1  }
0x16: {  	s31 =	sadd.s32 $0x1400, s7;
	s8 =	sadd.s32 $0x1040, s5;
	[dreg:$0x11] =	wrdreg s6  }
0x17: {  	s0 =	sadd.s32 $0x5400, s7;
	s15 =	sadd.s32 $0x2000, s5;
	[dreg:$0x12] =	wrdreg s8  }
0x18: {  	s29 =	sadd.s32 $0x3800, s7;
	s16 =	sadd.s32 $0x2040, s5;
	[dreg:$0x14] =	wrdreg s15  }
0x19: {  	s30 =	sadd.s32 $0x5800, s7;
	s21 =	sadd.s32 $0x3000, s5;
	[dreg:$0x15] =	wrdreg s16  }
0x1a: {  	s24 =	sadd.s32 $0x3000, s7;
	s22 =	sadd.s32 $0x3040, s5;
	[dreg:$0x16] =	wrdreg s21  }
0x1b: {  	s26 =	sadd.s32 $0x5000, s7;
	s4 =	sadd.s32 $0x4000, s5;
	[dreg:$0x17] =	wrdreg s22  }
0x1c: {  	s25 =	sadd.s32 $0x7400, s7;
	[dreg:$0x18] =	wrdreg s4;
	s6 =	sadd.s32 $0x4040, s5  }
0x1d: {  	s3 =	sadd.s32 $0x5C00, s7;
	s8 =	sadd.s32 $0x5000, s5;
	[dreg:$0x19] =	wrdreg s6  }
0x1e: {  	s1 =	sadd.s32 $0x3400, s7;
	[dreg:$0x1a] =	wrdreg s8;
	s8 =	sadd.s32 $0x5040, s5  }
0x1f: {  	s22 =	sadd.s32 $0x1800, s7;
	[dreg:$0x1b] =	wrdreg s8;
	s8 =	sadd.s32 $0x6000, s5  }
0x20: {  	s16 =	sadd.s32 $0x7800, s7;
	[dreg:$0x1c] =	wrdreg s8;
	s8 =	sadd.s32 $0x6040, s5  }
0x21: {  	s21 =	sadd.s32 $0x1C00, s7;
	[dreg:$0x1d] =	wrdreg s8;
	s8 =	sadd.s32 $0x7000, s5  }
0x22: {  	s15 =	sadd.s32 $0x3C00, s7;
	s5 =	sadd.s32 $0x7040, s5;
	[dreg:$0x1e] =	wrdreg s8  }
0x23: {  	s4 =	sadd.s32 $0x7C00, s7;
	[dreg:$0x1f] =	wrdreg s5;
	s8 =	simm.s32 $0x0  }
.LBB2_1:
0x24: {  	[smem:$0x7FD] =	sst s8;
	s5 =	simm.s32 $0x10;
	s8 =	sadd.s32 $0x0, s7  }
0x25: {  	s6 =	simm.s32 $0x200;
	s9 =	smov.u32 s7;
	s7 =	simm.s32 $0x0  }
.LBB2_2:
0x26: {  	[tilespmem:s7], [sflag:$0x1] =	stream.linear.gather [hbm4b:s8+s2], $0x80, $0x38;
	v63 =	vld [tilespmem:$0x0]  }
0x27: {  	s8 =	smov.u32 s5;
	s7 =	smov.u32 s6;
	p0 =	sne.s32 s5, $0x3F0  }
.Ltmp0:
0x28: {  	s5 =	sadd.s32 $0x10, s5;
	(pc) =	sbr.rel @p0 .LBB2_2-.Ltmp0, $2  }
0x29: {  	_ =	sdelay $0x2  }
0x2a: {  	s6 =	sadd.s32 $0x200, s6;
	s8 =	sadd.s32 s8, s9  }
0x2b: {  	[tilespmem:s7], [sflag:$0x1] =	stream.linear.gather [hbm4b:s8+s2], $0x80, $0x38;
	v63 =	vld [tilespmem:$0x0]  }
0x2c: {  	s5 =	simm.s32 $0x80;
	s9 =	rddreg [dreg:$0x4]  }
0x2d: {  	s6 =	simm.s32 $0x10;
	s7 =	simm.s32 $0x280;
	s8 =	sadd.s32 $0x0, s9  }
.LBB2_4:
0x2e: {  	[tilespmem:s5], [sflag:$0x1] =	stream.linear.gather [hbm4b:s8+s2], $0x80, $0x38;
	v63 =	vld [tilespmem:$0x0]  }
0x2f: {  	s8 =	smov.u32 s6;
	s5 =	smov.u32 s7;
	p0 =	sne.s32 s6, $0x3F0  }
.Ltmp1:
0x30: {  	s6 =	sadd.s32 $0x10, s6;
	(pc) =	sbr.rel @p0 .LBB2_4-.Ltmp1, $2  }
0x31: {  	_ =	sdelay $0x2  }
0x32: {  	s7 =	sadd.s32 $0x200, s7;
	s8 =	sadd.s32 s8, s9  }
0x33: {  	[tilespmem:s5], [sflag:$0x1] =	stream.linear.gather [hbm4b:s8+s2], $0x80, $0x38;
	v63 =	vld [tilespmem:$0x0]  }
0x34: {  	s5 =	simm.s32 $0x100;
	s10 =	rddreg [dreg:$0x5]  }
0x35: {  	s6 =	simm.s32 $0x10;
	s7 =	simm.s32 $0x300;
	s8 =	sadd.s32 $0x0, s10  }
.LBB2_6:
0x36: {  	[tilespmem:s5], [sflag:$0x1] =	stream.linear.gather [hbm4b:s8+s2], $0x80, $0x38;
	v63 =	vld [tilespmem:$0x0]  }
0x37: {  	s8 =	smov.u32 s6;
	s5 =	smov.u32 s7;
	p0 =	sne.s32 s6, $0x3F0  }
.Ltmp2:
0x38: {  	s6 =	sadd.s32 $0x10, s6;
	(pc) =	sbr.rel @p0 .LBB2_6-.Ltmp2, $2  }
0x39: {  	_ =	sdelay $0x2  }
0x3a: {  	s7 =	sadd.s32 $0x200, s7;
	s8 =	sadd.s32 s8, s10  }
0x3b: {  	[tilespmem:s5], [sflag:$0x1] =	stream.linear.gather [hbm4b:s8+s2], $0x80, $0x38;
	v63 =	vld [tilespmem:$0x0]  }
0x3c: {  	s5 =	simm.s32 $0x180;
	s10 =	rddreg [dreg:$0x6]  }
0x3d: {  	s6 =	simm.s32 $0x10;
	s7 =	simm.s32 $0x380;
	s8 =	sadd.s32 $0x0, s10  }
.LBB2_8:
0x3e: {  	[tilespmem:s5], [sflag:$0x1] =	stream.linear.gather [hbm4b:s8+s2], $0x80, $0x38;
	v63 =	vld [tilespmem:$0x0]  }
0x3f: {  	s8 =	smov.u32 s6;
	s5 =	smov.u32 s7;
	p0 =	sne.s32 s6, $0x3F0  }
.Ltmp3:
0x40: {  	s6 =	sadd.s32 $0x10, s6;
	(pc) =	sbr.rel @p0 .LBB2_8-.Ltmp3, $2  }
0x41: {  	_ =	sdelay $0x2  }
0x42: {  	s7 =	sadd.s32 $0x200, s7;
	s8 =	sadd.s32 s8, s10  }
0x43: {  	[tilespmem:s5], [sflag:$0x1] =	stream.linear.gather [hbm4b:s8+s2], $0x80, $0x38;
	v63 =	vld [tilespmem:$0x0]  }
0x44: {  	s5 =	simm.s32 $0x8000;
	s11 =	rddreg [dreg:$0x7]  }
0x45: {  	s6 =	simm.s32 $0x10;
	s7 =	simm.s32 $0x8200;
	s8 =	sadd.s32 $0x0, s11  }
.LBB2_10:
0x46: {  	[tilespmem:s5], [sflag:$0x2] =	stream.linear.gather [hbm4b:s8+s2], $0x80, $0x38;
	v63 =	vld [tilespmem:$0x0]  }
0x47: {  	s8 =	smov.u32 s6;
	s5 =	smov.u32 s7;
	p0 =	sne.s32 s6, $0x3F0  }
.Ltmp4:
0x48: {  	s6 =	sadd.s32 $0x10, s6;
	(pc) =	sbr.rel @p0 .LBB2_10-.Ltmp4, $2  }
0x49: {  	_ =	sdelay $0x2  }
0x4a: {  	s7 =	sadd.s32 $0x200, s7;
	s8 =	sadd.s32 s8, s11  }
0x4b: {  	[tilespmem:s5], [sflag:$0x2] =	stream.linear.gather [hbm4b:s8+s2], $0x80, $0x38;
	v63 =	vld [tilespmem:$0x0]  }
0x4c: {  	s5 =	simm.s32 $0x8080;
	s11 =	rddreg [dreg:$0x8]  }
0x4d: {  	s6 =	simm.s32 $0x10;
	s7 =	simm.s32 $0x8280;
	s8 =	sadd.s32 $0x0, s11  }
.LBB2_12:
0x4e: {  	[tilespmem:s5], [sflag:$0x2] =	stream.linear.gather [hbm4b:s8+s2], $0x80, $0x38;
	v63 =	vld [tilespmem:$0x0]  }
0x4f: {  	s8 =	smov.u32 s6;
	s5 =	smov.u32 s7;
	p0 =	sne.s32 s6, $0x3F0  }
.Ltmp5:
0x50: {  	s6 =	sadd.s32 $0x10, s6;
	(pc) =	sbr.rel @p0 .LBB2_12-.Ltmp5, $2  }
0x51: {  	_ =	sdelay $0x2  }
0x52: {  	s7 =	sadd.s32 $0x200, s7;
	s8 =	sadd.s32 s8, s11  }
0x53: {  	[tilespmem:s5], [sflag:$0x2] =	stream.linear.gather [hbm4b:s8+s2], $0x80, $0x38;
	v63 =	vld [tilespmem:$0x0]  }
0x54: {  	s5 =	simm.s32 $0x8100;
	s12 =	rddreg [dreg:$0x9]  }
0x55: {  	s6 =	simm.s32 $0x10;
	s7 =	simm.s32 $0x8300;
	s8 =	sadd.s32 $0x0, s12  }
.LBB2_14:
0x56: {  	[tilespmem:s5], [sflag:$0x2] =	stream.linear.gather [hbm4b:s8+s2], $0x80, $0x38;
	v63 =	vld [tilespmem:$0x0]  }
0x57: {  	s8 =	smov.u32 s6;
	s5 =	smov.u32 s7;
	p0 =	sne.s32 s6, $0x3F0  }
.Ltmp6:
0x58: {  	s6 =	sadd.s32 $0x10, s6;
	(pc) =	sbr.rel @p0 .LBB2_14-.Ltmp6, $2  }
0x59: {  	_ =	sdelay $0x2  }
0x5a: {  	s7 =	sadd.s32 $0x200, s7;
	s8 =	sadd.s32 s8, s12  }
0x5b: {  	[tilespmem:s5], [sflag:$0x2] =	stream.linear.gather [hbm4b:s8+s2], $0x80, $0x38;
	v63 =	vld [tilespmem:$0x0]  }
0x5c: {  	s5 =	simm.s32 $0x8180;
	s12 =	rddreg [dreg:$0xa]  }
0x5d: {  	s6 =	simm.s32 $0x10;
	s7 =	simm.s32 $0x8380;
	s8 =	sadd.s32 $0x0, s12  }
.LBB2_16:
0x5e: {  	[tilespmem:s5], [sflag:$0x2] =	stream.linear.gather [hbm4b:s8+s2], $0x80, $0x38;
	v63 =	vld [tilespmem:$0x0]  }
0x5f: {  	s8 =	smov.u32 s6;
	s5 =	smov.u32 s7;
	p0 =	sne.s32 s6, $0x3F0  }
.Ltmp7:
0x60: {  	s6 =	sadd.s32 $0x10, s6;
	(pc) =	sbr.rel @p0 .LBB2_16-.Ltmp7, $2  }
0x61: {  	_ =	sdelay $0x2  }
0x62: {  	s7 =	sadd.s32 $0x200, s7;
	s8 =	sadd.s32 s8, s12  }
0x63: {  	[tilespmem:s5], [sflag:$0x2] =	stream.linear.gather [hbm4b:s8+s2], $0x80, $0x38;
	v63 =	vld [tilespmem:$0x0]  }
0x64: {  	s5 =	simm.s32 $0x10000;
	s13 =	rddreg [dreg:$0xb]  }
0x65: {  	s6 =	simm.s32 $0x10;
	s7 =	simm.s32 $0x10200;
	s8 =	sadd.s32 $0x0, s13  }
.LBB2_18:
0x66: {  	[tilespmem:s5], [sflag:$0x3] =	stream.linear.gather [hbm4b:s8+s2], $0x80, $0x38;
	v63 =	vld [tilespmem:$0x0]  }
0x67: {  	s8 =	smov.u32 s6;
	s5 =	smov.u32 s7;
	p0 =	sne.s32 s6, $0x3F0  }
.Ltmp8:
0x68: {  	s6 =	sadd.s32 $0x10, s6;
	(pc) =	sbr.rel @p0 .LBB2_18-.Ltmp8, $2  }
0x69: {  	_ =	sdelay $0x2  }
0x6a: {  	s7 =	sadd.s32 $0x200, s7;
	s8 =	sadd.s32 s8, s13  }
0x6b: {  	[tilespmem:s5], [sflag:$0x3] =	stream.linear.gather [hbm4b:s8+s2], $0x80, $0x38;
	v63 =	vld [tilespmem:$0x0]  }
0x6c: {  	s5 =	simm.s32 $0x10080;
	s13 =	rddreg [dreg:$0xc]  }
0x6d: {  	s6 =	simm.s32 $0x10;
	s7 =	simm.s32 $0x10280;
	s8 =	sadd.s32 $0x0, s13  }
.LBB2_20:
0x6e: {  	[tilespmem:s5], [sflag:$0x3] =	stream.linear.gather [hbm4b:s8+s2], $0x80, $0x38;
	v63 =	vld [tilespmem:$0x0]  }
0x6f: {  	s8 =	smov.u32 s6;
	s5 =	smov.u32 s7;
	p0 =	sne.s32 s6, $0x3F0  }
.Ltmp9:
0x70: {  	s6 =	sadd.s32 $0x10, s6;
	(pc) =	sbr.rel @p0 .LBB2_20-.Ltmp9, $2  }
0x71: {  	_ =	sdelay $0x2  }
0x72: {  	s7 =	sadd.s32 $0x200, s7;
	s8 =	sadd.s32 s8, s13  }
0x73: {  	[tilespmem:s5], [sflag:$0x3] =	stream.linear.gather [hbm4b:s8+s2], $0x80, $0x38;
	v63 =	vld [tilespmem:$0x0]  }
0x74: {  	s5 =	simm.s32 $0x10100;
	s14 =	rddreg [dreg:$0xd]  }
0x75: {  	s6 =	simm.s32 $0x10;
	s7 =	simm.s32 $0x10300;
	s8 =	sadd.s32 $0x0, s14  }
.LBB2_22:
0x76: {  	[tilespmem:s5], [sflag:$0x3] =	stream.linear.gather [hbm4b:s8+s2], $0x80, $0x38;
	v63 =	vld [tilespmem:$0x0]  }
0x77: {  	s8 =	smov.u32 s6;
	s5 =	smov.u32 s7;
	p0 =	sne.s32 s6, $0x3F0  }
.Ltmp10:
0x78: {  	s6 =	sadd.s32 $0x10, s6;
	(pc) =	sbr.rel @p0 .LBB2_22-.Ltmp10, $2  }
0x79: {  	_ =	sdelay $0x2  }
0x7a: {  	s7 =	sadd.s32 $0x200, s7;
	s8 =	sadd.s32 s8, s14  }
0x7b: {  	[tilespmem:s5], [sflag:$0x3] =	stream.linear.gather [hbm4b:s8+s2], $0x80, $0x38;
	v63 =	vld [tilespmem:$0x0]  }
0x7c: {  	s5 =	simm.s32 $0x10180;
	s14 =	rddreg [dreg:$0xe]  }
0x7d: {  	s6 =	simm.s32 $0x10;
	s7 =	simm.s32 $0x10380;
	s8 =	sadd.s32 $0x0, s14  }
.LBB2_24:
0x7e: {  	[tilespmem:s5], [sflag:$0x3] =	stream.linear.gather [hbm4b:s8+s2], $0x80, $0x38;
	v63 =	vld [tilespmem:$0x0]  }
0x7f: {  	s8 =	smov.u32 s6;
	s5 =	smov.u32 s7;
	p0 =	sne.s32 s6, $0x3F0  }
.Ltmp11:
0x80: {  	s6 =	sadd.s32 $0x10, s6;
	(pc) =	sbr.rel @p0 .LBB2_24-.Ltmp11, $2  }
0x81: {  	_ =	sdelay $0x2  }
0x82: {  	s7 =	sadd.s32 $0x200, s7;
	s8 =	sadd.s32 s8, s14  }
0x83: {  	[tilespmem:s5], [sflag:$0x3] =	stream.linear.gather [hbm4b:s8+s2], $0x80, $0x38;
	v63 =	vld [tilespmem:$0x0]  }
0x84: {  	s8 =	simm.s32 $0x1  }
0x85: {  	_ =	swait.ge [sflag:s8], $0x2000  }
0x86: {  	[sflag:s8] =	ssyncset.done $0x0  }
0x87: {  	[sflag:s8] =	ssyncadd.s32 $0xFFFFE000  }
0x88: {  	_ =	swait.ge [sflag:s8], $0x2000  }
0x89: {  	[sflag:s8] =	ssyncset.done $0x0  }
0x8a: {  	[sflag:s8] =	ssyncadd.s32 $0xFFFFE000  }
0x8b: {  	_ =	swait.ge [sflag:s8], $0x2000  }
0x8c: {  	s9 =	simm.s32 $0x0;
	[sflag:s8] =	ssyncset.done $0x0  }
0x8d: {  	s7 =	simm.s32 $0x200;
	s10 =	simm.s32 $0x400;
	[sflag:s8] =	ssyncadd.s32 $0xFFFFE000  }
0x8e: {  	s12 =	simm.s32 $0x2000;
	s13 =	simm.s32 $0x200;
	_ =	swait.ge [sflag:s8], $0x2000  }
0x8f: {  	s14 =	simm.s32 $0x400;
	[sflag:s8] =	ssyncset.done $0x0;
	s6 =	rddreg [dreg:$0xf]  }
0x90: {  	[sflag:s8] =	ssyncadd.s32 $0xFFFFE000;
	s11 =	sadd.s32 $0x400, s6;
	s8 =	simm.s32 $0x4000  }
0x91: {  	[hbm4b:s6+s7] =	stream.strided.scatter [tilespmem:s9], [sflag:$0x5], $0x1000, s10, s7, $0x38;
	v63 =	vld [tilespmem:$0x0]  }
0x92: {  	s7 =	rddreg [dreg:$0xf];
	s9 =	simm.s32 $0x200;
	s10 =	simm.s32 $0x400  }
0x93: {  	s6 =	simm.s32 $0x400;
	s5 =	sadd.s32 $0x800, s7;
	s7 =	rddreg [dreg:$0x10]  }
0x94: {  	[hbm4b:s11+s13] =	stream.strided.scatter [tilespmem:s12], [sflag:$0x5], $0x1000, s14, s13, $0x38;
	v63 =	vld [tilespmem:$0x0]  }
0x95: {  	s11 =	simm.s32 $0x400;
	s12 =	rddreg [dreg:$0xf];
	s13 =	simm.s32 $0x6000  }
0x96: {  	[hbm4b:s5+s9] =	stream.strided.scatter [tilespmem:s8], [sflag:$0x5], $0x1000, s10, s9, $0x38;
	v63 =	vld [tilespmem:$0x0]  }
0x97: {  	s14 =	simm.s32 $0x200;
	s5 =	sadd.s32 $0xC00, s12;
	s9 =	rddreg [dreg:$0x10]  }
0x98: {  	s10 =	simm.s32 $0x1000;
	s12 =	simm.s32 $0x3000;
	s8 =	simm.s32 $0x5000  }
0x99: {  	[hbm4b:s5+s14] =	stream.strided.scatter [tilespmem:s13], [sflag:$0x5], $0x1000, s11, s14, $0x38;
	v63 =	vld [tilespmem:$0x0]  }
0x9a: {  	s11 =	sadd.s32 $0x400, s9;
	s13 =	simm.s32 $0x200;
	s5 =	sadd.s32 $0x800, s7  }
0x9b: {  	[hbm4b:s9+s14] =	stream.strided.scatter [tilespmem:s10], [sflag:$0x5], $0x1000, s6, s14, $0x38;
	v63 =	vld [tilespmem:$0x0]  }
0x9c: {  	s7 =	simm.s32 $0x18200;
	s14 =	simm.s32 $0x400;
	s9 =	simm.s32 $0x200  }
0x9d: {  	[hbm4b:s11+s13] =	stream.strided.scatter [tilespmem:s12], [sflag:$0x5], $0x1000, s14, s13, $0x38;
	v63 =	vld [tilespmem:$0x0]  }
0x9e: {  	s10 =	simm.s32 $0x400;
	s11 =	simm.s32 $0x200;
	s12 =	rddreg [dreg:$0x10]  }
0x9f: {  	[hbm4b:s5+s9] =	stream.strided.scatter [tilespmem:s8], [sflag:$0x5], $0x1000, s10, s9, $0x38;
	v63 =	vld [tilespmem:$0x0]  }
0xa0: {  	s13 =	simm.s32 $0x7000;
	s14 =	simm.s32 $0x400;
	s5 =	sadd.s32 $0xC00, s12  }
0xa1: {  	[hbm4b:s5+s11] =	stream.strided.scatter [tilespmem:s13], [sflag:$0x5], $0x1000, s14, s11, $0x38;
	v63 =	vld [tilespmem:$0x0]  }
0xa2: {  	s6 =	simm.s32 $0x10;
	s8 =	sadd.s32 $0x0, s17;
	s5 =	simm.s32 $0x18000  }
.LBB2_26:
0xa3: {  	[tilespmem:s5], [sflag:$0x4] =	stream.linear.gather [hbm4b:s8+s2], $0x80, $0x38;
	v63 =	vld [tilespmem:$0x0]  }
0xa4: {  	s8 =	smov.u32 s6;
	s5 =	smov.u32 s7;
	p0 =	sne.s32 s6, $0x3F0  }
.Ltmp12:
0xa5: {  	s6 =	sadd.s32 $0x10, s6;
	(pc) =	sbr.rel @p0 .LBB2_26-.Ltmp12, $2  }
0xa6: {  	_ =	sdelay $0x2  }
0xa7: {  	s7 =	sadd.s32 $0x200, s7;
	s8 =	sadd.s32 s8, s17  }
0xa8: {  	[tilespmem:s5], [sflag:$0x4] =	stream.linear.gather [hbm4b:s8+s2], $0x80, $0x38;
	v63 =	vld [tilespmem:$0x0]  }
0xa9: {  	s5 =	simm.s32 $0x18080  }
0xaa: {  	s6 =	simm.s32 $0x10;
	s8 =	sadd.s32 $0x0, s18;
	s7 =	simm.s32 $0x18280  }
.LBB2_28:
0xab: {  	[tilespmem:s5], [sflag:$0x4] =	stream.linear.gather [hbm4b:s8+s2], $0x80, $0x38;
	v63 =	vld [tilespmem:$0x0]  }
0xac: {  	s8 =	smov.u32 s6;
	s5 =	smov.u32 s7;
	p0 =	sne.s32 s6, $0x3F0  }
.Ltmp13:
0xad: {  	s6 =	sadd.s32 $0x10, s6;
	(pc) =	sbr.rel @p0 .LBB2_28-.Ltmp13, $2  }
0xae: {  	_ =	sdelay $0x2  }
0xaf: {  	s7 =	sadd.s32 $0x200, s7;
	s8 =	sadd.s32 s8, s18  }
0xb0: {  	[tilespmem:s5], [sflag:$0x4] =	stream.linear.gather [hbm4b:s8+s2], $0x80, $0x38;
	v63 =	vld [tilespmem:$0x0]  }
0xb1: {  	s5 =	simm.s32 $0x18100  }
0xb2: {  	s6 =	simm.s32 $0x10;
	s8 =	sadd.s32 $0x0, s19;
	s7 =	simm.s32 $0x18300  }
.LBB2_30:
0xb3: {  	[tilespmem:s5], [sflag:$0x4] =	stream.linear.gather [hbm4b:s8+s2], $0x80, $0x38;
	v63 =	vld [tilespmem:$0x0]  }
0xb4: {  	s8 =	smov.u32 s6;
	s5 =	smov.u32 s7;
	p0 =	sne.s32 s6, $0x3F0  }
.Ltmp14:
0xb5: {  	s6 =	sadd.s32 $0x10, s6;
	(pc) =	sbr.rel @p0 .LBB2_30-.Ltmp14, $2  }
0xb6: {  	_ =	sdelay $0x2  }
0xb7: {  	s7 =	sadd.s32 $0x200, s7;
	s8 =	sadd.s32 s8, s19  }
0xb8: {  	[tilespmem:s5], [sflag:$0x4] =	stream.linear.gather [hbm4b:s8+s2], $0x80, $0x38;
	v63 =	vld [tilespmem:$0x0]  }
0xb9: {  	s5 =	simm.s32 $0x18180  }
0xba: {  	s6 =	simm.s32 $0x10;
	s8 =	sadd.s32 $0x0, s20;
	s7 =	simm.s32 $0x18380  }
.LBB2_32:
0xbb: {  	[tilespmem:s5], [sflag:$0x4] =	stream.linear.gather [hbm4b:s8+s2], $0x80, $0x38;
	v63 =	vld [tilespmem:$0x0]  }
0xbc: {  	s8 =	smov.u32 s6;
	s5 =	smov.u32 s7;
	p0 =	sne.s32 s6, $0x3F0  }
.Ltmp15:
0xbd: {  	s6 =	sadd.s32 $0x10, s6;
	(pc) =	sbr.rel @p0 .LBB2_32-.Ltmp15, $2  }
0xbe: {  	_ =	sdelay $0x2  }
0xbf: {  	s7 =	sadd.s32 $0x200, s7;
	s8 =	sadd.s32 s8, s20  }
0xc0: {  	[tilespmem:s5], [sflag:$0x4] =	stream.linear.gather [hbm4b:s8+s2], $0x80, $0x38;
	v63 =	vld [tilespmem:$0x0]  }
0xc1: {  	s12 =	simm.s32 $0x2  }
0xc2: {  	_ =	swait.ge [sflag:s12], $0x2000  }
0xc3: {  	[sflag:s12] =	ssyncset.done $0x0  }
0xc4: {  	[sflag:s12] =	ssyncadd.s32 $0xFFFFE000  }
0xc5: {  	_ =	swait.ge [sflag:s12], $0x2000  }
0xc6: {  	[sflag:s12] =	ssyncset.done $0x0  }
0xc7: {  	[sflag:s12] =	ssyncadd.s32 $0xFFFFE000  }
0xc8: {  	_ =	swait.ge [sflag:s12], $0x2000  }
0xc9: {  	s7 =	simm.s32 $0x200;
	[sflag:s12] =	ssyncset.done $0x0  }
0xca: {  	s13 =	simm.s32 $0x400;
	s14 =	simm.s32 $0x8000;
	[sflag:s12] =	ssyncadd.s32 $0xFFFFE000  }
0xcb: {  	s8 =	simm.s32 $0xA000;
	s9 =	simm.s32 $0x200;
	_ =	swait.ge [sflag:s12], $0x2000  }
0xcc: {  	s10 =	simm.s32 $0x400;
	[sflag:s12] =	ssyncset.done $0x0;
	s11 =	rddreg [dreg:$0x11]  }
0xcd: {  	s6 =	rddreg [dreg:$0x11];
	[sflag:s12] =	ssyncadd.s32 $0xFFFFE000;
	s5 =	sadd.s32 $0x800, s11  }
0xce: {  	[hbm4b:s6+s7] =	stream.strided.scatter [tilespmem:s14], [sflag:$0x6], $0x1000, s13, s7, $0x38;
	v63 =	vld [tilespmem:$0x0]  }
0xcf: {  	s12 =	simm.s32 $0xC000;
	s11 =	simm.s32 $0x200;
	s7 =	sadd.s32 $0x400, s6  }
0xd0: {  	s13 =	simm.s32 $0x200;
	s14 =	simm.s32 $0x400;
	s6 =	simm.s32 $0x200  }
0xd1: {  	[hbm4b:s7+s9] =	stream.strided.scatter [tilespmem:s8], [sflag:$0x6], $0x1000, s10, s9, $0x38;
	v63 =	vld [tilespmem:$0x0]  }
0xd2: {  	s7 =	simm.s32 $0x400;
	s9 =	rddreg [dreg:$0x11];
	s10 =	simm.s32 $0xE000  }
0xd3: {  	[hbm4b:s5+s13] =	stream.strided.scatter [tilespmem:s12], [sflag:$0x6], $0x1000, s14, s13, $0x38;
	v63 =	vld [tilespmem:$0x0]  }
0xd4: {  	s5 =	sadd.s32 $0xC00, s9;
	s12 =	simm.s32 $0x400;
	s13 =	rddreg [dreg:$0x12]  }
0xd5: {  	[hbm4b:s5+s11] =	stream.strided.scatter [tilespmem:s10], [sflag:$0x6], $0x1000, s7, s11, $0x38;
	v63 =	vld [tilespmem:$0x0]  }
0xd6: {  	s14 =	simm.s32 $0x9000;
	s9 =	sadd.s32 $0x400, s13;
	s10 =	simm.s32 $0xB000  }
0xd7: {  	[hbm4b:s13+s11] =	stream.strided.scatter [tilespmem:s14], [sflag:$0x6], $0x1000, s12, s11, $0x38;
	v63 =	vld [tilespmem:$0x0]  }
0xd8: {  	s11 =	simm.s32 $0x200;
	s12 =	simm.s32 $0x400;
	s13 =	rddreg [dreg:$0x12]  }
0xd9: {  	s14 =	simm.s32 $0xD000;
	s5 =	sadd.s32 $0x800, s13;
	s13 =	simm.s32 $0x400  }
0xda: {  	[hbm4b:s9+s11] =	stream.strided.scatter [tilespmem:s10], [sflag:$0x6], $0x1000, s12, s11, $0x38;
	v63 =	vld [tilespmem:$0x0]  }
0xdb: {  	s9 =	simm.s32 $0x400;
	s10 =	simm.s32 $0x200;
	s11 =	rddreg [dreg:$0x12]  }
0xdc: {  	[hbm4b:s5+s6] =	stream.strided.scatter [tilespmem:s14], [sflag:$0x6], $0x1000, s9, s6, $0x38;
	v63 =	vld [tilespmem:$0x0]  }
0xdd: {  	s12 =	simm.s32 $0xF000;
	s5 =	sadd.s32 $0xC00, s11;
	s14 =	simm.s32 $0x5  }
0xde: {  	[hbm4b:s5+s10] =	stream.strided.scatter [tilespmem:s12], [sflag:$0x6], $0x1000, s13, s10, $0x38;
	v63 =	vld [tilespmem:$0x0]  }
0xdf: {  	_ =	swait.ge [sflag:s14], $0x4000  }
0xe0: {  	[sflag:s14] =	ssyncset.done $0x0  }
0xe1: {  	[sflag:s14] =	ssyncadd.s32 $0xFFFFC000  }
0xe2: {  	_ =	swait.ge [sflag:s14], $0x4000  }
0xe3: {  	s8 =	sadd.s32 $0x0, s23;
	s7 =	simm.s32 $0x200;
	[sflag:s14] =	ssyncset.done $0x0  }
0xe4: {  	s6 =	simm.s32 $0x10;
	s5 =	simm.s32 $0x0;
	[sflag:s14] =	ssyncadd.s32 $0xFFFFC000  }
.LBB2_34:
0xe5: {  	[tilespmem:s5], [sflag:$0x1] =	stream.linear.gather [hbm4b:s8+s2], $0x80, $0x38;
	v63 =	vld [tilespmem:$0x0]  }
0xe6: {  	s8 =	smov.u32 s6;
	s5 =	smov.u32 s7;
	p0 =	sne.s32 s6, $0x3F0  }
.Ltmp16:
0xe7: {  	s6 =	sadd.s32 $0x10, s6;
	(pc) =	sbr.rel @p0 .LBB2_34-.Ltmp16, $2  }
0xe8: {  	_ =	sdelay $0x2  }
0xe9: {  	s7 =	sadd.s32 $0x200, s7;
	s8 =	sadd.s32 s8, s23  }
0xea: {  	[tilespmem:s5], [sflag:$0x1] =	stream.linear.gather [hbm4b:s8+s2], $0x80, $0x38;
	v63 =	vld [tilespmem:$0x0]  }
0xeb: {  	s5 =	simm.s32 $0x80  }
0xec: {  	s6 =	simm.s32 $0x10;
	s8 =	sadd.s32 $0x0, s24;
	s7 =	simm.s32 $0x280  }
.LBB2_36:
0xed: {  	[tilespmem:s5], [sflag:$0x1] =	stream.linear.gather [hbm4b:s8+s2], $0x80, $0x38;
	v63 =	vld [tilespmem:$0x0]  }
0xee: {  	s8 =	smov.u32 s6;
	s5 =	smov.u32 s7;
	p0 =	sne.s32 s6, $0x3F0  }
.Ltmp17:
0xef: {  	s6 =	sadd.s32 $0x10, s6;
	(pc) =	sbr.rel @p0 .LBB2_36-.Ltmp17, $2  }
0xf0: {  	_ =	sdelay $0x2  }
0xf1: {  	s7 =	sadd.s32 $0x200, s7;
	s8 =	sadd.s32 s8, s24  }
0xf2: {  	[tilespmem:s5], [sflag:$0x1] =	stream.linear.gather [hbm4b:s8+s2], $0x80, $0x38;
	v63 =	vld [tilespmem:$0x0]  }
0xf3: {  	s5 =	simm.s32 $0x100  }
0xf4: {  	s6 =	simm.s32 $0x10;
	s8 =	sadd.s32 $0x0, s26;
	s7 =	simm.s32 $0x300  }
.LBB2_38:
0xf5: {  	[tilespmem:s5], [sflag:$0x1] =	stream.linear.gather [hbm4b:s8+s2], $0x80, $0x38;
	v63 =	vld [tilespmem:$0x0]  }
0xf6: {  	s8 =	smov.u32 s6;
	s5 =	smov.u32 s7;
	p0 =	sne.s32 s6, $0x3F0  }
.Ltmp18:
0xf7: {  	s6 =	sadd.s32 $0x10, s6;
	(pc) =	sbr.rel @p0 .LBB2_38-.Ltmp18, $2  }
0xf8: {  	_ =	sdelay $0x2  }
0xf9: {  	s7 =	sadd.s32 $0x200, s7;
	s8 =	sadd.s32 s8, s26  }
0xfa: {  	[tilespmem:s5], [sflag:$0x1] =	stream.linear.gather [hbm4b:s8+s2], $0x80, $0x38;
	v63 =	vld [tilespmem:$0x0]  }
0xfb: {  	s5 =	simm.s32 $0x180  }
0xfc: {  	s6 =	simm.s32 $0x10;
	s8 =	sadd.s32 $0x0, s28;
	s7 =	simm.s32 $0x380  }
.LBB2_40:
0xfd: {  	[tilespmem:s5], [sflag:$0x1] =	stream.linear.gather [hbm4b:s8+s2], $0x80, $0x38;
	v63 =	vld [tilespmem:$0x0]  }
0xfe: {  	s8 =	smov.u32 s6;
	s5 =	smov.u32 s7;
	p0 =	sne.s32 s6, $0x3F0  }
.Ltmp19:
0xff: {  	s6 =	sadd.s32 $0x10, s6;
	(pc) =	sbr.rel @p0 .LBB2_40-.Ltmp19, $2  }
0x100: {  	_ =	sdelay $0x2  }
0x101: {  	s7 =	sadd.s32 $0x200, s7;
	s8 =	sadd.s32 s8, s28  }
0x102: {  	[tilespmem:s5], [sflag:$0x1] =	stream.linear.gather [hbm4b:s8+s2], $0x80, $0x38;
	v63 =	vld [tilespmem:$0x0]  }
0x103: {  	s12 =	simm.s32 $0x3  }
0x104: {  	_ =	swait.ge [sflag:s12], $0x2000  }
0x105: {  	[sflag:s12] =	ssyncset.done $0x0  }
0x106: {  	[sflag:s12] =	ssyncadd.s32 $0xFFFFE000  }
0x107: {  	_ =	swait.ge [sflag:s12], $0x2000  }
0x108: {  	[sflag:s12] =	ssyncset.done $0x0  }
0x109: {  	[sflag:s12] =	ssyncadd.s32 $0xFFFFE000  }
0x10a: {  	_ =	swait.ge [sflag:s12], $0x2000  }
0x10b: {  	s7 =	simm.s32 $0x200;
	[sflag:s12] =	ssyncset.done $0x0  }
0x10c: {  	s13 =	simm.s32 $0x400;
	s14 =	simm.s32 $0x10000;
	[sflag:s12] =	ssyncadd.s32 $0xFFFFE000  }
0x10d: {  	s8 =	simm.s32 $0x12000;
	s9 =	simm.s32 $0x200;
	_ =	swait.ge [sflag:s12], $0x2000  }
0x10e: {  	s10 =	simm.s32 $0x400;
	[sflag:s12] =	ssyncset.done $0x0;
	s11 =	rddreg [dreg:$0x14]  }
0x10f: {  	s6 =	rddreg [dreg:$0x14];
	[sflag:s12] =	ssyncadd.s32 $0xFFFFE000;
	s5 =	sadd.s32 $0x800, s11  }
0x110: {  	[hbm4b:s6+s7] =	stream.strided.scatter [tilespmem:s14], [sflag:$0x7], $0x1000, s13, s7, $0x38;
	v63 =	vld [tilespmem:$0x0]  }
0x111: {  	s12 =	simm.s32 $0x14000;
	s11 =	simm.s32 $0x200;
	s7 =	sadd.s32 $0x400, s6  }
0x112: {  	s13 =	simm.s32 $0x200;
	s14 =	simm.s32 $0x400;
	s6 =	simm.s32 $0x200  }
0x113: {  	[hbm4b:s7+s9] =	stream.strided.scatter [tilespmem:s8], [sflag:$0x7], $0x1000, s10, s9, $0x38;
	v63 =	vld [tilespmem:$0x0]  }
0x114: {  	s7 =	simm.s32 $0x400;
	s9 =	rddreg [dreg:$0x14];
	s10 =	simm.s32 $0x16000  }
0x115: {  	[hbm4b:s5+s13] =	stream.strided.scatter [tilespmem:s12], [sflag:$0x7], $0x1000, s14, s13, $0x38;
	v63 =	vld [tilespmem:$0x0]  }
0x116: {  	s5 =	sadd.s32 $0xC00, s9;
	s12 =	simm.s32 $0x400;
	s13 =	rddreg [dreg:$0x15]  }
0x117: {  	[hbm4b:s5+s11] =	stream.strided.scatter [tilespmem:s10], [sflag:$0x7], $0x1000, s7, s11, $0x38;
	v63 =	vld [tilespmem:$0x0]  }
0x118: {  	s14 =	simm.s32 $0x11000;
	s9 =	sadd.s32 $0x400, s13;
	s10 =	simm.s32 $0x13000  }
0x119: {  	[hbm4b:s13+s11] =	stream.strided.scatter [tilespmem:s14], [sflag:$0x7], $0x1000, s12, s11, $0x38;
	v63 =	vld [tilespmem:$0x0]  }
0x11a: {  	s11 =	simm.s32 $0x200;
	s12 =	simm.s32 $0x400;
	s13 =	rddreg [dreg:$0x15]  }
0x11b: {  	s14 =	simm.s32 $0x15000;
	s5 =	sadd.s32 $0x800, s13;
	s13 =	simm.s32 $0x400  }
0x11c: {  	[hbm4b:s9+s11] =	stream.strided.scatter [tilespmem:s10], [sflag:$0x7], $0x1000, s12, s11, $0x38;
	v63 =	vld [tilespmem:$0x0]  }
0x11d: {  	s9 =	simm.s32 $0x400;
	s10 =	simm.s32 $0x200;
	s11 =	rddreg [dreg:$0x15]  }
0x11e: {  	[hbm4b:s5+s6] =	stream.strided.scatter [tilespmem:s14], [sflag:$0x7], $0x1000, s9, s6, $0x38;
	v63 =	vld [tilespmem:$0x0]  }
0x11f: {  	s12 =	simm.s32 $0x17000;
	s5 =	sadd.s32 $0xC00, s11;
	s14 =	simm.s32 $0x6  }
0x120: {  	[hbm4b:s5+s10] =	stream.strided.scatter [tilespmem:s12], [sflag:$0x7], $0x1000, s13, s10, $0x38;
	v63 =	vld [tilespmem:$0x0]  }
0x121: {  	_ =	swait.ge [sflag:s14], $0x4000  }
0x122: {  	[sflag:s14] =	ssyncset.done $0x0  }
0x123: {  	[sflag:s14] =	ssyncadd.s32 $0xFFFFC000  }
0x124: {  	_ =	swait.ge [sflag:s14], $0x4000  }
0x125: {  	s8 =	sadd.s32 $0x0, s31;
	s7 =	simm.s32 $0x8200;
	[sflag:s14] =	ssyncset.done $0x0  }
0x126: {  	s6 =	simm.s32 $0x10;
	s5 =	simm.s32 $0x8000;
	[sflag:s14] =	ssyncadd.s32 $0xFFFFC000  }
.LBB2_42:
0x127: {  	[tilespmem:s5], [sflag:$0x2] =	stream.linear.gather [hbm4b:s8+s2], $0x80, $0x38;
	v63 =	vld [tilespmem:$0x0]  }
0x128: {  	s8 =	smov.u32 s6;
	s5 =	smov.u32 s7;
	p0 =	sne.s32 s6, $0x3F0  }
.Ltmp20:
0x129: {  	s6 =	sadd.s32 $0x10, s6;
	(pc) =	sbr.rel @p0 .LBB2_42-.Ltmp20, $2  }
0x12a: {  	_ =	sdelay $0x2  }
0x12b: {  	s7 =	sadd.s32 $0x200, s7;
	s8 =	sadd.s32 s8, s31  }
0x12c: {  	[tilespmem:s5], [sflag:$0x2] =	stream.linear.gather [hbm4b:s8+s2], $0x80, $0x38;
	v63 =	vld [tilespmem:$0x0]  }
0x12d: {  	s5 =	simm.s32 $0x8080  }
0x12e: {  	s6 =	simm.s32 $0x10;
	s8 =	sadd.s32 $0x0, s1;
	s7 =	simm.s32 $0x8280  }
.LBB2_44:
0x12f: {  	[tilespmem:s5], [sflag:$0x2] =	stream.linear.gather [hbm4b:s8+s2], $0x80, $0x38;
	v63 =	vld [tilespmem:$0x0]  }
0x130: {  	s8 =	smov.u32 s6;
	s5 =	smov.u32 s7;
	p0 =	sne.s32 s6, $0x3F0  }
.Ltmp21:
0x131: {  	s6 =	sadd.s32 $0x10, s6;
	(pc) =	sbr.rel @p0 .LBB2_44-.Ltmp21, $2  }
0x132: {  	_ =	sdelay $0x2  }
0x133: {  	s7 =	sadd.s32 $0x200, s7;
	s8 =	sadd.s32 s8, s1  }
0x134: {  	[tilespmem:s5], [sflag:$0x2] =	stream.linear.gather [hbm4b:s8+s2], $0x80, $0x38;
	v63 =	vld [tilespmem:$0x0]  }
0x135: {  	s5 =	simm.s32 $0x8100  }
0x136: {  	s6 =	simm.s32 $0x10;
	s8 =	sadd.s32 $0x0, s0;
	s7 =	simm.s32 $0x8300  }
.LBB2_46:
0x137: {  	[tilespmem:s5], [sflag:$0x2] =	stream.linear.gather [hbm4b:s8+s2], $0x80, $0x38;
	v63 =	vld [tilespmem:$0x0]  }
0x138: {  	s8 =	smov.u32 s6;
	s5 =	smov.u32 s7;
	p0 =	sne.s32 s6, $0x3F0  }
.Ltmp22:
0x139: {  	s6 =	sadd.s32 $0x10, s6;
	(pc) =	sbr.rel @p0 .LBB2_46-.Ltmp22, $2  }
0x13a: {  	_ =	sdelay $0x2  }
0x13b: {  	s7 =	sadd.s32 $0x200, s7;
	s8 =	sadd.s32 s8, s0  }
0x13c: {  	[tilespmem:s5], [sflag:$0x2] =	stream.linear.gather [hbm4b:s8+s2], $0x80, $0x38;
	v63 =	vld [tilespmem:$0x0]  }
0x13d: {  	s5 =	simm.s32 $0x8180  }
0x13e: {  	s6 =	simm.s32 $0x10;
	s8 =	sadd.s32 $0x0, s25;
	s7 =	simm.s32 $0x8380  }
.LBB2_48:
0x13f: {  	[tilespmem:s5], [sflag:$0x2] =	stream.linear.gather [hbm4b:s8+s2], $0x80, $0x38;
	v63 =	vld [tilespmem:$0x0]  }
0x140: {  	s8 =	smov.u32 s6;
	s5 =	smov.u32 s7;
	p0 =	sne.s32 s6, $0x3F0  }
.Ltmp23:
0x141: {  	s6 =	sadd.s32 $0x10, s6;
	(pc) =	sbr.rel @p0 .LBB2_48-.Ltmp23, $2  }
0x142: {  	_ =	sdelay $0x2  }
0x143: {  	s7 =	sadd.s32 $0x200, s7;
	s8 =	sadd.s32 s8, s25  }
0x144: {  	[tilespmem:s5], [sflag:$0x2] =	stream.linear.gather [hbm4b:s8+s2], $0x80, $0x38;
	v63 =	vld [tilespmem:$0x0]  }
0x145: {  	s12 =	simm.s32 $0x4  }
0x146: {  	_ =	swait.ge [sflag:s12], $0x2000  }
0x147: {  	[sflag:s12] =	ssyncset.done $0x0  }
0x148: {  	[sflag:s12] =	ssyncadd.s32 $0xFFFFE000  }
0x149: {  	_ =	swait.ge [sflag:s12], $0x2000  }
0x14a: {  	[sflag:s12] =	ssyncset.done $0x0  }
0x14b: {  	[sflag:s12] =	ssyncadd.s32 $0xFFFFE000  }
0x14c: {  	_ =	swait.ge [sflag:s12], $0x2000  }
0x14d: {  	s7 =	simm.s32 $0x200;
	[sflag:s12] =	ssyncset.done $0x0  }
0x14e: {  	s13 =	simm.s32 $0x400;
	s14 =	simm.s32 $0x18000;
	[sflag:s12] =	ssyncadd.s32 $0xFFFFE000  }
0x14f: {  	s8 =	simm.s32 $0x1A000;
	s9 =	simm.s32 $0x200;
	_ =	swait.ge [sflag:s12], $0x2000  }
0x150: {  	s10 =	simm.s32 $0x400;
	[sflag:s12] =	ssyncset.done $0x0;
	s11 =	rddreg [dreg:$0x16]  }
0x151: {  	s6 =	rddreg [dreg:$0x16];
	[sflag:s12] =	ssyncadd.s32 $0xFFFFE000;
	s5 =	sadd.s32 $0x800, s11  }
0x152: {  	[hbm4b:s6+s7] =	stream.strided.scatter [tilespmem:s14], [sflag:$0x8], $0x1000, s13, s7, $0x38;
	v63 =	vld [tilespmem:$0x0]  }
0x153: {  	s12 =	simm.s32 $0x1C000;
	s11 =	simm.s32 $0x200;
	s7 =	sadd.s32 $0x400, s6  }
0x154: {  	s13 =	simm.s32 $0x200;
	s14 =	simm.s32 $0x400;
	s6 =	simm.s32 $0x200  }
0x155: {  	[hbm4b:s7+s9] =	stream.strided.scatter [tilespmem:s8], [sflag:$0x8], $0x1000, s10, s9, $0x38;
	v63 =	vld [tilespmem:$0x0]  }
0x156: {  	s7 =	simm.s32 $0x400;
	s9 =	rddreg [dreg:$0x16];
	s10 =	simm.s32 $0x1E000  }
0x157: {  	[hbm4b:s5+s13] =	stream.strided.scatter [tilespmem:s12], [sflag:$0x8], $0x1000, s14, s13, $0x38;
	v63 =	vld [tilespmem:$0x0]  }
0x158: {  	s5 =	sadd.s32 $0xC00, s9;
	s12 =	simm.s32 $0x400;
	s13 =	rddreg [dreg:$0x17]  }
0x159: {  	[hbm4b:s5+s11] =	stream.strided.scatter [tilespmem:s10], [sflag:$0x8], $0x1000, s7, s11, $0x38;
	v63 =	vld [tilespmem:$0x0]  }
0x15a: {  	s14 =	simm.s32 $0x19000;
	s9 =	sadd.s32 $0x400, s13;
	s10 =	simm.s32 $0x1B000  }
0x15b: {  	[hbm4b:s13+s11] =	stream.strided.scatter [tilespmem:s14], [sflag:$0x8], $0x1000, s12, s11, $0x38;
	v63 =	vld [tilespmem:$0x0]  }
0x15c: {  	s11 =	simm.s32 $0x200;
	s12 =	simm.s32 $0x400;
	s13 =	rddreg [dreg:$0x17]  }
0x15d: {  	s14 =	simm.s32 $0x1D000;
	s5 =	sadd.s32 $0x800, s13;
	s13 =	simm.s32 $0x400  }
0x15e: {  	[hbm4b:s9+s11] =	stream.strided.scatter [tilespmem:s10], [sflag:$0x8], $0x1000, s12, s11, $0x38;
	v63 =	vld [tilespmem:$0x0]  }
0x15f: {  	s9 =	simm.s32 $0x400;
	s10 =	simm.s32 $0x200;
	s11 =	rddreg [dreg:$0x17]  }
0x160: {  	[hbm4b:s5+s6] =	stream.strided.scatter [tilespmem:s14], [sflag:$0x8], $0x1000, s9, s6, $0x38;
	v63 =	vld [tilespmem:$0x0]  }
0x161: {  	s12 =	simm.s32 $0x1F000;
	s5 =	sadd.s32 $0xC00, s11;
	s14 =	simm.s32 $0x7  }
0x162: {  	[hbm4b:s5+s10] =	stream.strided.scatter [tilespmem:s12], [sflag:$0x8], $0x1000, s13, s10, $0x38;
	v63 =	vld [tilespmem:$0x0]  }
0x163: {  	_ =	swait.ge [sflag:s14], $0x4000  }
0x164: {  	[sflag:s14] =	ssyncset.done $0x0  }
0x165: {  	[sflag:s14] =	ssyncadd.s32 $0xFFFFC000  }
0x166: {  	_ =	swait.ge [sflag:s14], $0x4000  }
0x167: {  	s8 =	sadd.s32 $0x0, s22;
	s7 =	simm.s32 $0x10200;
	[sflag:s14] =	ssyncset.done $0x0  }
0x168: {  	s6 =	simm.s32 $0x10;
	s5 =	simm.s32 $0x10000;
	[sflag:s14] =	ssyncadd.s32 $0xFFFFC000  }
.LBB2_50:
0x169: {  	[tilespmem:s5], [sflag:$0x3] =	stream.linear.gather [hbm4b:s8+s2], $0x80, $0x38;
	v63 =	vld [tilespmem:$0x0]  }
0x16a: {  	s8 =	smov.u32 s6;
	s5 =	smov.u32 s7;
	p0 =	sne.s32 s6, $0x3F0  }
.Ltmp24:
0x16b: {  	s6 =	sadd.s32 $0x10, s6;
	(pc) =	sbr.rel @p0 .LBB2_50-.Ltmp24, $2  }
0x16c: {  	_ =	sdelay $0x2  }
0x16d: {  	s7 =	sadd.s32 $0x200, s7;
	s8 =	sadd.s32 s8, s22  }
0x16e: {  	[tilespmem:s5], [sflag:$0x3] =	stream.linear.gather [hbm4b:s8+s2], $0x80, $0x38;
	v63 =	vld [tilespmem:$0x0]  }
0x16f: {  	s5 =	simm.s32 $0x10080  }
0x170: {  	s6 =	simm.s32 $0x10;
	s8 =	sadd.s32 $0x0, s29;
	s7 =	simm.s32 $0x10280  }
.LBB2_52:
0x171: {  	[tilespmem:s5], [sflag:$0x3] =	stream.linear.gather [hbm4b:s8+s2], $0x80, $0x38;
	v63 =	vld [tilespmem:$0x0]  }
0x172: {  	s8 =	smov.u32 s6;
	s5 =	smov.u32 s7;
	p0 =	sne.s32 s6, $0x3F0  }
.Ltmp25:
0x173: {  	s6 =	sadd.s32 $0x10, s6;
	(pc) =	sbr.rel @p0 .LBB2_52-.Ltmp25, $2  }
0x174: {  	_ =	sdelay $0x2  }
0x175: {  	s7 =	sadd.s32 $0x200, s7;
	s8 =	sadd.s32 s8, s29  }
0x176: {  	[tilespmem:s5], [sflag:$0x3] =	stream.linear.gather [hbm4b:s8+s2], $0x80, $0x38;
	v63 =	vld [tilespmem:$0x0]  }
0x177: {  	s5 =	simm.s32 $0x10100  }
0x178: {  	s6 =	simm.s32 $0x10;
	s8 =	sadd.s32 $0x0, s30;
	s7 =	simm.s32 $0x10300  }
.LBB2_54:
0x179: {  	[tilespmem:s5], [sflag:$0x3] =	stream.linear.gather [hbm4b:s8+s2], $0x80, $0x38;
	v63 =	vld [tilespmem:$0x0]  }
0x17a: {  	s8 =	smov.u32 s6;
	s5 =	smov.u32 s7;
	p0 =	sne.s32 s6, $0x3F0  }
.Ltmp26:
0x17b: {  	s6 =	sadd.s32 $0x10, s6;
	(pc) =	sbr.rel @p0 .LBB2_54-.Ltmp26, $2  }
0x17c: {  	_ =	sdelay $0x2  }
0x17d: {  	s7 =	sadd.s32 $0x200, s7;
	s8 =	sadd.s32 s8, s30  }
0x17e: {  	[tilespmem:s5], [sflag:$0x3] =	stream.linear.gather [hbm4b:s8+s2], $0x80, $0x38;
	v63 =	vld [tilespmem:$0x0]  }
0x17f: {  	s5 =	simm.s32 $0x10180  }
0x180: {  	s6 =	simm.s32 $0x10;
	s8 =	sadd.s32 $0x0, s16;
	s7 =	simm.s32 $0x10380  }
.LBB2_56:
0x181: {  	[tilespmem:s5], [sflag:$0x3] =	stream.linear.gather [hbm4b:s8+s2], $0x80, $0x38;
	v63 =	vld [tilespmem:$0x0]  }
0x182: {  	s8 =	smov.u32 s6;
	s5 =	smov.u32 s7;
	p0 =	sne.s32 s6, $0x3F0  }
.Ltmp27:
0x183: {  	s6 =	sadd.s32 $0x10, s6;
	(pc) =	sbr.rel @p0 .LBB2_56-.Ltmp27, $2  }
0x184: {  	_ =	sdelay $0x2  }
0x185: {  	s7 =	sadd.s32 $0x200, s7;
	s8 =	sadd.s32 s8, s16  }
0x186: {  	[tilespmem:s5], [sflag:$0x3] =	stream.linear.gather [hbm4b:s8+s2], $0x80, $0x38;
	v63 =	vld [tilespmem:$0x0]  }
0x187: {  	s12 =	simm.s32 $0x1  }
0x188: {  	_ =	swait.ge [sflag:s12], $0x2000  }
0x189: {  	[sflag:s12] =	ssyncset.done $0x0  }
0x18a: {  	[sflag:s12] =	ssyncadd.s32 $0xFFFFE000  }
0x18b: {  	_ =	swait.ge [sflag:s12], $0x2000  }
0x18c: {  	[sflag:s12] =	ssyncset.done $0x0  }
0x18d: {  	[sflag:s12] =	ssyncadd.s32 $0xFFFFE000  }
0x18e: {  	_ =	swait.ge [sflag:s12], $0x2000  }
0x18f: {  	s13 =	simm.s32 $0x0;
	[sflag:s12] =	ssyncset.done $0x0  }
0x190: {  	s7 =	simm.s32 $0x200;
	s14 =	simm.s32 $0x400;
	[sflag:s12] =	ssyncadd.s32 $0xFFFFE000  }
0x191: {  	s8 =	simm.s32 $0x2000;
	s9 =	simm.s32 $0x200;
	_ =	swait.ge [sflag:s12], $0x2000  }
0x192: {  	s10 =	simm.s32 $0x400;
	[sflag:s12] =	ssyncset.done $0x0;
	s11 =	rddreg [dreg:$0x18]  }
0x193: {  	s6 =	rddreg [dreg:$0x18];
	[sflag:s12] =	ssyncadd.s32 $0xFFFFE000;
	s5 =	sadd.s32 $0x800, s11  }
0x194: {  	[hbm4b:s6+s7] =	stream.strided.scatter [tilespmem:s13], [sflag:$0x5], $0x1000, s14, s7, $0x38;
	v63 =	vld [tilespmem:$0x0]  }
0x195: {  	s12 =	simm.s32 $0x4000;
	s11 =	simm.s32 $0x200;
	s7 =	sadd.s32 $0x400, s6  }
0x196: {  	s13 =	simm.s32 $0x200;
	s14 =	simm.s32 $0x400;
	s6 =	simm.s32 $0x200  }
0x197: {  	[hbm4b:s7+s9] =	stream.strided.scatter [tilespmem:s8], [sflag:$0x5], $0x1000, s10, s9, $0x38;
	v63 =	vld [tilespmem:$0x0]  }
0x198: {  	s7 =	simm.s32 $0x400;
	s9 =	rddreg [dreg:$0x18];
	s10 =	simm.s32 $0x6000  }
0x199: {  	[hbm4b:s5+s13] =	stream.strided.scatter [tilespmem:s12], [sflag:$0x5], $0x1000, s14, s13, $0x38;
	v63 =	vld [tilespmem:$0x0]  }
0x19a: {  	s5 =	sadd.s32 $0xC00, s9;
	s12 =	simm.s32 $0x400;
	s13 =	rddreg [dreg:$0x19]  }
0x19b: {  	[hbm4b:s5+s11] =	stream.strided.scatter [tilespmem:s10], [sflag:$0x5], $0x1000, s7, s11, $0x38;
	v63 =	vld [tilespmem:$0x0]  }
0x19c: {  	s14 =	simm.s32 $0x1000;
	s9 =	sadd.s32 $0x400, s13;
	s10 =	simm.s32 $0x3000  }
0x19d: {  	[hbm4b:s13+s11] =	stream.strided.scatter [tilespmem:s14], [sflag:$0x5], $0x1000, s12, s11, $0x38;
	v63 =	vld [tilespmem:$0x0]  }
0x19e: {  	s11 =	simm.s32 $0x200;
	s12 =	simm.s32 $0x400;
	s13 =	rddreg [dreg:$0x19]  }
0x19f: {  	s14 =	simm.s32 $0x5000;
	s5 =	sadd.s32 $0x800, s13;
	s13 =	simm.s32 $0x400  }
0x1a0: {  	[hbm4b:s9+s11] =	stream.strided.scatter [tilespmem:s10], [sflag:$0x5], $0x1000, s12, s11, $0x38;
	v63 =	vld [tilespmem:$0x0]  }
0x1a1: {  	s9 =	simm.s32 $0x400;
	s10 =	simm.s32 $0x200;
	s11 =	rddreg [dreg:$0x19]  }
0x1a2: {  	[hbm4b:s5+s6] =	stream.strided.scatter [tilespmem:s14], [sflag:$0x5], $0x1000, s9, s6, $0x38;
	v63 =	vld [tilespmem:$0x0]  }
0x1a3: {  	s12 =	simm.s32 $0x7000;
	s5 =	sadd.s32 $0xC00, s11;
	s14 =	simm.s32 $0x8  }
0x1a4: {  	[hbm4b:s5+s10] =	stream.strided.scatter [tilespmem:s12], [sflag:$0x5], $0x1000, s13, s10, $0x38;
	v63 =	vld [tilespmem:$0x0]  }
0x1a5: {  	_ =	swait.ge [sflag:s14], $0x4000  }
0x1a6: {  	[sflag:s14] =	ssyncset.done $0x0  }
0x1a7: {  	[sflag:s14] =	ssyncadd.s32 $0xFFFFC000  }
0x1a8: {  	_ =	swait.ge [sflag:s14], $0x4000  }
0x1a9: {  	s8 =	sadd.s32 $0x0, s21;
	s7 =	simm.s32 $0x18200;
	[sflag:s14] =	ssyncset.done $0x0  }
0x1aa: {  	s6 =	simm.s32 $0x10;
	s5 =	simm.s32 $0x18000;
	[sflag:s14] =	ssyncadd.s32 $0xFFFFC000  }
.LBB2_58:
0x1ab: {  	[tilespmem:s5], [sflag:$0x4] =	stream.linear.gather [hbm4b:s8+s2], $0x80, $0x38;
	v63 =	vld [tilespmem:$0x0]  }
0x1ac: {  	s8 =	smov.u32 s6;
	s5 =	smov.u32 s7;
	p0 =	sne.s32 s6, $0x3F0  }
.Ltmp28:
0x1ad: {  	s6 =	sadd.s32 $0x10, s6;
	(pc) =	sbr.rel @p0 .LBB2_58-.Ltmp28, $2  }
0x1ae: {  	_ =	sdelay $0x2  }
0x1af: {  	s7 =	sadd.s32 $0x200, s7;
	s8 =	sadd.s32 s8, s21  }
0x1b0: {  	[tilespmem:s5], [sflag:$0x4] =	stream.linear.gather [hbm4b:s8+s2], $0x80, $0x38;
	v63 =	vld [tilespmem:$0x0]  }
0x1b1: {  	s5 =	simm.s32 $0x18080  }
0x1b2: {  	s6 =	simm.s32 $0x10;
	s8 =	sadd.s32 $0x0, s15;
	s7 =	simm.s32 $0x18280  }
.LBB2_60:
0x1b3: {  	[tilespmem:s5], [sflag:$0x4] =	stream.linear.gather [hbm4b:s8+s2], $0x80, $0x38;
	v63 =	vld [tilespmem:$0x0]  }
0x1b4: {  	s8 =	smov.u32 s6;
	s5 =	smov.u32 s7;
	p0 =	sne.s32 s6, $0x3F0  }
.Ltmp29:
0x1b5: {  	s6 =	sadd.s32 $0x10, s6;
	(pc) =	sbr.rel @p0 .LBB2_60-.Ltmp29, $2  }
0x1b6: {  	_ =	sdelay $0x2  }
0x1b7: {  	s7 =	sadd.s32 $0x200, s7;
	s8 =	sadd.s32 s8, s15  }
0x1b8: {  	[tilespmem:s5], [sflag:$0x4] =	stream.linear.gather [hbm4b:s8+s2], $0x80, $0x38;
	v63 =	vld [tilespmem:$0x0]  }
0x1b9: {  	s5 =	simm.s32 $0x18100  }
0x1ba: {  	s6 =	simm.s32 $0x10;
	s8 =	sadd.s32 $0x0, s3;
	s7 =	simm.s32 $0x18300  }
.LBB2_62:
0x1bb: {  	[tilespmem:s5], [sflag:$0x4] =	stream.linear.gather [hbm4b:s8+s2], $0x80, $0x38;
	v63 =	vld [tilespmem:$0x0]  }
0x1bc: {  	s8 =	smov.u32 s6;
	s5 =	smov.u32 s7;
	p0 =	sne.s32 s6, $0x3F0  }
.Ltmp30:
0x1bd: {  	s6 =	sadd.s32 $0x10, s6;
	(pc) =	sbr.rel @p0 .LBB2_62-.Ltmp30, $2  }
0x1be: {  	_ =	sdelay $0x2  }
0x1bf: {  	s7 =	sadd.s32 $0x200, s7;
	s8 =	sadd.s32 s8, s3  }
0x1c0: {  	[tilespmem:s5], [sflag:$0x4] =	stream.linear.gather [hbm4b:s8+s2], $0x80, $0x38;
	v63 =	vld [tilespmem:$0x0]  }
0x1c1: {  	s5 =	simm.s32 $0x18180  }
0x1c2: {  	s6 =	simm.s32 $0x10;
	s8 =	sadd.s32 $0x0, s4;
	s7 =	simm.s32 $0x18380  }
.LBB2_64:
0x1c3: {  	[tilespmem:s5], [sflag:$0x4] =	stream.linear.gather [hbm4b:s8+s2], $0x80, $0x38;
	v63 =	vld [tilespmem:$0x0]  }
0x1c4: {  	s8 =	smov.u32 s6;
	s5 =	smov.u32 s7;
	p0 =	sne.s32 s6, $0x3F0  }
.Ltmp31:
0x1c5: {  	s6 =	sadd.s32 $0x10, s6;
	(pc) =	sbr.rel @p0 .LBB2_64-.Ltmp31, $2  }
0x1c6: {  	_ =	sdelay $0x2  }
0x1c7: {  	s7 =	sadd.s32 $0x200, s7;
	s8 =	sadd.s32 s8, s4  }
0x1c8: {  	[tilespmem:s5], [sflag:$0x4] =	stream.linear.gather [hbm4b:s8+s2], $0x80, $0x38;
	v63 =	vld [tilespmem:$0x0]  }
0x1c9: {  	s12 =	simm.s32 $0x2  }
0x1ca: {  	_ =	swait.ge [sflag:s12], $0x2000  }
0x1cb: {  	[sflag:s12] =	ssyncset.done $0x0  }
0x1cc: {  	[sflag:s12] =	ssyncadd.s32 $0xFFFFE000  }
0x1cd: {  	_ =	swait.ge [sflag:s12], $0x2000  }
0x1ce: {  	[sflag:s12] =	ssyncset.done $0x0  }
0x1cf: {  	[sflag:s12] =	ssyncadd.s32 $0xFFFFE000  }
0x1d0: {  	_ =	swait.ge [sflag:s12], $0x2000  }
0x1d1: {  	s7 =	simm.s32 $0x200;
	[sflag:s12] =	ssyncset.done $0x0  }
0x1d2: {  	s13 =	simm.s32 $0x400;
	s14 =	simm.s32 $0x8000;
	[sflag:s12] =	ssyncadd.s32 $0xFFFFE000  }
0x1d3: {  	s8 =	simm.s32 $0xA000;
	s9 =	simm.s32 $0x200;
	_ =	swait.ge [sflag:s12], $0x2000  }
0x1d4: {  	s10 =	simm.s32 $0x400;
	[sflag:s12] =	ssyncset.done $0x0;
	s11 =	rddreg [dreg:$0x1a]  }
0x1d5: {  	s6 =	rddreg [dreg:$0x1a];
	[sflag:s12] =	ssyncadd.s32 $0xFFFFE000;
	s5 =	sadd.s32 $0x800, s11  }
0x1d6: {  	[hbm4b:s6+s7] =	stream.strided.scatter [tilespmem:s14], [sflag:$0x6], $0x1000, s13, s7, $0x38;
	v63 =	vld [tilespmem:$0x0]  }
0x1d7: {  	s12 =	simm.s32 $0xC000;
	s11 =	simm.s32 $0x200;
	s7 =	sadd.s32 $0x400, s6  }
0x1d8: {  	[hbm4b:s7+s9] =	stream.strided.scatter [tilespmem:s8], [sflag:$0x6], $0x1000, s10, s9, $0x38;
	v63 =	vld [tilespmem:$0x0]  }
0x1d9: {  	s13 =	simm.s32 $0x200;
	s14 =	simm.s32 $0x400;
	s7 =	simm.s32 $0x400  }
0x1da: {  	s9 =	rddreg [dreg:$0x1a];
	s10 =	simm.s32 $0xE000;
	s8 =	simm.s32 $0xB000  }
0x1db: {  	[hbm4b:s5+s13] =	stream.strided.scatter [tilespmem:s12], [sflag:$0x6], $0x1000, s14, s13, $0x38;
	v63 =	vld [tilespmem:$0x0]  }
0x1dc: {  	s5 =	sadd.s32 $0xC00, s9;
	s12 =	simm.s32 $0x400;
	s13 =	rddreg [dreg:$0x1b]  }
0x1dd: {  	[hbm4b:s5+s11] =	stream.strided.scatter [tilespmem:s10], [sflag:$0x6], $0x1000, s7, s11, $0x38;
	v63 =	vld [tilespmem:$0x0]  }
0x1de: {  	s14 =	simm.s32 $0x9000;
	s9 =	simm.s32 $0x200;
	s7 =	sadd.s32 $0x400, s13  }
0x1df: {  	[hbm4b:s13+s11] =	stream.strided.scatter [tilespmem:s14], [sflag:$0x6], $0x1000, s12, s11, $0x38;
	v63 =	vld [tilespmem:$0x0]  }
0x1e0: {  	s10 =	simm.s32 $0x400;
	s11 =	rddreg [dreg:$0x1b];
	s12 =	simm.s32 $0xD000  }
0x1e1: {  	s13 =	simm.s32 $0x200;
	s14 =	simm.s32 $0x400;
	s5 =	sadd.s32 $0x800, s11  }
0x1e2: {  	[hbm4b:s7+s9] =	stream.strided.scatter [tilespmem:s8], [sflag:$0x6], $0x1000, s10, s9, $0x38;
	v63 =	vld [tilespmem:$0x0]  }
0x1e3: {  	s11 =	simm.s32 $0x400;
	s8 =	rddreg [dreg:$0x1b];
	s9 =	simm.s32 $0xF000  }
0x1e4: {  	[hbm4b:s5+s13] =	stream.strided.scatter [tilespmem:s12], [sflag:$0x6], $0x1000, s14, s13, $0x38;
	v63 =	vld [tilespmem:$0x0]  }
0x1e5: {  	s10 =	simm.s32 $0x200;
	s5 =	sadd.s32 $0xC00, s8;
	s12 =	simm.s32 $0x3  }
0x1e6: {  	[hbm4b:s5+s10] =	stream.strided.scatter [tilespmem:s9], [sflag:$0x6], $0x1000, s11, s10, $0x38;
	v63 =	vld [tilespmem:$0x0]  }
0x1e7: {  	_ =	swait.ge [sflag:s12], $0x2000  }
0x1e8: {  	[sflag:s12] =	ssyncset.done $0x0  }
0x1e9: {  	[sflag:s12] =	ssyncadd.s32 $0xFFFFE000  }
0x1ea: {  	_ =	swait.ge [sflag:s12], $0x2000  }
0x1eb: {  	[sflag:s12] =	ssyncset.done $0x0  }
0x1ec: {  	[sflag:s12] =	ssyncadd.s32 $0xFFFFE000  }
0x1ed: {  	_ =	swait.ge [sflag:s12], $0x2000  }
0x1ee: {  	[sflag:s12] =	ssyncset.done $0x0  }
0x1ef: {  	s6 =	simm.s32 $0x200;
	[sflag:s12] =	ssyncadd.s32 $0xFFFFE000  }
0x1f0: {  	s14 =	simm.s32 $0x10000;
	s8 =	simm.s32 $0x12000;
	_ =	swait.ge [sflag:s12], $0x2000  }
0x1f1: {  	s9 =	simm.s32 $0x200;
	[sflag:s12] =	ssyncset.done $0x0;
	s13 =	rddreg [dreg:$0x1c]  }
0x1f2: {  	[sflag:s12] =	ssyncadd.s32 $0xFFFFE000;
	s7 =	sadd.s32 $0x400, s13;
	s12 =	simm.s32 $0x14000  }
0x1f3: {  	[hbm4b:s13+s10] =	stream.strided.scatter [tilespmem:s14], [sflag:$0x7], $0x1000, s11, s10, $0x38;
	v63 =	vld [tilespmem:$0x0]  }
0x1f4: {  	s10 =	simm.s32 $0x400;
	s11 =	rddreg [dreg:$0x1c];
	s13 =	simm.s32 $0x200  }
0x1f5: {  	s14 =	simm.s32 $0x400;
	s5 =	sadd.s32 $0x800, s11;
	s11 =	simm.s32 $0x200  }
0x1f6: {  	[hbm4b:s7+s9] =	stream.strided.scatter [tilespmem:s8], [sflag:$0x7], $0x1000, s10, s9, $0x38;
	v63 =	vld [tilespmem:$0x0]  }
0x1f7: {  	s7 =	simm.s32 $0x400;
	s9 =	rddreg [dreg:$0x1c];
	s10 =	simm.s32 $0x16000  }
0x1f8: {  	[hbm4b:s5+s13] =	stream.strided.scatter [tilespmem:s12], [sflag:$0x7], $0x1000, s14, s13, $0x38;
	v63 =	vld [tilespmem:$0x0]  }
0x1f9: {  	s5 =	sadd.s32 $0xC00, s9;
	s12 =	simm.s32 $0x400;
	s13 =	rddreg [dreg:$0x1d]  }
0x1fa: {  	[hbm4b:s5+s11] =	stream.strided.scatter [tilespmem:s10], [sflag:$0x7], $0x1000, s7, s11, $0x38;
	v63 =	vld [tilespmem:$0x0]  }
0x1fb: {  	s14 =	simm.s32 $0x11000;
	s9 =	sadd.s32 $0x400, s13;
	s10 =	simm.s32 $0x13000  }
0x1fc: {  	[hbm4b:s13+s11] =	stream.strided.scatter [tilespmem:s14], [sflag:$0x7], $0x1000, s12, s11, $0x38;
	v63 =	vld [tilespmem:$0x0]  }
0x1fd: {  	s11 =	simm.s32 $0x200;
	s12 =	simm.s32 $0x400;
	s13 =	rddreg [dreg:$0x1d]  }
0x1fe: {  	s14 =	simm.s32 $0x15000;
	s5 =	sadd.s32 $0x800, s13;
	s13 =	simm.s32 $0x400  }
0x1ff: {  	[hbm4b:s9+s11] =	stream.strided.scatter [tilespmem:s10], [sflag:$0x7], $0x1000, s12, s11, $0x38;
	v63 =	vld [tilespmem:$0x0]  }
0x200: {  	s9 =	simm.s32 $0x400;
	s10 =	rddreg [dreg:$0x1d];
	s11 =	simm.s32 $0x17000  }
0x201: {  	[hbm4b:s5+s6] =	stream.strided.scatter [tilespmem:s14], [sflag:$0x7], $0x1000, s9, s6, $0x38;
	v63 =	vld [tilespmem:$0x0]  }
0x202: {  	s12 =	simm.s32 $0x200;
	s5 =	sadd.s32 $0xC00, s10;
	s6 =	simm.s32 $0x4  }
0x203: {  	[hbm4b:s5+s12] =	stream.strided.scatter [tilespmem:s11], [sflag:$0x7], $0x1000, s13, s12, $0x38;
	v63 =	vld [tilespmem:$0x0]  }
0x204: {  	_ =	swait.ge [sflag:s6], $0x2000  }
0x205: {  	[sflag:s6] =	ssyncset.done $0x0  }
0x206: {  	[sflag:s6] =	ssyncadd.s32 $0xFFFFE000  }
0x207: {  	_ =	swait.ge [sflag:s6], $0x2000  }
0x208: {  	[sflag:s6] =	ssyncset.done $0x0  }
0x209: {  	[sflag:s6] =	ssyncadd.s32 $0xFFFFE000  }
0x20a: {  	_ =	swait.ge [sflag:s6], $0x2000  }
0x20b: {  	[sflag:s6] =	ssyncset.done $0x0  }
0x20c: {  	[sflag:s6] =	ssyncadd.s32 $0xFFFFE000  }
0x20d: {  	s8 =	simm.s32 $0x1C000;
	_ =	swait.ge [sflag:s6], $0x2000  }
0x20e: {  	s14 =	simm.s32 $0x400;
	s10 =	simm.s32 $0x18000;
	s9 =	rddreg [dreg:$0x1e]  }
0x20f: {  	s13 =	simm.s32 $0x200;
	[sflag:s6] =	ssyncset.done $0x0;
	s7 =	rddreg [dreg:$0x1e]  }
0x210: {  	[sflag:s6] =	ssyncadd.s32 $0xFFFFE000;
	s11 =	sadd.s32 $0x400, s9;
	s5 =	sadd.s32 $0x800, s7  }
0x211: {  	[hbm4b:s9+s12] =	stream.strided.scatter [tilespmem:s10], [sflag:$0x8], $0x1000, s14, s12, $0x38;
	v63 =	vld [tilespmem:$0x0]  }
0x212: {  	s6 =	simm.s32 $0x400;
	s7 =	rddreg [dreg:$0x1f];
	s12 =	simm.s32 $0x1A000  }
0x213: {  	s14 =	simm.s32 $0x400;
	s9 =	simm.s32 $0x200;
	s10 =	simm.s32 $0x400  }
0x214: {  	[hbm4b:s11+s13] =	stream.strided.scatter [tilespmem:s12], [sflag:$0x8], $0x1000, s14, s13, $0x38;
	v63 =	vld [tilespmem:$0x0]  }
0x215: {  	s11 =	simm.s32 $0x400;
	s12 =	rddreg [dreg:$0x1e];
	s13 =	simm.s32 $0x1E000  }
0x216: {  	[hbm4b:s5+s9] =	stream.strided.scatter [tilespmem:s8], [sflag:$0x8], $0x1000, s10, s9, $0x38;
	v63 =	vld [tilespmem:$0x0]  }
0x217: {  	s14 =	simm.s32 $0x200;
	s5 =	sadd.s32 $0xC00, s12;
	s9 =	rddreg [dreg:$0x1f]  }
0x218: {  	s10 =	simm.s32 $0x19000;
	s12 =	simm.s32 $0x1B000;
	s8 =	simm.s32 $0x1D000  }
0x219: {  	[hbm4b:s5+s14] =	stream.strided.scatter [tilespmem:s13], [sflag:$0x8], $0x1000, s11, s14, $0x38;
	v63 =	vld [tilespmem:$0x0]  }
0x21a: {  	s11 =	sadd.s32 $0x400, s9;
	s13 =	simm.s32 $0x200;
	s5 =	sadd.s32 $0x800, s7  }
0x21b: {  	[hbm4b:s9+s14] =	stream.strided.scatter [tilespmem:s10], [sflag:$0x8], $0x1000, s6, s14, $0x38;
	v63 =	vld [tilespmem:$0x0]  }
0x21c: {  	s14 =	simm.s32 $0x400;
	s9 =	simm.s32 $0x200;
	s10 =	simm.s32 $0x400  }
0x21d: {  	[hbm4b:s11+s13] =	stream.strided.scatter [tilespmem:s12], [sflag:$0x8], $0x1000, s14, s13, $0x38;
	v63 =	vld [tilespmem:$0x0]  }
0x21e: {  	s11 =	rddreg [dreg:$0x1f];
	s12 =	simm.s32 $0x1F000;
	s13 =	simm.s32 $0x200  }
0x21f: {  	[hbm4b:s5+s9] =	stream.strided.scatter [tilespmem:s8], [sflag:$0x8], $0x1000, s10, s9, $0x38;
	v63 =	vld [tilespmem:$0x0]  }
0x220: {  	s14 =	simm.s32 $0x400;
	s5 =	sadd.s32 $0xC00, s11;
	s9 =	simm.s32 $0x5  }
0x221: {  	[hbm4b:s5+s13] =	stream.strided.scatter [tilespmem:s12], [sflag:$0x8], $0x1000, s14, s13, $0x38;
	v63 =	vld [tilespmem:$0x0]  }
0x222: {  	_ =	swait.ge [sflag:s9], $0x4000  }
0x223: {  	[sflag:s9] =	ssyncset.done $0x0  }
0x224: {  	[sflag:s9] =	ssyncadd.s32 $0xFFFFC000  }
0x225: {  	_ =	swait.ge [sflag:s9], $0x4000  }
0x226: {  	[sflag:s9] =	ssyncset.done $0x0  }
0x227: {  	s10 =	simm.s32 $0x6;
	[sflag:s9] =	ssyncadd.s32 $0xFFFFC000  }
0x228: {  	_ =	swait.ge [sflag:s10], $0x4000  }
0x229: {  	[sflag:s10] =	ssyncset.done $0x0  }
0x22a: {  	[sflag:s10] =	ssyncadd.s32 $0xFFFFC000  }
0x22b: {  	_ =	swait.ge [sflag:s10], $0x4000  }
0x22c: {  	[sflag:s10] =	ssyncset.done $0x0  }
0x22d: {  	s11 =	simm.s32 $0x7;
	[sflag:s10] =	ssyncadd.s32 $0xFFFFC000  }
0x22e: {  	_ =	swait.ge [sflag:s11], $0x4000  }
0x22f: {  	[sflag:s11] =	ssyncset.done $0x0  }
0x230: {  	[sflag:s11] =	ssyncadd.s32 $0xFFFFC000  }
0x231: {  	_ =	swait.ge [sflag:s11], $0x4000  }
0x232: {  	[sflag:s11] =	ssyncset.done $0x0  }
0x233: {  	s12 =	simm.s32 $0x8;
	[sflag:s11] =	ssyncadd.s32 $0xFFFFC000  }
0x234: {  	_ =	swait.ge [sflag:s12], $0x4000  }
0x235: {  	[sflag:s12] =	ssyncset.done $0x0  }
0x236: {  	[sflag:s12] =	ssyncadd.s32 $0xFFFFC000  }
0x237: {  	_ =	swait.ge [sflag:s12], $0x4000  }
0x238: {  	s13 =	sld [smem:$0x7FD];
	_ =	sdelay $0x2  }
0x239: {  	s14 =	rddreg [dreg:$0x13];
	s8 =	sadd.s32 $0x1, s13  }
0x23a: {  	p0 =	sne.s32 s8, s14  }
.Ltmp32:
0x23b: {  	_ = 	snop;
	(pc) =	sbr.rel @p0 .LBB2_1-.Ltmp32, $3  }
0x23c: {  	_ =	sdelay $0x1  }
0x23d: {  	[sflag:s12] =	ssyncset.done $0x0  }
0x23e: {  	s7 =	rddreg [dreg:$0x3];
	[sflag:s12] =	ssyncadd.s32 $0xFFFFC000  }
0x23f: {  	_ =	sfence.sel $0x180000  }
0x240: {  	[bflag:$0x0] =	sbarrier.arrive $0xFFFF  }
0x241: {  	_ =	strace $0x90000047  }
0x242: {  	s0 =	stileid.u32;
	[bflag:$0x2] =	sbarrier.arrive $0xFFFF  }
0x243: {  	p0 =	sne.s32 s0, $0x0;
	s0 =	rddreg [dreg:$0x2]  }
0x244: {  	s0 =	sadd.s32 @!p0 $0x100000, s0  }
0x245: {  	[sflag:s0] =	ssyncadd.tile.s32 @!p0 $0x1;
	_ =	shalt  }
.Lfunc_end2:
_tile_overlayer_lowered:
.L_overlay_start_2:
0x246: {  	(tag) =	ssettag $0x2  }
0x247: {  	s0 =	rddreg [dreg:$0x0];
	s2 =	stileid.u32  }
0x248: {  	s1 =	rddreg [dreg:$0x1];
	p0 =	sne.s32 s2, $0x0  }
0x249: {  	s3 =	rddreg [dreg:$0x2];
	[bflag:$0x3] =	sbarrier.arrive $0xFFFF;
	s2 =	simm.s32 @!p0 $0x1C09  }
0x24a: {  	[timem:s3], [sflag:s2] =	dma.local @!p0 [hbm:s0], s1  }
0x24b: {  	s0 =	simm.s32 @!p0 $0x9  }
0x24c: {  	_ =	swait.ge @!p0 [sflag:s0], s1  }
0x24d: {  	s1 =	ssub.s32 @!p0 $0x0, s1;
	[sflag:s0] =	ssyncset.done @!p0 $0x0  }
0x24e: {  	[sflag:s0] =	ssyncadd.s32 @!p0 s1  }
0x24f: {  	[bflag:$0x3] =	sbarrier.arrive $0xFFFF  }
0x250: {  	_ =	shalt  }

</sc_bundles>
